<compile_context>
chip_gen: v7x
topology: tpu7x:2x2x1
jax: 0.10.2.dev20260603
libtpu: 0.0.44.dev20260713+nightly
codegen_flags: <defaults>
</compile_context>

<pallas_src>
import jax
import jax.numpy as jnp
from jax import lax
from jax.experimental import pallas as pl
from jax.experimental.pallas import tpu as pltpu
from jax.experimental.pallas import tpu_sc as plsc

N = 128
A = 512
C = 1000
L = 16
NG = 4
NR = 8
RH = 128
GW = A // NG
KV = GW // L

MOMENTUM = 0.8


def _body(feat_hbm, lab_hbm, cov_hbm, mean_hbm, amt_hbm,
          cov_out, mean_out, amt_out,
          lab_v, feat_v, cov_blk, mean_blk, amt_w, cnt_w,
          acc_sum, acc_sq, amt_new_w,
          sem_lab, sem_feat, sem_amt, sem_cov, sem_mean):
    nc = 2
    wid = lax.axis_index("s") * nc + lax.axis_index("c")
    r = wid // NG
    g = wid - r * NG
    rb = jnp.minimum(r * RH, C - RH)
    cb = g * GW

    c_lab = pltpu.async_copy(lab_hbm, lab_v, sem_lab)
    c_feat = pltpu.async_copy(feat_hbm.at[:, pl.ds(cb, GW)], feat_v, sem_feat)
    c_amt = pltpu.async_copy(amt_hbm.at[pl.ds(rb, RH)],
                             amt_w.at[pl.ds(0, RH)], sem_amt)
    c_cov = pltpu.async_copy(cov_hbm.at[pl.ds(rb, RH), pl.ds(cb, GW)],
                             cov_blk, sem_cov)
    c_mean = pltpu.async_copy(mean_hbm.at[pl.ds(rb, RH), pl.ds(cb, GW)],
                              mean_blk, sem_mean)

    zeros = jnp.zeros((L,), jnp.float32)
    ones = jnp.ones((L,), jnp.float32)
    zeros_i = jnp.zeros((L,), jnp.int32)
    lanes = lax.iota(jnp.int32, L)

    @plsc.parallel_loop(0, (RH + L) // L, unroll=2)
    def _(i):
        cnt_w[pl.ds(i * L, L)] = zeros

    @plsc.parallel_loop(0, RH, unroll=4)
    def _(row):
        for k in range(KV):
            s = pl.ds(k * L, L)
            acc_sum[row, s] = zeros
            acc_sq[row, s] = zeros

    c_lab.wait()
    c_feat.wait()

    @plsc.parallel_loop(0, N // L, unroll=2)
    def _(i):
        lab16 = lab_v[pl.ds(i * L, L)]
        lr16 = lab16 - rb
        m = jnp.logical_and(lr16 >= 0, lr16 < RH)
        idx = jnp.where(m, lr16, 0)
        plsc.addupdate_scatter(cnt_w, [idx], ones, mask=m)
        for j in range(L):
            row16 = lr16[j] + zeros_i
            msk = jnp.logical_and(row16 >= 0, row16 < RH)
            rowc = jnp.where(msk, row16, 0)
            n = i * L + j
            for k in range(KV):
                s = pl.ds(k * L, L)
                f = feat_v[n, s]
                col = k * L + lanes
                plsc.addupdate_scatter(acc_sum, [rowc, col], f, mask=msk)
                plsc.addupdate_scatter(acc_sq, [rowc, col], f * f, mask=msk)

    c_amt.wait()

    @pl.when(g == 0)
    def _():
        @plsc.parallel_loop(0, RH // L)
        def _(k):
            s = pl.ds(k * L, L)
            amt_new_w[s] = amt_w[s] + cnt_w[s]

        pltpu.sync_copy(amt_new_w, amt_out.at[pl.ds(rb, RH)])

    c_cov.wait()
    c_mean.wait()

    H = RH // 2

    def update(lr):
        cnt = cnt_w[pl.ds(lr, L)][0]

        @pl.when(cnt > 0.0)
        def _():
            cntv = cnt + zeros
            amtv = amt_w[pl.ds(lr, L)][0] + zeros
            w = jnp.maximum(cntv / (cntv + amtv), 1.0 - MOMENTUM)
            rc = ones / cntv
            omw = 1.0 - w
            for k in range(KV):
                s = pl.ds(k * L, L)
                ave = acc_sum[lr, s] * rc
                var = acc_sq[lr, s] * rc - ave * ave
                mn = mean_blk[lr, s]
                dm = mn - ave
                cov_blk[lr, s] = (cov_blk[lr, s] * omw + var * w
                                  + w * omw * dm * dm)
                mean_blk[lr, s] = mn * omw + ave * w

    plsc.parallel_loop(0, H, unroll=2)(update)

    c_cov_o1 = pltpu.async_copy(
        cov_blk.at[pl.ds(0, H)],
        cov_out.at[pl.ds(rb, H), pl.ds(cb, GW)], sem_cov)
    c_mean_o1 = pltpu.async_copy(
        mean_blk.at[pl.ds(0, H)],
        mean_out.at[pl.ds(rb, H), pl.ds(cb, GW)], sem_mean)

    plsc.parallel_loop(H, RH, unroll=2)(update)

    c_cov_o2 = pltpu.async_copy(
        cov_blk.at[pl.ds(H, H)],
        cov_out.at[pl.ds(rb + H, H), pl.ds(cb, GW)], sem_cov)
    c_mean_o2 = pltpu.async_copy(
        mean_blk.at[pl.ds(H, H)],
        mean_out.at[pl.ds(rb + H, H), pl.ds(cb, GW)], sem_mean)
    c_cov_o1.wait()
    c_mean_o1.wait()
    c_cov_o2.wait()
    c_mean_o2.wait()


_sc_call = pl.kernel(
    _body,
    out_type=(
        jax.ShapeDtypeStruct((C, A), jnp.float32),
        jax.ShapeDtypeStruct((C, A), jnp.float32),
        jax.ShapeDtypeStruct((C,), jnp.float32),
    ),
    mesh=plsc.VectorSubcoreMesh(core_axis_name="c", subcore_axis_name="s"),
    compiler_params=pltpu.CompilerParams(use_tc_tiling_on_sc=True,
                                         needs_layout_passes=False),
    scratch_types=[
        pltpu.VMEM((N,), jnp.int32),
        pltpu.VMEM((N, GW), jnp.float32),
        pltpu.VMEM((RH, GW), jnp.float32),
        pltpu.VMEM((RH, GW), jnp.float32),
        pltpu.VMEM((RH + L,), jnp.float32),
        pltpu.VMEM((RH + L,), jnp.float32),
        pltpu.VMEM((RH, GW), jnp.float32),
        pltpu.VMEM((RH, GW), jnp.float32),
        pltpu.VMEM((RH,), jnp.float32),
        pltpu.SemaphoreType.DMA,
        pltpu.SemaphoreType.DMA,
        pltpu.SemaphoreType.DMA,
        pltpu.SemaphoreType.DMA,
        pltpu.SemaphoreType.DMA,
    ],
)


@jax.jit
def kernel(features, labels, covariance, mean, amount):
    return _sc_call(features, labels, covariance, mean, amount)

# --- scband reference (transcript-rebuilt; emitter-appended) ---
"""Pipeline reference for scband-estimate-covariance-24352464569636 (READ-ONLY COPY).

The authoritative reference and input builder live on the scoring server;
editing this copy changes nothing except your own understanding.
"""

import jax, jax.numpy as jnp
import numpy as np

MOMENTUM = 0.8

def setup_inputs(seed: int = 0) -> dict:
    key = jax.random.key(seed)
    k1, k2 = jax.random.split(key)
    features = jax.random.normal(k1, (128, 512), dtype=jnp.float32)
    labels = jax.random.randint(k2, (128,), 0, 1000, dtype=jnp.int32)
    covariance = jnp.zeros((1000, 512), dtype=jnp.float32)
    mean = jnp.zeros((1000, 512), dtype=jnp.float32)
    amount = jnp.zeros((1000,), dtype=jnp.float32)
    return {"features": features, "labels": labels, "covariance": covariance, "mean": mean, "amount": amount}

def reference(features, labels, covariance, mean, amount):
    # Faithful translation of Estimate_Covariance.update_diag (the module's update/forward path).
    N, A = features.shape
    C = covariance.shape[0]
    feats = jax.lax.stop_gradient(features)  # features.detach()
    # onehot = zeros(N,C).scatter_(1, labels, 1)
    onehot = jnp.zeros((N, C), dtype=jnp.float32).at[jnp.arange(N), labels].set(1.0)
    NxCxA_onehot = onehot[:, :, None]  # (N, C, 1) broadcast to (N, C, A)
    # NxCxFeatures.mul(NxCxA_onehot)
    features_by_sort = feats[:, None, :] * NxCxA_onehot  # (N, C, A)
    Amount_CxA = jnp.broadcast_to(onehot.sum(0)[:, None], (C, A))
    Amount_CxA = jnp.where(Amount_CxA == 0, 1.0, Amount_CxA)
    ave_CxA = features_by_sort.sum(0) / Amount_CxA  # (C, A)
    var_temp = features_by_sort - ave_CxA[None, :, :] * NxCxA_onehot
    var_temp = (var_temp ** 2).sum(0) / Amount_CxA  # (C, A)
    sum_weight_CV = jnp.broadcast_to(onehot.sum(0)[:, None], (C, A))
    weight_CV = sum_weight_CV / (sum_weight_CV + amount[:, None])
    # weight_CV[weight_CV != weight_CV] = 0  (NaN -> 0)
    weight_CV = jnp.where(jnp.isnan(weight_CV), 0.0, weight_CV)
    # torch.clamp(weight_CV, min=1-momentum).mul((weight_CV > 0).float())
    weight_CV = jnp.maximum(weight_CV, 1.0 - MOMENTUM) * (weight_CV > 0).astype(jnp.float32)
    additional_CV = weight_CV * (1.0 - weight_CV) * (mean - ave_CxA) ** 2
    covariance_new = covariance * (1.0 - weight_CV) + var_temp * weight_CV + additional_CV
    mean_new = mean * (1.0 - weight_CV) + ave_CxA * weight_CV
    amount_new = amount + onehot.sum(0)
    return covariance_new, mean_new, amount_new

if __name__ == "__main__":
    import jax
    _d = setup_inputs()
    print(jax.jit(kernel)(*tuple(_d.values())))

</pallas_src>

<mosaic_0001>
#map = affine_map<(d0, d1) -> (0, 0)>
#map1 = affine_map<(d0, d1) -> (0)>
module attributes {stable_mosaic.version = 14 : i64} {
  func.func @_body(%arg0: i32, %arg1: i32, %arg2: memref<128x512xf32, #tpu.memory_space<hbm>>, %arg3: memref<128xi32, #tpu.memory_space<hbm>>, %arg4: memref<1000x512xf32, #tpu.memory_space<hbm>>, %arg5: memref<1000x512xf32, #tpu.memory_space<hbm>>, %arg6: memref<1000xf32, #tpu.memory_space<hbm>>, %arg7: memref<1000x512xf32, #tpu.memory_space<hbm>>, %arg8: memref<1000x512xf32, #tpu.memory_space<hbm>>, %arg9: memref<1000xf32, #tpu.memory_space<hbm>>, %arg10: memref<128xi32, #tpu.memory_space<vmem>>, %arg11: memref<128x128xf32, #tpu.memory_space<vmem>>, %arg12: memref<128x128xf32, #tpu.memory_space<vmem>>, %arg13: memref<128x128xf32, #tpu.memory_space<vmem>>, %arg14: memref<144xf32, #tpu.memory_space<vmem>>, %arg15: memref<144xf32, #tpu.memory_space<vmem>>, %arg16: memref<128x128xf32, #tpu.memory_space<vmem>>, %arg17: memref<128x128xf32, #tpu.memory_space<vmem>>, %arg18: memref<128xf32, #tpu.memory_space<vmem>>, %arg19: memref<!tpu.dma_semaphore, #tpu.memory_space<semaphore_mem>>, %arg20: memref<!tpu.dma_semaphore, #tpu.memory_space<semaphore_mem>>, %arg21: memref<!tpu.dma_semaphore, #tpu.memory_space<semaphore_mem>>, %arg22: memref<!tpu.dma_semaphore, #tpu.memory_space<semaphore_mem>>, %arg23: memref<!tpu.dma_semaphore, #tpu.memory_space<semaphore_mem>>) attributes {dimension_semantics = [#tpu.dimension_semantics<core_parallel>, #tpu.dimension_semantics<subcore_parallel>], iteration_bounds = array<i64: 2, 16>, scalar_prefetch = 0 : i64, scratch_operands = 14 : i64, tpu.core_type = #tpu.core_type<sc_vector_subcore>, window_params = [{transform_indices = #map}, {transform_indices = #map1}, {transform_indices = #map}, {transform_indices = #map}, {transform_indices = #map1}, {transform_indices = #map}, {transform_indices = #map}, {transform_indices = #map1}]} {
    %mul3A = arith.constant 2 : i32
    %mul3A_0 = arith.muli %arg1, %mul3A : i32
    %add3A = arith.addi %mul3A_0, %arg0 : i32
    %jit3A = arith.constant 4 : i32
    %div3A = arith.divsi %add3A, %jit3A : i32
    %sign3A = arith.constant 0 : i32
    %sign3A_1 = arith.cmpi sgt, %add3A, %sign3A : i32
    %sign3A_2 = arith.extui %sign3A_1 : i1 to i32
    %sign3A_3 = arith.constant 0 : i32
    %sign3A_4 = arith.cmpi slt, %add3A, %sign3A_3 : i32
    %sign3A_5 = arith.extui %sign3A_4 : i1 to i32
    %sign3A_6 = arith.subi %sign3A_2, %sign3A_5 : i32
    %sign3A_7 = arith.constant 0 : i32
    %sign3A_8 = arith.cmpi sgt, %jit3A, %sign3A_7 : i32
    %sign3A_9 = arith.extui %sign3A_8 : i1 to i32
    %sign3A_10 = arith.constant 0 : i32
    %sign3A_11 = arith.cmpi slt, %jit3A, %sign3A_10 : i32
    %sign3A_12 = arith.extui %sign3A_11 : i1 to i32
    %sign3A_13 = arith.subi %sign3A_9, %sign3A_12 : i32
    %ne3A = arith.cmpi ne, %sign3A_6, %sign3A_13 : i32
    %rem3A = arith.remsi %add3A, %jit3A : i32
    %ne3A_14 = arith.constant 0 : i32
    %ne3A_15 = arith.cmpi ne, %rem3A, %ne3A_14 : i32
    %and3A = arith.andi %ne3A, %ne3A_15 : i1
    %sub3A = arith.constant 1 : i32
    %sub3A_16 = arith.subi %div3A, %sub3A : i32
    %select_n3A = arith.select %and3A, %sub3A_16, %div3A : i32
    %mul3A_17 = arith.constant 4 : i32
    %mul3A_18 = arith.muli %select_n3A, %mul3A_17 : i32
    %sub3A_19 = arith.subi %add3A, %mul3A_18 : i32
    %mul3A_20 = arith.constant 128 : i32
    %mul3A_21 = arith.muli %select_n3A, %mul3A_20 : i32
    %min3A = arith.constant 872 : i32
    %min3A_22 = arith.minsi %mul3A_21, %min3A : i32
    %mul3A_23 = arith.constant 128 : i32
    %mul3A_24 = arith.muli %sub3A_19, %mul3A_23 : i32
    tpu.enqueue_dma source(%arg3 : memref<128xi32, #tpu.memory_space<hbm>>) target(%arg10 : memref<128xi32, #tpu.memory_space<vmem>>) target_semaphore(%arg19 : memref<!tpu.dma_semaphore, #tpu.memory_space<semaphore_mem>>)
    %dma_start3A = arith.constant 0 : i32
    %dma_start3A_25 = tpu.memref_slice %arg2[%dma_start3A, %mul3A_24] : memref<128x512xf32, #tpu.memory_space<hbm>> -> memref<128x128xf32, #tpu.memory_space<hbm>>
    %dma_start3A_26 = arith.constant 0 : i32
    %dma_start3A_27 = tpu.memref_slice %arg2[%dma_start3A_26, %mul3A_24] : memref<128x512xf32, #tpu.memory_space<hbm>> -> memref<128x128xf32, #tpu.memory_space<hbm>>
    tpu.enqueue_dma source(%dma_start3A_27 : memref<128x128xf32, #tpu.memory_space<hbm>>) target(%arg11 : memref<128x128xf32, #tpu.memory_space<vmem>>) target_semaphore(%arg20 : memref<!tpu.dma_semaphore, #tpu.memory_space<semaphore_mem>>)
    %dma_start3A_28 = arith.constant 0 : i32
    %dma_start3A_29 = tpu.memref_slice %arg14[%dma_start3A_28] : memref<144xf32, #tpu.memory_space<vmem>> -> memref<128xf32, #tpu.memory_space<vmem>>
    %dma_start3A_30 = tpu.memref_slice %arg6[%min3A_22] : memref<1000xf32, #tpu.memory_space<hbm>> -> memref<128xf32, #tpu.memory_space<hbm>>
    %dma_start3A_31 = arith.constant 0 : i32
    %dma_start3A_32 = tpu.memref_slice %arg14[%dma_start3A_31] : memref<144xf32, #tpu.memory_space<vmem>> -> memref<128xf32, #tpu.memory_space<vmem>>
    %dma_start3A_33 = tpu.memref_slice %arg6[%min3A_22] : memref<1000xf32, #tpu.memory_space<hbm>> -> memref<128xf32, #tpu.memory_space<hbm>>
    tpu.enqueue_dma source(%dma_start3A_33 : memref<128xf32, #tpu.memory_space<hbm>>) target(%dma_start3A_32 : memref<128xf32, #tpu.memory_space<vmem>>) target_semaphore(%arg21 : memref<!tpu.dma_semaphore, #tpu.memory_space<semaphore_mem>>)
    %dma_start3A_34 = tpu.memref_slice %arg4[%min3A_22, %mul3A_24] : memref<1000x512xf32, #tpu.memory_space<hbm>> -> memref<128x128xf32, #tpu.memory_space<hbm>>
    %dma_start3A_35 = tpu.memref_slice %arg4[%min3A_22, %mul3A_24] : memref<1000x512xf32, #tpu.memory_space<hbm>> -> memref<128x128xf32, #tpu.memory_space<hbm>>
    tpu.enqueue_dma source(%dma_start3A_35 : memref<128x128xf32, #tpu.memory_space<hbm>>) target(%arg12 : memref<128x128xf32, #tpu.memory_space<vmem>>) target_semaphore(%arg22 : memref<!tpu.dma_semaphore, #tpu.memory_space<semaphore_mem>>)
    %dma_start3A_36 = tpu.memref_slice %arg5[%min3A_22, %mul3A_24] : memref<1000x512xf32, #tpu.memory_space<hbm>> -> memref<128x128xf32, #tpu.memory_space<hbm>>
    %dma_start3A_37 = tpu.memref_slice %arg5[%min3A_22, %mul3A_24] : memref<1000x512xf32, #tpu.memory_space<hbm>> -> memref<128x128xf32, #tpu.memory_space<hbm>>
    tpu.enqueue_dma source(%dma_start3A_37 : memref<128x128xf32, #tpu.memory_space<hbm>>) target(%arg13 : memref<128x128xf32, #tpu.memory_space<vmem>>) target_semaphore(%arg23 : memref<!tpu.dma_semaphore, #tpu.memory_space<semaphore_mem>>)
    %broadcast_in_dim3A = arith.constant 0.000000e+00 : f32
    %broadcast_in_dim3A_38 = vector.broadcast %broadcast_in_dim3A : f32 to vector<16xf32>
    %broadcast_in_dim3A_39 = arith.constant 1.000000e+00 : f32
    %broadcast_in_dim3A_40 = vector.broadcast %broadcast_in_dim3A_39 : f32 to vector<16xf32>
    %broadcast_in_dim3A_41 = arith.constant 0 : i32
    %broadcast_in_dim3A_42 = vector.broadcast %broadcast_in_dim3A_41 : i32 to vector<16xi32>
    %iota3A = tpu.iota {dimensions = array<i32: 0>} : vector<16xi32>
    %parallel_loop3A = arith.constant 0 : i32
    %parallel_loop3A_43 = arith.constant 9 : i32
    %parallel_loop3A_44 = arith.constant 1 : i32
    scf.for %parallel_loop3A_140 = %parallel_loop3A to %parallel_loop3A_43 step %parallel_loop3A_44  : i32 {
      %parallel_loop3A_141 = arith.constant 16 : i32
      %parallel_loop3A_142 = arith.muli %parallel_loop3A_140, %parallel_loop3A_141 : i32
      %parallel_loop3A_143 = arith.index_cast %parallel_loop3A_142 : i32 to index
      %parallel_loop3A_144 = tpu.vector_load %arg15[%parallel_loop3A_143] {strides = array<i32>} : memref<144xf32, #tpu.memory_space<vmem>>, vector<16xf32>,
      tpu.vector_store %arg15[%parallel_loop3A_143], %broadcast_in_dim3A_38 {strides = array<i32>} : memref<144xf32, #tpu.memory_space<vmem>>, vector<16xf32>,
    } {sc.loop_unroll_factor = 2 : i64, sc.parallel_access}
    %parallel_loop3A_45 = arith.constant 0 : i32
    %parallel_loop3A_46 = arith.constant 128 : i32
    %parallel_loop3A_47 = arith.constant 1 : i32
    scf.for %parallel_loop3A_140 = %parallel_loop3A_45 to %parallel_loop3A_46 step %parallel_loop3A_47  : i32 {
      %parallel_loop3A_141 = arith.index_cast %parallel_loop3A_140 : i32 to index
      %parallel_loop3A_142 = arith.constant 0 : index
      %parallel_loop3A_143 = tpu.vector_load %arg16[%parallel_loop3A_141, %parallel_loop3A_142] {strides = array<i32>} : memref<128x128xf32, #tpu.memory_space<vmem>>, vector<16xf32>,
      tpu.vector_store %arg16[%parallel_loop3A_141, %parallel_loop3A_142], %broadcast_in_dim3A_38 {strides = array<i32>} : memref<128x128xf32, #tpu.memory_space<vmem>>, vector<16xf32>,
      %parallel_loop3A_144 = arith.index_cast %parallel_loop3A_140 : i32 to index
      %parallel_loop3A_145 = arith.constant 0 : index
      %parallel_loop3A_146 = tpu.vector_load %arg17[%parallel_loop3A_144, %parallel_loop3A_145] {strides = array<i32>} : memref<128x128xf32, #tpu.memory_space<vmem>>, vector<16xf32>,
      tpu.vector_store %arg17[%parallel_loop3A_144, %parallel_loop3A_145], %broadcast_in_dim3A_38 {strides = array<i32>} : memref<128x128xf32, #tpu.memory_space<vmem>>, vector<16xf32>,
      %parallel_loop3A_147 = arith.index_cast %parallel_loop3A_140 : i32 to index
      %parallel_loop3A_148 = arith.constant 16 : index
      %parallel_loop3A_149 = tpu.vector_load %arg16[%parallel_loop3A_147, %parallel_loop3A_148] {strides = array<i32>} : memref<128x128xf32, #tpu.memory_space<vmem>>, vector<16xf32>,
      tpu.vector_store %arg16[%parallel_loop3A_147, %parallel_loop3A_148], %broadcast_in_dim3A_38 {strides = array<i32>} : memref<128x128xf32, #tpu.memory_space<vmem>>, vector<16xf32>,
      %parallel_loop3A_150 = arith.index_cast %parallel_loop3A_140 : i32 to index
      %parallel_loop3A_151 = arith.constant 16 : index
      %parallel_loop3A_152 = tpu.vector_load %arg17[%parallel_loop3A_150, %parallel_loop3A_151] {strides = array<i32>} : memref<128x128xf32, #tpu.memory_space<vmem>>, vector<16xf32>,
      tpu.vector_store %arg17[%parallel_loop3A_150, %parallel_loop3A_151], %broadcast_in_dim3A_38 {strides = array<i32>} : memref<128x128xf32, #tpu.memory_space<vmem>>, vector<16xf32>,
      %parallel_loop3A_153 = arith.index_cast %parallel_loop3A_140 : i32 to index
      %parallel_loop3A_154 = arith.constant 32 : index
      %parallel_loop3A_155 = tpu.vector_load %arg16[%parallel_loop3A_153, %parallel_loop3A_154] {strides = array<i32>} : memref<128x128xf32, #tpu.memory_space<vmem>>, vector<16xf32>,
      tpu.vector_store %arg16[%parallel_loop3A_153, %parallel_loop3A_154], %broadcast_in_dim3A_38 {strides = array<i32>} : memref<128x128xf32, #tpu.memory_space<vmem>>, vector<16xf32>,
      %parallel_loop3A_156 = arith.index_cast %parallel_loop3A_140 : i32 to index
      %parallel_loop3A_157 = arith.constant 32 : index
      %parallel_loop3A_158 = tpu.vector_load %arg17[%parallel_loop3A_156, %parallel_loop3A_157] {strides = array<i32>} : memref<128x128xf32, #tpu.memory_space<vmem>>, vector<16xf32>,
      tpu.vector_store %arg17[%parallel_loop3A_156, %parallel_loop3A_157], %broadcast_in_dim3A_38 {strides = array<i32>} : memref<128x128xf32, #tpu.memory_space<vmem>>, vector<16xf32>,
      %parallel_loop3A_159 = arith.index_cast %parallel_loop3A_140 : i32 to index
      %parallel_loop3A_160 = arith.constant 48 : index
      %parallel_loop3A_161 = tpu.vector_load %arg16[%parallel_loop3A_159, %parallel_loop3A_160] {strides = array<i32>} : memref<128x128xf32, #tpu.memory_space<vmem>>, vector<16xf32>,
      tpu.vector_store %arg16[%parallel_loop3A_159, %parallel_loop3A_160], %broadcast_in_dim3A_38 {strides = array<i32>} : memref<128x128xf32, #tpu.memory_space<vmem>>, vector<16xf32>,
      %parallel_loop3A_162 = arith.index_cast %parallel_loop3A_140 : i32 to index
      %parallel_loop3A_163 = arith.constant 48 : index
      %parallel_loop3A_164 = tpu.vector_load %arg17[%parallel_loop3A_162, %parallel_loop3A_163] {strides = array<i32>} : memref<128x128xf32, #tpu.memory_space<vmem>>, vector<16xf32>,
      tpu.vector_store %arg17[%parallel_loop3A_162, %parallel_loop3A_163], %broadcast_in_dim3A_38 {strides = array<i32>} : memref<128x128xf32, #tpu.memory_space<vmem>>, vector<16xf32>,
      %parallel_loop3A_165 = arith.index_cast %parallel_loop3A_140 : i32 to index
      %parallel_loop3A_166 = arith.constant 64 : index
      %parallel_loop3A_167 = tpu.vector_load %arg16[%parallel_loop3A_165, %parallel_loop3A_166] {strides = array<i32>} : memref<128x128xf32, #tpu.memory_space<vmem>>, vector<16xf32>,
      tpu.vector_store %arg16[%parallel_loop3A_165, %parallel_loop3A_166], %broadcast_in_dim3A_38 {strides = array<i32>} : memref<128x128xf32, #tpu.memory_space<vmem>>, vector<16xf32>,
      %parallel_loop3A_168 = arith.index_cast %parallel_loop3A_140 : i32 to index
      %parallel_loop3A_169 = arith.constant 64 : index
      %parallel_loop3A_170 = tpu.vector_load %arg17[%parallel_loop3A_168, %parallel_loop3A_169] {strides = array<i32>} : memref<128x128xf32, #tpu.memory_space<vmem>>, vector<16xf32>,
      tpu.vector_store %arg17[%parallel_loop3A_168, %parallel_loop3A_169], %broadcast_in_dim3A_38 {strides = array<i32>} : memref<128x128xf32, #tpu.memory_space<vmem>>, vector<16xf32>,
      %parallel_loop3A_171 = arith.index_cast %parallel_loop3A_140 : i32 to index
      %parallel_loop3A_172 = arith.constant 80 : index
      %parallel_loop3A_173 = tpu.vector_load %arg16[%parallel_loop3A_171, %parallel_loop3A_172] {strides = array<i32>} : memref<128x128xf32, #tpu.memory_space<vmem>>, vector<16xf32>,
      tpu.vector_store %arg16[%parallel_loop3A_171, %parallel_loop3A_172], %broadcast_in_dim3A_38 {strides = array<i32>} : memref<128x128xf32, #tpu.memory_space<vmem>>, vector<16xf32>,
      %parallel_loop3A_174 = arith.index_cast %parallel_loop3A_140 : i32 to index
      %parallel_loop3A_175 = arith.constant 80 : index
      %parallel_loop3A_176 = tpu.vector_load %arg17[%parallel_loop3A_174, %parallel_loop3A_175] {strides = array<i32>} : memref<128x128xf32, #tpu.memory_space<vmem>>, vector<16xf32>,
      tpu.vector_store %arg17[%parallel_loop3A_174, %parallel_loop3A_175], %broadcast_in_dim3A_38 {strides = array<i32>} : memref<128x128xf32, #tpu.memory_space<vmem>>, vector<16xf32>,
      %parallel_loop3A_177 = arith.index_cast %parallel_loop3A_140 : i32 to index
      %parallel_loop3A_178 = arith.constant 96 : index
      %parallel_loop3A_179 = tpu.vector_load %arg16[%parallel_loop3A_177, %parallel_loop3A_178] {strides = array<i32>} : memref<128x128xf32, #tpu.memory_space<vmem>>, vector<16xf32>,
      tpu.vector_store %arg16[%parallel_loop3A_177, %parallel_loop3A_178], %broadcast_in_dim3A_38 {strides = array<i32>} : memref<128x128xf32, #tpu.memory_space<vmem>>, vector<16xf32>,
      %parallel_loop3A_180 = arith.index_cast %parallel_loop3A_140 : i32 to index
      %parallel_loop3A_181 = arith.constant 96 : index
      %parallel_loop3A_182 = tpu.vector_load %arg17[%parallel_loop3A_180, %parallel_loop3A_181] {strides = array<i32>} : memref<128x128xf32, #tpu.memory_space<vmem>>, vector<16xf32>,
      tpu.vector_store %arg17[%parallel_loop3A_180, %parallel_loop3A_181], %broadcast_in_dim3A_38 {strides = array<i32>} : memref<128x128xf32, #tpu.memory_space<vmem>>, vector<16xf32>,
      %parallel_loop3A_183 = arith.index_cast %parallel_loop3A_140 : i32 to index
      %parallel_loop3A_184 = arith.constant 112 : index
      %parallel_loop3A_185 = tpu.vector_load %arg16[%parallel_loop3A_183, %parallel_loop3A_184] {strides = array<i32>} : memref<128x128xf32, #tpu.memory_space<vmem>>, vector<16xf32>,
      tpu.vector_store %arg16[%parallel_loop3A_183, %parallel_loop3A_184], %broadcast_in_dim3A_38 {strides = array<i32>} : memref<128x128xf32, #tpu.memory_space<vmem>>, vector<16xf32>,
      %parallel_loop3A_186 = arith.index_cast %parallel_loop3A_140 : i32 to index
      %parallel_loop3A_187 = arith.constant 112 : index
      %parallel_loop3A_188 = tpu.vector_load %arg17[%parallel_loop3A_186, %parallel_loop3A_187] {strides = array<i32>} : memref<128x128xf32, #tpu.memory_space<vmem>>, vector<16xf32>,
      tpu.vector_store %arg17[%parallel_loop3A_186, %parallel_loop3A_187], %broadcast_in_dim3A_38 {strides = array<i32>} : memref<128x128xf32, #tpu.memory_space<vmem>>, vector<16xf32>,
    } {sc.loop_unroll_factor = 4 : i64, sc.parallel_access}
    tpu.wait_dma2 semaphore(%arg19 : memref<!tpu.dma_semaphore, #tpu.memory_space<semaphore_mem>>) src(%arg3 : memref<128xi32, #tpu.memory_space<hbm>>) dst(%arg10 : memref<128xi32, #tpu.memory_space<vmem>>)
    %dma_wait3A = arith.constant 0 : i32
    %dma_wait3A_48 = tpu.memref_slice %arg2[%dma_wait3A, %mul3A_24] : memref<128x512xf32, #tpu.memory_space<hbm>> -> memref<128x128xf32, #tpu.memory_space<hbm>>
    %dma_wait3A_49 = arith.constant 0 : i32
    %dma_wait3A_50 = tpu.memref_slice %arg2[%dma_wait3A_49, %mul3A_24] : memref<128x512xf32, #tpu.memory_space<hbm>> -> memref<128x128xf32, #tpu.memory_space<hbm>>
    tpu.wait_dma2 semaphore(%arg20 : memref<!tpu.dma_semaphore, #tpu.memory_space<semaphore_mem>>) src(%dma_wait3A_50 : memref<128x128xf32, #tpu.memory_space<hbm>>) dst(%arg11 : memref<128x128xf32, #tpu.memory_space<vmem>>)
    %parallel_loop3A_51 = arith.constant 0 : i32
    %parallel_loop3A_52 = arith.constant 8 : i32
    %parallel_loop3A_53 = arith.constant 1 : i32
    scf.for %parallel_loop3A_140 = %parallel_loop3A_51 to %parallel_loop3A_52 step %parallel_loop3A_53  : i32 {
      %parallel_loop3A_141 = arith.constant 16 : i32
      %parallel_loop3A_142 = arith.muli %parallel_loop3A_140, %parallel_loop3A_141 : i32
      %parallel_loop3A_143 = arith.index_cast %parallel_loop3A_142 : i32 to index
      %parallel_loop3A_144 = tpu.vector_load %arg10[%parallel_loop3A_143] {strides = array<i32>} : memref<128xi32, #tpu.memory_space<vmem>>, vector<16xi32>,
      %parallel_loop3A_145 = vector.broadcast %min3A_22 : i32 to vector<16xi32>
      %parallel_loop3A_146 = arith.subi %parallel_loop3A_144, %parallel_loop3A_145 : vector<16xi32>
      %parallel_loop3A_147 = arith.constant 0 : i32
      %parallel_loop3A_148 = vector.broadcast %parallel_loop3A_147 : i32 to vector<16xi32>
      %parallel_loop3A_149 = arith.cmpi sge, %parallel_loop3A_146, %parallel_loop3A_148 : vector<16xi32>
      %parallel_loop3A_150 = arith.constant 128 : i32
      %parallel_loop3A_151 = vector.broadcast %parallel_loop3A_150 : i32 to vector<16xi32>
      %parallel_loop3A_152 = arith.cmpi slt, %parallel_loop3A_146, %parallel_loop3A_151 : vector<16xi32>
      %parallel_loop3A_153 = arith.andi %parallel_loop3A_149, %parallel_loop3A_152 : vector<16xi1>
      %parallel_loop3A_154 = arith.constant 0 : i32
      %parallel_loop3A_155 = vector.broadcast %parallel_loop3A_154 : i32 to vector<16xi32>
      %parallel_loop3A_156 = arith.select %parallel_loop3A_153, %parallel_loop3A_146, %parallel_loop3A_155 : vector<16xi1>, vector<16xi32>
      tpu.vector_store_idx %arg15[%parallel_loop3A_156], %broadcast_in_dim3A_40 masked %parallel_loop3A_153 {add = true} : memref<144xf32, #tpu.memory_space<vmem>>[vector<16xi32>], vector<16xf32>, vector<16xi1>
      %parallel_loop3A_157 = vector.extract_strided_slice %parallel_loop3A_146 {offsets = [0], sizes = [1], strides = [1]} : vector<16xi32> to vector<1xi32>
      %parallel_loop3A_158 = vector.extract %parallel_loop3A_157[0] : i32 from vector<1xi32>
      %parallel_loop3A_159 = vector.broadcast %parallel_loop3A_158 : i32 to vector<16xi32>
      %parallel_loop3A_160 = arith.addi %parallel_loop3A_159, %broadcast_in_dim3A_42 : vector<16xi32>
      %parallel_loop3A_161 = arith.constant 0 : i32
      %parallel_loop3A_162 = vector.broadcast %parallel_loop3A_161 : i32 to vector<16xi32>
      %parallel_loop3A_163 = arith.cmpi sge, %parallel_loop3A_160, %parallel_loop3A_162 : vector<16xi32>
      %parallel_loop3A_164 = arith.constant 128 : i32
      %parallel_loop3A_165 = vector.broadcast %parallel_loop3A_164 : i32 to vector<16xi32>
      %parallel_loop3A_166 = arith.cmpi slt, %parallel_loop3A_160, %parallel_loop3A_165 : vector<16xi32>
      %parallel_loop3A_167 = arith.andi %parallel_loop3A_163, %parallel_loop3A_166 : vector<16xi1>
      %parallel_loop3A_168 = arith.constant 0 : i32
      %parallel_loop3A_169 = vector.broadcast %parallel_loop3A_168 : i32 to vector<16xi32>
      %parallel_loop3A_170 = arith.select %parallel_loop3A_167, %parallel_loop3A_160, %parallel_loop3A_169 : vector<16xi1>, vector<16xi32>
      %parallel_loop3A_171 = arith.constant 16 : i32
      %parallel_loop3A_172 = arith.muli %parallel_loop3A_140, %parallel_loop3A_171 : i32
      %parallel_loop3A_173 = arith.constant 0 : i32
      %parallel_loop3A_174 = arith.addi %parallel_loop3A_172, %parallel_loop3A_173 : i32
      %parallel_loop3A_175 = arith.index_cast %parallel_loop3A_174 : i32 to index
      %parallel_loop3A_176 = arith.constant 0 : index
      %parallel_loop3A_177 = tpu.vector_load %arg11[%parallel_loop3A_175, %parallel_loop3A_176] {strides = array<i32>} : memref<128x128xf32, #tpu.memory_space<vmem>>, vector<16xf32>,
      %parallel_loop3A_178 = arith.constant 0 : i32
      %parallel_loop3A_179 = vector.broadcast %parallel_loop3A_178 : i32 to vector<16xi32>
      %parallel_loop3A_180 = arith.addi %parallel_loop3A_179, %iota3A : vector<16xi32>
      tpu.vector_store_idx %arg16[%parallel_loop3A_170, %parallel_loop3A_180], %parallel_loop3A_177 masked %parallel_loop3A_167 {add = true} : memref<128x128xf32, #tpu.memory_space<vmem>>[vector<16xi32>, vector<16xi32>], vector<16xf32>, vector<16xi1>
      %parallel_loop3A_181 = arith.mulf %parallel_loop3A_177, %parallel_loop3A_177 : vector<16xf32>
      tpu.vector_store_idx %arg17[%parallel_loop3A_170, %parallel_loop3A_180], %parallel_loop3A_181 masked %parallel_loop3A_167 {add = true} : memref<128x128xf32, #tpu.memory_space<vmem>>[vector<16xi32>, vector<16xi32>], vector<16xf32>, vector<16xi1>
      %parallel_loop3A_182 = arith.index_cast %parallel_loop3A_174 : i32 to index
      %parallel_loop3A_183 = arith.constant 16 : index
      %parallel_loop3A_184 = tpu.vector_load %arg11[%parallel_loop3A_182, %parallel_loop3A_183] {strides = array<i32>} : memref<128x128xf32, #tpu.memory_space<vmem>>, vector<16xf32>,
      %parallel_loop3A_185 = arith.constant 16 : i32
      %parallel_loop3A_186 = vector.broadcast %parallel_loop3A_185 : i32 to vector<16xi32>
      %parallel_loop3A_187 = arith.addi %parallel_loop3A_186, %iota3A : vector<16xi32>
      tpu.vector_store_idx %arg16[%parallel_loop3A_170, %parallel_loop3A_187], %parallel_loop3A_184 masked %parallel_loop3A_167 {add = true} : memref<128x128xf32, #tpu.memory_space<vmem>>[vector<16xi32>, vector<16xi32>], vector<16xf32>, vector<16xi1>
      %parallel_loop3A_188 = arith.mulf %parallel_loop3A_184, %parallel_loop3A_184 : vector<16xf32>
      tpu.vector_store_idx %arg17[%parallel_loop3A_170, %parallel_loop3A_187], %parallel_loop3A_188 masked %parallel_loop3A_167 {add = true} : memref<128x128xf32, #tpu.memory_space<vmem>>[vector<16xi32>, vector<16xi32>], vector<16xf32>, vector<16xi1>
      %parallel_loop3A_189 = arith.index_cast %parallel_loop3A_174 : i32 to index
      %parallel_loop3A_190 = arith.constant 32 : index
      %parallel_loop3A_191 = tpu.vector_load %arg11[%parallel_loop3A_189, %parallel_loop3A_190] {strides = array<i32>} : memref<128x128xf32, #tpu.memory_space<vmem>>, vector<16xf32>,
      %parallel_loop3A_192 = arith.constant 32 : i32
      %parallel_loop3A_193 = vector.broadcast %parallel_loop3A_192 : i32 to vector<16xi32>
      %parallel_loop3A_194 = arith.addi %parallel_loop3A_193, %iota3A : vector<16xi32>
      tpu.vector_store_idx %arg16[%parallel_loop3A_170, %parallel_loop3A_194], %parallel_loop3A_191 masked %parallel_loop3A_167 {add = true} : memref<128x128xf32, #tpu.memory_space<vmem>>[vector<16xi32>, vector<16xi32>], vector<16xf32>, vector<16xi1>
      %parallel_loop3A_195 = arith.mulf %parallel_loop3A_191, %parallel_loop3A_191 : vector<16xf32>
      tpu.vector_store_idx %arg17[%parallel_loop3A_170, %parallel_loop3A_194], %parallel_loop3A_195 masked %parallel_loop3A_167 {add = true} : memref<128x128xf32, #tpu.memory_space<vmem>>[vector<16xi32>, vector<16xi32>], vector<16xf32>, vector<16xi1>
      %parallel_loop3A_196 = arith.index_cast %parallel_loop3A_174 : i32 to index
      %parallel_loop3A_197 = arith.constant 48 : index
      %parallel_loop3A_198 = tpu.vector_load %arg11[%parallel_loop3A_196, %parallel_loop3A_197] {strides = array<i32>} : memref<128x128xf32, #tpu.memory_space<vmem>>, vector<16xf32>,
      %parallel_loop3A_199 = arith.constant 48 : i32
      %parallel_loop3A_200 = vector.broadcast %parallel_loop3A_199 : i32 to vector<16xi32>
      %parallel_loop3A_201 = arith.addi %parallel_loop3A_200, %iota3A : vector<16xi32>
      tpu.vector_store_idx %arg16[%parallel_loop3A_170, %parallel_loop3A_201], %parallel_loop3A_198 masked %parallel_loop3A_167 {add = true} : memref<128x128xf32, #tpu.memory_space<vmem>>[vector<16xi32>, vector<16xi32>], vector<16xf32>, vector<16xi1>
      %parallel_loop3A_202 = arith.mulf %parallel_loop3A_198, %parallel_loop3A_198 : vector<16xf32>
      tpu.vector_store_idx %arg17[%parallel_loop3A_170, %parallel_loop3A_201], %parallel_loop3A_202 masked %parallel_loop3A_167 {add = true} : memref<128x128xf32, #tpu.memory_space<vmem>>[vector<16xi32>, vector<16xi32>], vector<16xf32>, vector<16xi1>
      %parallel_loop3A_203 = arith.index_cast %parallel_loop3A_174 : i32 to index
      %parallel_loop3A_204 = arith.constant 64 : index
      %parallel_loop3A_205 = tpu.vector_load %arg11[%parallel_loop3A_203, %parallel_loop3A_204] {strides = array<i32>} : memref<128x128xf32, #tpu.memory_space<vmem>>, vector<16xf32>,
      %parallel_loop3A_206 = arith.constant 64 : i32
      %parallel_loop3A_207 = vector.broadcast %parallel_loop3A_206 : i32 to vector<16xi32>
      %parallel_loop3A_208 = arith.addi %parallel_loop3A_207, %iota3A : vector<16xi32>
      tpu.vector_store_idx %arg16[%parallel_loop3A_170, %parallel_loop3A_208], %parallel_loop3A_205 masked %parallel_loop3A_167 {add = true} : memref<128x128xf32, #tpu.memory_space<vmem>>[vector<16xi32>, vector<16xi32>], vector<16xf32>, vector<16xi1>
      %parallel_loop3A_209 = arith.mulf %parallel_loop3A_205, %parallel_loop3A_205 : vector<16xf32>
      tpu.vector_store_idx %arg17[%parallel_loop3A_170, %parallel_loop3A_208], %parallel_loop3A_209 masked %parallel_loop3A_167 {add = true} : memref<128x128xf32, #tpu.memory_space<vmem>>[vector<16xi32>, vector<16xi32>], vector<16xf32>, vector<16xi1>
      %parallel_loop3A_210 = arith.index_cast %parallel_loop3A_174 : i32 to index
      %parallel_loop3A_211 = arith.constant 80 : index
      %parallel_loop3A_212 = tpu.vector_load %arg11[%parallel_loop3A_210, %parallel_loop3A_211] {strides = array<i32>} : memref<128x128xf32, #tpu.memory_space<vmem>>, vector<16xf32>,
      %parallel_loop3A_213 = arith.constant 80 : i32
      %parallel_loop3A_214 = vector.broadcast %parallel_loop3A_213 : i32 to vector<16xi32>
      %parallel_loop3A_215 = arith.addi %parallel_loop3A_214, %iota3A : vector<16xi32>
      tpu.vector_store_idx %arg16[%parallel_loop3A_170, %parallel_loop3A_215], %parallel_loop3A_212 masked %parallel_loop3A_167 {add = true} : memref<128x128xf32, #tpu.memory_space<vmem>>[vector<16xi32>, vector<16xi32>], vector<16xf32>, vector<16xi1>
      %parallel_loop3A_216 = arith.mulf %parallel_loop3A_212, %parallel_loop3A_212 : vector<16xf32>
      tpu.vector_store_idx %arg17[%parallel_loop3A_170, %parallel_loop3A_215], %parallel_loop3A_216 masked %parallel_loop3A_167 {add = true} : memref<128x128xf32, #tpu.memory_space<vmem>>[vector<16xi32>, vector<16xi32>], vector<16xf32>, vector<16xi1>
      %parallel_loop3A_217 = arith.index_cast %parallel_loop3A_174 : i32 to index
      %parallel_loop3A_218 = arith.constant 96 : index
      %parallel_loop3A_219 = tpu.vector_load %arg11[%parallel_loop3A_217, %parallel_loop3A_218] {strides = array<i32>} : memref<128x128xf32, #tpu.memory_space<vmem>>, vector<16xf32>,
      %parallel_loop3A_220 = arith.constant 96 : i32
      %parallel_loop3A_221 = vector.broadcast %parallel_loop3A_220 : i32 to vector<16xi32>
      %parallel_loop3A_222 = arith.addi %parallel_loop3A_221, %iota3A : vector<16xi32>
      tpu.vector_store_idx %arg16[%parallel_loop3A_170, %parallel_loop3A_222], %parallel_loop3A_219 masked %parallel_loop3A_167 {add = true} : memref<128x128xf32, #tpu.memory_space<vmem>>[vector<16xi32>, vector<16xi32>], vector<16xf32>, vector<16xi1>
      %parallel_loop3A_223 = arith.mulf %parallel_loop3A_219, %parallel_loop3A_219 : vector<16xf32>
      tpu.vector_store_idx %arg17[%parallel_loop3A_170, %parallel_loop3A_222], %parallel_loop3A_223 masked %parallel_loop3A_167 {add = true} : memref<128x128xf32, #tpu.memory_space<vmem>>[vector<16xi32>, vector<16xi32>], vector<16xf32>, vector<16xi1>
      %parallel_loop3A_224 = arith.index_cast %parallel_loop3A_174 : i32 to index
      %parallel_loop3A_225 = arith.constant 112 : index
      %parallel_loop3A_226 = tpu.vector_load %arg11[%parallel_loop3A_224, %parallel_loop3A_225] {strides = array<i32>} : memref<128x128xf32, #tpu.memory_space<vmem>>, vector<16xf32>,
      %parallel_loop3A_227 = arith.constant 112 : i32
      %parallel_loop3A_228 = vector.broadcast %parallel_loop3A_227 : i32 to vector<16xi32>
      %parallel_loop3A_229 = arith.addi %parallel_loop3A_228, %iota3A : vector<16xi32>
      tpu.vector_store_idx %arg16[%parallel_loop3A_170, %parallel_loop3A_229], %parallel_loop3A_226 masked %parallel_loop3A_167 {add = true} : memref<128x128xf32, #tpu.memory_space<vmem>>[vector<16xi32>, vector<16xi32>], vector<16xf32>, vector<16xi1>
      %parallel_loop3A_230 = arith.mulf %parallel_loop3A_226, %parallel_loop3A_226 : vector<16xf32>
      tpu.vector_store_idx %arg17[%parallel_loop3A_170, %parallel_loop3A_229], %parallel_loop3A_230 masked %parallel_loop3A_167 {add = true} : memref<128x128xf32, #tpu.memory_space<vmem>>[vector<16xi32>, vector<16xi32>], vector<16xf32>, vector<16xi1>
      %parallel_loop3A_231 = vector.extract_strided_slice %parallel_loop3A_146 {offsets = [1], sizes = [1], strides = [1]} : vector<16xi32> to vector<1xi32>
      %parallel_loop3A_232 = vector.extract %parallel_loop3A_231[0] : i32 from vector<1xi32>
      %parallel_loop3A_233 = vector.broadcast %parallel_loop3A_232 : i32 to vector<16xi32>
      %parallel_loop3A_234 = arith.addi %parallel_loop3A_233, %broadcast_in_dim3A_42 : vector<16xi32>
      %parallel_loop3A_235 = arith.constant 0 : i32
      %parallel_loop3A_236 = vector.broadcast %parallel_loop3A_235 : i32 to vector<16xi32>
      %parallel_loop3A_237 = arith.cmpi sge, %parallel_loop3A_234, %parallel_loop3A_236 : vector<16xi32>
      %parallel_loop3A_238 = arith.constant 128 : i32
      %parallel_loop3A_239 = vector.broadcast %parallel_loop3A_238 : i32 to vector<16xi32>
      %parallel_loop3A_240 = arith.cmpi slt, %parallel_loop3A_234, %parallel_loop3A_239 : vector<16xi32>
      %parallel_loop3A_241 = arith.andi %parallel_loop3A_237, %parallel_loop3A_240 : vector<16xi1>
      %parallel_loop3A_242 = arith.constant 0 : i32
      %parallel_loop3A_243 = vector.broadcast %parallel_loop3A_242 : i32 to vector<16xi32>
      %parallel_loop3A_244 = arith.select %parallel_loop3A_241, %parallel_loop3A_234, %parallel_loop3A_243 : vector<16xi1>, vector<16xi32>
      %parallel_loop3A_245 = arith.constant 16 : i32
      %parallel_loop3A_246 = arith.muli %parallel_loop3A_140, %parallel_loop3A_245 : i32
      %parallel_loop3A_247 = arith.constant 1 : i32
      %parallel_loop3A_248 = arith.addi %parallel_loop3A_246, %parallel_loop3A_247 : i32
      %parallel_loop3A_249 = arith.index_cast %parallel_loop3A_248 : i32 to index
      %parallel_loop3A_250 = arith.constant 0 : index
      %parallel_loop3A_251 = tpu.vector_load %arg11[%parallel_loop3A_249, %parallel_loop3A_250] {strides = array<i32>} : memref<128x128xf32, #tpu.memory_space<vmem>>, vector<16xf32>,
      %parallel_loop3A_252 = arith.constant 0 : i32
      %parallel_loop3A_253 = vector.broadcast %parallel_loop3A_252 : i32 to vector<16xi32>
      %parallel_loop3A_254 = arith.addi %parallel_loop3A_253, %iota3A : vector<16xi32>
      tpu.vector_store_idx %arg16[%parallel_loop3A_244, %parallel_loop3A_254], %parallel_loop3A_251 masked %parallel_loop3A_241 {add = true} : memref<128x128xf32, #tpu.memory_space<vmem>>[vector<16xi32>, vector<16xi32>], vector<16xf32>, vector<16xi1>
      %parallel_loop3A_255 = arith.mulf %parallel_loop3A_251, %parallel_loop3A_251 : vector<16xf32>
      tpu.vector_store_idx %arg17[%parallel_loop3A_244, %parallel_loop3A_254], %parallel_loop3A_255 masked %parallel_loop3A_241 {add = true} : memref<128x128xf32, #tpu.memory_space<vmem>>[vector<16xi32>, vector<16xi32>], vector<16xf32>, vector<16xi1>
      %parallel_loop3A_256 = arith.index_cast %parallel_loop3A_248 : i32 to index
      %parallel_loop3A_257 = arith.constant 16 : index
      %parallel_loop3A_258 = tpu.vector_load %arg11[%parallel_loop3A_256, %parallel_loop3A_257] {strides = array<i32>} : memref<128x128xf32, #tpu.memory_space<vmem>>, vector<16xf32>,
      %parallel_loop3A_259 = arith.constant 16 : i32
      %parallel_loop3A_260 = vector.broadcast %parallel_loop3A_259 : i32 to vector<16xi32>
      %parallel_loop3A_261 = arith.addi %parallel_loop3A_260, %iota3A : vector<16xi32>
      tpu.vector_store_idx %arg16[%parallel_loop3A_244, %parallel_loop3A_261], %parallel_loop3A_258 masked %parallel_loop3A_241 {add = true} : memref<128x128xf32, #tpu.memory_space<vmem>>[vector<16xi32>, vector<16xi32>], vector<16xf32>, vector<16xi1>
      %parallel_loop3A_262 = arith.mulf %parallel_loop3A_258, %parallel_loop3A_258 : vector<16xf32>
      tpu.vector_store_idx %arg17[%parallel_loop3A_244, %parallel_loop3A_261], %parallel_loop3A_262 masked %parallel_loop3A_241 {add = true} : memref<128x128xf32, #tpu.memory_space<vmem>>[vector<16xi32>, vector<16xi32>], vector<16xf32>, vector<16xi1>
      %parallel_loop3A_263 = arith.index_cast %parallel_loop3A_248 : i32 to index
      %parallel_loop3A_264 = arith.constant 32 : index
      %parallel_loop3A_265 = tpu.vector_load %arg11[%parallel_loop3A_263, %parallel_loop3A_264] {strides = array<i32>} : memref<128x128xf32, #tpu.memory_space<vmem>>, vector<16xf32>,
      %parallel_loop3A_266 = arith.constant 32 : i32
      %parallel_loop3A_267 = vector.broadcast %parallel_loop3A_266 : i32 to vector<16xi32>
      %parallel_loop3A_268 = arith.addi %parallel_loop3A_267, %iota3A : vector<16xi32>
      tpu.vector_store_idx %arg16[%parallel_loop3A_244, %parallel_loop3A_268], %parallel_loop3A_265 masked %parallel_loop3A_241 {add = true} : memref<128x128xf32, #tpu.memory_space<vmem>>[vector<16xi32>, vector<16xi32>], vector<16xf32>, vector<16xi1>
      %parallel_loop3A_269 = arith.mulf %parallel_loop3A_265, %parallel_loop3A_265 : vector<16xf32>
      tpu.vector_store_idx %arg17[%parallel_loop3A_244, %parallel_loop3A_268], %parallel_loop3A_269 masked %parallel_loop3A_241 {add = true} : memref<128x128xf32, #tpu.memory_space<vmem>>[vector<16xi32>, vector<16xi32>], vector<16xf32>, vector<16xi1>
      %parallel_loop3A_270 = arith.index_cast %parallel_loop3A_248 : i32 to index
      %parallel_loop3A_271 = arith.constant 48 : index
      %parallel_loop3A_272 = tpu.vector_load %arg11[%parallel_loop3A_270, %parallel_loop3A_271] {strides = array<i32>} : memref<128x128xf32, #tpu.memory_space<vmem>>, vector<16xf32>,
      %parallel_loop3A_273 = arith.constant 48 : i32
      %parallel_loop3A_274 = vector.broadcast %parallel_loop3A_273 : i32 to vector<16xi32>
      %parallel_loop3A_275 = arith.addi %parallel_loop3A_274, %iota3A : vector<16xi32>
      tpu.vector_store_idx %arg16[%parallel_loop3A_244, %parallel_loop3A_275], %parallel_loop3A_272 masked %parallel_loop3A_241 {add = true} : memref<128x128xf32, #tpu.memory_space<vmem>>[vector<16xi32>, vector<16xi32>], vector<16xf32>, vector<16xi1>
      %parallel_loop3A_276 = arith.mulf %parallel_loop3A_272, %parallel_loop3A_272 : vector<16xf32>
      tpu.vector_store_idx %arg17[%parallel_loop3A_244, %parallel_loop3A_275], %parallel_loop3A_276 masked %parallel_loop3A_241 {add = true} : memref<128x128xf32, #tpu.memory_space<vmem>>[vector<16xi32>, vector<16xi32>], vector<16xf32>, vector<16xi1>
      %parallel_loop3A_277 = arith.index_cast %parallel_loop3A_248 : i32 to index
      %parallel_loop3A_278 = arith.constant 64 : index
      %parallel_loop3A_279 = tpu.vector_load %arg11[%parallel_loop3A_277, %parallel_loop3A_278] {strides = array<i32>} : memref<128x128xf32, #tpu.memory_space<vmem>>, vector<16xf32>,
      %parallel_loop3A_280 = arith.constant 64 : i32
      %parallel_loop3A_281 = vector.broadcast %parallel_loop3A_280 : i32 to vector<16xi32>
      %parallel_loop3A_282 = arith.addi %parallel_loop3A_281, %iota3A : vector<16xi32>
      tpu.vector_store_idx %arg16[%parallel_loop3A_244, %parallel_loop3A_282], %parallel_loop3A_279 masked %parallel_loop3A_241 {add = true} : memref<128x128xf32, #tpu.memory_space<vmem>>[vector<16xi32>, vector<16xi32>], vector<16xf32>, vector<16xi1>
      %parallel_loop3A_283 = arith.mulf %parallel_loop3A_279, %parallel_loop3A_279 : vector<16xf32>
      tpu.vector_store_idx %arg17[%parallel_loop3A_244, %parallel_loop3A_282], %parallel_loop3A_283 masked %parallel_loop3A_241 {add = true} : memref<128x128xf32, #tpu.memory_space<vmem>>[vector<16xi32>, vector<16xi32>], vector<16xf32>, vector<16xi1>
      %parallel_loop3A_284 = arith.index_cast %parallel_loop3A_248 : i32 to index
      %parallel_loop3A_285 = arith.constant 80 : index
      %parallel_loop3A_286 = tpu.vector_load %arg11[%parallel_loop3A_284, %parallel_loop3A_285] {strides = array<i32>} : memref<128x128xf32, #tpu.memory_space<vmem>>, vector<16xf32>,
      %parallel_loop3A_287 = arith.constant 80 : i32
      %parallel_loop3A_288 = vector.broadcast %parallel_loop3A_287 : i32 to vector<16xi32>
      %parallel_loop3A_289 = arith.addi %parallel_loop3A_288, %iota3A : vector<16xi32>
      tpu.vector_store_idx %arg16[%parallel_loop3A_244, %parallel_loop3A_289], %parallel_loop3A_286 masked %parallel_loop3A_241 {add = true} : memref<128x128xf32, #tpu.memory_space<vmem>>[vector<16xi32>, vector<16xi32>], vector<16xf32>, vector<16xi1>
      %parallel_loop3A_290 = arith.mulf %parallel_loop3A_286, %parallel_loop3A_286 : vector<16xf32>
      tpu.vector_store_idx %arg17[%parallel_loop3A_244, %parallel_loop3A_289], %parallel_loop3A_290 masked %parallel_loop3A_241 {add = true} : memref<128x128xf32, #tpu.memory_space<vmem>>[vector<16xi32>, vector<16xi32>], vector<16xf32>, vector<16xi1>
      %parallel_loop3A_291 = arith.index_cast %parallel_loop3A_248 : i32 to index
      %parallel_loop3A_292 = arith.constant 96 : index
      %parallel_loop3A_293 = tpu.vector_load %arg11[%parallel_loop3A_291, %parallel_loop3A_292] {strides = array<i32>} : memref<128x128xf32, #tpu.memory_space<vmem>>, vector<16xf32>,
      %parallel_loop3A_294 = arith.constant 96 : i32
      %parallel_loop3A_295 = vector.broadcast %parallel_loop3A_294 : i32 to vector<16xi32>
      %parallel_loop3A_296 = arith.addi %parallel_loop3A_295, %iota3A : vector<16xi32>
      tpu.vector_store_idx %arg16[%parallel_loop3A_244, %parallel_loop3A_296], %parallel_loop3A_293 masked %parallel_loop3A_241 {add = true} : memref<128x128xf32, #tpu.memory_space<vmem>>[vector<16xi32>, vector<16xi32>], vector<16xf32>, vector<16xi1>
      %parallel_loop3A_297 = arith.mulf %parallel_loop3A_293, %parallel_loop3A_293 : vector<16xf32>
      tpu.vector_store_idx %arg17[%parallel_loop3A_244, %parallel_loop3A_296], %parallel_loop3A_297 masked %parallel_loop3A_241 {add = true} : memref<128x128xf32, #tpu.memory_space<vmem>>[vector<16xi32>, vector<16xi32>], vector<16xf32>, vector<16xi1>
      %parallel_loop3A_298 = arith.index_cast %parallel_loop3A_248 : i32 to index
      %parallel_loop3A_299 = arith.constant 112 : index
      %parallel_loop3A_300 = tpu.vector_load %arg11[%parallel_loop3A_298, %parallel_loop3A_299] {strides = array<i32>} : memref<128x128xf32, #tpu.memory_space<vmem>>, vector<16xf32>,
      %parallel_loop3A_301 = arith.constant 112 : i32
      %parallel_loop3A_302 = vector.broadcast %parallel_loop3A_301 : i32 to vector<16xi32>
      %parallel_loop3A_303 = arith.addi %parallel_loop3A_302, %iota3A : vector<16xi32>
      tpu.vector_store_idx %arg16[%parallel_loop3A_244, %parallel_loop3A_303], %parallel_loop3A_300 masked %parallel_loop3A_241 {add = true} : memref<128x128xf32, #tpu.memory_space<vmem>>[vector<16xi32>, vector<16xi32>], vector<16xf32>, vector<16xi1>
      %parallel_loop3A_304 = arith.mulf %parallel_loop3A_300, %parallel_loop3A_300 : vector<16xf32>
      tpu.vector_store_idx %arg17[%parallel_loop3A_244, %parallel_loop3A_303], %parallel_loop3A_304 masked %parallel_loop3A_241 {add = true} : memref<128x128xf32, #tpu.memory_space<vmem>>[vector<16xi32>, vector<16xi32>], vector<16xf32>, vector<16xi1>
      %parallel_loop3A_305 = vector.extract_strided_slice %parallel_loop3A_146 {offsets = [2], sizes = [1], strides = [1]} : vector<16xi32> to vector<1xi32>
      %parallel_loop3A_306 = vector.extract %parallel_loop3A_305[0] : i32 from vector<1xi32>
      %parallel_loop3A_307 = vector.broadcast %parallel_loop3A_306 : i32 to vector<16xi32>
      %parallel_loop3A_308 = arith.addi %parallel_loop3A_307, %broadcast_in_dim3A_42 : vector<16xi32>
      %parallel_loop3A_309 = arith.constant 0 : i32
      %parallel_loop3A_310 = vector.broadcast %parallel_loop3A_309 : i32 to vector<16xi32>
      %parallel_loop3A_311 = arith.cmpi sge, %parallel_loop3A_308, %parallel_loop3A_310 : vector<16xi32>
      %parallel_loop3A_312 = arith.constant 128 : i32
      %parallel_loop3A_313 = vector.broadcast %parallel_loop3A_312 : i32 to vector<16xi32>
      %parallel_loop3A_314 = arith.cmpi slt, %parallel_loop3A_308, %parallel_loop3A_313 : vector<16xi32>
      %parallel_loop3A_315 = arith.andi %parallel_loop3A_311, %parallel_loop3A_314 : vector<16xi1>
      %parallel_loop3A_316 = arith.constant 0 : i32
      %parallel_loop3A_317 = vector.broadcast %parallel_loop3A_316 : i32 to vector<16xi32>
      %parallel_loop3A_318 = arith.select %parallel_loop3A_315, %parallel_loop3A_308, %parallel_loop3A_317 : vector<16xi1>, vector<16xi32>
      %parallel_loop3A_319 = arith.constant 16 : i32
      %parallel_loop3A_320 = arith.muli %parallel_loop3A_140, %parallel_loop3A_319 : i32
      %parallel_loop3A_321 = arith.constant 2 : i32
      %parallel_loop3A_322 = arith.addi %parallel_loop3A_320, %parallel_loop3A_321 : i32
      %parallel_loop3A_323 = arith.index_cast %parallel_loop3A_322 : i32 to index
      %parallel_loop3A_324 = arith.constant 0 : index
      %parallel_loop3A_325 = tpu.vector_load %arg11[%parallel_loop3A_323, %parallel_loop3A_324] {strides = array<i32>} : memref<128x128xf32, #tpu.memory_space<vmem>>, vector<16xf32>,
      %parallel_loop3A_326 = arith.constant 0 : i32
      %parallel_loop3A_327 = vector.broadcast %parallel_loop3A_326 : i32 to vector<16xi32>
      %parallel_loop3A_328 = arith.addi %parallel_loop3A_327, %iota3A : vector<16xi32>
      tpu.vector_store_idx %arg16[%parallel_loop3A_318, %parallel_loop3A_328], %parallel_loop3A_325 masked %parallel_loop3A_315 {add = true} : memref<128x128xf32, #tpu.memory_space<vmem>>[vector<16xi32>, vector<16xi32>], vector<16xf32>, vector<16xi1>
      %parallel_loop3A_329 = arith.mulf %parallel_loop3A_325, %parallel_loop3A_325 : vector<16xf32>
      tpu.vector_store_idx %arg17[%parallel_loop3A_318, %parallel_loop3A_328], %parallel_loop3A_329 masked %parallel_loop3A_315 {add = true} : memref<128x128xf32, #tpu.memory_space<vmem>>[vector<16xi32>, vector<16xi32>], vector<16xf32>, vector<16xi1>
      %parallel_loop3A_330 = arith.index_cast %parallel_loop3A_322 : i32 to index
      %parallel_loop3A_331 = arith.constant 16 : index
      %parallel_loop3A_332 = tpu.vector_load %arg11[%parallel_loop3A_330, %parallel_loop3A_331] {strides = array<i32>} : memref<128x128xf32, #tpu.memory_space<vmem>>, vector<16xf32>,
      %parallel_loop3A_333 = arith.constant 16 : i32
      %parallel_loop3A_334 = vector.broadcast %parallel_loop3A_333 : i32 to vector<16xi32>
      %parallel_loop3A_335 = arith.addi %parallel_loop3A_334, %iota3A : vector<16xi32>
      tpu.vector_store_idx %arg16[%parallel_loop3A_318, %parallel_loop3A_335], %parallel_loop3A_332 masked %parallel_loop3A_315 {add = true} : memref<128x128xf32, #tpu.memory_space<vmem>>[vector<16xi32>, vector<16xi32>], vector<16xf32>, vector<16xi1>
      %parallel_loop3A_336 = arith.mulf %parallel_loop3A_332, %parallel_loop3A_332 : vector<16xf32>
      tpu.vector_store_idx %arg17[%parallel_loop3A_318, %parallel_loop3A_335], %parallel_loop3A_336 masked %parallel_loop3A_315 {add = true} : memref<128x128xf32, #tpu.memory_space<vmem>>[vector<16xi32>, vector<16xi32>], vector<16xf32>, vector<16xi1>
      %parallel_loop3A_337 = arith.index_cast %parallel_loop3A_322 : i32 to index
      %parallel_loop3A_338 = arith.constant 32 : index
      %parallel_loop3A_339 = tpu.vector_load %arg11[%parallel_loop3A_337, %parallel_loop3A_338] {strides = array<i32>} : memref<128x128xf32, #tpu.memory_space<vmem>>, vector<16xf32>,
      %parallel_loop3A_340 = arith.constant 32 : i32
      %parallel_loop3A_341 = vector.broadcast %parallel_loop3A_340 : i32 to vector<16xi32>
      %parallel_loop3A_342 = arith.addi %parallel_loop3A_341, %iota3A : vector<16xi32>
      tpu.vector_store_idx %arg16[%parallel_loop3A_318, %parallel_loop3A_342], %parallel_loop3A_339 masked %parallel_loop3A_315 {add = true} : memref<128x128xf32, #tpu.memory_space<vmem>>[vector<16xi32>, vector<16xi32>], vector<16xf32>, vector<16xi1>
      %parallel_loop3A_343 = arith.mulf %parallel_loop3A_339, %parallel_loop3A_339 : vector<16xf32>
      tpu.vector_store_idx %arg17[%parallel_loop3A_318, %parallel_loop3A_342], %parallel_loop3A_343 masked %parallel_loop3A_315 {add = true} : memref<128x128xf32, #tpu.memory_space<vmem>>[vector<16xi32>, vector<16xi32>], vector<16xf32>, vector<16xi1>
      %parallel_loop3A_344 = arith.index_cast %parallel_loop3A_322 : i32 to index
      %parallel_loop3A_345 = arith.constant 48 : index
      %parallel_loop3A_346 = tpu.vector_load %arg11[%parallel_loop3A_344, %parallel_loop3A_345] {strides = array<i32>} : memref<128x128xf32, #tpu.memory_space<vmem>>, vector<16xf32>,
      %parallel_loop3A_347 = arith.constant 48 : i32
      %parallel_loop3A_348 = vector.broadcast %parallel_loop3A_347 : i32 to vector<16xi32>
      %parallel_loop3A_349 = arith.addi %parallel_loop3A_348, %iota3A : vector<16xi32>
      tpu.vector_store_idx %arg16[%parallel_loop3A_318, %parallel_loop3A_349], %parallel_loop3A_346 masked %parallel_loop3A_315 {add = true} : memref<128x128xf32, #tpu.memory_space<vmem>>[vector<16xi32>, vector<16xi32>], vector<16xf32>, vector<16xi1>
      %parallel_loop3A_350 = arith.mulf %parallel_loop3A_346, %parallel_loop3A_346 : vector<16xf32>
      tpu.vector_store_idx %arg17[%parallel_loop3A_318, %parallel_loop3A_349], %parallel_loop3A_350 masked %parallel_loop3A_315 {add = true} : memref<128x128xf32, #tpu.memory_space<vmem>>[vector<16xi32>, vector<16xi32>], vector<16xf32>, vector<16xi1>
      %parallel_loop3A_351 = arith.index_cast %parallel_loop3A_322 : i32 to index
      %parallel_loop3A_352 = arith.constant 64 : index
      %parallel_loop3A_353 = tpu.vector_load %arg11[%parallel_loop3A_351, %parallel_loop3A_352] {strides = array<i32>} : memref<128x128xf32, #tpu.memory_space<vmem>>, vector<16xf32>,
      %parallel_loop3A_354 = arith.constant 64 : i32
      %parallel_loop3A_355 = vector.broadcast %parallel_loop3A_354 : i32 to vector<16xi32>
      %parallel_loop3A_356 = arith.addi %parallel_loop3A_355, %iota3A : vector<16xi32>
      tpu.vector_store_idx %arg16[%parallel_loop3A_318, %parallel_loop3A_356], %parallel_loop3A_353 masked %parallel_loop3A_315 {add = true} : memref<128x128xf32, #tpu.memory_space<vmem>>[vector<16xi32>, vector<16xi32>], vector<16xf32>, vector<16xi1>
      %parallel_loop3A_357 = arith.mulf %parallel_loop3A_353, %parallel_loop3A_353 : vector<16xf32>
      tpu.vector_store_idx %arg17[%parallel_loop3A_318, %parallel_loop3A_356], %parallel_loop3A_357 masked %parallel_loop3A_315 {add = true} : memref<128x128xf32, #tpu.memory_space<vmem>>[vector<16xi32>, vector<16xi32>], vector<16xf32>, vector<16xi1>
      %parallel_loop3A_358 = arith.index_cast %parallel_loop3A_322 : i32 to index
      %parallel_loop3A_359 = arith.constant 80 : index
      %parallel_loop3A_360 = tpu.vector_load %arg11[%parallel_loop3A_358, %parallel_loop3A_359] {strides = array<i32>} : memref<128x128xf32, #tpu.memory_space<vmem>>, vector<16xf32>,
      %parallel_loop3A_361 = arith.constant 80 : i32
      %parallel_loop3A_362 = vector.broadcast %parallel_loop3A_361 : i32 to vector<16xi32>
      %parallel_loop3A_363 = arith.addi %parallel_loop3A_362, %iota3A : vector<16xi32>
      tpu.vector_store_idx %arg16[%parallel_loop3A_318, %parallel_loop3A_363], %parallel_loop3A_360 masked %parallel_loop3A_315 {add = true} : memref<128x128xf32, #tpu.memory_space<vmem>>[vector<16xi32>, vector<16xi32>], vector<16xf32>, vector<16xi1>
      %parallel_loop3A_364 = arith.mulf %parallel_loop3A_360, %parallel_loop3A_360 : vector<16xf32>
      tpu.vector_store_idx %arg17[%parallel_loop3A_318, %parallel_loop3A_363], %parallel_loop3A_364 masked %parallel_loop3A_315 {add = true} : memref<128x128xf32, #tpu.memory_space<vmem>>[vector<16xi32>, vector<16xi32>], vector<16xf32>, vector<16xi1>
      %parallel_loop3A_365 = arith.index_cast %parallel_loop3A_322 : i32 to index
      %parallel_loop3A_366 = arith.constant 96 : index
      %parallel_loop3A_367 = tpu.vector_load %arg11[%parallel_loop3A_365, %parallel_loop3A_366] {strides = array<i32>} : memref<128x128xf32, #tpu.memory_space<vmem>>, vector<16xf32>,
      %parallel_loop3A_368 = arith.constant 96 : i32
      %parallel_loop3A_369 = vector.broadcast %parallel_loop3A_368 : i32 to vector<16xi32>
      %parallel_loop3A_370 = arith.addi %parallel_loop3A_369, %iota3A : vector<16xi32>
      tpu.vector_store_idx %arg16[%parallel_loop3A_318, %parallel_loop3A_370], %parallel_loop3A_367 masked %parallel_loop3A_315 {add = true} : memref<128x128xf32, #tpu.memory_space<vmem>>[vector<16xi32>, vector<16xi32>], vector<16xf32>, vector<16xi1>
      %parallel_loop3A_371 = arith.mulf %parallel_loop3A_367, %parallel_loop3A_367 : vector<16xf32>
      tpu.vector_store_idx %arg17[%parallel_loop3A_318, %parallel_loop3A_370], %parallel_loop3A_371 masked %parallel_loop3A_315 {add = true} : memref<128x128xf32, #tpu.memory_space<vmem>>[vector<16xi32>, vector<16xi32>], vector<16xf32>, vector<16xi1>
      %parallel_loop3A_372 = arith.index_cast %parallel_loop3A_322 : i32 to index
      %parallel_loop3A_373 = arith.constant 112 : index
      %parallel_loop3A_374 = tpu.vector_load %arg11[%parallel_loop3A_372, %parallel_loop3A_373] {strides = array<i32>} : memref<128x128xf32, #tpu.memory_space<vmem>>, vector<16xf32>,
      %parallel_loop3A_375 = arith.constant 112 : i32
      %parallel_loop3A_376 = vector.broadcast %parallel_loop3A_375 : i32 to vector<16xi32>
      %parallel_loop3A_377 = arith.addi %parallel_loop3A_376, %iota3A : vector<16xi32>
      tpu.vector_store_idx %arg16[%parallel_loop3A_318, %parallel_loop3A_377], %parallel_loop3A_374 masked %parallel_loop3A_315 {add = true} : memref<128x128xf32, #tpu.memory_space<vmem>>[vector<16xi32>, vector<16xi32>], vector<16xf32>, vector<16xi1>
      %parallel_loop3A_378 = arith.mulf %parallel_loop3A_374, %parallel_loop3A_374 : vector<16xf32>
      tpu.vector_store_idx %arg17[%parallel_loop3A_318, %parallel_loop3A_377], %parallel_loop3A_378 masked %parallel_loop3A_315 {add = true} : memref<128x128xf32, #tpu.memory_space<vmem>>[vector<16xi32>, vector<16xi32>], vector<16xf32>, vector<16xi1>
      %parallel_loop3A_379 = vector.extract_strided_slice %parallel_loop3A_146 {offsets = [3], sizes = [1], strides = [1]} : vector<16xi32> to vector<1xi32>
      %parallel_loop3A_380 = vector.extract %parallel_loop3A_379[0] : i32 from vector<1xi32>
      %parallel_loop3A_381 = vector.broadcast %parallel_loop3A_380 : i32 to vector<16xi32>
      %parallel_loop3A_382 = arith.addi %parallel_loop3A_381, %broadcast_in_dim3A_42 : vector<16xi32>
      %parallel_loop3A_383 = arith.constant 0 : i32
      %parallel_loop3A_384 = vector.broadcast %parallel_loop3A_383 : i32 to vector<16xi32>
      %parallel_loop3A_385 = arith.cmpi sge, %parallel_loop3A_382, %parallel_loop3A_384 : vector<16xi32>
      %parallel_loop3A_386 = arith.constant 128 : i32
      %parallel_loop3A_387 = vector.broadcast %parallel_loop3A_386 : i32 to vector<16xi32>
      %parallel_loop3A_388 = arith.cmpi slt, %parallel_loop3A_382, %parallel_loop3A_387 : vector<16xi32>
      %parallel_loop3A_389 = arith.andi %parallel_loop3A_385, %parallel_loop3A_388 : vector<16xi1>
      %parallel_loop3A_390 = arith.constant 0 : i32
      %parallel_loop3A_391 = vector.broadcast %parallel_loop3A_390 : i32 to vector<16xi32>
      %parallel_loop3A_392 = arith.select %parallel_loop3A_389, %parallel_loop3A_382, %parallel_loop3A_391 : vector<16xi1>, vector<16xi32>
      %parallel_loop3A_393 = arith.constant 16 : i32
      %parallel_loop3A_394 = arith.muli %parallel_loop3A_140, %parallel_loop3A_393 : i32
      %parallel_loop3A_395 = arith.constant 3 : i32
      %parallel_loop3A_396 = arith.addi %parallel_loop3A_394, %parallel_loop3A_395 : i32
      %parallel_loop3A_397 = arith.index_cast %parallel_loop3A_396 : i32 to index
      %parallel_loop3A_398 = arith.constant 0 : index
      %parallel_loop3A_399 = tpu.vector_load %arg11[%parallel_loop3A_397, %parallel_loop3A_398] {strides = array<i32>} : memref<128x128xf32, #tpu.memory_space<vmem>>, vector<16xf32>,
      %parallel_loop3A_400 = arith.constant 0 : i32
      %parallel_loop3A_401 = vector.broadcast %parallel_loop3A_400 : i32 to vector<16xi32>
      %parallel_loop3A_402 = arith.addi %parallel_loop3A_401, %iota3A : vector<16xi32>
      tpu.vector_store_idx %arg16[%parallel_loop3A_392, %parallel_loop3A_402], %parallel_loop3A_399 masked %parallel_loop3A_389 {add = true} : memref<128x128xf32, #tpu.memory_space<vmem>>[vector<16xi32>, vector<16xi32>], vector<16xf32>, vector<16xi1>
      %parallel_loop3A_403 = arith.mulf %parallel_loop3A_399, %parallel_loop3A_399 : vector<16xf32>
      tpu.vector_store_idx %arg17[%parallel_loop3A_392, %parallel_loop3A_402], %parallel_loop3A_403 masked %parallel_loop3A_389 {add = true} : memref<128x128xf32, #tpu.memory_space<vmem>>[vector<16xi32>, vector<16xi32>], vector<16xf32>, vector<16xi1>
      %parallel_loop3A_404 = arith.index_cast %parallel_loop3A_396 : i32 to index
      %parallel_loop3A_405 = arith.constant 16 : index
      %parallel_loop3A_406 = tpu.vector_load %arg11[%parallel_loop3A_404, %parallel_loop3A_405] {strides = array<i32>} : memref<128x128xf32, #tpu.memory_space<vmem>>, vector<16xf32>,
      %parallel_loop3A_407 = arith.constant 16 : i32
      %parallel_loop3A_408 = vector.broadcast %parallel_loop3A_407 : i32 to vector<16xi32>
      %parallel_loop3A_409 = arith.addi %parallel_loop3A_408, %iota3A : vector<16xi32>
      tpu.vector_store_idx %arg16[%parallel_loop3A_392, %parallel_loop3A_409], %parallel_loop3A_406 masked %parallel_loop3A_389 {add = true} : memref<128x128xf32, #tpu.memory_space<vmem>>[vector<16xi32>, vector<16xi32>], vector<16xf32>, vector<16xi1>
      %parallel_loop3A_410 = arith.mulf %parallel_loop3A_406, %parallel_loop3A_406 : vector<16xf32>
      tpu.vector_store_idx %arg17[%parallel_loop3A_392, %parallel_loop3A_409], %parallel_loop3A_410 masked %parallel_loop3A_389 {add = true} : memref<128x128xf32, #tpu.memory_space<vmem>>[vector<16xi32>, vector<16xi32>], vector<16xf32>, vector<16xi1>
      %parallel_loop3A_411 = arith.index_cast %parallel_loop3A_396 : i32 to index
      %parallel_loop3A_412 = arith.constant 32 : index
      %parallel_loop3A_413 = tpu.vector_load %arg11[%parallel_loop3A_411, %parallel_loop3A_412] {strides = array<i32>} : memref<128x128xf32, #tpu.memory_space<vmem>>, vector<16xf32>,
      %parallel_loop3A_414 = arith.constant 32 : i32
      %parallel_loop3A_415 = vector.broadcast %parallel_loop3A_414 : i32 to vector<16xi32>
      %parallel_loop3A_416 = arith.addi %parallel_loop3A_415, %iota3A : vector<16xi32>
      tpu.vector_store_idx %arg16[%parallel_loop3A_392, %parallel_loop3A_416], %parallel_loop3A_413 masked %parallel_loop3A_389 {add = true} : memref<128x128xf32, #tpu.memory_space<vmem>>[vector<16xi32>, vector<16xi32>], vector<16xf32>, vector<16xi1>
      %parallel_loop3A_417 = arith.mulf %parallel_loop3A_413, %parallel_loop3A_413 : vector<16xf32>
      tpu.vector_store_idx %arg17[%parallel_loop3A_392, %parallel_loop3A_416], %parallel_loop3A_417 masked %parallel_loop3A_389 {add = true} : memref<128x128xf32, #tpu.memory_space<vmem>>[vector<16xi32>, vector<16xi32>], vector<16xf32>, vector<16xi1>
      %parallel_loop3A_418 = arith.index_cast %parallel_loop3A_396 : i32 to index
      %parallel_loop3A_419 = arith.constant 48 : index
      %parallel_loop3A_420 = tpu.vector_load %arg11[%parallel_loop3A_418, %parallel_loop3A_419] {strides = array<i32>} : memref<128x128xf32, #tpu.memory_space<vmem>>, vector<16xf32>,
      %parallel_loop3A_421 = arith.constant 48 : i32
      %parallel_loop3A_422 = vector.broadcast %parallel_loop3A_421 : i32 to vector<16xi32>
      %parallel_loop3A_423 = arith.addi %parallel_loop3A_422, %iota3A : vector<16xi32>
      tpu.vector_store_idx %arg16[%parallel_loop3A_392, %parallel_loop3A_423], %parallel_loop3A_420 masked %parallel_loop3A_389 {add = true} : memref<128x128xf32, #tpu.memory_space<vmem>>[vector<16xi32>, vector<16xi32>], vector<16xf32>, vector<16xi1>
      %parallel_loop3A_424 = arith.mulf %parallel_loop3A_420, %parallel_loop3A_420 : vector<16xf32>
      tpu.vector_store_idx %arg17[%parallel_loop3A_392, %parallel_loop3A_423], %parallel_loop3A_424 masked %parallel_loop3A_389 {add = true} : memref<128x128xf32, #tpu.memory_space<vmem>>[vector<16xi32>, vector<16xi32>], vector<16xf32>, vector<16xi1>
      %parallel_loop3A_425 = arith.index_cast %parallel_loop3A_396 : i32 to index
      %parallel_loop3A_426 = arith.constant 64 : index
      %parallel_loop3A_427 = tpu.vector_load %arg11[%parallel_loop3A_425, %parallel_loop3A_426] {strides = array<i32>} : memref<128x128xf32, #tpu.memory_space<vmem>>, vector<16xf32>,
      %parallel_loop3A_428 = arith.constant 64 : i32
      %parallel_loop3A_429 = vector.broadcast %parallel_loop3A_428 : i32 to vector<16xi32>
      %parallel_loop3A_430 = arith.addi %parallel_loop3A_429, %iota3A : vector<16xi32>
      tpu.vector_store_idx %arg16[%parallel_loop3A_392, %parallel_loop3A_430], %parallel_loop3A_427 masked %parallel_loop3A_389 {add = true} : memref<128x128xf32, #tpu.memory_space<vmem>>[vector<16xi32>, vector<16xi32>], vector<16xf32>, vector<16xi1>
      %parallel_loop3A_431 = arith.mulf %parallel_loop3A_427, %parallel_loop3A_427 : vector<16xf32>
      tpu.vector_store_idx %arg17[%parallel_loop3A_392, %parallel_loop3A_430], %parallel_loop3A_431 masked %parallel_loop3A_389 {add = true} : memref<128x128xf32, #tpu.memory_space<vmem>>[vector<16xi32>, vector<16xi32>], vector<16xf32>, vector<16xi1>
      %parallel_loop3A_432 = arith.index_cast %parallel_loop3A_396 : i32 to index
      %parallel_loop3A_433 = arith.constant 80 : index
      %parallel_loop3A_434 = tpu.vector_load %arg11[%parallel_loop3A_432, %parallel_loop3A_433] {strides = array<i32>} : memref<128x128xf32, #tpu.memory_space<vmem>>, vector<16xf32>,
      %parallel_loop3A_435 = arith.constant 80 : i32
      %parallel_loop3A_436 = vector.broadcast %parallel_loop3A_435 : i32 to vector<16xi32>
      %parallel_loop3A_437 = arith.addi %parallel_loop3A_436, %iota3A : vector<16xi32>
      tpu.vector_store_idx %arg16[%parallel_loop3A_392, %parallel_loop3A_437], %parallel_loop3A_434 masked %parallel_loop3A_389 {add = true} : memref<128x128xf32, #tpu.memory_space<vmem>>[vector<16xi32>, vector<16xi32>], vector<16xf32>, vector<16xi1>
      %parallel_loop3A_438 = arith.mulf %parallel_loop3A_434, %parallel_loop3A_434 : vector<16xf32>
      tpu.vector_store_idx %arg17[%parallel_loop3A_392, %parallel_loop3A_437], %parallel_loop3A_438 masked %parallel_loop3A_389 {add = true} : memref<128x128xf32, #tpu.memory_space<vmem>>[vector<16xi32>, vector<16xi32>], vector<16xf32>, vector<16xi1>
      %parallel_loop3A_439 = arith.index_cast %parallel_loop3A_396 : i32 to index
      %parallel_loop3A_440 = arith.constant 96 : index
      %parallel_loop3A_441 = tpu.vector_load %arg11[%parallel_loop3A_439, %parallel_loop3A_440] {strides = array<i32>} : memref<128x128xf32, #tpu.memory_space<vmem>>, vector<16xf32>,
      %parallel_loop3A_442 = arith.constant 96 : i32
      %parallel_loop3A_443 = vector.broadcast %parallel_loop3A_442 : i32 to vector<16xi32>
      %parallel_loop3A_444 = arith.addi %parallel_loop3A_443, %iota3A : vector<16xi32>
      tpu.vector_store_idx %arg16[%parallel_loop3A_392, %parallel_loop3A_444], %parallel_loop3A_441 masked %parallel_loop3A_389 {add = true} : memref<128x128xf32, #tpu.memory_space<vmem>>[vector<16xi32>, vector<16xi32>], vector<16xf32>, vector<16xi1>
      %parallel_loop3A_445 = arith.mulf %parallel_loop3A_441, %parallel_loop3A_441 : vector<16xf32>
      tpu.vector_store_idx %arg17[%parallel_loop3A_392, %parallel_loop3A_444], %parallel_loop3A_445 masked %parallel_loop3A_389 {add = true} : memref<128x128xf32, #tpu.memory_space<vmem>>[vector<16xi32>, vector<16xi32>], vector<16xf32>, vector<16xi1>
      %parallel_loop3A_446 = arith.index_cast %parallel_loop3A_396 : i32 to index
      %parallel_loop3A_447 = arith.constant 112 : index
      %parallel_loop3A_448 = tpu.vector_load %arg11[%parallel_loop3A_446, %parallel_loop3A_447] {strides = array<i32>} : memref<128x128xf32, #tpu.memory_space<vmem>>, vector<16xf32>,
      %parallel_loop3A_449 = arith.constant 112 : i32
      %parallel_loop3A_450 = vector.broadcast %parallel_loop3A_449 : i32 to vector<16xi32>
      %parallel_loop3A_451 = arith.addi %parallel_loop3A_450, %iota3A : vector<16xi32>
      tpu.vector_store_idx %arg16[%parallel_loop3A_392, %parallel_loop3A_451], %parallel_loop3A_448 masked %parallel_loop3A_389 {add = true} : memref<128x128xf32, #tpu.memory_space<vmem>>[vector<16xi32>, vector<16xi32>], vector<16xf32>, vector<16xi1>
      %parallel_loop3A_452 = arith.mulf %parallel_loop3A_448, %parallel_loop3A_448 : vector<16xf32>
      tpu.vector_store_idx %arg17[%parallel_loop3A_392, %parallel_loop3A_451], %parallel_loop3A_452 masked %parallel_loop3A_389 {add = true} : memref<128x128xf32, #tpu.memory_space<vmem>>[vector<16xi32>, vector<16xi32>], vector<16xf32>, vector<16xi1>
      %parallel_loop3A_453 = vector.extract_strided_slice %parallel_loop3A_146 {offsets = [4], sizes = [1], strides = [1]} : vector<16xi32> to vector<1xi32>
      %parallel_loop3A_454 = vector.extract %parallel_loop3A_453[0] : i32 from vector<1xi32>
      %parallel_loop3A_455 = vector.broadcast %parallel_loop3A_454 : i32 to vector<16xi32>
      %parallel_loop3A_456 = arith.addi %parallel_loop3A_455, %broadcast_in_dim3A_42 : vector<16xi32>
      %parallel_loop3A_457 = arith.constant 0 : i32
      %parallel_loop3A_458 = vector.broadcast %parallel_loop3A_457 : i32 to vector<16xi32>
      %parallel_loop3A_459 = arith.cmpi sge, %parallel_loop3A_456, %parallel_loop3A_458 : vector<16xi32>
      %parallel_loop3A_460 = arith.constant 128 : i32
      %parallel_loop3A_461 = vector.broadcast %parallel_loop3A_460 : i32 to vector<16xi32>
      %parallel_loop3A_462 = arith.cmpi slt, %parallel_loop3A_456, %parallel_loop3A_461 : vector<16xi32>
      %parallel_loop3A_463 = arith.andi %parallel_loop3A_459, %parallel_loop3A_462 : vector<16xi1>
      %parallel_loop3A_464 = arith.constant 0 : i32
      %parallel_loop3A_465 = vector.broadcast %parallel_loop3A_464 : i32 to vector<16xi32>
      %parallel_loop3A_466 = arith.select %parallel_loop3A_463, %parallel_loop3A_456, %parallel_loop3A_465 : vector<16xi1>, vector<16xi32>
      %parallel_loop3A_467 = arith.constant 16 : i32
      %parallel_loop3A_468 = arith.muli %parallel_loop3A_140, %parallel_loop3A_467 : i32
      %parallel_loop3A_469 = arith.constant 4 : i32
      %parallel_loop3A_470 = arith.addi %parallel_loop3A_468, %parallel_loop3A_469 : i32
      %parallel_loop3A_471 = arith.index_cast %parallel_loop3A_470 : i32 to index
      %parallel_loop3A_472 = arith.constant 0 : index
      %parallel_loop3A_473 = tpu.vector_load %arg11[%parallel_loop3A_471, %parallel_loop3A_472] {strides = array<i32>} : memref<128x128xf32, #tpu.memory_space<vmem>>, vector<16xf32>,
      %parallel_loop3A_474 = arith.constant 0 : i32
      %parallel_loop3A_475 = vector.broadcast %parallel_loop3A_474 : i32 to vector<16xi32>
      %parallel_loop3A_476 = arith.addi %parallel_loop3A_475, %iota3A : vector<16xi32>
      tpu.vector_store_idx %arg16[%parallel_loop3A_466, %parallel_loop3A_476], %parallel_loop3A_473 masked %parallel_loop3A_463 {add = true} : memref<128x128xf32, #tpu.memory_space<vmem>>[vector<16xi32>, vector<16xi32>], vector<16xf32>, vector<16xi1>
      %parallel_loop3A_477 = arith.mulf %parallel_loop3A_473, %parallel_loop3A_473 : vector<16xf32>
      tpu.vector_store_idx %arg17[%parallel_loop3A_466, %parallel_loop3A_476], %parallel_loop3A_477 masked %parallel_loop3A_463 {add = true} : memref<128x128xf32, #tpu.memory_space<vmem>>[vector<16xi32>, vector<16xi32>], vector<16xf32>, vector<16xi1>
      %parallel_loop3A_478 = arith.index_cast %parallel_loop3A_470 : i32 to index
      %parallel_loop3A_479 = arith.constant 16 : index
      %parallel_loop3A_480 = tpu.vector_load %arg11[%parallel_loop3A_478, %parallel_loop3A_479] {strides = array<i32>} : memref<128x128xf32, #tpu.memory_space<vmem>>, vector<16xf32>,
      %parallel_loop3A_481 = arith.constant 16 : i32
      %parallel_loop3A_482 = vector.broadcast %parallel_loop3A_481 : i32 to vector<16xi32>
      %parallel_loop3A_483 = arith.addi %parallel_loop3A_482, %iota3A : vector<16xi32>
      tpu.vector_store_idx %arg16[%parallel_loop3A_466, %parallel_loop3A_483], %parallel_loop3A_480 masked %parallel_loop3A_463 {add = true} : memref<128x128xf32, #tpu.memory_space<vmem>>[vector<16xi32>, vector<16xi32>], vector<16xf32>, vector<16xi1>
      %parallel_loop3A_484 = arith.mulf %parallel_loop3A_480, %parallel_loop3A_480 : vector<16xf32>
      tpu.vector_store_idx %arg17[%parallel_loop3A_466, %parallel_loop3A_483], %parallel_loop3A_484 masked %parallel_loop3A_463 {add = true} : memref<128x128xf32, #tpu.memory_space<vmem>>[vector<16xi32>, vector<16xi32>], vector<16xf32>, vector<16xi1>
      %parallel_loop3A_485 = arith.index_cast %parallel_loop3A_470 : i32 to index
      %parallel_loop3A_486 = arith.constant 32 : index
      %parallel_loop3A_487 = tpu.vector_load %arg11[%parallel_loop3A_485, %parallel_loop3A_486] {strides = array<i32>} : memref<128x128xf32, #tpu.memory_space<vmem>>, vector<16xf32>,
      %parallel_loop3A_488 = arith.constant 32 : i32
      %parallel_loop3A_489 = vector.broadcast %parallel_loop3A_488 : i32 to vector<16xi32>
      %parallel_loop3A_490 = arith.addi %parallel_loop3A_489, %iota3A : vector<16xi32>
      tpu.vector_store_idx %arg16[%parallel_loop3A_466, %parallel_loop3A_490], %parallel_loop3A_487 masked %parallel_loop3A_463 {add = true} : memref<128x128xf32, #tpu.memory_space<vmem>>[vector<16xi32>, vector<16xi32>], vector<16xf32>, vector<16xi1>
      %parallel_loop3A_491 = arith.mulf %parallel_loop3A_487, %parallel_loop3A_487 : vector<16xf32>
      tpu.vector_store_idx %arg17[%parallel_loop3A_466, %parallel_loop3A_490], %parallel_loop3A_491 masked %parallel_loop3A_463 {add = true} : memref<128x128xf32, #tpu.memory_space<vmem>>[vector<16xi32>, vector<16xi32>], vector<16xf32>, vector<16xi1>
      %parallel_loop3A_492 = arith.index_cast %parallel_loop3A_470 : i32 to index
      %parallel_loop3A_493 = arith.constant 48 : index
      %parallel_loop3A_494 = tpu.vector_load %arg11[%parallel_loop3A_492, %parallel_loop3A_493] {strides = array<i32>} : memref<128x128xf32, #tpu.memory_space<vmem>>, vector<16xf32>,
      %parallel_loop3A_495 = arith.constant 48 : i32
      %parallel_loop3A_496 = vector.broadcast %parallel_loop3A_495 : i32 to vector<16xi32>
      %parallel_loop3A_497 = arith.addi %parallel_loop3A_496, %iota3A : vector<16xi32>
      tpu.vector_store_idx %arg16[%parallel_loop3A_466, %parallel_loop3A_497], %parallel_loop3A_494 masked %parallel_loop3A_463 {add = true} : memref<128x128xf32, #tpu.memory_space<vmem>>[vector<16xi32>, vector<16xi32>], vector<16xf32>, vector<16xi1>
      %parallel_loop3A_498 = arith.mulf %parallel_loop3A_494, %parallel_loop3A_494 : vector<16xf32>
      tpu.vector_store_idx %arg17[%parallel_loop3A_466, %parallel_loop3A_497], %parallel_loop3A_498 masked %parallel_loop3A_463 {add = true} : memref<128x128xf32, #tpu.memory_space<vmem>>[vector<16xi32>, vector<16xi32>], vector<16xf32>, vector<16xi1>
      %parallel_loop3A_499 = arith.index_cast %parallel_loop3A_470 : i32 to index
      %parallel_loop3A_500 = arith.constant 64 : index
      %parallel_loop3A_501 = tpu.vector_load %arg11[%parallel_loop3A_499, %parallel_loop3A_500] {strides = array<i32>} : memref<128x128xf32, #tpu.memory_space<vmem>>, vector<16xf32>,
      %parallel_loop3A_502 = arith.constant 64 : i32
      %parallel_loop3A_503 = vector.broadcast %parallel_loop3A_502 : i32 to vector<16xi32>
      %parallel_loop3A_504 = arith.addi %parallel_loop3A_503, %iota3A : vector<16xi32>
      tpu.vector_store_idx %arg16[%parallel_loop3A_466, %parallel_loop3A_504], %parallel_loop3A_501 masked %parallel_loop3A_463 {add = true} : memref<128x128xf32, #tpu.memory_space<vmem>>[vector<16xi32>, vector<16xi32>], vector<16xf32>, vector<16xi1>
      %parallel_loop3A_505 = arith.mulf %parallel_loop3A_501, %parallel_loop3A_501 : vector<16xf32>
      tpu.vector_store_idx %arg17[%parallel_loop3A_466, %parallel_loop3A_504], %parallel_loop3A_505 masked %parallel_loop3A_463 {add = true} : memref<128x128xf32, #tpu.memory_space<vmem>>[vector<16xi32>, vector<16xi32>], vector<16xf32>, vector<16xi1>
      %parallel_loop3A_506 = arith.index_cast %parallel_loop3A_470 : i32 to index
      %parallel_loop3A_507 = arith.constant 80 : index
      %parallel_loop3A_508 = tpu.vector_load %arg11[%parallel_loop3A_506, %parallel_loop3A_507] {strides = array<i32>} : memref<128x128xf32, #tpu.memory_space<vmem>>, vector<16xf32>,
      %parallel_loop3A_509 = arith.constant 80 : i32
      %parallel_loop3A_510 = vector.broadcast %parallel_loop3A_509 : i32 to vector<16xi32>
      %parallel_loop3A_511 = arith.addi %parallel_loop3A_510, %iota3A : vector<16xi32>
      tpu.vector_store_idx %arg16[%parallel_loop3A_466, %parallel_loop3A_511], %parallel_loop3A_508 masked %parallel_loop3A_463 {add = true} : memref<128x128xf32, #tpu.memory_space<vmem>>[vector<16xi32>, vector<16xi32>], vector<16xf32>, vector<16xi1>
      %parallel_loop3A_512 = arith.mulf %parallel_loop3A_508, %parallel_loop3A_508 : vector<16xf32>
      tpu.vector_store_idx %arg17[%parallel_loop3A_466, %parallel_loop3A_511], %parallel_loop3A_512 masked %parallel_loop3A_463 {add = true} : memref<128x128xf32, #tpu.memory_space<vmem>>[vector<16xi32>, vector<16xi32>], vector<16xf32>, vector<16xi1>
      %parallel_loop3A_513 = arith.index_cast %parallel_loop3A_470 : i32 to index
      %parallel_loop3A_514 = arith.constant 96 : index
      %parallel_loop3A_515 = tpu.vector_load %arg11[%parallel_loop3A_513, %parallel_loop3A_514] {strides = array<i32>} : memref<128x128xf32, #tpu.memory_space<vmem>>, vector<16xf32>,
      %parallel_loop3A_516 = arith.constant 96 : i32
      %parallel_loop3A_517 = vector.broadcast %parallel_loop3A_516 : i32 to vector<16xi32>
      %parallel_loop3A_518 = arith.addi %parallel_loop3A_517, %iota3A : vector<16xi32>
      tpu.vector_store_idx %arg16[%parallel_loop3A_466, %parallel_loop3A_518], %parallel_loop3A_515 masked %parallel_loop3A_463 {add = true} : memref<128x128xf32, #tpu.memory_space<vmem>>[vector<16xi32>, vector<16xi32>], vector<16xf32>, vector<16xi1>
      %parallel_loop3A_519 = arith.mulf %parallel_loop3A_515, %parallel_loop3A_515 : vector<16xf32>
      tpu.vector_store_idx %arg17[%parallel_loop3A_466, %parallel_loop3A_518], %parallel_loop3A_519 masked %parallel_loop3A_463 {add = true} : memref<128x128xf32, #tpu.memory_space<vmem>>[vector<16xi32>, vector<16xi32>], vector<16xf32>, vector<16xi1>
      %parallel_loop3A_520 = arith.index_cast %parallel_loop3A_470 : i32 to index
      %parallel_loop3A_521 = arith.constant 112 : index
      %parallel_loop3A_522 = tpu.vector_load %arg11[%parallel_loop3A_520, %parallel_loop3A_521] {strides = array<i32>} : memref<128x128xf32, #tpu.memory_space<vmem>>, vector<16xf32>,
      %parallel_loop3A_523 = arith.constant 112 : i32
      %parallel_loop3A_524 = vector.broadcast %parallel_loop3A_523 : i32 to vector<16xi32>
      %parallel_loop3A_525 = arith.addi %parallel_loop3A_524, %iota3A : vector<16xi32>
      tpu.vector_store_idx %arg16[%parallel_loop3A_466, %parallel_loop3A_525], %parallel_loop3A_522 masked %parallel_loop3A_463 {add = true} : memref<128x128xf32, #tpu.memory_space<vmem>>[vector<16xi32>, vector<16xi32>], vector<16xf32>, vector<16xi1>
      %parallel_loop3A_526 = arith.mulf %parallel_loop3A_522, %parallel_loop3A_522 : vector<16xf32>
      tpu.vector_store_idx %arg17[%parallel_loop3A_466, %parallel_loop3A_525], %parallel_loop3A_526 masked %parallel_loop3A_463 {add = true} : memref<128x128xf32, #tpu.memory_space<vmem>>[vector<16xi32>, vector<16xi32>], vector<16xf32>, vector<16xi1>
      %parallel_loop3A_527 = vector.extract_strided_slice %parallel_loop3A_146 {offsets = [5], sizes = [1], strides = [1]} : vector<16xi32> to vector<1xi32>
      %parallel_loop3A_528 = vector.extract %parallel_loop3A_527[0] : i32 from vector<1xi32>
      %parallel_loop3A_529 = vector.broadcast %parallel_loop3A_528 : i32 to vector<16xi32>
      %parallel_loop3A_530 = arith.addi %parallel_loop3A_529, %broadcast_in_dim3A_42 : vector<16xi32>
      %parallel_loop3A_531 = arith.constant 0 : i32
      %parallel_loop3A_532 = vector.broadcast %parallel_loop3A_531 : i32 to vector<16xi32>
      %parallel_loop3A_533 = arith.cmpi sge, %parallel_loop3A_530, %parallel_loop3A_532 : vector<16xi32>
      %parallel_loop3A_534 = arith.constant 128 : i32
      %parallel_loop3A_535 = vector.broadcast %parallel_loop3A_534 : i32 to vector<16xi32>
      %parallel_loop3A_536 = arith.cmpi slt, %parallel_loop3A_530, %parallel_loop3A_535 : vector<16xi32>
      %parallel_loop3A_537 = arith.andi %parallel_loop3A_533, %parallel_loop3A_536 : vector<16xi1>
      %parallel_loop3A_538 = arith.constant 0 : i32
      %parallel_loop3A_539 = vector.broadcast %parallel_loop3A_538 : i32 to vector<16xi32>
      %parallel_loop3A_540 = arith.select %parallel_loop3A_537, %parallel_loop3A_530, %parallel_loop3A_539 : vector<16xi1>, vector<16xi32>
      %parallel_loop3A_541 = arith.constant 16 : i32
      %parallel_loop3A_542 = arith.muli %parallel_loop3A_140, %parallel_loop3A_541 : i32
      %parallel_loop3A_543 = arith.constant 5 : i32
      %parallel_loop3A_544 = arith.addi %parallel_loop3A_542, %parallel_loop3A_543 : i32
      %parallel_loop3A_545 = arith.index_cast %parallel_loop3A_544 : i32 to index
      %parallel_loop3A_546 = arith.constant 0 : index
      %parallel_loop3A_547 = tpu.vector_load %arg11[%parallel_loop3A_545, %parallel_loop3A_546] {strides = array<i32>} : memref<128x128xf32, #tpu.memory_space<vmem>>, vector<16xf32>,
      %parallel_loop3A_548 = arith.constant 0 : i32
      %parallel_loop3A_549 = vector.broadcast %parallel_loop3A_548 : i32 to vector<16xi32>
      %parallel_loop3A_550 = arith.addi %parallel_loop3A_549, %iota3A : vector<16xi32>
      tpu.vector_store_idx %arg16[%parallel_loop3A_540, %parallel_loop3A_550], %parallel_loop3A_547 masked %parallel_loop3A_537 {add = true} : memref<128x128xf32, #tpu.memory_space<vmem>>[vector<16xi32>, vector<16xi32>], vector<16xf32>, vector<16xi1>
      %parallel_loop3A_551 = arith.mulf %parallel_loop3A_547, %parallel_loop3A_547 : vector<16xf32>
      tpu.vector_store_idx %arg17[%parallel_loop3A_540, %parallel_loop3A_550], %parallel_loop3A_551 masked %parallel_loop3A_537 {add = true} : memref<128x128xf32, #tpu.memory_space<vmem>>[vector<16xi32>, vector<16xi32>], vector<16xf32>, vector<16xi1>
      %parallel_loop3A_552 = arith.index_cast %parallel_loop3A_544 : i32 to index
      %parallel_loop3A_553 = arith.constant 16 : index
      %parallel_loop3A_554 = tpu.vector_load %arg11[%parallel_loop3A_552, %parallel_loop3A_553] {strides = array<i32>} : memref<128x128xf32, #tpu.memory_space<vmem>>, vector<16xf32>,
      %parallel_loop3A_555 = arith.constant 16 : i32
      %parallel_loop3A_556 = vector.broadcast %parallel_loop3A_555 : i32 to vector<16xi32>
      %parallel_loop3A_557 = arith.addi %parallel_loop3A_556, %iota3A : vector<16xi32>
      tpu.vector_store_idx %arg16[%parallel_loop3A_540, %parallel_loop3A_557], %parallel_loop3A_554 masked %parallel_loop3A_537 {add = true} : memref<128x128xf32, #tpu.memory_space<vmem>>[vector<16xi32>, vector<16xi32>], vector<16xf32>, vector<16xi1>
      %parallel_loop3A_558 = arith.mulf %parallel_loop3A_554, %parallel_loop3A_554 : vector<16xf32>
      tpu.vector_store_idx %arg17[%parallel_loop3A_540, %parallel_loop3A_557], %parallel_loop3A_558 masked %parallel_loop3A_537 {add = true} : memref<128x128xf32, #tpu.memory_space<vmem>>[vector<16xi32>, vector<16xi32>], vector<16xf32>, vector<16xi1>
      %parallel_loop3A_559 = arith.index_cast %parallel_loop3A_544 : i32 to index
      %parallel_loop3A_560 = arith.constant 32 : index
      %parallel_loop3A_561 = tpu.vector_load %arg11[%parallel_loop3A_559, %parallel_loop3A_560] {strides = array<i32>} : memref<128x128xf32, #tpu.memory_space<vmem>>, vector<16xf32>,
      %parallel_loop3A_562 = arith.constant 32 : i32
      %parallel_loop3A_563 = vector.broadcast %parallel_loop3A_562 : i32 to vector<16xi32>
      %parallel_loop3A_564 = arith.addi %parallel_loop3A_563, %iota3A : vector<16xi32>
      tpu.vector_store_idx %arg16[%parallel_loop3A_540, %parallel_loop3A_564], %parallel_loop3A_561 masked %parallel_loop3A_537 {add = true} : memref<128x128xf32, #tpu.memory_space<vmem>>[vector<16xi32>, vector<16xi32>], vector<16xf32>, vector<16xi1>
      %parallel_loop3A_565 = arith.mulf %parallel_loop3A_561, %parallel_loop3A_561 : vector<16xf32>
      tpu.vector_store_idx %arg17[%parallel_loop3A_540, %parallel_loop3A_564], %parallel_loop3A_565 masked %parallel_loop3A_537 {add = true} : memref<128x128xf32, #tpu.memory_space<vmem>>[vector<16xi32>, vector<16xi32>], vector<16xf32>, vector<16xi1>
      %parallel_loop3A_566 = arith.index_cast %parallel_loop3A_544 : i32 to index
      %parallel_loop3A_567 = arith.constant 48 : index
      %parallel_loop3A_568 = tpu.vector_load %arg11[%parallel_loop3A_566, %parallel_loop3A_567] {strides = array<i32>} : memref<128x128xf32, #tpu.memory_space<vmem>>, vector<16xf32>,
      %parallel_loop3A_569 = arith.constant 48 : i32
      %parallel_loop3A_570 = vector.broadcast %parallel_loop3A_569 : i32 to vector<16xi32>
      %parallel_loop3A_571 = arith.addi %parallel_loop3A_570, %iota3A : vector<16xi32>
      tpu.vector_store_idx %arg16[%parallel_loop3A_540, %parallel_loop3A_571], %parallel_loop3A_568 masked %parallel_loop3A_537 {add = true} : memref<128x128xf32, #tpu.memory_space<vmem>>[vector<16xi32>, vector<16xi32>], vector<16xf32>, vector<16xi1>
      %parallel_loop3A_572 = arith.mulf %parallel_loop3A_568, %parallel_loop3A_568 : vector<16xf32>
      tpu.vector_store_idx %arg17[%parallel_loop3A_540, %parallel_loop3A_571], %parallel_loop3A_572 masked %parallel_loop3A_537 {add = true} : memref<128x128xf32, #tpu.memory_space<vmem>>[vector<16xi32>, vector<16xi32>], vector<16xf32>, vector<16xi1>
      %parallel_loop3A_573 = arith.index_cast %parallel_loop3A_544 : i32 to index
      %parallel_loop3A_574 = arith.constant 64 : index
      %parallel_loop3A_575 = tpu.vector_load %arg11[%parallel_loop3A_573, %parallel_loop3A_574] {strides = array<i32>} : memref<128x128xf32, #tpu.memory_space<vmem>>, vector<16xf32>,
      %parallel_loop3A_576 = arith.constant 64 : i32
      %parallel_loop3A_577 = vector.broadcast %parallel_loop3A_576 : i32 to vector<16xi32>
      %parallel_loop3A_578 = arith.addi %parallel_loop3A_577, %iota3A : vector<16xi32>
      tpu.vector_store_idx %arg16[%parallel_loop3A_540, %parallel_loop3A_578], %parallel_loop3A_575 masked %parallel_loop3A_537 {add = true} : memref<128x128xf32, #tpu.memory_space<vmem>>[vector<16xi32>, vector<16xi32>], vector<16xf32>, vector<16xi1>
      %parallel_loop3A_579 = arith.mulf %parallel_loop3A_575, %parallel_loop3A_575 : vector<16xf32>
      tpu.vector_store_idx %arg17[%parallel_loop3A_540, %parallel_loop3A_578], %parallel_loop3A_579 masked %parallel_loop3A_537 {add = true} : memref<128x128xf32, #tpu.memory_space<vmem>>[vector<16xi32>, vector<16xi32>], vector<16xf32>, vector<16xi1>
      %parallel_loop3A_580 = arith.index_cast %parallel_loop3A_544 : i32 to index
      %parallel_loop3A_581 = arith.constant 80 : index
      %parallel_loop3A_582 = tpu.vector_load %arg11[%parallel_loop3A_580, %parallel_loop3A_581] {strides = array<i32>} : memref<128x128xf32, #tpu.memory_space<vmem>>, vector<16xf32>,
      %parallel_loop3A_583 = arith.constant 80 : i32
      %parallel_loop3A_584 = vector.broadcast %parallel_loop3A_583 : i32 to vector<16xi32>
      %parallel_loop3A_585 = arith.addi %parallel_loop3A_584, %iota3A : vector<16xi32>
      tpu.vector_store_idx %arg16[%parallel_loop3A_540, %parallel_loop3A_585], %parallel_loop3A_582 masked %parallel_loop3A_537 {add = true} : memref<128x128xf32, #tpu.memory_space<vmem>>[vector<16xi32>, vector<16xi32>], vector<16xf32>, vector<16xi1>
      %parallel_loop3A_586 = arith.mulf %parallel_loop3A_582, %parallel_loop3A_582 : vector<16xf32>
      tpu.vector_store_idx %arg17[%parallel_loop3A_540, %parallel_loop3A_585], %parallel_loop3A_586 masked %parallel_loop3A_537 {add = true} : memref<128x128xf32, #tpu.memory_space<vmem>>[vector<16xi32>, vector<16xi32>], vector<16xf32>, vector<16xi1>
      %parallel_loop3A_587 = arith.index_cast %parallel_loop3A_544 : i32 to index
      %parallel_loop3A_588 = arith.constant 96 : index
      %parallel_loop3A_589 = tpu.vector_load %arg11[%parallel_loop3A_587, %parallel_loop3A_588] {strides = array<i32>} : memref<128x128xf32, #tpu.memory_space<vmem>>, vector<16xf32>,
      %parallel_loop3A_590 = arith.constant 96 : i32
      %parallel_loop3A_591 = vector.broadcast %parallel_loop3A_590 : i32 to vector<16xi32>
      %parallel_loop3A_592 = arith.addi %parallel_loop3A_591, %iota3A : vector<16xi32>
      tpu.vector_store_idx %arg16[%parallel_loop3A_540, %parallel_loop3A_592], %parallel_loop3A_589 masked %parallel_loop3A_537 {add = true} : memref<128x128xf32, #tpu.memory_space<vmem>>[vector<16xi32>, vector<16xi32>], vector<16xf32>, vector<16xi1>
      %parallel_loop3A_593 = arith.mulf %parallel_loop3A_589, %parallel_loop3A_589 : vector<16xf32>
      tpu.vector_store_idx %arg17[%parallel_loop3A_540, %parallel_loop3A_592], %parallel_loop3A_593 masked %parallel_loop3A_537 {add = true} : memref<128x128xf32, #tpu.memory_space<vmem>>[vector<16xi32>, vector<16xi32>], vector<16xf32>, vector<16xi1>
      %parallel_loop3A_594 = arith.index_cast %parallel_loop3A_544 : i32 to index
      %parallel_loop3A_595 = arith.constant 112 : index
      %parallel_loop3A_596 = tpu.vector_load %arg11[%parallel_loop3A_594, %parallel_loop3A_595] {strides = array<i32>} : memref<128x128xf32, #tpu.memory_space<vmem>>, vector<16xf32>,
      %parallel_loop3A_597 = arith.constant 112 : i32
      %parallel_loop3A_598 = vector.broadcast %parallel_loop3A_597 : i32 to vector<16xi32>
      %parallel_loop3A_599 = arith.addi %parallel_loop3A_598, %iota3A : vector<16xi32>
      tpu.vector_store_idx %arg16[%parallel_loop3A_540, %parallel_loop3A_599], %parallel_loop3A_596 masked %parallel_loop3A_537 {add = true} : memref<128x128xf32, #tpu.memory_space<vmem>>[vector<16xi32>, vector<16xi32>], vector<16xf32>, vector<16xi1>
      %parallel_loop3A_600 = arith.mulf %parallel_loop3A_596, %parallel_loop3A_596 : vector<16xf32>
      tpu.vector_store_idx %arg17[%parallel_loop3A_540, %parallel_loop3A_599], %parallel_loop3A_600 masked %parallel_loop3A_537 {add = true} : memref<128x128xf32, #tpu.memory_space<vmem>>[vector<16xi32>, vector<16xi32>], vector<16xf32>, vector<16xi1>
      %parallel_loop3A_601 = vector.extract_strided_slice %parallel_loop3A_146 {offsets = [6], sizes = [1], strides = [1]} : vector<16xi32> to vector<1xi32>
      %parallel_loop3A_602 = vector.extract %parallel_loop3A_601[0] : i32 from vector<1xi32>
      %parallel_loop3A_603 = vector.broadcast %parallel_loop3A_602 : i32 to vector<16xi32>
      %parallel_loop3A_604 = arith.addi %parallel_loop3A_603, %broadcast_in_dim3A_42 : vector<16xi32>
      %parallel_loop3A_605 = arith.constant 0 : i32
      %parallel_loop3A_606 = vector.broadcast %parallel_loop3A_605 : i32 to vector<16xi32>
      %parallel_loop3A_607 = arith.cmpi sge, %parallel_loop3A_604, %parallel_loop3A_606 : vector<16xi32>
      %parallel_loop3A_608 = arith.constant 128 : i32
      %parallel_loop3A_609 = vector.broadcast %parallel_loop3A_608 : i32 to vector<16xi32>
      %parallel_loop3A_610 = arith.cmpi slt, %parallel_loop3A_604, %parallel_loop3A_609 : vector<16xi32>
      %parallel_loop3A_611 = arith.andi %parallel_loop3A_607, %parallel_loop3A_610 : vector<16xi1>
      %parallel_loop3A_612 = arith.constant 0 : i32
      %parallel_loop3A_613 = vector.broadcast %parallel_loop3A_612 : i32 to vector<16xi32>
      %parallel_loop3A_614 = arith.select %parallel_loop3A_611, %parallel_loop3A_604, %parallel_loop3A_613 : vector<16xi1>, vector<16xi32>
      %parallel_loop3A_615 = arith.constant 16 : i32
      %parallel_loop3A_616 = arith.muli %parallel_loop3A_140, %parallel_loop3A_615 : i32
      %parallel_loop3A_617 = arith.constant 6 : i32
      %parallel_loop3A_618 = arith.addi %parallel_loop3A_616, %parallel_loop3A_617 : i32
      %parallel_loop3A_619 = arith.index_cast %parallel_loop3A_618 : i32 to index
      %parallel_loop3A_620 = arith.constant 0 : index
      %parallel_loop3A_621 = tpu.vector_load %arg11[%parallel_loop3A_619, %parallel_loop3A_620] {strides = array<i32>} : memref<128x128xf32, #tpu.memory_space<vmem>>, vector<16xf32>,
      %parallel_loop3A_622 = arith.constant 0 : i32
      %parallel_loop3A_623 = vector.broadcast %parallel_loop3A_622 : i32 to vector<16xi32>
      %parallel_loop3A_624 = arith.addi %parallel_loop3A_623, %iota3A : vector<16xi32>
      tpu.vector_store_idx %arg16[%parallel_loop3A_614, %parallel_loop3A_624], %parallel_loop3A_621 masked %parallel_loop3A_611 {add = true} : memref<128x128xf32, #tpu.memory_space<vmem>>[vector<16xi32>, vector<16xi32>], vector<16xf32>, vector<16xi1>
      %parallel_loop3A_625 = arith.mulf %parallel_loop3A_621, %parallel_loop3A_621 : vector<16xf32>
      tpu.vector_store_idx %arg17[%parallel_loop3A_614, %parallel_loop3A_624], %parallel_loop3A_625 masked %parallel_loop3A_611 {add = true} : memref<128x128xf32, #tpu.memory_space<vmem>>[vector<16xi32>, vector<16xi32>], vector<16xf32>, vector<16xi1>
      %parallel_loop3A_626 = arith.index_cast %parallel_loop3A_618 : i32 to index
      %parallel_loop3A_627 = arith.constant 16 : index
      %parallel_loop3A_628 = tpu.vector_load %arg11[%parallel_loop3A_626, %parallel_loop3A_627] {strides = array<i32>} : memref<128x128xf32, #tpu.memory_space<vmem>>, vector<16xf32>,
      %parallel_loop3A_629 = arith.constant 16 : i32
      %parallel_loop3A_630 = vector.broadcast %parallel_loop3A_629 : i32 to vector<16xi32>
      %parallel_loop3A_631 = arith.addi %parallel_loop3A_630, %iota3A : vector<16xi32>
      tpu.vector_store_idx %arg16[%parallel_loop3A_614, %parallel_loop3A_631], %parallel_loop3A_628 masked %parallel_loop3A_611 {add = true} : memref<128x128xf32, #tpu.memory_space<vmem>>[vector<16xi32>, vector<16xi32>], vector<16xf32>, vector<16xi1>
      %parallel_loop3A_632 = arith.mulf %parallel_loop3A_628, %parallel_loop3A_628 : vector<16xf32>
      tpu.vector_store_idx %arg17[%parallel_loop3A_614, %parallel_loop3A_631], %parallel_loop3A_632 masked %parallel_loop3A_611 {add = true} : memref<128x128xf32, #tpu.memory_space<vmem>>[vector<16xi32>, vector<16xi32>], vector<16xf32>, vector<16xi1>
      %parallel_loop3A_633 = arith.index_cast %parallel_loop3A_618 : i32 to index
      %parallel_loop3A_634 = arith.constant 32 : index
      %parallel_loop3A_635 = tpu.vector_load %arg11[%parallel_loop3A_633, %parallel_loop3A_634] {strides = array<i32>} : memref<128x128xf32, #tpu.memory_space<vmem>>, vector<16xf32>,
      %parallel_loop3A_636 = arith.constant 32 : i32
      %parallel_loop3A_637 = vector.broadcast %parallel_loop3A_636 : i32 to vector<16xi32>
      %parallel_loop3A_638 = arith.addi %parallel_loop3A_637, %iota3A : vector<16xi32>
      tpu.vector_store_idx %arg16[%parallel_loop3A_614, %parallel_loop3A_638], %parallel_loop3A_635 masked %parallel_loop3A_611 {add = true} : memref<128x128xf32, #tpu.memory_space<vmem>>[vector<16xi32>, vector<16xi32>], vector<16xf32>, vector<16xi1>
      %parallel_loop3A_639 = arith.mulf %parallel_loop3A_635, %parallel_loop3A_635 : vector<16xf32>
      tpu.vector_store_idx %arg17[%parallel_loop3A_614, %parallel_loop3A_638], %parallel_loop3A_639 masked %parallel_loop3A_611 {add = true} : memref<128x128xf32, #tpu.memory_space<vmem>>[vector<16xi32>, vector<16xi32>], vector<16xf32>, vector<16xi1>
      %parallel_loop3A_640 = arith.index_cast %parallel_loop3A_618 : i32 to index
      %parallel_loop3A_641 = arith.constant 48 : index
      %parallel_loop3A_642 = tpu.vector_load %arg11[%parallel_loop3A_640, %parallel_loop3A_641] {strides = array<i32>} : memref<128x128xf32, #tpu.memory_space<vmem>>, vector<16xf32>,
      %parallel_loop3A_643 = arith.constant 48 : i32
      %parallel_loop3A_644 = vector.broadcast %parallel_loop3A_643 : i32 to vector<16xi32>
      %parallel_loop3A_645 = arith.addi %parallel_loop3A_644, %iota3A : vector<16xi32>
      tpu.vector_store_idx %arg16[%parallel_loop3A_614, %parallel_loop3A_645], %parallel_loop3A_642 masked %parallel_loop3A_611 {add = true} : memref<128x128xf32, #tpu.memory_space<vmem>>[vector<16xi32>, vector<16xi32>], vector<16xf32>, vector<16xi1>
      %parallel_loop3A_646 = arith.mulf %parallel_loop3A_642, %parallel_loop3A_642 : vector<16xf32>
      tpu.vector_store_idx %arg17[%parallel_loop3A_614, %parallel_loop3A_645], %parallel_loop3A_646 masked %parallel_loop3A_611 {add = true} : memref<128x128xf32, #tpu.memory_space<vmem>>[vector<16xi32>, vector<16xi32>], vector<16xf32>, vector<16xi1>
      %parallel_loop3A_647 = arith.index_cast %parallel_loop3A_618 : i32 to index
      %parallel_loop3A_648 = arith.constant 64 : index
      %parallel_loop3A_649 = tpu.vector_load %arg11[%parallel_loop3A_647, %parallel_loop3A_648] {strides = array<i32>} : memref<128x128xf32, #tpu.memory_space<vmem>>, vector<16xf32>,
      %parallel_loop3A_650 = arith.constant 64 : i32
      %parallel_loop3A_651 = vector.broadcast %parallel_loop3A_650 : i32 to vector<16xi32>
      %parallel_loop3A_652 = arith.addi %parallel_loop3A_651, %iota3A : vector<16xi32>
      tpu.vector_store_idx %arg16[%parallel_loop3A_614, %parallel_loop3A_652], %parallel_loop3A_649 masked %parallel_loop3A_611 {add = true} : memref<128x128xf32, #tpu.memory_space<vmem>>[vector<16xi32>, vector<16xi32>], vector<16xf32>, vector<16xi1>
      %parallel_loop3A_653 = arith.mulf %parallel_loop3A_649, %parallel_loop3A_649 : vector<16xf32>
      tpu.vector_store_idx %arg17[%parallel_loop3A_614, %parallel_loop3A_652], %parallel_loop3A_653 masked %parallel_loop3A_611 {add = true} : memref<128x128xf32, #tpu.memory_space<vmem>>[vector<16xi32>, vector<16xi32>], vector<16xf32>, vector<16xi1>
      %parallel_loop3A_654 = arith.index_cast %parallel_loop3A_618 : i32 to index
      %parallel_loop3A_655 = arith.constant 80 : index
      %parallel_loop3A_656 = tpu.vector_load %arg11[%parallel_loop3A_654, %parallel_loop3A_655] {strides = array<i32>} : memref<128x128xf32, #tpu.memory_space<vmem>>, vector<16xf32>,
      %parallel_loop3A_657 = arith.constant 80 : i32
      %parallel_loop3A_658 = vector.broadcast %parallel_loop3A_657 : i32 to vector<16xi32>
      %parallel_loop3A_659 = arith.addi %parallel_loop3A_658, %iota3A : vector<16xi32>
      tpu.vector_store_idx %arg16[%parallel_loop3A_614, %parallel_loop3A_659], %parallel_loop3A_656 masked %parallel_loop3A_611 {add = true} : memref<128x128xf32, #tpu.memory_space<vmem>>[vector<16xi32>, vector<16xi32>], vector<16xf32>, vector<16xi1>
      %parallel_loop3A_660 = arith.mulf %parallel_loop3A_656, %parallel_loop3A_656 : vector<16xf32>
      tpu.vector_store_idx %arg17[%parallel_loop3A_614, %parallel_loop3A_659], %parallel_loop3A_660 masked %parallel_loop3A_611 {add = true} : memref<128x128xf32, #tpu.memory_space<vmem>>[vector<16xi32>, vector<16xi32>], vector<16xf32>, vector<16xi1>
      %parallel_loop3A_661 = arith.index_cast %parallel_loop3A_618 : i32 to index
      %parallel_loop3A_662 = arith.constant 96 : index
      %parallel_loop3A_663 = tpu.vector_load %arg11[%parallel_loop3A_661, %parallel_loop3A_662] {strides = array<i32>} : memref<128x128xf32, #tpu.memory_space<vmem>>, vector<16xf32>,
      %parallel_loop3A_664 = arith.constant 96 : i32
      %parallel_loop3A_665 = vector.broadcast %parallel_loop3A_664 : i32 to vector<16xi32>
      %parallel_loop3A_666 = arith.addi %parallel_loop3A_665, %iota3A : vector<16xi32>
      tpu.vector_store_idx %arg16[%parallel_loop3A_614, %parallel_loop3A_666], %parallel_loop3A_663 masked %parallel_loop3A_611 {add = true} : memref<128x128xf32, #tpu.memory_space<vmem>>[vector<16xi32>, vector<16xi32>], vector<16xf32>, vector<16xi1>
      %parallel_loop3A_667 = arith.mulf %parallel_loop3A_663, %parallel_loop3A_663 : vector<16xf32>
      tpu.vector_store_idx %arg17[%parallel_loop3A_614, %parallel_loop3A_666], %parallel_loop3A_667 masked %parallel_loop3A_611 {add = true} : memref<128x128xf32, #tpu.memory_space<vmem>>[vector<16xi32>, vector<16xi32>], vector<16xf32>, vector<16xi1>
      %parallel_loop3A_668 = arith.index_cast %parallel_loop3A_618 : i32 to index
      %parallel_loop3A_669 = arith.constant 112 : index
      %parallel_loop3A_670 = tpu.vector_load %arg11[%parallel_loop3A_668, %parallel_loop3A_669] {strides = array<i32>} : memref<128x128xf32, #tpu.memory_space<vmem>>, vector<16xf32>,
      %parallel_loop3A_671 = arith.constant 112 : i32
      %parallel_loop3A_672 = vector.broadcast %parallel_loop3A_671 : i32 to vector<16xi32>
      %parallel_loop3A_673 = arith.addi %parallel_loop3A_672, %iota3A : vector<16xi32>
      tpu.vector_store_idx %arg16[%parallel_loop3A_614, %parallel_loop3A_673], %parallel_loop3A_670 masked %parallel_loop3A_611 {add = true} : memref<128x128xf32, #tpu.memory_space<vmem>>[vector<16xi32>, vector<16xi32>], vector<16xf32>, vector<16xi1>
      %parallel_loop3A_674 = arith.mulf %parallel_loop3A_670, %parallel_loop3A_670 : vector<16xf32>
      tpu.vector_store_idx %arg17[%parallel_loop3A_614, %parallel_loop3A_673], %parallel_loop3A_674 masked %parallel_loop3A_611 {add = true} : memref<128x128xf32, #tpu.memory_space<vmem>>[vector<16xi32>, vector<16xi32>], vector<16xf32>, vector<16xi1>
      %parallel_loop3A_675 = vector.extract_strided_slice %parallel_loop3A_146 {offsets = [7], sizes = [1], strides = [1]} : vector<16xi32> to vector<1xi32>
      %parallel_loop3A_676 = vector.extract %parallel_loop3A_675[0] : i32 from vector<1xi32>
      %parallel_loop3A_677 = vector.broadcast %parallel_loop3A_676 : i32 to vector<16xi32>
      %parallel_loop3A_678 = arith.addi %parallel_loop3A_677, %broadcast_in_dim3A_42 : vector<16xi32>
      %parallel_loop3A_679 = arith.constant 0 : i32
      %parallel_loop3A_680 = vector.broadcast %parallel_loop3A_679 : i32 to vector<16xi32>
      %parallel_loop3A_681 = arith.cmpi sge, %parallel_loop3A_678, %parallel_loop3A_680 : vector<16xi32>
      %parallel_loop3A_682 = arith.constant 128 : i32
      %parallel_loop3A_683 = vector.broadcast %parallel_loop3A_682 : i32 to vector<16xi32>
      %parallel_loop3A_684 = arith.cmpi slt, %parallel_loop3A_678, %parallel_loop3A_683 : vector<16xi32>
      %parallel_loop3A_685 = arith.andi %parallel_loop3A_681, %parallel_loop3A_684 : vector<16xi1>
      %parallel_loop3A_686 = arith.constant 0 : i32
      %parallel_loop3A_687 = vector.broadcast %parallel_loop3A_686 : i32 to vector<16xi32>
      %parallel_loop3A_688 = arith.select %parallel_loop3A_685, %parallel_loop3A_678, %parallel_loop3A_687 : vector<16xi1>, vector<16xi32>
      %parallel_loop3A_689 = arith.constant 16 : i32
      %parallel_loop3A_690 = arith.muli %parallel_loop3A_140, %parallel_loop3A_689 : i32
      %parallel_loop3A_691 = arith.constant 7 : i32
      %parallel_loop3A_692 = arith.addi %parallel_loop3A_690, %parallel_loop3A_691 : i32
      %parallel_loop3A_693 = arith.index_cast %parallel_loop3A_692 : i32 to index
      %parallel_loop3A_694 = arith.constant 0 : index
      %parallel_loop3A_695 = tpu.vector_load %arg11[%parallel_loop3A_693, %parallel_loop3A_694] {strides = array<i32>} : memref<128x128xf32, #tpu.memory_space<vmem>>, vector<16xf32>,
      %parallel_loop3A_696 = arith.constant 0 : i32
      %parallel_loop3A_697 = vector.broadcast %parallel_loop3A_696 : i32 to vector<16xi32>
      %parallel_loop3A_698 = arith.addi %parallel_loop3A_697, %iota3A : vector<16xi32>
      tpu.vector_store_idx %arg16[%parallel_loop3A_688, %parallel_loop3A_698], %parallel_loop3A_695 masked %parallel_loop3A_685 {add = true} : memref<128x128xf32, #tpu.memory_space<vmem>>[vector<16xi32>, vector<16xi32>], vector<16xf32>, vector<16xi1>
      %parallel_loop3A_699 = arith.mulf %parallel_loop3A_695, %parallel_loop3A_695 : vector<16xf32>
      tpu.vector_store_idx %arg17[%parallel_loop3A_688, %parallel_loop3A_698], %parallel_loop3A_699 masked %parallel_loop3A_685 {add = true} : memref<128x128xf32, #tpu.memory_space<vmem>>[vector<16xi32>, vector<16xi32>], vector<16xf32>, vector<16xi1>
      %parallel_loop3A_700 = arith.index_cast %parallel_loop3A_692 : i32 to index
      %parallel_loop3A_701 = arith.constant 16 : index
      %parallel_loop3A_702 = tpu.vector_load %arg11[%parallel_loop3A_700, %parallel_loop3A_701] {strides = array<i32>} : memref<128x128xf32, #tpu.memory_space<vmem>>, vector<16xf32>,
      %parallel_loop3A_703 = arith.constant 16 : i32
      %parallel_loop3A_704 = vector.broadcast %parallel_loop3A_703 : i32 to vector<16xi32>
      %parallel_loop3A_705 = arith.addi %parallel_loop3A_704, %iota3A : vector<16xi32>
      tpu.vector_store_idx %arg16[%parallel_loop3A_688, %parallel_loop3A_705], %parallel_loop3A_702 masked %parallel_loop3A_685 {add = true} : memref<128x128xf32, #tpu.memory_space<vmem>>[vector<16xi32>, vector<16xi32>], vector<16xf32>, vector<16xi1>
      %parallel_loop3A_706 = arith.mulf %parallel_loop3A_702, %parallel_loop3A_702 : vector<16xf32>
      tpu.vector_store_idx %arg17[%parallel_loop3A_688, %parallel_loop3A_705], %parallel_loop3A_706 masked %parallel_loop3A_685 {add = true} : memref<128x128xf32, #tpu.memory_space<vmem>>[vector<16xi32>, vector<16xi32>], vector<16xf32>, vector<16xi1>
      %parallel_loop3A_707 = arith.index_cast %parallel_loop3A_692 : i32 to index
      %parallel_loop3A_708 = arith.constant 32 : index
      %parallel_loop3A_709 = tpu.vector_load %arg11[%parallel_loop3A_707, %parallel_loop3A_708] {strides = array<i32>} : memref<128x128xf32, #tpu.memory_space<vmem>>, vector<16xf32>,
      %parallel_loop3A_710 = arith.constant 32 : i32
      %parallel_loop3A_711 = vector.broadcast %parallel_loop3A_710 : i32 to vector<16xi32>
      %parallel_loop3A_712 = arith.addi %parallel_loop3A_711, %iota3A : vector<16xi32>
      tpu.vector_store_idx %arg16[%parallel_loop3A_688, %parallel_loop3A_712], %parallel_loop3A_709 masked %parallel_loop3A_685 {add = true} : memref<128x128xf32, #tpu.memory_space<vmem>>[vector<16xi32>, vector<16xi32>], vector<16xf32>, vector<16xi1>
      %parallel_loop3A_713 = arith.mulf %parallel_loop3A_709, %parallel_loop3A_709 : vector<16xf32>
      tpu.vector_store_idx %arg17[%parallel_loop3A_688, %parallel_loop3A_712], %parallel_loop3A_713 masked %parallel_loop3A_685 {add = true} : memref<128x128xf32, #tpu.memory_space<vmem>>[vector<16xi32>, vector<16xi32>], vector<16xf32>, vector<16xi1>
      %parallel_loop3A_714 = arith.index_cast %parallel_loop3A_692 : i32 to index
      %parallel_loop3A_715 = arith.constant 48 : index
      %parallel_loop3A_716 = tpu.vector_load %arg11[%parallel_loop3A_714, %parallel_loop3A_715] {strides = array<i32>} : memref<128x128xf32, #tpu.memory_space<vmem>>, vector<16xf32>,
      %parallel_loop3A_717 = arith.constant 48 : i32
      %parallel_loop3A_718 = vector.broadcast %parallel_loop3A_717 : i32 to vector<16xi32>
      %parallel_loop3A_719 = arith.addi %parallel_loop3A_718, %iota3A : vector<16xi32>
      tpu.vector_store_idx %arg16[%parallel_loop3A_688, %parallel_loop3A_719], %parallel_loop3A_716 masked %parallel_loop3A_685 {add = true} : memref<128x128xf32, #tpu.memory_space<vmem>>[vector<16xi32>, vector<16xi32>], vector<16xf32>, vector<16xi1>
      %parallel_loop3A_720 = arith.mulf %parallel_loop3A_716, %parallel_loop3A_716 : vector<16xf32>
      tpu.vector_store_idx %arg17[%parallel_loop3A_688, %parallel_loop3A_719], %parallel_loop3A_720 masked %parallel_loop3A_685 {add = true} : memref<128x128xf32, #tpu.memory_space<vmem>>[vector<16xi32>, vector<16xi32>], vector<16xf32>, vector<16xi1>
      %parallel_loop3A_721 = arith.index_cast %parallel_loop3A_692 : i32 to index
      %parallel_loop3A_722 = arith.constant 64 : index
      %parallel_loop3A_723 = tpu.vector_load %arg11[%parallel_loop3A_721, %parallel_loop3A_722] {strides = array<i32>} : memref<128x128xf32, #tpu.memory_space<vmem>>, vector<16xf32>,
      %parallel_loop3A_724 = arith.constant 64 : i32
      %parallel_loop3A_725 = vector.broadcast %parallel_loop3A_724 : i32 to vector<16xi32>
      %parallel_loop3A_726 = arith.addi %parallel_loop3A_725, %iota3A : vector<16xi32>
      tpu.vector_store_idx %arg16[%parallel_loop3A_688, %parallel_loop3A_726], %parallel_loop3A_723 masked %parallel_loop3A_685 {add = true} : memref<128x128xf32, #tpu.memory_space<vmem>>[vector<16xi32>, vector<16xi32>], vector<16xf32>, vector<16xi1>
      %parallel_loop3A_727 = arith.mulf %parallel_loop3A_723, %parallel_loop3A_723 : vector<16xf32>
      tpu.vector_store_idx %arg17[%parallel_loop3A_688, %parallel_loop3A_726], %parallel_loop3A_727 masked %parallel_loop3A_685 {add = true} : memref<128x128xf32, #tpu.memory_space<vmem>>[vector<16xi32>, vector<16xi32>], vector<16xf32>, vector<16xi1>
      %parallel_loop3A_728 = arith.index_cast %parallel_loop3A_692 : i32 to index
      %parallel_loop3A_729 = arith.constant 80 : index
      %parallel_loop3A_730 = tpu.vector_load %arg11[%parallel_loop3A_728, %parallel_loop3A_729] {strides = array<i32>} : memref<128x128xf32, #tpu.memory_space<vmem>>, vector<16xf32>,
      %parallel_loop3A_731 = arith.constant 80 : i32
      %parallel_loop3A_732 = vector.broadcast %parallel_loop3A_731 : i32 to vector<16xi32>
      %parallel_loop3A_733 = arith.addi %parallel_loop3A_732, %iota3A : vector<16xi32>
      tpu.vector_store_idx %arg16[%parallel_loop3A_688, %parallel_loop3A_733], %parallel_loop3A_730 masked %parallel_loop3A_685 {add = true} : memref<128x128xf32, #tpu.memory_space<vmem>>[vector<16xi32>, vector<16xi32>], vector<16xf32>, vector<16xi1>
      %parallel_loop3A_734 = arith.mulf %parallel_loop3A_730, %parallel_loop3A_730 : vector<16xf32>
      tpu.vector_store_idx %arg17[%parallel_loop3A_688, %parallel_loop3A_733], %parallel_loop3A_734 masked %parallel_loop3A_685 {add = true} : memref<128x128xf32, #tpu.memory_space<vmem>>[vector<16xi32>, vector<16xi32>], vector<16xf32>, vector<16xi1>
      %parallel_loop3A_735 = arith.index_cast %parallel_loop3A_692 : i32 to index
      %parallel_loop3A_736 = arith.constant 96 : index
      %parallel_loop3A_737 = tpu.vector_load %arg11[%parallel_loop3A_735, %parallel_loop3A_736] {strides = array<i32>} : memref<128x128xf32, #tpu.memory_space<vmem>>, vector<16xf32>,
      %parallel_loop3A_738 = arith.constant 96 : i32
      %parallel_loop3A_739 = vector.broadcast %parallel_loop3A_738 : i32 to vector<16xi32>
      %parallel_loop3A_740 = arith.addi %parallel_loop3A_739, %iota3A : vector<16xi32>
      tpu.vector_store_idx %arg16[%parallel_loop3A_688, %parallel_loop3A_740], %parallel_loop3A_737 masked %parallel_loop3A_685 {add = true} : memref<128x128xf32, #tpu.memory_space<vmem>>[vector<16xi32>, vector<16xi32>], vector<16xf32>, vector<16xi1>
      %parallel_loop3A_741 = arith.mulf %parallel_loop3A_737, %parallel_loop3A_737 : vector<16xf32>
      tpu.vector_store_idx %arg17[%parallel_loop3A_688, %parallel_loop3A_740], %parallel_loop3A_741 masked %parallel_loop3A_685 {add = true} : memref<128x128xf32, #tpu.memory_space<vmem>>[vector<16xi32>, vector<16xi32>], vector<16xf32>, vector<16xi1>
      %parallel_loop3A_742 = arith.index_cast %parallel_loop3A_692 : i32 to index
      %parallel_loop3A_743 = arith.constant 112 : index
      %parallel_loop3A_744 = tpu.vector_load %arg11[%parallel_loop3A_742, %parallel_loop3A_743] {strides = array<i32>} : memref<128x128xf32, #tpu.memory_space<vmem>>, vector<16xf32>,
      %parallel_loop3A_745 = arith.constant 112 : i32
      %parallel_loop3A_746 = vector.broadcast %parallel_loop3A_745 : i32 to vector<16xi32>
      %parallel_loop3A_747 = arith.addi %parallel_loop3A_746, %iota3A : vector<16xi32>
      tpu.vector_store_idx %arg16[%parallel_loop3A_688, %parallel_loop3A_747], %parallel_loop3A_744 masked %parallel_loop3A_685 {add = true} : memref<128x128xf32, #tpu.memory_space<vmem>>[vector<16xi32>, vector<16xi32>], vector<16xf32>, vector<16xi1>
      %parallel_loop3A_748 = arith.mulf %parallel_loop3A_744, %parallel_loop3A_744 : vector<16xf32>
      tpu.vector_store_idx %arg17[%parallel_loop3A_688, %parallel_loop3A_747], %parallel_loop3A_748 masked %parallel_loop3A_685 {add = true} : memref<128x128xf32, #tpu.memory_space<vmem>>[vector<16xi32>, vector<16xi32>], vector<16xf32>, vector<16xi1>
      %parallel_loop3A_749 = vector.extract_strided_slice %parallel_loop3A_146 {offsets = [8], sizes = [1], strides = [1]} : vector<16xi32> to vector<1xi32>
      %parallel_loop3A_750 = vector.extract %parallel_loop3A_749[0] : i32 from vector<1xi32>
      %parallel_loop3A_751 = vector.broadcast %parallel_loop3A_750 : i32 to vector<16xi32>
      %parallel_loop3A_752 = arith.addi %parallel_loop3A_751, %broadcast_in_dim3A_42 : vector<16xi32>
      %parallel_loop3A_753 = arith.constant 0 : i32
      %parallel_loop3A_754 = vector.broadcast %parallel_loop3A_753 : i32 to vector<16xi32>
      %parallel_loop3A_755 = arith.cmpi sge, %parallel_loop3A_752, %parallel_loop3A_754 : vector<16xi32>
      %parallel_loop3A_756 = arith.constant 128 : i32
      %parallel_loop3A_757 = vector.broadcast %parallel_loop3A_756 : i32 to vector<16xi32>
      %parallel_loop3A_758 = arith.cmpi slt, %parallel_loop3A_752, %parallel_loop3A_757 : vector<16xi32>
      %parallel_loop3A_759 = arith.andi %parallel_loop3A_755, %parallel_loop3A_758 : vector<16xi1>
      %parallel_loop3A_760 = arith.constant 0 : i32
      %parallel_loop3A_761 = vector.broadcast %parallel_loop3A_760 : i32 to vector<16xi32>
      %parallel_loop3A_762 = arith.select %parallel_loop3A_759, %parallel_loop3A_752, %parallel_loop3A_761 : vector<16xi1>, vector<16xi32>
      %parallel_loop3A_763 = arith.constant 16 : i32
      %parallel_loop3A_764 = arith.muli %parallel_loop3A_140, %parallel_loop3A_763 : i32
      %parallel_loop3A_765 = arith.constant 8 : i32
      %parallel_loop3A_766 = arith.addi %parallel_loop3A_764, %parallel_loop3A_765 : i32
      %parallel_loop3A_767 = arith.index_cast %parallel_loop3A_766 : i32 to index
      %parallel_loop3A_768 = arith.constant 0 : index
      %parallel_loop3A_769 = tpu.vector_load %arg11[%parallel_loop3A_767, %parallel_loop3A_768] {strides = array<i32>} : memref<128x128xf32, #tpu.memory_space<vmem>>, vector<16xf32>,
      %parallel_loop3A_770 = arith.constant 0 : i32
      %parallel_loop3A_771 = vector.broadcast %parallel_loop3A_770 : i32 to vector<16xi32>
      %parallel_loop3A_772 = arith.addi %parallel_loop3A_771, %iota3A : vector<16xi32>
      tpu.vector_store_idx %arg16[%parallel_loop3A_762, %parallel_loop3A_772], %parallel_loop3A_769 masked %parallel_loop3A_759 {add = true} : memref<128x128xf32, #tpu.memory_space<vmem>>[vector<16xi32>, vector<16xi32>], vector<16xf32>, vector<16xi1>
      %parallel_loop3A_773 = arith.mulf %parallel_loop3A_769, %parallel_loop3A_769 : vector<16xf32>
      tpu.vector_store_idx %arg17[%parallel_loop3A_762, %parallel_loop3A_772], %parallel_loop3A_773 masked %parallel_loop3A_759 {add = true} : memref<128x128xf32, #tpu.memory_space<vmem>>[vector<16xi32>, vector<16xi32>], vector<16xf32>, vector<16xi1>
      %parallel_loop3A_774 = arith.index_cast %parallel_loop3A_766 : i32 to index
      %parallel_loop3A_775 = arith.constant 16 : index
      %parallel_loop3A_776 = tpu.vector_load %arg11[%parallel_loop3A_774, %parallel_loop3A_775] {strides = array<i32>} : memref<128x128xf32, #tpu.memory_space<vmem>>, vector<16xf32>,
      %parallel_loop3A_777 = arith.constant 16 : i32
      %parallel_loop3A_778 = vector.broadcast %parallel_loop3A_777 : i32 to vector<16xi32>
      %parallel_loop3A_779 = arith.addi %parallel_loop3A_778, %iota3A : vector<16xi32>
      tpu.vector_store_idx %arg16[%parallel_loop3A_762, %parallel_loop3A_779], %parallel_loop3A_776 masked %parallel_loop3A_759 {add = true} : memref<128x128xf32, #tpu.memory_space<vmem>>[vector<16xi32>, vector<16xi32>], vector<16xf32>, vector<16xi1>
      %parallel_loop3A_780 = arith.mulf %parallel_loop3A_776, %parallel_loop3A_776 : vector<16xf32>
      tpu.vector_store_idx %arg17[%parallel_loop3A_762, %parallel_loop3A_779], %parallel_loop3A_780 masked %parallel_loop3A_759 {add = true} : memref<128x128xf32, #tpu.memory_space<vmem>>[vector<16xi32>, vector<16xi32>], vector<16xf32>, vector<16xi1>
      %parallel_loop3A_781 = arith.index_cast %parallel_loop3A_766 : i32 to index
      %parallel_loop3A_782 = arith.constant 32 : index
      %parallel_loop3A_783 = tpu.vector_load %arg11[%parallel_loop3A_781, %parallel_loop3A_782] {strides = array<i32>} : memref<128x128xf32, #tpu.memory_space<vmem>>, vector<16xf32>,
      %parallel_loop3A_784 = arith.constant 32 : i32
      %parallel_loop3A_785 = vector.broadcast %parallel_loop3A_784 : i32 to vector<16xi32>
      %parallel_loop3A_786 = arith.addi %parallel_loop3A_785, %iota3A : vector<16xi32>
      tpu.vector_store_idx %arg16[%parallel_loop3A_762, %parallel_loop3A_786], %parallel_loop3A_783 masked %parallel_loop3A_759 {add = true} : memref<128x128xf32, #tpu.memory_space<vmem>>[vector<16xi32>, vector<16xi32>], vector<16xf32>, vector<16xi1>
      %parallel_loop3A_787 = arith.mulf %parallel_loop3A_783, %parallel_loop3A_783 : vector<16xf32>
      tpu.vector_store_idx %arg17[%parallel_loop3A_762, %parallel_loop3A_786], %parallel_loop3A_787 masked %parallel_loop3A_759 {add = true} : memref<128x128xf32, #tpu.memory_space<vmem>>[vector<16xi32>, vector<16xi32>], vector<16xf32>, vector<16xi1>
      %parallel_loop3A_788 = arith.index_cast %parallel_loop3A_766 : i32 to index
      %parallel_loop3A_789 = arith.constant 48 : index
      %parallel_loop3A_790 = tpu.vector_load %arg11[%parallel_loop3A_788, %parallel_loop3A_789] {strides = array<i32>} : memref<128x128xf32, #tpu.memory_space<vmem>>, vector<16xf32>,
      %parallel_loop3A_791 = arith.constant 48 : i32
      %parallel_loop3A_792 = vector.broadcast %parallel_loop3A_791 : i32 to vector<16xi32>
      %parallel_loop3A_793 = arith.addi %parallel_loop3A_792, %iota3A : vector<16xi32>
      tpu.vector_store_idx %arg16[%parallel_loop3A_762, %parallel_loop3A_793], %parallel_loop3A_790 masked %parallel_loop3A_759 {add = true} : memref<128x128xf32, #tpu.memory_space<vmem>>[vector<16xi32>, vector<16xi32>], vector<16xf32>, vector<16xi1>
      %parallel_loop3A_794 = arith.mulf %parallel_loop3A_790, %parallel_loop3A_790 : vector<16xf32>
      tpu.vector_store_idx %arg17[%parallel_loop3A_762, %parallel_loop3A_793], %parallel_loop3A_794 masked %parallel_loop3A_759 {add = true} : memref<128x128xf32, #tpu.memory_space<vmem>>[vector<16xi32>, vector<16xi32>], vector<16xf32>, vector<16xi1>
      %parallel_loop3A_795 = arith.index_cast %parallel_loop3A_766 : i32 to index
      %parallel_loop3A_796 = arith.constant 64 : index
      %parallel_loop3A_797 = tpu.vector_load %arg11[%parallel_loop3A_795, %parallel_loop3A_796] {strides = array<i32>} : memref<128x128xf32, #tpu.memory_space<vmem>>, vector<16xf32>,
      %parallel_loop3A_798 = arith.constant 64 : i32
      %parallel_loop3A_799 = vector.broadcast %parallel_loop3A_798 : i32 to vector<16xi32>
      %parallel_loop3A_800 = arith.addi %parallel_loop3A_799, %iota3A : vector<16xi32>
      tpu.vector_store_idx %arg16[%parallel_loop3A_762, %parallel_loop3A_800], %parallel_loop3A_797 masked %parallel_loop3A_759 {add = true} : memref<128x128xf32, #tpu.memory_space<vmem>>[vector<16xi32>, vector<16xi32>], vector<16xf32>, vector<16xi1>
      %parallel_loop3A_801 = arith.mulf %parallel_loop3A_797, %parallel_loop3A_797 : vector<16xf32>
      tpu.vector_store_idx %arg17[%parallel_loop3A_762, %parallel_loop3A_800], %parallel_loop3A_801 masked %parallel_loop3A_759 {add = true} : memref<128x128xf32, #tpu.memory_space<vmem>>[vector<16xi32>, vector<16xi32>], vector<16xf32>, vector<16xi1>
      %parallel_loop3A_802 = arith.index_cast %parallel_loop3A_766 : i32 to index
      %parallel_loop3A_803 = arith.constant 80 : index
      %parallel_loop3A_804 = tpu.vector_load %arg11[%parallel_loop3A_802, %parallel_loop3A_803] {strides = array<i32>} : memref<128x128xf32, #tpu.memory_space<vmem>>, vector<16xf32>,
      %parallel_loop3A_805 = arith.constant 80 : i32
      %parallel_loop3A_806 = vector.broadcast %parallel_loop3A_805 : i32 to vector<16xi32>
      %parallel_loop3A_807 = arith.addi %parallel_loop3A_806, %iota3A : vector<16xi32>
      tpu.vector_store_idx %arg16[%parallel_loop3A_762, %parallel_loop3A_807], %parallel_loop3A_804 masked %parallel_loop3A_759 {add = true} : memref<128x128xf32, #tpu.memory_space<vmem>>[vector<16xi32>, vector<16xi32>], vector<16xf32>, vector<16xi1>
      %parallel_loop3A_808 = arith.mulf %parallel_loop3A_804, %parallel_loop3A_804 : vector<16xf32>
      tpu.vector_store_idx %arg17[%parallel_loop3A_762, %parallel_loop3A_807], %parallel_loop3A_808 masked %parallel_loop3A_759 {add = true} : memref<128x128xf32, #tpu.memory_space<vmem>>[vector<16xi32>, vector<16xi32>], vector<16xf32>, vector<16xi1>
      %parallel_loop3A_809 = arith.index_cast %parallel_loop3A_766 : i32 to index
      %parallel_loop3A_810 = arith.constant 96 : index
      %parallel_loop3A_811 = tpu.vector_load %arg11[%parallel_loop3A_809, %parallel_loop3A_810] {strides = array<i32>} : memref<128x128xf32, #tpu.memory_space<vmem>>, vector<16xf32>,
      %parallel_loop3A_812 = arith.constant 96 : i32
      %parallel_loop3A_813 = vector.broadcast %parallel_loop3A_812 : i32 to vector<16xi32>
      %parallel_loop3A_814 = arith.addi %parallel_loop3A_813, %iota3A : vector<16xi32>
      tpu.vector_store_idx %arg16[%parallel_loop3A_762, %parallel_loop3A_814], %parallel_loop3A_811 masked %parallel_loop3A_759 {add = true} : memref<128x128xf32, #tpu.memory_space<vmem>>[vector<16xi32>, vector<16xi32>], vector<16xf32>, vector<16xi1>
      %parallel_loop3A_815 = arith.mulf %parallel_loop3A_811, %parallel_loop3A_811 : vector<16xf32>
      tpu.vector_store_idx %arg17[%parallel_loop3A_762, %parallel_loop3A_814], %parallel_loop3A_815 masked %parallel_loop3A_759 {add = true} : memref<128x128xf32, #tpu.memory_space<vmem>>[vector<16xi32>, vector<16xi32>], vector<16xf32>, vector<16xi1>
      %parallel_loop3A_816 = arith.index_cast %parallel_loop3A_766 : i32 to index
      %parallel_loop3A_817 = arith.constant 112 : index
      %parallel_loop3A_818 = tpu.vector_load %arg11[%parallel_loop3A_816, %parallel_loop3A_817] {strides = array<i32>} : memref<128x128xf32, #tpu.memory_space<vmem>>, vector<16xf32>,
      %parallel_loop3A_819 = arith.constant 112 : i32
      %parallel_loop3A_820 = vector.broadcast %parallel_loop3A_819 : i32 to vector<16xi32>
      %parallel_loop3A_821 = arith.addi %parallel_loop3A_820, %iota3A : vector<16xi32>
      tpu.vector_store_idx %arg16[%parallel_loop3A_762, %parallel_loop3A_821], %parallel_loop3A_818 masked %parallel_loop3A_759 {add = true} : memref<128x128xf32, #tpu.memory_space<vmem>>[vector<16xi32>, vector<16xi32>], vector<16xf32>, vector<16xi1>
      %parallel_loop3A_822 = arith.mulf %parallel_loop3A_818, %parallel_loop3A_818 : vector<16xf32>
      tpu.vector_store_idx %arg17[%parallel_loop3A_762, %parallel_loop3A_821], %parallel_loop3A_822 masked %parallel_loop3A_759 {add = true} : memref<128x128xf32, #tpu.memory_space<vmem>>[vector<16xi32>, vector<16xi32>], vector<16xf32>, vector<16xi1>
      %parallel_loop3A_823 = vector.extract_strided_slice %parallel_loop3A_146 {offsets = [9], sizes = [1], strides = [1]} : vector<16xi32> to vector<1xi32>
      %parallel_loop3A_824 = vector.extract %parallel_loop3A_823[0] : i32 from vector<1xi32>
      %parallel_loop3A_825 = vector.broadcast %parallel_loop3A_824 : i32 to vector<16xi32>
      %parallel_loop3A_826 = arith.addi %parallel_loop3A_825, %broadcast_in_dim3A_42 : vector<16xi32>
      %parallel_loop3A_827 = arith.constant 0 : i32
      %parallel_loop3A_828 = vector.broadcast %parallel_loop3A_827 : i32 to vector<16xi32>
      %parallel_loop3A_829 = arith.cmpi sge, %parallel_loop3A_826, %parallel_loop3A_828 : vector<16xi32>
      %parallel_loop3A_830 = arith.constant 128 : i32
      %parallel_loop3A_831 = vector.broadcast %parallel_loop3A_830 : i32 to vector<16xi32>
      %parallel_loop3A_832 = arith.cmpi slt, %parallel_loop3A_826, %parallel_loop3A_831 : vector<16xi32>
      %parallel_loop3A_833 = arith.andi %parallel_loop3A_829, %parallel_loop3A_832 : vector<16xi1>
      %parallel_loop3A_834 = arith.constant 0 : i32
      %parallel_loop3A_835 = vector.broadcast %parallel_loop3A_834 : i32 to vector<16xi32>
      %parallel_loop3A_836 = arith.select %parallel_loop3A_833, %parallel_loop3A_826, %parallel_loop3A_835 : vector<16xi1>, vector<16xi32>
      %parallel_loop3A_837 = arith.constant 16 : i32
      %parallel_loop3A_838 = arith.muli %parallel_loop3A_140, %parallel_loop3A_837 : i32
      %parallel_loop3A_839 = arith.constant 9 : i32
      %parallel_loop3A_840 = arith.addi %parallel_loop3A_838, %parallel_loop3A_839 : i32
      %parallel_loop3A_841 = arith.index_cast %parallel_loop3A_840 : i32 to index
      %parallel_loop3A_842 = arith.constant 0 : index
      %parallel_loop3A_843 = tpu.vector_load %arg11[%parallel_loop3A_841, %parallel_loop3A_842] {strides = array<i32>} : memref<128x128xf32, #tpu.memory_space<vmem>>, vector<16xf32>,
      %parallel_loop3A_844 = arith.constant 0 : i32
      %parallel_loop3A_845 = vector.broadcast %parallel_loop3A_844 : i32 to vector<16xi32>
      %parallel_loop3A_846 = arith.addi %parallel_loop3A_845, %iota3A : vector<16xi32>
      tpu.vector_store_idx %arg16[%parallel_loop3A_836, %parallel_loop3A_846], %parallel_loop3A_843 masked %parallel_loop3A_833 {add = true} : memref<128x128xf32, #tpu.memory_space<vmem>>[vector<16xi32>, vector<16xi32>], vector<16xf32>, vector<16xi1>
      %parallel_loop3A_847 = arith.mulf %parallel_loop3A_843, %parallel_loop3A_843 : vector<16xf32>
      tpu.vector_store_idx %arg17[%parallel_loop3A_836, %parallel_loop3A_846], %parallel_loop3A_847 masked %parallel_loop3A_833 {add = true} : memref<128x128xf32, #tpu.memory_space<vmem>>[vector<16xi32>, vector<16xi32>], vector<16xf32>, vector<16xi1>
      %parallel_loop3A_848 = arith.index_cast %parallel_loop3A_840 : i32 to index
      %parallel_loop3A_849 = arith.constant 16 : index
      %parallel_loop3A_850 = tpu.vector_load %arg11[%parallel_loop3A_848, %parallel_loop3A_849] {strides = array<i32>} : memref<128x128xf32, #tpu.memory_space<vmem>>, vector<16xf32>,
      %parallel_loop3A_851 = arith.constant 16 : i32
      %parallel_loop3A_852 = vector.broadcast %parallel_loop3A_851 : i32 to vector<16xi32>
      %parallel_loop3A_853 = arith.addi %parallel_loop3A_852, %iota3A : vector<16xi32>
      tpu.vector_store_idx %arg16[%parallel_loop3A_836, %parallel_loop3A_853], %parallel_loop3A_850 masked %parallel_loop3A_833 {add = true} : memref<128x128xf32, #tpu.memory_space<vmem>>[vector<16xi32>, vector<16xi32>], vector<16xf32>, vector<16xi1>
      %parallel_loop3A_854 = arith.mulf %parallel_loop3A_850, %parallel_loop3A_850 : vector<16xf32>
      tpu.vector_store_idx %arg17[%parallel_loop3A_836, %parallel_loop3A_853], %parallel_loop3A_854 masked %parallel_loop3A_833 {add = true} : memref<128x128xf32, #tpu.memory_space<vmem>>[vector<16xi32>, vector<16xi32>], vector<16xf32>, vector<16xi1>
      %parallel_loop3A_855 = arith.index_cast %parallel_loop3A_840 : i32 to index
      %parallel_loop3A_856 = arith.constant 32 : index
      %parallel_loop3A_857 = tpu.vector_load %arg11[%parallel_loop3A_855, %parallel_loop3A_856] {strides = array<i32>} : memref<128x128xf32, #tpu.memory_space<vmem>>, vector<16xf32>,
      %parallel_loop3A_858 = arith.constant 32 : i32
      %parallel_loop3A_859 = vector.broadcast %parallel_loop3A_858 : i32 to vector<16xi32>
      %parallel_loop3A_860 = arith.addi %parallel_loop3A_859, %iota3A : vector<16xi32>
      tpu.vector_store_idx %arg16[%parallel_loop3A_836, %parallel_loop3A_860], %parallel_loop3A_857 masked %parallel_loop3A_833 {add = true} : memref<128x128xf32, #tpu.memory_space<vmem>>[vector<16xi32>, vector<16xi32>], vector<16xf32>, vector<16xi1>
      %parallel_loop3A_861 = arith.mulf %parallel_loop3A_857, %parallel_loop3A_857 : vector<16xf32>
      tpu.vector_store_idx %arg17[%parallel_loop3A_836, %parallel_loop3A_860], %parallel_loop3A_861 masked %parallel_loop3A_833 {add = true} : memref<128x128xf32, #tpu.memory_space<vmem>>[vector<16xi32>, vector<16xi32>], vector<16xf32>, vector<16xi1>
      %parallel_loop3A_862 = arith.index_cast %parallel_loop3A_840 : i32 to index
      %parallel_loop3A_863 = arith.constant 48 : index
      %parallel_loop3A_864 = tpu.vector_load %arg11[%parallel_loop3A_862, %parallel_loop3A_863] {strides = array<i32>} : memref<128x128xf32, #tpu.memory_space<vmem>>, vector<16xf32>,
      %parallel_loop3A_865 = arith.constant 48 : i32
      %parallel_loop3A_866 = vector.broadcast %parallel_loop3A_865 : i32 to vector<16xi32>
      %parallel_loop3A_867 = arith.addi %parallel_loop3A_866, %iota3A : vector<16xi32>
      tpu.vector_store_idx %arg16[%parallel_loop3A_836, %parallel_loop3A_867], %parallel_loop3A_864 masked %parallel_loop3A_833 {add = true} : memref<128x128xf32, #tpu.memory_space<vmem>>[vector<16xi32>, vector<16xi32>], vector<16xf32>, vector<16xi1>
      %parallel_loop3A_868 = arith.mulf %parallel_loop3A_864, %parallel_loop3A_864 : vector<16xf32>
      tpu.vector_store_idx %arg17[%parallel_loop3A_836, %parallel_loop3A_867], %parallel_loop3A_868 masked %parallel_loop3A_833 {add = true} : memref<128x128xf32, #tpu.memory_space<vmem>>[vector<16xi32>, vector<16xi32>], vector<16xf32>, vector<16xi1>
      %parallel_loop3A_869 = arith.index_cast %parallel_loop3A_840 : i32 to index
      %parallel_loop3A_870 = arith.constant 64 : index
      %parallel_loop3A_871 = tpu.vector_load %arg11[%parallel_loop3A_869, %parallel_loop3A_870] {strides = array<i32>} : memref<128x128xf32, #tpu.memory_space<vmem>>, vector<16xf32>,
      %parallel_loop3A_872 = arith.constant 64 : i32
      %parallel_loop3A_873 = vector.broadcast %parallel_loop3A_872 : i32 to vector<16xi32>
      %parallel_loop3A_874 = arith.addi %parallel_loop3A_873, %iota3A : vector<16xi32>
      tpu.vector_store_idx %arg16[%parallel_loop3A_836, %parallel_loop3A_874], %parallel_loop3A_871 masked %parallel_loop3A_833 {add = true} : memref<128x128xf32, #tpu.memory_space<vmem>>[vector<16xi32>, vector<16xi32>], vector<16xf32>, vector<16xi1>
      %parallel_loop3A_875 = arith.mulf %parallel_loop3A_871, %parallel_loop3A_871 : vector<16xf32>
      tpu.vector_store_idx %arg17[%parallel_loop3A_836, %parallel_loop3A_874], %parallel_loop3A_875 masked %parallel_loop3A_833 {add = true} : memref<128x128xf32, #tpu.memory_space<vmem>>[vector<16xi32>, vector<16xi32>], vector<16xf32>, vector<16xi1>
      %parallel_loop3A_876 = arith.index_cast %parallel_loop3A_840 : i32 to index
      %parallel_loop3A_877 = arith.constant 80 : index
      %parallel_loop3A_878 = tpu.vector_load %arg11[%parallel_loop3A_876, %parallel_loop3A_877] {strides = array<i32>} : memref<128x128xf32, #tpu.memory_space<vmem>>, vector<16xf32>,
      %parallel_loop3A_879 = arith.constant 80 : i32
      %parallel_loop3A_880 = vector.broadcast %parallel_loop3A_879 : i32 to vector<16xi32>
      %parallel_loop3A_881 = arith.addi %parallel_loop3A_880, %iota3A : vector<16xi32>
      tpu.vector_store_idx %arg16[%parallel_loop3A_836, %parallel_loop3A_881], %parallel_loop3A_878 masked %parallel_loop3A_833 {add = true} : memref<128x128xf32, #tpu.memory_space<vmem>>[vector<16xi32>, vector<16xi32>], vector<16xf32>, vector<16xi1>
      %parallel_loop3A_882 = arith.mulf %parallel_loop3A_878, %parallel_loop3A_878 : vector<16xf32>
      tpu.vector_store_idx %arg17[%parallel_loop3A_836, %parallel_loop3A_881], %parallel_loop3A_882 masked %parallel_loop3A_833 {add = true} : memref<128x128xf32, #tpu.memory_space<vmem>>[vector<16xi32>, vector<16xi32>], vector<16xf32>, vector<16xi1>
      %parallel_loop3A_883 = arith.index_cast %parallel_loop3A_840 : i32 to index
      %parallel_loop3A_884 = arith.constant 96 : index
      %parallel_loop3A_885 = tpu.vector_load %arg11[%parallel_loop3A_883, %parallel_loop3A_884] {strides = array<i32>} : memref<128x128xf32, #tpu.memory_space<vmem>>, vector<16xf32>,
      %parallel_loop3A_886 = arith.constant 96 : i32
      %parallel_loop3A_887 = vector.broadcast %parallel_loop3A_886 : i32 to vector<16xi32>
      %parallel_loop3A_888 = arith.addi %parallel_loop3A_887, %iota3A : vector<16xi32>
      tpu.vector_store_idx %arg16[%parallel_loop3A_836, %parallel_loop3A_888], %parallel_loop3A_885 masked %parallel_loop3A_833 {add = true} : memref<128x128xf32, #tpu.memory_space<vmem>>[vector<16xi32>, vector<16xi32>], vector<16xf32>, vector<16xi1>
      %parallel_loop3A_889 = arith.mulf %parallel_loop3A_885, %parallel_loop3A_885 : vector<16xf32>
      tpu.vector_store_idx %arg17[%parallel_loop3A_836, %parallel_loop3A_888], %parallel_loop3A_889 masked %parallel_loop3A_833 {add = true} : memref<128x128xf32, #tpu.memory_space<vmem>>[vector<16xi32>, vector<16xi32>], vector<16xf32>, vector<16xi1>
      %parallel_loop3A_890 = arith.index_cast %parallel_loop3A_840 : i32 to index
      %parallel_loop3A_891 = arith.constant 112 : index
      %parallel_loop3A_892 = tpu.vector_load %arg11[%parallel_loop3A_890, %parallel_loop3A_891] {strides = array<i32>} : memref<128x128xf32, #tpu.memory_space<vmem>>, vector<16xf32>,
      %parallel_loop3A_893 = arith.constant 112 : i32
      %parallel_loop3A_894 = vector.broadcast %parallel_loop3A_893 : i32 to vector<16xi32>
      %parallel_loop3A_895 = arith.addi %parallel_loop3A_894, %iota3A : vector<16xi32>
      tpu.vector_store_idx %arg16[%parallel_loop3A_836, %parallel_loop3A_895], %parallel_loop3A_892 masked %parallel_loop3A_833 {add = true} : memref<128x128xf32, #tpu.memory_space<vmem>>[vector<16xi32>, vector<16xi32>], vector<16xf32>, vector<16xi1>
      %parallel_loop3A_896 = arith.mulf %parallel_loop3A_892, %parallel_loop3A_892 : vector<16xf32>
      tpu.vector_store_idx %arg17[%parallel_loop3A_836, %parallel_loop3A_895], %parallel_loop3A_896 masked %parallel_loop3A_833 {add = true} : memref<128x128xf32, #tpu.memory_space<vmem>>[vector<16xi32>, vector<16xi32>], vector<16xf32>, vector<16xi1>
      %parallel_loop3A_897 = vector.extract_strided_slice %parallel_loop3A_146 {offsets = [10], sizes = [1], strides = [1]} : vector<16xi32> to vector<1xi32>
      %parallel_loop3A_898 = vector.extract %parallel_loop3A_897[0] : i32 from vector<1xi32>
      %parallel_loop3A_899 = vector.broadcast %parallel_loop3A_898 : i32 to vector<16xi32>
      %parallel_loop3A_900 = arith.addi %parallel_loop3A_899, %broadcast_in_dim3A_42 : vector<16xi32>
      %parallel_loop3A_901 = arith.constant 0 : i32
      %parallel_loop3A_902 = vector.broadcast %parallel_loop3A_901 : i32 to vector<16xi32>
      %parallel_loop3A_903 = arith.cmpi sge, %parallel_loop3A_900, %parallel_loop3A_902 : vector<16xi32>
      %parallel_loop3A_904 = arith.constant 128 : i32
      %parallel_loop3A_905 = vector.broadcast %parallel_loop3A_904 : i32 to vector<16xi32>
      %parallel_loop3A_906 = arith.cmpi slt, %parallel_loop3A_900, %parallel_loop3A_905 : vector<16xi32>
      %parallel_loop3A_907 = arith.andi %parallel_loop3A_903, %parallel_loop3A_906 : vector<16xi1>
      %parallel_loop3A_908 = arith.constant 0 : i32
      %parallel_loop3A_909 = vector.broadcast %parallel_loop3A_908 : i32 to vector<16xi32>
      %parallel_loop3A_910 = arith.select %parallel_loop3A_907, %parallel_loop3A_900, %parallel_loop3A_909 : vector<16xi1>, vector<16xi32>
      %parallel_loop3A_911 = arith.constant 16 : i32
      %parallel_loop3A_912 = arith.muli %parallel_loop3A_140, %parallel_loop3A_911 : i32
      %parallel_loop3A_913 = arith.constant 10 : i32
      %parallel_loop3A_914 = arith.addi %parallel_loop3A_912, %parallel_loop3A_913 : i32
      %parallel_loop3A_915 = arith.index_cast %parallel_loop3A_914 : i32 to index
      %parallel_loop3A_916 = arith.constant 0 : index
      %parallel_loop3A_917 = tpu.vector_load %arg11[%parallel_loop3A_915, %parallel_loop3A_916] {strides = array<i32>} : memref<128x128xf32, #tpu.memory_space<vmem>>, vector<16xf32>,
      %parallel_loop3A_918 = arith.constant 0 : i32
      %parallel_loop3A_919 = vector.broadcast %parallel_loop3A_918 : i32 to vector<16xi32>
      %parallel_loop3A_920 = arith.addi %parallel_loop3A_919, %iota3A : vector<16xi32>
      tpu.vector_store_idx %arg16[%parallel_loop3A_910, %parallel_loop3A_920], %parallel_loop3A_917 masked %parallel_loop3A_907 {add = true} : memref<128x128xf32, #tpu.memory_space<vmem>>[vector<16xi32>, vector<16xi32>], vector<16xf32>, vector<16xi1>
      %parallel_loop3A_921 = arith.mulf %parallel_loop3A_917, %parallel_loop3A_917 : vector<16xf32>
      tpu.vector_store_idx %arg17[%parallel_loop3A_910, %parallel_loop3A_920], %parallel_loop3A_921 masked %parallel_loop3A_907 {add = true} : memref<128x128xf32, #tpu.memory_space<vmem>>[vector<16xi32>, vector<16xi32>], vector<16xf32>, vector<16xi1>
      %parallel_loop3A_922 = arith.index_cast %parallel_loop3A_914 : i32 to index
      %parallel_loop3A_923 = arith.constant 16 : index
      %parallel_loop3A_924 = tpu.vector_load %arg11[%parallel_loop3A_922, %parallel_loop3A_923] {strides = array<i32>} : memref<128x128xf32, #tpu.memory_space<vmem>>, vector<16xf32>,
      %parallel_loop3A_925 = arith.constant 16 : i32
      %parallel_loop3A_926 = vector.broadcast %parallel_loop3A_925 : i32 to vector<16xi32>
      %parallel_loop3A_927 = arith.addi %parallel_loop3A_926, %iota3A : vector<16xi32>
      tpu.vector_store_idx %arg16[%parallel_loop3A_910, %parallel_loop3A_927], %parallel_loop3A_924 masked %parallel_loop3A_907 {add = true} : memref<128x128xf32, #tpu.memory_space<vmem>>[vector<16xi32>, vector<16xi32>], vector<16xf32>, vector<16xi1>
      %parallel_loop3A_928 = arith.mulf %parallel_loop3A_924, %parallel_loop3A_924 : vector<16xf32>
      tpu.vector_store_idx %arg17[%parallel_loop3A_910, %parallel_loop3A_927], %parallel_loop3A_928 masked %parallel_loop3A_907 {add = true} : memref<128x128xf32, #tpu.memory_space<vmem>>[vector<16xi32>, vector<16xi32>], vector<16xf32>, vector<16xi1>
      %parallel_loop3A_929 = arith.index_cast %parallel_loop3A_914 : i32 to index
      %parallel_loop3A_930 = arith.constant 32 : index
      %parallel_loop3A_931 = tpu.vector_load %arg11[%parallel_loop3A_929, %parallel_loop3A_930] {strides = array<i32>} : memref<128x128xf32, #tpu.memory_space<vmem>>, vector<16xf32>,
      %parallel_loop3A_932 = arith.constant 32 : i32
      %parallel_loop3A_933 = vector.broadcast %parallel_loop3A_932 : i32 to vector<16xi32>
      %parallel_loop3A_934 = arith.addi %parallel_loop3A_933, %iota3A : vector<16xi32>
      tpu.vector_store_idx %arg16[%parallel_loop3A_910, %parallel_loop3A_934], %parallel_loop3A_931 masked %parallel_loop3A_907 {add = true} : memref<128x128xf32, #tpu.memory_space<vmem>>[vector<16xi32>, vector<16xi32>], vector<16xf32>, vector<16xi1>
      %parallel_loop3A_935 = arith.mulf %parallel_loop3A_931, %parallel_loop3A_931 : vector<16xf32>
      tpu.vector_store_idx %arg17[%parallel_loop3A_910, %parallel_loop3A_934], %parallel_loop3A_935 masked %parallel_loop3A_907 {add = true} : memref<128x128xf32, #tpu.memory_space<vmem>>[vector<16xi32>, vector<16xi32>], vector<16xf32>, vector<16xi1>
      %parallel_loop3A_936 = arith.index_cast %parallel_loop3A_914 : i32 to index
      %parallel_loop3A_937 = arith.constant 48 : index
      %parallel_loop3A_938 = tpu.vector_load %arg11[%parallel_loop3A_936, %parallel_loop3A_937] {strides = array<i32>} : memref<128x128xf32, #tpu.memory_space<vmem>>, vector<16xf32>,
      %parallel_loop3A_939 = arith.constant 48 : i32
      %parallel_loop3A_940 = vector.broadcast %parallel_loop3A_939 : i32 to vector<16xi32>
      %parallel_loop3A_941 = arith.addi %parallel_loop3A_940, %iota3A : vector<16xi32>
      tpu.vector_store_idx %arg16[%parallel_loop3A_910, %parallel_loop3A_941], %parallel_loop3A_938 masked %parallel_loop3A_907 {add = true} : memref<128x128xf32, #tpu.memory_space<vmem>>[vector<16xi32>, vector<16xi32>], vector<16xf32>, vector<16xi1>
      %parallel_loop3A_942 = arith.mulf %parallel_loop3A_938, %parallel_loop3A_938 : vector<16xf32>
      tpu.vector_store_idx %arg17[%parallel_loop3A_910, %parallel_loop3A_941], %parallel_loop3A_942 masked %parallel_loop3A_907 {add = true} : memref<128x128xf32, #tpu.memory_space<vmem>>[vector<16xi32>, vector<16xi32>], vector<16xf32>, vector<16xi1>
      %parallel_loop3A_943 = arith.index_cast %parallel_loop3A_914 : i32 to index
      %parallel_loop3A_944 = arith.constant 64 : index
      %parallel_loop3A_945 = tpu.vector_load %arg11[%parallel_loop3A_943, %parallel_loop3A_944] {strides = array<i32>} : memref<128x128xf32, #tpu.memory_space<vmem>>, vector<16xf32>,
      %parallel_loop3A_946 = arith.constant 64 : i32
      %parallel_loop3A_947 = vector.broadcast %parallel_loop3A_946 : i32 to vector<16xi32>
      %parallel_loop3A_948 = arith.addi %parallel_loop3A_947, %iota3A : vector<16xi32>
      tpu.vector_store_idx %arg16[%parallel_loop3A_910, %parallel_loop3A_948], %parallel_loop3A_945 masked %parallel_loop3A_907 {add = true} : memref<128x128xf32, #tpu.memory_space<vmem>>[vector<16xi32>, vector<16xi32>], vector<16xf32>, vector<16xi1>
      %parallel_loop3A_949 = arith.mulf %parallel_loop3A_945, %parallel_loop3A_945 : vector<16xf32>
      tpu.vector_store_idx %arg17[%parallel_loop3A_910, %parallel_loop3A_948], %parallel_loop3A_949 masked %parallel_loop3A_907 {add = true} : memref<128x128xf32, #tpu.memory_space<vmem>>[vector<16xi32>, vector<16xi32>], vector<16xf32>, vector<16xi1>
      %parallel_loop3A_950 = arith.index_cast %parallel_loop3A_914 : i32 to index
      %parallel_loop3A_951 = arith.constant 80 : index
      %parallel_loop3A_952 = tpu.vector_load %arg11[%parallel_loop3A_950, %parallel_loop3A_951] {strides = array<i32>} : memref<128x128xf32, #tpu.memory_space<vmem>>, vector<16xf32>,
      %parallel_loop3A_953 = arith.constant 80 : i32
      %parallel_loop3A_954 = vector.broadcast %parallel_loop3A_953 : i32 to vector<16xi32>
      %parallel_loop3A_955 = arith.addi %parallel_loop3A_954, %iota3A : vector<16xi32>
      tpu.vector_store_idx %arg16[%parallel_loop3A_910, %parallel_loop3A_955], %parallel_loop3A_952 masked %parallel_loop3A_907 {add = true} : memref<128x128xf32, #tpu.memory_space<vmem>>[vector<16xi32>, vector<16xi32>], vector<16xf32>, vector<16xi1>
      %parallel_loop3A_956 = arith.mulf %parallel_loop3A_952, %parallel_loop3A_952 : vector<16xf32>
      tpu.vector_store_idx %arg17[%parallel_loop3A_910, %parallel_loop3A_955], %parallel_loop3A_956 masked %parallel_loop3A_907 {add = true} : memref<128x128xf32, #tpu.memory_space<vmem>>[vector<16xi32>, vector<16xi32>], vector<16xf32>, vector<16xi1>
      %parallel_loop3A_957 = arith.index_cast %parallel_loop3A_914 : i32 to index
      %parallel_loop3A_958 = arith.constant 96 : index
      %parallel_loop3A_959 = tpu.vector_load %arg11[%parallel_loop3A_957, %parallel_loop3A_958] {strides = array<i32>} : memref<128x128xf32, #tpu.memory_space<vmem>>, vector<16xf32>,
      %parallel_loop3A_960 = arith.constant 96 : i32
      %parallel_loop3A_961 = vector.broadcast %parallel_loop3A_960 : i32 to vector<16xi32>
      %parallel_loop3A_962 = arith.addi %parallel_loop3A_961, %iota3A : vector<16xi32>
      tpu.vector_store_idx %arg16[%parallel_loop3A_910, %parallel_loop3A_962], %parallel_loop3A_959 masked %parallel_loop3A_907 {add = true} : memref<128x128xf32, #tpu.memory_space<vmem>>[vector<16xi32>, vector<16xi32>], vector<16xf32>, vector<16xi1>
      %parallel_loop3A_963 = arith.mulf %parallel_loop3A_959, %parallel_loop3A_959 : vector<16xf32>
      tpu.vector_store_idx %arg17[%parallel_loop3A_910, %parallel_loop3A_962], %parallel_loop3A_963 masked %parallel_loop3A_907 {add = true} : memref<128x128xf32, #tpu.memory_space<vmem>>[vector<16xi32>, vector<16xi32>], vector<16xf32>, vector<16xi1>
      %parallel_loop3A_964 = arith.index_cast %parallel_loop3A_914 : i32 to index
      %parallel_loop3A_965 = arith.constant 112 : index
      %parallel_loop3A_966 = tpu.vector_load %arg11[%parallel_loop3A_964, %parallel_loop3A_965] {strides = array<i32>} : memref<128x128xf32, #tpu.memory_space<vmem>>, vector<16xf32>,
      %parallel_loop3A_967 = arith.constant 112 : i32
      %parallel_loop3A_968 = vector.broadcast %parallel_loop3A_967 : i32 to vector<16xi32>
      %parallel_loop3A_969 = arith.addi %parallel_loop3A_968, %iota3A : vector<16xi32>
      tpu.vector_store_idx %arg16[%parallel_loop3A_910, %parallel_loop3A_969], %parallel_loop3A_966 masked %parallel_loop3A_907 {add = true} : memref<128x128xf32, #tpu.memory_space<vmem>>[vector<16xi32>, vector<16xi32>], vector<16xf32>, vector<16xi1>
      %parallel_loop3A_970 = arith.mulf %parallel_loop3A_966, %parallel_loop3A_966 : vector<16xf32>
      tpu.vector_store_idx %arg17[%parallel_loop3A_910, %parallel_loop3A_969], %parallel_loop3A_970 masked %parallel_loop3A_907 {add = true} : memref<128x128xf32, #tpu.memory_space<vmem>>[vector<16xi32>, vector<16xi32>], vector<16xf32>, vector<16xi1>
      %parallel_loop3A_971 = vector.extract_strided_slice %parallel_loop3A_146 {offsets = [11], sizes = [1], strides = [1]} : vector<16xi32> to vector<1xi32>
      %parallel_loop3A_972 = vector.extract %parallel_loop3A_971[0] : i32 from vector<1xi32>
      %parallel_loop3A_973 = vector.broadcast %parallel_loop3A_972 : i32 to vector<16xi32>
      %parallel_loop3A_974 = arith.addi %parallel_loop3A_973, %broadcast_in_dim3A_42 : vector<16xi32>
      %parallel_loop3A_975 = arith.constant 0 : i32
      %parallel_loop3A_976 = vector.broadcast %parallel_loop3A_975 : i32 to vector<16xi32>
      %parallel_loop3A_977 = arith.cmpi sge, %parallel_loop3A_974, %parallel_loop3A_976 : vector<16xi32>
      %parallel_loop3A_978 = arith.constant 128 : i32
      %parallel_loop3A_979 = vector.broadcast %parallel_loop3A_978 : i32 to vector<16xi32>
      %parallel_loop3A_980 = arith.cmpi slt, %parallel_loop3A_974, %parallel_loop3A_979 : vector<16xi32>
      %parallel_loop3A_981 = arith.andi %parallel_loop3A_977, %parallel_loop3A_980 : vector<16xi1>
      %parallel_loop3A_982 = arith.constant 0 : i32
      %parallel_loop3A_983 = vector.broadcast %parallel_loop3A_982 : i32 to vector<16xi32>
      %parallel_loop3A_984 = arith.select %parallel_loop3A_981, %parallel_loop3A_974, %parallel_loop3A_983 : vector<16xi1>, vector<16xi32>
      %parallel_loop3A_985 = arith.constant 16 : i32
      %parallel_loop3A_986 = arith.muli %parallel_loop3A_140, %parallel_loop3A_985 : i32
      %parallel_loop3A_987 = arith.constant 11 : i32
      %parallel_loop3A_988 = arith.addi %parallel_loop3A_986, %parallel_loop3A_987 : i32
      %parallel_loop3A_989 = arith.index_cast %parallel_loop3A_988 : i32 to index
      %parallel_loop3A_990 = arith.constant 0 : index
      %parallel_loop3A_991 = tpu.vector_load %arg11[%parallel_loop3A_989, %parallel_loop3A_990] {strides = array<i32>} : memref<128x128xf32, #tpu.memory_space<vmem>>, vector<16xf32>,
      %parallel_loop3A_992 = arith.constant 0 : i32
      %parallel_loop3A_993 = vector.broadcast %parallel_loop3A_992 : i32 to vector<16xi32>
      %parallel_loop3A_994 = arith.addi %parallel_loop3A_993, %iota3A : vector<16xi32>
      tpu.vector_store_idx %arg16[%parallel_loop3A_984, %parallel_loop3A_994], %parallel_loop3A_991 masked %parallel_loop3A_981 {add = true} : memref<128x128xf32, #tpu.memory_space<vmem>>[vector<16xi32>, vector<16xi32>], vector<16xf32>, vector<16xi1>
      %parallel_loop3A_995 = arith.mulf %parallel_loop3A_991, %parallel_loop3A_991 : vector<16xf32>
      tpu.vector_store_idx %arg17[%parallel_loop3A_984, %parallel_loop3A_994], %parallel_loop3A_995 masked %parallel_loop3A_981 {add = true} : memref<128x128xf32, #tpu.memory_space<vmem>>[vector<16xi32>, vector<16xi32>], vector<16xf32>, vector<16xi1>
      %parallel_loop3A_996 = arith.index_cast %parallel_loop3A_988 : i32 to index
      %parallel_loop3A_997 = arith.constant 16 : index
      %parallel_loop3A_998 = tpu.vector_load %arg11[%parallel_loop3A_996, %parallel_loop3A_997] {strides = array<i32>} : memref<128x128xf32, #tpu.memory_space<vmem>>, vector<16xf32>,
      %parallel_loop3A_999 = arith.constant 16 : i32
      %parallel_loop3A_1000 = vector.broadcast %parallel_loop3A_999 : i32 to vector<16xi32>
      %parallel_loop3A_1001 = arith.addi %parallel_loop3A_1000, %iota3A : vector<16xi32>
      tpu.vector_store_idx %arg16[%parallel_loop3A_984, %parallel_loop3A_1001], %parallel_loop3A_998 masked %parallel_loop3A_981 {add = true} : memref<128x128xf32, #tpu.memory_space<vmem>>[vector<16xi32>, vector<16xi32>], vector<16xf32>, vector<16xi1>
      %parallel_loop3A_1002 = arith.mulf %parallel_loop3A_998, %parallel_loop3A_998 : vector<16xf32>
      tpu.vector_store_idx %arg17[%parallel_loop3A_984, %parallel_loop3A_1001], %parallel_loop3A_1002 masked %parallel_loop3A_981 {add = true} : memref<128x128xf32, #tpu.memory_space<vmem>>[vector<16xi32>, vector<16xi32>], vector<16xf32>, vector<16xi1>
      %parallel_loop3A_1003 = arith.index_cast %parallel_loop3A_988 : i32 to index
      %parallel_loop3A_1004 = arith.constant 32 : index
      %parallel_loop3A_1005 = tpu.vector_load %arg11[%parallel_loop3A_1003, %parallel_loop3A_1004] {strides = array<i32>} : memref<128x128xf32, #tpu.memory_space<vmem>>, vector<16xf32>,
      %parallel_loop3A_1006 = arith.constant 32 : i32
      %parallel_loop3A_1007 = vector.broadcast %parallel_loop3A_1006 : i32 to vector<16xi32>
      %parallel_loop3A_1008 = arith.addi %parallel_loop3A_1007, %iota3A : vector<16xi32>
      tpu.vector_store_idx %arg16[%parallel_loop3A_984, %parallel_loop3A_1008], %parallel_loop3A_1005 masked %parallel_loop3A_981 {add = true} : memref<128x128xf32, #tpu.memory_space<vmem>>[vector<16xi32>, vector<16xi32>], vector<16xf32>, vector<16xi1>
      %parallel_loop3A_1009 = arith.mulf %parallel_loop3A_1005, %parallel_loop3A_1005 : vector<16xf32>
      tpu.vector_store_idx %arg17[%parallel_loop3A_984, %parallel_loop3A_1008], %parallel_loop3A_1009 masked %parallel_loop3A_981 {add = true} : memref<128x128xf32, #tpu.memory_space<vmem>>[vector<16xi32>, vector<16xi32>], vector<16xf32>, vector<16xi1>
      %parallel_loop3A_1010 = arith.index_cast %parallel_loop3A_988 : i32 to index
      %parallel_loop3A_1011 = arith.constant 48 : index
      %parallel_loop3A_1012 = tpu.vector_load %arg11[%parallel_loop3A_1010, %parallel_loop3A_1011] {strides = array<i32>} : memref<128x128xf32, #tpu.memory_space<vmem>>, vector<16xf32>,
      %parallel_loop3A_1013 = arith.constant 48 : i32
      %parallel_loop3A_1014 = vector.broadcast %parallel_loop3A_1013 : i32 to vector<16xi32>
      %parallel_loop3A_1015 = arith.addi %parallel_loop3A_1014, %iota3A : vector<16xi32>
      tpu.vector_store_idx %arg16[%parallel_loop3A_984, %parallel_loop3A_1015], %parallel_loop3A_1012 masked %parallel_loop3A_981 {add = true} : memref<128x128xf32, #tpu.memory_space<vmem>>[vector<16xi32>, vector<16xi32>], vector<16xf32>, vector<16xi1>
      %parallel_loop3A_1016 = arith.mulf %parallel_loop3A_1012, %parallel_loop3A_1012 : vector<16xf32>
      tpu.vector_store_idx %arg17[%parallel_loop3A_984, %parallel_loop3A_1015], %parallel_loop3A_1016 masked %parallel_loop3A_981 {add = true} : memref<128x128xf32, #tpu.memory_space<vmem>>[vector<16xi32>, vector<16xi32>], vector<16xf32>, vector<16xi1>
      %parallel_loop3A_1017 = arith.index_cast %parallel_loop3A_988 : i32 to index
      %parallel_loop3A_1018 = arith.constant 64 : index
      %parallel_loop3A_1019 = tpu.vector_load %arg11[%parallel_loop3A_1017, %parallel_loop3A_1018] {strides = array<i32>} : memref<128x128xf32, #tpu.memory_space<vmem>>, vector<16xf32>,
      %parallel_loop3A_1020 = arith.constant 64 : i32
      %parallel_loop3A_1021 = vector.broadcast %parallel_loop3A_1020 : i32 to vector<16xi32>
      %parallel_loop3A_1022 = arith.addi %parallel_loop3A_1021, %iota3A : vector<16xi32>
      tpu.vector_store_idx %arg16[%parallel_loop3A_984, %parallel_loop3A_1022], %parallel_loop3A_1019 masked %parallel_loop3A_981 {add = true} : memref<128x128xf32, #tpu.memory_space<vmem>>[vector<16xi32>, vector<16xi32>], vector<16xf32>, vector<16xi1>
      %parallel_loop3A_1023 = arith.mulf %parallel_loop3A_1019, %parallel_loop3A_1019 : vector<16xf32>
      tpu.vector_store_idx %arg17[%parallel_loop3A_984, %parallel_loop3A_1022], %parallel_loop3A_1023 masked %parallel_loop3A_981 {add = true} : memref<128x128xf32, #tpu.memory_space<vmem>>[vector<16xi32>, vector<16xi32>], vector<16xf32>, vector<16xi1>
      %parallel_loop3A_1024 = arith.index_cast %parallel_loop3A_988 : i32 to index
      %parallel_loop3A_1025 = arith.constant 80 : index
      %parallel_loop3A_1026 = tpu.vector_load %arg11[%parallel_loop3A_1024, %parallel_loop3A_1025] {strides = array<i32>} : memref<128x128xf32, #tpu.memory_space<vmem>>, vector<16xf32>,
      %parallel_loop3A_1027 = arith.constant 80 : i32
      %parallel_loop3A_1028 = vector.broadcast %parallel_loop3A_1027 : i32 to vector<16xi32>
      %parallel_loop3A_1029 = arith.addi %parallel_loop3A_1028, %iota3A : vector<16xi32>
      tpu.vector_store_idx %arg16[%parallel_loop3A_984, %parallel_loop3A_1029], %parallel_loop3A_1026 masked %parallel_loop3A_981 {add = true} : memref<128x128xf32, #tpu.memory_space<vmem>>[vector<16xi32>, vector<16xi32>], vector<16xf32>, vector<16xi1>
      %parallel_loop3A_1030 = arith.mulf %parallel_loop3A_1026, %parallel_loop3A_1026 : vector<16xf32>
      tpu.vector_store_idx %arg17[%parallel_loop3A_984, %parallel_loop3A_1029], %parallel_loop3A_1030 masked %parallel_loop3A_981 {add = true} : memref<128x128xf32, #tpu.memory_space<vmem>>[vector<16xi32>, vector<16xi32>], vector<16xf32>, vector<16xi1>
      %parallel_loop3A_1031 = arith.index_cast %parallel_loop3A_988 : i32 to index
      %parallel_loop3A_1032 = arith.constant 96 : index
      %parallel_loop3A_1033 = tpu.vector_load %arg11[%parallel_loop3A_1031, %parallel_loop3A_1032] {strides = array<i32>} : memref<128x128xf32, #tpu.memory_space<vmem>>, vector<16xf32>,
      %parallel_loop3A_1034 = arith.constant 96 : i32
      %parallel_loop3A_1035 = vector.broadcast %parallel_loop3A_1034 : i32 to vector<16xi32>
      %parallel_loop3A_1036 = arith.addi %parallel_loop3A_1035, %iota3A : vector<16xi32>
      tpu.vector_store_idx %arg16[%parallel_loop3A_984, %parallel_loop3A_1036], %parallel_loop3A_1033 masked %parallel_loop3A_981 {add = true} : memref<128x128xf32, #tpu.memory_space<vmem>>[vector<16xi32>, vector<16xi32>], vector<16xf32>, vector<16xi1>
      %parallel_loop3A_1037 = arith.mulf %parallel_loop3A_1033, %parallel_loop3A_1033 : vector<16xf32>
      tpu.vector_store_idx %arg17[%parallel_loop3A_984, %parallel_loop3A_1036], %parallel_loop3A_1037 masked %parallel_loop3A_981 {add = true} : memref<128x128xf32, #tpu.memory_space<vmem>>[vector<16xi32>, vector<16xi32>], vector<16xf32>, vector<16xi1>
      %parallel_loop3A_1038 = arith.index_cast %parallel_loop3A_988 : i32 to index
      %parallel_loop3A_1039 = arith.constant 112 : index
      %parallel_loop3A_1040 = tpu.vector_load %arg11[%parallel_loop3A_1038, %parallel_loop3A_1039] {strides = array<i32>} : memref<128x128xf32, #tpu.memory_space<vmem>>, vector<16xf32>,
      %parallel_loop3A_1041 = arith.constant 112 : i32
      %parallel_loop3A_1042 = vector.broadcast %parallel_loop3A_1041 : i32 to vector<16xi32>
      %parallel_loop3A_1043 = arith.addi %parallel_loop3A_1042, %iota3A : vector<16xi32>
      tpu.vector_store_idx %arg16[%parallel_loop3A_984, %parallel_loop3A_1043], %parallel_loop3A_1040 masked %parallel_loop3A_981 {add = true} : memref<128x128xf32, #tpu.memory_space<vmem>>[vector<16xi32>, vector<16xi32>], vector<16xf32>, vector<16xi1>
      %parallel_loop3A_1044 = arith.mulf %parallel_loop3A_1040, %parallel_loop3A_1040 : vector<16xf32>
      tpu.vector_store_idx %arg17[%parallel_loop3A_984, %parallel_loop3A_1043], %parallel_loop3A_1044 masked %parallel_loop3A_981 {add = true} : memref<128x128xf32, #tpu.memory_space<vmem>>[vector<16xi32>, vector<16xi32>], vector<16xf32>, vector<16xi1>
      %parallel_loop3A_1045 = vector.extract_strided_slice %parallel_loop3A_146 {offsets = [12], sizes = [1], strides = [1]} : vector<16xi32> to vector<1xi32>
      %parallel_loop3A_1046 = vector.extract %parallel_loop3A_1045[0] : i32 from vector<1xi32>
      %parallel_loop3A_1047 = vector.broadcast %parallel_loop3A_1046 : i32 to vector<16xi32>
      %parallel_loop3A_1048 = arith.addi %parallel_loop3A_1047, %broadcast_in_dim3A_42 : vector<16xi32>
      %parallel_loop3A_1049 = arith.constant 0 : i32
      %parallel_loop3A_1050 = vector.broadcast %parallel_loop3A_1049 : i32 to vector<16xi32>
      %parallel_loop3A_1051 = arith.cmpi sge, %parallel_loop3A_1048, %parallel_loop3A_1050 : vector<16xi32>
      %parallel_loop3A_1052 = arith.constant 128 : i32
      %parallel_loop3A_1053 = vector.broadcast %parallel_loop3A_1052 : i32 to vector<16xi32>
      %parallel_loop3A_1054 = arith.cmpi slt, %parallel_loop3A_1048, %parallel_loop3A_1053 : vector<16xi32>
      %parallel_loop3A_1055 = arith.andi %parallel_loop3A_1051, %parallel_loop3A_1054 : vector<16xi1>
      %parallel_loop3A_1056 = arith.constant 0 : i32
      %parallel_loop3A_1057 = vector.broadcast %parallel_loop3A_1056 : i32 to vector<16xi32>
      %parallel_loop3A_1058 = arith.select %parallel_loop3A_1055, %parallel_loop3A_1048, %parallel_loop3A_1057 : vector<16xi1>, vector<16xi32>
      %parallel_loop3A_1059 = arith.constant 16 : i32
      %parallel_loop3A_1060 = arith.muli %parallel_loop3A_140, %parallel_loop3A_1059 : i32
      %parallel_loop3A_1061 = arith.constant 12 : i32
      %parallel_loop3A_1062 = arith.addi %parallel_loop3A_1060, %parallel_loop3A_1061 : i32
      %parallel_loop3A_1063 = arith.index_cast %parallel_loop3A_1062 : i32 to index
      %parallel_loop3A_1064 = arith.constant 0 : index
      %parallel_loop3A_1065 = tpu.vector_load %arg11[%parallel_loop3A_1063, %parallel_loop3A_1064] {strides = array<i32>} : memref<128x128xf32, #tpu.memory_space<vmem>>, vector<16xf32>,
      %parallel_loop3A_1066 = arith.constant 0 : i32
      %parallel_loop3A_1067 = vector.broadcast %parallel_loop3A_1066 : i32 to vector<16xi32>
      %parallel_loop3A_1068 = arith.addi %parallel_loop3A_1067, %iota3A : vector<16xi32>
      tpu.vector_store_idx %arg16[%parallel_loop3A_1058, %parallel_loop3A_1068], %parallel_loop3A_1065 masked %parallel_loop3A_1055 {add = true} : memref<128x128xf32, #tpu.memory_space<vmem>>[vector<16xi32>, vector<16xi32>], vector<16xf32>, vector<16xi1>
      %parallel_loop3A_1069 = arith.mulf %parallel_loop3A_1065, %parallel_loop3A_1065 : vector<16xf32>
      tpu.vector_store_idx %arg17[%parallel_loop3A_1058, %parallel_loop3A_1068], %parallel_loop3A_1069 masked %parallel_loop3A_1055 {add = true} : memref<128x128xf32, #tpu.memory_space<vmem>>[vector<16xi32>, vector<16xi32>], vector<16xf32>, vector<16xi1>
      %parallel_loop3A_1070 = arith.index_cast %parallel_loop3A_1062 : i32 to index
      %parallel_loop3A_1071 = arith.constant 16 : index
      %parallel_loop3A_1072 = tpu.vector_load %arg11[%parallel_loop3A_1070, %parallel_loop3A_1071] {strides = array<i32>} : memref<128x128xf32, #tpu.memory_space<vmem>>, vector<16xf32>,
      %parallel_loop3A_1073 = arith.constant 16 : i32
      %parallel_loop3A_1074 = vector.broadcast %parallel_loop3A_1073 : i32 to vector<16xi32>
      %parallel_loop3A_1075 = arith.addi %parallel_loop3A_1074, %iota3A : vector<16xi32>
      tpu.vector_store_idx %arg16[%parallel_loop3A_1058, %parallel_loop3A_1075], %parallel_loop3A_1072 masked %parallel_loop3A_1055 {add = true} : memref<128x128xf32, #tpu.memory_space<vmem>>[vector<16xi32>, vector<16xi32>], vector<16xf32>, vector<16xi1>
      %parallel_loop3A_1076 = arith.mulf %parallel_loop3A_1072, %parallel_loop3A_1072 : vector<16xf32>
      tpu.vector_store_idx %arg17[%parallel_loop3A_1058, %parallel_loop3A_1075], %parallel_loop3A_1076 masked %parallel_loop3A_1055 {add = true} : memref<128x128xf32, #tpu.memory_space<vmem>>[vector<16xi32>, vector<16xi32>], vector<16xf32>, vector<16xi1>
      %parallel_loop3A_1077 = arith.index_cast %parallel_loop3A_1062 : i32 to index
      %parallel_loop3A_1078 = arith.constant 32 : index
      %parallel_loop3A_1079 = tpu.vector_load %arg11[%parallel_loop3A_1077, %parallel_loop3A_1078] {strides = array<i32>} : memref<128x128xf32, #tpu.memory_space<vmem>>, vector<16xf32>,
      %parallel_loop3A_1080 = arith.constant 32 : i32
      %parallel_loop3A_1081 = vector.broadcast %parallel_loop3A_1080 : i32 to vector<16xi32>
      %parallel_loop3A_1082 = arith.addi %parallel_loop3A_1081, %iota3A : vector<16xi32>
      tpu.vector_store_idx %arg16[%parallel_loop3A_1058, %parallel_loop3A_1082], %parallel_loop3A_1079 masked %parallel_loop3A_1055 {add = true} : memref<128x128xf32, #tpu.memory_space<vmem>>[vector<16xi32>, vector<16xi32>], vector<16xf32>, vector<16xi1>
      %parallel_loop3A_1083 = arith.mulf %parallel_loop3A_1079, %parallel_loop3A_1079 : vector<16xf32>
      tpu.vector_store_idx %arg17[%parallel_loop3A_1058, %parallel_loop3A_1082], %parallel_loop3A_1083 masked %parallel_loop3A_1055 {add = true} : memref<128x128xf32, #tpu.memory_space<vmem>>[vector<16xi32>, vector<16xi32>], vector<16xf32>, vector<16xi1>
      %parallel_loop3A_1084 = arith.index_cast %parallel_loop3A_1062 : i32 to index
      %parallel_loop3A_1085 = arith.constant 48 : index
      %parallel_loop3A_1086 = tpu.vector_load %arg11[%parallel_loop3A_1084, %parallel_loop3A_1085] {strides = array<i32>} : memref<128x128xf32, #tpu.memory_space<vmem>>, vector<16xf32>,
      %parallel_loop3A_1087 = arith.constant 48 : i32
      %parallel_loop3A_1088 = vector.broadcast %parallel_loop3A_1087 : i32 to vector<16xi32>
      %parallel_loop3A_1089 = arith.addi %parallel_loop3A_1088, %iota3A : vector<16xi32>
      tpu.vector_store_idx %arg16[%parallel_loop3A_1058, %parallel_loop3A_1089], %parallel_loop3A_1086 masked %parallel_loop3A_1055 {add = true} : memref<128x128xf32, #tpu.memory_space<vmem>>[vector<16xi32>, vector<16xi32>], vector<16xf32>, vector<16xi1>
      %parallel_loop3A_1090 = arith.mulf %parallel_loop3A_1086, %parallel_loop3A_1086 : vector<16xf32>
      tpu.vector_store_idx %arg17[%parallel_loop3A_1058, %parallel_loop3A_1089], %parallel_loop3A_1090 masked %parallel_loop3A_1055 {add = true} : memref<128x128xf32, #tpu.memory_space<vmem>>[vector<16xi32>, vector<16xi32>], vector<16xf32>, vector<16xi1>
      %parallel_loop3A_1091 = arith.index_cast %parallel_loop3A_1062 : i32 to index
      %parallel_loop3A_1092 = arith.constant 64 : index
      %parallel_loop3A_1093 = tpu.vector_load %arg11[%parallel_loop3A_1091, %parallel_loop3A_1092] {strides = array<i32>} : memref<128x128xf32, #tpu.memory_space<vmem>>, vector<16xf32>,
      %parallel_loop3A_1094 = arith.constant 64 : i32
      %parallel_loop3A_1095 = vector.broadcast %parallel_loop3A_1094 : i32 to vector<16xi32>
      %parallel_loop3A_1096 = arith.addi %parallel_loop3A_1095, %iota3A : vector<16xi32>
      tpu.vector_store_idx %arg16[%parallel_loop3A_1058, %parallel_loop3A_1096], %parallel_loop3A_1093 masked %parallel_loop3A_1055 {add = true} : memref<128x128xf32, #tpu.memory_space<vmem>>[vector<16xi32>, vector<16xi32>], vector<16xf32>, vector<16xi1>
      %parallel_loop3A_1097 = arith.mulf %parallel_loop3A_1093, %parallel_loop3A_1093 : vector<16xf32>
      tpu.vector_store_idx %arg17[%parallel_loop3A_1058, %parallel_loop3A_1096], %parallel_loop3A_1097 masked %parallel_loop3A_1055 {add = true} : memref<128x128xf32, #tpu.memory_space<vmem>>[vector<16xi32>, vector<16xi32>], vector<16xf32>, vector<16xi1>
      %parallel_loop3A_1098 = arith.index_cast %parallel_loop3A_1062 : i32 to index
      %parallel_loop3A_1099 = arith.constant 80 : index
      %parallel_loop3A_1100 = tpu.vector_load %arg11[%parallel_loop3A_1098, %parallel_loop3A_1099] {strides = array<i32>} : memref<128x128xf32, #tpu.memory_space<vmem>>, vector<16xf32>,
      %parallel_loop3A_1101 = arith.constant 80 : i32
      %parallel_loop3A_1102 = vector.broadcast %parallel_loop3A_1101 : i32 to vector<16xi32>
      %parallel_loop3A_1103 = arith.addi %parallel_loop3A_1102, %iota3A : vector<16xi32>
      tpu.vector_store_idx %arg16[%parallel_loop3A_1058, %parallel_loop3A_1103], %parallel_loop3A_1100 masked %parallel_loop3A_1055 {add = true} : memref<128x128xf32, #tpu.memory_space<vmem>>[vector<16xi32>, vector<16xi32>], vector<16xf32>, vector<16xi1>
      %parallel_loop3A_1104 = arith.mulf %parallel_loop3A_1100, %parallel_loop3A_1100 : vector<16xf32>
      tpu.vector_store_idx %arg17[%parallel_loop3A_1058, %parallel_loop3A_1103], %parallel_loop3A_1104 masked %parallel_loop3A_1055 {add = true} : memref<128x128xf32, #tpu.memory_space<vmem>>[vector<16xi32>, vector<16xi32>], vector<16xf32>, vector<16xi1>
      %parallel_loop3A_1105 = arith.index_cast %parallel_loop3A_1062 : i32 to index
      %parallel_loop3A_1106 = arith.constant 96 : index
      %parallel_loop3A_1107 = tpu.vector_load %arg11[%parallel_loop3A_1105, %parallel_loop3A_1106] {strides = array<i32>} : memref<128x128xf32, #tpu.memory_space<vmem>>, vector<16xf32>,
      %parallel_loop3A_1108 = arith.constant 96 : i32
      %parallel_loop3A_1109 = vector.broadcast %parallel_loop3A_1108 : i32 to vector<16xi32>
      %parallel_loop3A_1110 = arith.addi %parallel_loop3A_1109, %iota3A : vector<16xi32>
      tpu.vector_store_idx %arg16[%parallel_loop3A_1058, %parallel_loop3A_1110], %parallel_loop3A_1107 masked %parallel_loop3A_1055 {add = true} : memref<128x128xf32, #tpu.memory_space<vmem>>[vector<16xi32>, vector<16xi32>], vector<16xf32>, vector<16xi1>
      %parallel_loop3A_1111 = arith.mulf %parallel_loop3A_1107, %parallel_loop3A_1107 : vector<16xf32>
      tpu.vector_store_idx %arg17[%parallel_loop3A_1058, %parallel_loop3A_1110], %parallel_loop3A_1111 masked %parallel_loop3A_1055 {add = true} : memref<128x128xf32, #tpu.memory_space<vmem>>[vector<16xi32>, vector<16xi32>], vector<16xf32>, vector<16xi1>
      %parallel_loop3A_1112 = arith.index_cast %parallel_loop3A_1062 : i32 to index
      %parallel_loop3A_1113 = arith.constant 112 : index
      %parallel_loop3A_1114 = tpu.vector_load %arg11[%parallel_loop3A_1112, %parallel_loop3A_1113] {strides = array<i32>} : memref<128x128xf32, #tpu.memory_space<vmem>>, vector<16xf32>,
      %parallel_loop3A_1115 = arith.constant 112 : i32
      %parallel_loop3A_1116 = vector.broadcast %parallel_loop3A_1115 : i32 to vector<16xi32>
      %parallel_loop3A_1117 = arith.addi %parallel_loop3A_1116, %iota3A : vector<16xi32>
      tpu.vector_store_idx %arg16[%parallel_loop3A_1058, %parallel_loop3A_1117], %parallel_loop3A_1114 masked %parallel_loop3A_1055 {add = true} : memref<128x128xf32, #tpu.memory_space<vmem>>[vector<16xi32>, vector<16xi32>], vector<16xf32>, vector<16xi1>
      %parallel_loop3A_1118 = arith.mulf %parallel_loop3A_1114, %parallel_loop3A_1114 : vector<16xf32>
      tpu.vector_store_idx %arg17[%parallel_loop3A_1058, %parallel_loop3A_1117], %parallel_loop3A_1118 masked %parallel_loop3A_1055 {add = true} : memref<128x128xf32, #tpu.memory_space<vmem>>[vector<16xi32>, vector<16xi32>], vector<16xf32>, vector<16xi1>
      %parallel_loop3A_1119 = vector.extract_strided_slice %parallel_loop3A_146 {offsets = [13], sizes = [1], strides = [1]} : vector<16xi32> to vector<1xi32>
      %parallel_loop3A_1120 = vector.extract %parallel_loop3A_1119[0] : i32 from vector<1xi32>
      %parallel_loop3A_1121 = vector.broadcast %parallel_loop3A_1120 : i32 to vector<16xi32>
      %parallel_loop3A_1122 = arith.addi %parallel_loop3A_1121, %broadcast_in_dim3A_42 : vector<16xi32>
      %parallel_loop3A_1123 = arith.constant 0 : i32
      %parallel_loop3A_1124 = vector.broadcast %parallel_loop3A_1123 : i32 to vector<16xi32>
      %parallel_loop3A_1125 = arith.cmpi sge, %parallel_loop3A_1122, %parallel_loop3A_1124 : vector<16xi32>
      %parallel_loop3A_1126 = arith.constant 128 : i32
      %parallel_loop3A_1127 = vector.broadcast %parallel_loop3A_1126 : i32 to vector<16xi32>
      %parallel_loop3A_1128 = arith.cmpi slt, %parallel_loop3A_1122, %parallel_loop3A_1127 : vector<16xi32>
      %parallel_loop3A_1129 = arith.andi %parallel_loop3A_1125, %parallel_loop3A_1128 : vector<16xi1>
      %parallel_loop3A_1130 = arith.constant 0 : i32
      %parallel_loop3A_1131 = vector.broadcast %parallel_loop3A_1130 : i32 to vector<16xi32>
      %parallel_loop3A_1132 = arith.select %parallel_loop3A_1129, %parallel_loop3A_1122, %parallel_loop3A_1131 : vector<16xi1>, vector<16xi32>
      %parallel_loop3A_1133 = arith.constant 16 : i32
      %parallel_loop3A_1134 = arith.muli %parallel_loop3A_140, %parallel_loop3A_1133 : i32
      %parallel_loop3A_1135 = arith.constant 13 : i32
      %parallel_loop3A_1136 = arith.addi %parallel_loop3A_1134, %parallel_loop3A_1135 : i32
      %parallel_loop3A_1137 = arith.index_cast %parallel_loop3A_1136 : i32 to index
      %parallel_loop3A_1138 = arith.constant 0 : index
      %parallel_loop3A_1139 = tpu.vector_load %arg11[%parallel_loop3A_1137, %parallel_loop3A_1138] {strides = array<i32>} : memref<128x128xf32, #tpu.memory_space<vmem>>, vector<16xf32>,
      %parallel_loop3A_1140 = arith.constant 0 : i32
      %parallel_loop3A_1141 = vector.broadcast %parallel_loop3A_1140 : i32 to vector<16xi32>
      %parallel_loop3A_1142 = arith.addi %parallel_loop3A_1141, %iota3A : vector<16xi32>
      tpu.vector_store_idx %arg16[%parallel_loop3A_1132, %parallel_loop3A_1142], %parallel_loop3A_1139 masked %parallel_loop3A_1129 {add = true} : memref<128x128xf32, #tpu.memory_space<vmem>>[vector<16xi32>, vector<16xi32>], vector<16xf32>, vector<16xi1>
      %parallel_loop3A_1143 = arith.mulf %parallel_loop3A_1139, %parallel_loop3A_1139 : vector<16xf32>
      tpu.vector_store_idx %arg17[%parallel_loop3A_1132, %parallel_loop3A_1142], %parallel_loop3A_1143 masked %parallel_loop3A_1129 {add = true} : memref<128x128xf32, #tpu.memory_space<vmem>>[vector<16xi32>, vector<16xi32>], vector<16xf32>, vector<16xi1>
      %parallel_loop3A_1144 = arith.index_cast %parallel_loop3A_1136 : i32 to index
      %parallel_loop3A_1145 = arith.constant 16 : index
      %parallel_loop3A_1146 = tpu.vector_load %arg11[%parallel_loop3A_1144, %parallel_loop3A_1145] {strides = array<i32>} : memref<128x128xf32, #tpu.memory_space<vmem>>, vector<16xf32>,
      %parallel_loop3A_1147 = arith.constant 16 : i32
      %parallel_loop3A_1148 = vector.broadcast %parallel_loop3A_1147 : i32 to vector<16xi32>
      %parallel_loop3A_1149 = arith.addi %parallel_loop3A_1148, %iota3A : vector<16xi32>
      tpu.vector_store_idx %arg16[%parallel_loop3A_1132, %parallel_loop3A_1149], %parallel_loop3A_1146 masked %parallel_loop3A_1129 {add = true} : memref<128x128xf32, #tpu.memory_space<vmem>>[vector<16xi32>, vector<16xi32>], vector<16xf32>, vector<16xi1>
      %parallel_loop3A_1150 = arith.mulf %parallel_loop3A_1146, %parallel_loop3A_1146 : vector<16xf32>
      tpu.vector_store_idx %arg17[%parallel_loop3A_1132, %parallel_loop3A_1149], %parallel_loop3A_1150 masked %parallel_loop3A_1129 {add = true} : memref<128x128xf32, #tpu.memory_space<vmem>>[vector<16xi32>, vector<16xi32>], vector<16xf32>, vector<16xi1>
      %parallel_loop3A_1151 = arith.index_cast %parallel_loop3A_1136 : i32 to index
      %parallel_loop3A_1152 = arith.constant 32 : index
      %parallel_loop3A_1153 = tpu.vector_load %arg11[%parallel_loop3A_1151, %parallel_loop3A_1152] {strides = array<i32>} : memref<128x128xf32, #tpu.memory_space<vmem>>, vector<16xf32>,
      %parallel_loop3A_1154 = arith.constant 32 : i32
      %parallel_loop3A_1155 = vector.broadcast %parallel_loop3A_1154 : i32 to vector<16xi32>
      %parallel_loop3A_1156 = arith.addi %parallel_loop3A_1155, %iota3A : vector<16xi32>
      tpu.vector_store_idx %arg16[%parallel_loop3A_1132, %parallel_loop3A_1156], %parallel_loop3A_1153 masked %parallel_loop3A_1129 {add = true} : memref<128x128xf32, #tpu.memory_space<vmem>>[vector<16xi32>, vector<16xi32>], vector<16xf32>, vector<16xi1>
      %parallel_loop3A_1157 = arith.mulf %parallel_loop3A_1153, %parallel_loop3A_1153 : vector<16xf32>
      tpu.vector_store_idx %arg17[%parallel_loop3A_1132, %parallel_loop3A_1156], %parallel_loop3A_1157 masked %parallel_loop3A_1129 {add = true} : memref<128x128xf32, #tpu.memory_space<vmem>>[vector<16xi32>, vector<16xi32>], vector<16xf32>, vector<16xi1>
      %parallel_loop3A_1158 = arith.index_cast %parallel_loop3A_1136 : i32 to index
      %parallel_loop3A_1159 = arith.constant 48 : index
      %parallel_loop3A_1160 = tpu.vector_load %arg11[%parallel_loop3A_1158, %parallel_loop3A_1159] {strides = array<i32>} : memref<128x128xf32, #tpu.memory_space<vmem>>, vector<16xf32>,
      %parallel_loop3A_1161 = arith.constant 48 : i32
      %parallel_loop3A_1162 = vector.broadcast %parallel_loop3A_1161 : i32 to vector<16xi32>
      %parallel_loop3A_1163 = arith.addi %parallel_loop3A_1162, %iota3A : vector<16xi32>
      tpu.vector_store_idx %arg16[%parallel_loop3A_1132, %parallel_loop3A_1163], %parallel_loop3A_1160 masked %parallel_loop3A_1129 {add = true} : memref<128x128xf32, #tpu.memory_space<vmem>>[vector<16xi32>, vector<16xi32>], vector<16xf32>, vector<16xi1>
      %parallel_loop3A_1164 = arith.mulf %parallel_loop3A_1160, %parallel_loop3A_1160 : vector<16xf32>
      tpu.vector_store_idx %arg17[%parallel_loop3A_1132, %parallel_loop3A_1163], %parallel_loop3A_1164 masked %parallel_loop3A_1129 {add = true} : memref<128x128xf32, #tpu.memory_space<vmem>>[vector<16xi32>, vector<16xi32>], vector<16xf32>, vector<16xi1>
      %parallel_loop3A_1165 = arith.index_cast %parallel_loop3A_1136 : i32 to index
      %parallel_loop3A_1166 = arith.constant 64 : index
      %parallel_loop3A_1167 = tpu.vector_load %arg11[%parallel_loop3A_1165, %parallel_loop3A_1166] {strides = array<i32>} : memref<128x128xf32, #tpu.memory_space<vmem>>, vector<16xf32>,
      %parallel_loop3A_1168 = arith.constant 64 : i32
      %parallel_loop3A_1169 = vector.broadcast %parallel_loop3A_1168 : i32 to vector<16xi32>
      %parallel_loop3A_1170 = arith.addi %parallel_loop3A_1169, %iota3A : vector<16xi32>
      tpu.vector_store_idx %arg16[%parallel_loop3A_1132, %parallel_loop3A_1170], %parallel_loop3A_1167 masked %parallel_loop3A_1129 {add = true} : memref<128x128xf32, #tpu.memory_space<vmem>>[vector<16xi32>, vector<16xi32>], vector<16xf32>, vector<16xi1>
      %parallel_loop3A_1171 = arith.mulf %parallel_loop3A_1167, %parallel_loop3A_1167 : vector<16xf32>
      tpu.vector_store_idx %arg17[%parallel_loop3A_1132, %parallel_loop3A_1170], %parallel_loop3A_1171 masked %parallel_loop3A_1129 {add = true} : memref<128x128xf32, #tpu.memory_space<vmem>>[vector<16xi32>, vector<16xi32>], vector<16xf32>, vector<16xi1>
      %parallel_loop3A_1172 = arith.index_cast %parallel_loop3A_1136 : i32 to index
      %parallel_loop3A_1173 = arith.constant 80 : index
      %parallel_loop3A_1174 = tpu.vector_load %arg11[%parallel_loop3A_1172, %parallel_loop3A_1173] {strides = array<i32>} : memref<128x128xf32, #tpu.memory_space<vmem>>, vector<16xf32>,
      %parallel_loop3A_1175 = arith.constant 80 : i32
      %parallel_loop3A_1176 = vector.broadcast %parallel_loop3A_1175 : i32 to vector<16xi32>
      %parallel_loop3A_1177 = arith.addi %parallel_loop3A_1176, %iota3A : vector<16xi32>
      tpu.vector_store_idx %arg16[%parallel_loop3A_1132, %parallel_loop3A_1177], %parallel_loop3A_1174 masked %parallel_loop3A_1129 {add = true} : memref<128x128xf32, #tpu.memory_space<vmem>>[vector<16xi32>, vector<16xi32>], vector<16xf32>, vector<16xi1>
      %parallel_loop3A_1178 = arith.mulf %parallel_loop3A_1174, %parallel_loop3A_1174 : vector<16xf32>
      tpu.vector_store_idx %arg17[%parallel_loop3A_1132, %parallel_loop3A_1177], %parallel_loop3A_1178 masked %parallel_loop3A_1129 {add = true} : memref<128x128xf32, #tpu.memory_space<vmem>>[vector<16xi32>, vector<16xi32>], vector<16xf32>, vector<16xi1>
      %parallel_loop3A_1179 = arith.index_cast %parallel_loop3A_1136 : i32 to index
      %parallel_loop3A_1180 = arith.constant 96 : index
      %parallel_loop3A_1181 = tpu.vector_load %arg11[%parallel_loop3A_1179, %parallel_loop3A_1180] {strides = array<i32>} : memref<128x128xf32, #tpu.memory_space<vmem>>, vector<16xf32>,
      %parallel_loop3A_1182 = arith.constant 96 : i32
      %parallel_loop3A_1183 = vector.broadcast %parallel_loop3A_1182 : i32 to vector<16xi32>
      %parallel_loop3A_1184 = arith.addi %parallel_loop3A_1183, %iota3A : vector<16xi32>
      tpu.vector_store_idx %arg16[%parallel_loop3A_1132, %parallel_loop3A_1184], %parallel_loop3A_1181 masked %parallel_loop3A_1129 {add = true} : memref<128x128xf32, #tpu.memory_space<vmem>>[vector<16xi32>, vector<16xi32>], vector<16xf32>, vector<16xi1>
      %parallel_loop3A_1185 = arith.mulf %parallel_loop3A_1181, %parallel_loop3A_1181 : vector<16xf32>
      tpu.vector_store_idx %arg17[%parallel_loop3A_1132, %parallel_loop3A_1184], %parallel_loop3A_1185 masked %parallel_loop3A_1129 {add = true} : memref<128x128xf32, #tpu.memory_space<vmem>>[vector<16xi32>, vector<16xi32>], vector<16xf32>, vector<16xi1>
      %parallel_loop3A_1186 = arith.index_cast %parallel_loop3A_1136 : i32 to index
      %parallel_loop3A_1187 = arith.constant 112 : index
      %parallel_loop3A_1188 = tpu.vector_load %arg11[%parallel_loop3A_1186, %parallel_loop3A_1187] {strides = array<i32>} : memref<128x128xf32, #tpu.memory_space<vmem>>, vector<16xf32>,
      %parallel_loop3A_1189 = arith.constant 112 : i32
      %parallel_loop3A_1190 = vector.broadcast %parallel_loop3A_1189 : i32 to vector<16xi32>
      %parallel_loop3A_1191 = arith.addi %parallel_loop3A_1190, %iota3A : vector<16xi32>
      tpu.vector_store_idx %arg16[%parallel_loop3A_1132, %parallel_loop3A_1191], %parallel_loop3A_1188 masked %parallel_loop3A_1129 {add = true} : memref<128x128xf32, #tpu.memory_space<vmem>>[vector<16xi32>, vector<16xi32>], vector<16xf32>, vector<16xi1>
      %parallel_loop3A_1192 = arith.mulf %parallel_loop3A_1188, %parallel_loop3A_1188 : vector<16xf32>
      tpu.vector_store_idx %arg17[%parallel_loop3A_1132, %parallel_loop3A_1191], %parallel_loop3A_1192 masked %parallel_loop3A_1129 {add = true} : memref<128x128xf32, #tpu.memory_space<vmem>>[vector<16xi32>, vector<16xi32>], vector<16xf32>, vector<16xi1>
      %parallel_loop3A_1193 = vector.extract_strided_slice %parallel_loop3A_146 {offsets = [14], sizes = [1], strides = [1]} : vector<16xi32> to vector<1xi32>
      %parallel_loop3A_1194 = vector.extract %parallel_loop3A_1193[0] : i32 from vector<1xi32>
      %parallel_loop3A_1195 = vector.broadcast %parallel_loop3A_1194 : i32 to vector<16xi32>
      %parallel_loop3A_1196 = arith.addi %parallel_loop3A_1195, %broadcast_in_dim3A_42 : vector<16xi32>
      %parallel_loop3A_1197 = arith.constant 0 : i32
      %parallel_loop3A_1198 = vector.broadcast %parallel_loop3A_1197 : i32 to vector<16xi32>
      %parallel_loop3A_1199 = arith.cmpi sge, %parallel_loop3A_1196, %parallel_loop3A_1198 : vector<16xi32>
      %parallel_loop3A_1200 = arith.constant 128 : i32
      %parallel_loop3A_1201 = vector.broadcast %parallel_loop3A_1200 : i32 to vector<16xi32>
      %parallel_loop3A_1202 = arith.cmpi slt, %parallel_loop3A_1196, %parallel_loop3A_1201 : vector<16xi32>
      %parallel_loop3A_1203 = arith.andi %parallel_loop3A_1199, %parallel_loop3A_1202 : vector<16xi1>
      %parallel_loop3A_1204 = arith.constant 0 : i32
      %parallel_loop3A_1205 = vector.broadcast %parallel_loop3A_1204 : i32 to vector<16xi32>
      %parallel_loop3A_1206 = arith.select %parallel_loop3A_1203, %parallel_loop3A_1196, %parallel_loop3A_1205 : vector<16xi1>, vector<16xi32>
      %parallel_loop3A_1207 = arith.constant 16 : i32
      %parallel_loop3A_1208 = arith.muli %parallel_loop3A_140, %parallel_loop3A_1207 : i32
      %parallel_loop3A_1209 = arith.constant 14 : i32
      %parallel_loop3A_1210 = arith.addi %parallel_loop3A_1208, %parallel_loop3A_1209 : i32
      %parallel_loop3A_1211 = arith.index_cast %parallel_loop3A_1210 : i32 to index
      %parallel_loop3A_1212 = arith.constant 0 : index
      %parallel_loop3A_1213 = tpu.vector_load %arg11[%parallel_loop3A_1211, %parallel_loop3A_1212] {strides = array<i32>} : memref<128x128xf32, #tpu.memory_space<vmem>>, vector<16xf32>,
      %parallel_loop3A_1214 = arith.constant 0 : i32
      %parallel_loop3A_1215 = vector.broadcast %parallel_loop3A_1214 : i32 to vector<16xi32>
      %parallel_loop3A_1216 = arith.addi %parallel_loop3A_1215, %iota3A : vector<16xi32>
      tpu.vector_store_idx %arg16[%parallel_loop3A_1206, %parallel_loop3A_1216], %parallel_loop3A_1213 masked %parallel_loop3A_1203 {add = true} : memref<128x128xf32, #tpu.memory_space<vmem>>[vector<16xi32>, vector<16xi32>], vector<16xf32>, vector<16xi1>
      %parallel_loop3A_1217 = arith.mulf %parallel_loop3A_1213, %parallel_loop3A_1213 : vector<16xf32>
      tpu.vector_store_idx %arg17[%parallel_loop3A_1206, %parallel_loop3A_1216], %parallel_loop3A_1217 masked %parallel_loop3A_1203 {add = true} : memref<128x128xf32, #tpu.memory_space<vmem>>[vector<16xi32>, vector<16xi32>], vector<16xf32>, vector<16xi1>
      %parallel_loop3A_1218 = arith.index_cast %parallel_loop3A_1210 : i32 to index
      %parallel_loop3A_1219 = arith.constant 16 : index
      %parallel_loop3A_1220 = tpu.vector_load %arg11[%parallel_loop3A_1218, %parallel_loop3A_1219] {strides = array<i32>} : memref<128x128xf32, #tpu.memory_space<vmem>>, vector<16xf32>,
      %parallel_loop3A_1221 = arith.constant 16 : i32
      %parallel_loop3A_1222 = vector.broadcast %parallel_loop3A_1221 : i32 to vector<16xi32>
      %parallel_loop3A_1223 = arith.addi %parallel_loop3A_1222, %iota3A : vector<16xi32>
      tpu.vector_store_idx %arg16[%parallel_loop3A_1206, %parallel_loop3A_1223], %parallel_loop3A_1220 masked %parallel_loop3A_1203 {add = true} : memref<128x128xf32, #tpu.memory_space<vmem>>[vector<16xi32>, vector<16xi32>], vector<16xf32>, vector<16xi1>
      %parallel_loop3A_1224 = arith.mulf %parallel_loop3A_1220, %parallel_loop3A_1220 : vector<16xf32>
      tpu.vector_store_idx %arg17[%parallel_loop3A_1206, %parallel_loop3A_1223], %parallel_loop3A_1224 masked %parallel_loop3A_1203 {add = true} : memref<128x128xf32, #tpu.memory_space<vmem>>[vector<16xi32>, vector<16xi32>], vector<16xf32>, vector<16xi1>
      %parallel_loop3A_1225 = arith.index_cast %parallel_loop3A_1210 : i32 to index
      %parallel_loop3A_1226 = arith.constant 32 : index
      %parallel_loop3A_1227 = tpu.vector_load %arg11[%parallel_loop3A_1225, %parallel_loop3A_1226] {strides = array<i32>} : memref<128x128xf32, #tpu.memory_space<vmem>>, vector<16xf32>,
      %parallel_loop3A_1228 = arith.constant 32 : i32
      %parallel_loop3A_1229 = vector.broadcast %parallel_loop3A_1228 : i32 to vector<16xi32>
      %parallel_loop3A_1230 = arith.addi %parallel_loop3A_1229, %iota3A : vector<16xi32>
      tpu.vector_store_idx %arg16[%parallel_loop3A_1206, %parallel_loop3A_1230], %parallel_loop3A_1227 masked %parallel_loop3A_1203 {add = true} : memref<128x128xf32, #tpu.memory_space<vmem>>[vector<16xi32>, vector<16xi32>], vector<16xf32>, vector<16xi1>
      %parallel_loop3A_1231 = arith.mulf %parallel_loop3A_1227, %parallel_loop3A_1227 : vector<16xf32>
      tpu.vector_store_idx %arg17[%parallel_loop3A_1206, %parallel_loop3A_1230], %parallel_loop3A_1231 masked %parallel_loop3A_1203 {add = true} : memref<128x128xf32, #tpu.memory_space<vmem>>[vector<16xi32>, vector<16xi32>], vector<16xf32>, vector<16xi1>
      %parallel_loop3A_1232 = arith.index_cast %parallel_loop3A_1210 : i32 to index
      %parallel_loop3A_1233 = arith.constant 48 : index
      %parallel_loop3A_1234 = tpu.vector_load %arg11[%parallel_loop3A_1232, %parallel_loop3A_1233] {strides = array<i32>} : memref<128x128xf32, #tpu.memory_space<vmem>>, vector<16xf32>,
      %parallel_loop3A_1235 = arith.constant 48 : i32
      %parallel_loop3A_1236 = vector.broadcast %parallel_loop3A_1235 : i32 to vector<16xi32>
      %parallel_loop3A_1237 = arith.addi %parallel_loop3A_1236, %iota3A : vector<16xi32>
      tpu.vector_store_idx %arg16[%parallel_loop3A_1206, %parallel_loop3A_1237], %parallel_loop3A_1234 masked %parallel_loop3A_1203 {add = true} : memref<128x128xf32, #tpu.memory_space<vmem>>[vector<16xi32>, vector<16xi32>], vector<16xf32>, vector<16xi1>
      %parallel_loop3A_1238 = arith.mulf %parallel_loop3A_1234, %parallel_loop3A_1234 : vector<16xf32>
      tpu.vector_store_idx %arg17[%parallel_loop3A_1206, %parallel_loop3A_1237], %parallel_loop3A_1238 masked %parallel_loop3A_1203 {add = true} : memref<128x128xf32, #tpu.memory_space<vmem>>[vector<16xi32>, vector<16xi32>], vector<16xf32>, vector<16xi1>
      %parallel_loop3A_1239 = arith.index_cast %parallel_loop3A_1210 : i32 to index
      %parallel_loop3A_1240 = arith.constant 64 : index
      %parallel_loop3A_1241 = tpu.vector_load %arg11[%parallel_loop3A_1239, %parallel_loop3A_1240] {strides = array<i32>} : memref<128x128xf32, #tpu.memory_space<vmem>>, vector<16xf32>,
      %parallel_loop3A_1242 = arith.constant 64 : i32
      %parallel_loop3A_1243 = vector.broadcast %parallel_loop3A_1242 : i32 to vector<16xi32>
      %parallel_loop3A_1244 = arith.addi %parallel_loop3A_1243, %iota3A : vector<16xi32>
      tpu.vector_store_idx %arg16[%parallel_loop3A_1206, %parallel_loop3A_1244], %parallel_loop3A_1241 masked %parallel_loop3A_1203 {add = true} : memref<128x128xf32, #tpu.memory_space<vmem>>[vector<16xi32>, vector<16xi32>], vector<16xf32>, vector<16xi1>
      %parallel_loop3A_1245 = arith.mulf %parallel_loop3A_1241, %parallel_loop3A_1241 : vector<16xf32>
      tpu.vector_store_idx %arg17[%parallel_loop3A_1206, %parallel_loop3A_1244], %parallel_loop3A_1245 masked %parallel_loop3A_1203 {add = true} : memref<128x128xf32, #tpu.memory_space<vmem>>[vector<16xi32>, vector<16xi32>], vector<16xf32>, vector<16xi1>
      %parallel_loop3A_1246 = arith.index_cast %parallel_loop3A_1210 : i32 to index
      %parallel_loop3A_1247 = arith.constant 80 : index
      %parallel_loop3A_1248 = tpu.vector_load %arg11[%parallel_loop3A_1246, %parallel_loop3A_1247] {strides = array<i32>} : memref<128x128xf32, #tpu.memory_space<vmem>>, vector<16xf32>,
      %parallel_loop3A_1249 = arith.constant 80 : i32
      %parallel_loop3A_1250 = vector.broadcast %parallel_loop3A_1249 : i32 to vector<16xi32>
      %parallel_loop3A_1251 = arith.addi %parallel_loop3A_1250, %iota3A : vector<16xi32>
      tpu.vector_store_idx %arg16[%parallel_loop3A_1206, %parallel_loop3A_1251], %parallel_loop3A_1248 masked %parallel_loop3A_1203 {add = true} : memref<128x128xf32, #tpu.memory_space<vmem>>[vector<16xi32>, vector<16xi32>], vector<16xf32>, vector<16xi1>
      %parallel_loop3A_1252 = arith.mulf %parallel_loop3A_1248, %parallel_loop3A_1248 : vector<16xf32>
      tpu.vector_store_idx %arg17[%parallel_loop3A_1206, %parallel_loop3A_1251], %parallel_loop3A_1252 masked %parallel_loop3A_1203 {add = true} : memref<128x128xf32, #tpu.memory_space<vmem>>[vector<16xi32>, vector<16xi32>], vector<16xf32>, vector<16xi1>
      %parallel_loop3A_1253 = arith.index_cast %parallel_loop3A_1210 : i32 to index
      %parallel_loop3A_1254 = arith.constant 96 : index
      %parallel_loop3A_1255 = tpu.vector_load %arg11[%parallel_loop3A_1253, %parallel_loop3A_1254] {strides = array<i32>} : memref<128x128xf32, #tpu.memory_space<vmem>>, vector<16xf32>,
      %parallel_loop3A_1256 = arith.constant 96 : i32
      %parallel_loop3A_1257 = vector.broadcast %parallel_loop3A_1256 : i32 to vector<16xi32>
      %parallel_loop3A_1258 = arith.addi %parallel_loop3A_1257, %iota3A : vector<16xi32>
      tpu.vector_store_idx %arg16[%parallel_loop3A_1206, %parallel_loop3A_1258], %parallel_loop3A_1255 masked %parallel_loop3A_1203 {add = true} : memref<128x128xf32, #tpu.memory_space<vmem>>[vector<16xi32>, vector<16xi32>], vector<16xf32>, vector<16xi1>
      %parallel_loop3A_1259 = arith.mulf %parallel_loop3A_1255, %parallel_loop3A_1255 : vector<16xf32>
      tpu.vector_store_idx %arg17[%parallel_loop3A_1206, %parallel_loop3A_1258], %parallel_loop3A_1259 masked %parallel_loop3A_1203 {add = true} : memref<128x128xf32, #tpu.memory_space<vmem>>[vector<16xi32>, vector<16xi32>], vector<16xf32>, vector<16xi1>
      %parallel_loop3A_1260 = arith.index_cast %parallel_loop3A_1210 : i32 to index
      %parallel_loop3A_1261 = arith.constant 112 : index
      %parallel_loop3A_1262 = tpu.vector_load %arg11[%parallel_loop3A_1260, %parallel_loop3A_1261] {strides = array<i32>} : memref<128x128xf32, #tpu.memory_space<vmem>>, vector<16xf32>,
      %parallel_loop3A_1263 = arith.constant 112 : i32
      %parallel_loop3A_1264 = vector.broadcast %parallel_loop3A_1263 : i32 to vector<16xi32>
      %parallel_loop3A_1265 = arith.addi %parallel_loop3A_1264, %iota3A : vector<16xi32>
      tpu.vector_store_idx %arg16[%parallel_loop3A_1206, %parallel_loop3A_1265], %parallel_loop3A_1262 masked %parallel_loop3A_1203 {add = true} : memref<128x128xf32, #tpu.memory_space<vmem>>[vector<16xi32>, vector<16xi32>], vector<16xf32>, vector<16xi1>
      %parallel_loop3A_1266 = arith.mulf %parallel_loop3A_1262, %parallel_loop3A_1262 : vector<16xf32>
      tpu.vector_store_idx %arg17[%parallel_loop3A_1206, %parallel_loop3A_1265], %parallel_loop3A_1266 masked %parallel_loop3A_1203 {add = true} : memref<128x128xf32, #tpu.memory_space<vmem>>[vector<16xi32>, vector<16xi32>], vector<16xf32>, vector<16xi1>
      %parallel_loop3A_1267 = vector.extract_strided_slice %parallel_loop3A_146 {offsets = [15], sizes = [1], strides = [1]} : vector<16xi32> to vector<1xi32>
      %parallel_loop3A_1268 = vector.extract %parallel_loop3A_1267[0] : i32 from vector<1xi32>
      %parallel_loop3A_1269 = vector.broadcast %parallel_loop3A_1268 : i32 to vector<16xi32>
      %parallel_loop3A_1270 = arith.addi %parallel_loop3A_1269, %broadcast_in_dim3A_42 : vector<16xi32>
      %parallel_loop3A_1271 = arith.constant 0 : i32
      %parallel_loop3A_1272 = vector.broadcast %parallel_loop3A_1271 : i32 to vector<16xi32>
      %parallel_loop3A_1273 = arith.cmpi sge, %parallel_loop3A_1270, %parallel_loop3A_1272 : vector<16xi32>
      %parallel_loop3A_1274 = arith.constant 128 : i32
      %parallel_loop3A_1275 = vector.broadcast %parallel_loop3A_1274 : i32 to vector<16xi32>
      %parallel_loop3A_1276 = arith.cmpi slt, %parallel_loop3A_1270, %parallel_loop3A_1275 : vector<16xi32>
      %parallel_loop3A_1277 = arith.andi %parallel_loop3A_1273, %parallel_loop3A_1276 : vector<16xi1>
      %parallel_loop3A_1278 = arith.constant 0 : i32
      %parallel_loop3A_1279 = vector.broadcast %parallel_loop3A_1278 : i32 to vector<16xi32>
      %parallel_loop3A_1280 = arith.select %parallel_loop3A_1277, %parallel_loop3A_1270, %parallel_loop3A_1279 : vector<16xi1>, vector<16xi32>
      %parallel_loop3A_1281 = arith.constant 16 : i32
      %parallel_loop3A_1282 = arith.muli %parallel_loop3A_140, %parallel_loop3A_1281 : i32
      %parallel_loop3A_1283 = arith.constant 15 : i32
      %parallel_loop3A_1284 = arith.addi %parallel_loop3A_1282, %parallel_loop3A_1283 : i32
      %parallel_loop3A_1285 = arith.index_cast %parallel_loop3A_1284 : i32 to index
      %parallel_loop3A_1286 = arith.constant 0 : index
      %parallel_loop3A_1287 = tpu.vector_load %arg11[%parallel_loop3A_1285, %parallel_loop3A_1286] {strides = array<i32>} : memref<128x128xf32, #tpu.memory_space<vmem>>, vector<16xf32>,
      %parallel_loop3A_1288 = arith.constant 0 : i32
      %parallel_loop3A_1289 = vector.broadcast %parallel_loop3A_1288 : i32 to vector<16xi32>
      %parallel_loop3A_1290 = arith.addi %parallel_loop3A_1289, %iota3A : vector<16xi32>
      tpu.vector_store_idx %arg16[%parallel_loop3A_1280, %parallel_loop3A_1290], %parallel_loop3A_1287 masked %parallel_loop3A_1277 {add = true} : memref<128x128xf32, #tpu.memory_space<vmem>>[vector<16xi32>, vector<16xi32>], vector<16xf32>, vector<16xi1>
      %parallel_loop3A_1291 = arith.mulf %parallel_loop3A_1287, %parallel_loop3A_1287 : vector<16xf32>
      tpu.vector_store_idx %arg17[%parallel_loop3A_1280, %parallel_loop3A_1290], %parallel_loop3A_1291 masked %parallel_loop3A_1277 {add = true} : memref<128x128xf32, #tpu.memory_space<vmem>>[vector<16xi32>, vector<16xi32>], vector<16xf32>, vector<16xi1>
      %parallel_loop3A_1292 = arith.index_cast %parallel_loop3A_1284 : i32 to index
      %parallel_loop3A_1293 = arith.constant 16 : index
      %parallel_loop3A_1294 = tpu.vector_load %arg11[%parallel_loop3A_1292, %parallel_loop3A_1293] {strides = array<i32>} : memref<128x128xf32, #tpu.memory_space<vmem>>, vector<16xf32>,
      %parallel_loop3A_1295 = arith.constant 16 : i32
      %parallel_loop3A_1296 = vector.broadcast %parallel_loop3A_1295 : i32 to vector<16xi32>
      %parallel_loop3A_1297 = arith.addi %parallel_loop3A_1296, %iota3A : vector<16xi32>
      tpu.vector_store_idx %arg16[%parallel_loop3A_1280, %parallel_loop3A_1297], %parallel_loop3A_1294 masked %parallel_loop3A_1277 {add = true} : memref<128x128xf32, #tpu.memory_space<vmem>>[vector<16xi32>, vector<16xi32>], vector<16xf32>, vector<16xi1>
      %parallel_loop3A_1298 = arith.mulf %parallel_loop3A_1294, %parallel_loop3A_1294 : vector<16xf32>
      tpu.vector_store_idx %arg17[%parallel_loop3A_1280, %parallel_loop3A_1297], %parallel_loop3A_1298 masked %parallel_loop3A_1277 {add = true} : memref<128x128xf32, #tpu.memory_space<vmem>>[vector<16xi32>, vector<16xi32>], vector<16xf32>, vector<16xi1>
      %parallel_loop3A_1299 = arith.index_cast %parallel_loop3A_1284 : i32 to index
      %parallel_loop3A_1300 = arith.constant 32 : index
      %parallel_loop3A_1301 = tpu.vector_load %arg11[%parallel_loop3A_1299, %parallel_loop3A_1300] {strides = array<i32>} : memref<128x128xf32, #tpu.memory_space<vmem>>, vector<16xf32>,
      %parallel_loop3A_1302 = arith.constant 32 : i32
      %parallel_loop3A_1303 = vector.broadcast %parallel_loop3A_1302 : i32 to vector<16xi32>
      %parallel_loop3A_1304 = arith.addi %parallel_loop3A_1303, %iota3A : vector<16xi32>
      tpu.vector_store_idx %arg16[%parallel_loop3A_1280, %parallel_loop3A_1304], %parallel_loop3A_1301 masked %parallel_loop3A_1277 {add = true} : memref<128x128xf32, #tpu.memory_space<vmem>>[vector<16xi32>, vector<16xi32>], vector<16xf32>, vector<16xi1>
      %parallel_loop3A_1305 = arith.mulf %parallel_loop3A_1301, %parallel_loop3A_1301 : vector<16xf32>
      tpu.vector_store_idx %arg17[%parallel_loop3A_1280, %parallel_loop3A_1304], %parallel_loop3A_1305 masked %parallel_loop3A_1277 {add = true} : memref<128x128xf32, #tpu.memory_space<vmem>>[vector<16xi32>, vector<16xi32>], vector<16xf32>, vector<16xi1>
      %parallel_loop3A_1306 = arith.index_cast %parallel_loop3A_1284 : i32 to index
      %parallel_loop3A_1307 = arith.constant 48 : index
      %parallel_loop3A_1308 = tpu.vector_load %arg11[%parallel_loop3A_1306, %parallel_loop3A_1307] {strides = array<i32>} : memref<128x128xf32, #tpu.memory_space<vmem>>, vector<16xf32>,
      %parallel_loop3A_1309 = arith.constant 48 : i32
      %parallel_loop3A_1310 = vector.broadcast %parallel_loop3A_1309 : i32 to vector<16xi32>
      %parallel_loop3A_1311 = arith.addi %parallel_loop3A_1310, %iota3A : vector<16xi32>
      tpu.vector_store_idx %arg16[%parallel_loop3A_1280, %parallel_loop3A_1311], %parallel_loop3A_1308 masked %parallel_loop3A_1277 {add = true} : memref<128x128xf32, #tpu.memory_space<vmem>>[vector<16xi32>, vector<16xi32>], vector<16xf32>, vector<16xi1>
      %parallel_loop3A_1312 = arith.mulf %parallel_loop3A_1308, %parallel_loop3A_1308 : vector<16xf32>
      tpu.vector_store_idx %arg17[%parallel_loop3A_1280, %parallel_loop3A_1311], %parallel_loop3A_1312 masked %parallel_loop3A_1277 {add = true} : memref<128x128xf32, #tpu.memory_space<vmem>>[vector<16xi32>, vector<16xi32>], vector<16xf32>, vector<16xi1>
      %parallel_loop3A_1313 = arith.index_cast %parallel_loop3A_1284 : i32 to index
      %parallel_loop3A_1314 = arith.constant 64 : index
      %parallel_loop3A_1315 = tpu.vector_load %arg11[%parallel_loop3A_1313, %parallel_loop3A_1314] {strides = array<i32>} : memref<128x128xf32, #tpu.memory_space<vmem>>, vector<16xf32>,
      %parallel_loop3A_1316 = arith.constant 64 : i32
      %parallel_loop3A_1317 = vector.broadcast %parallel_loop3A_1316 : i32 to vector<16xi32>
      %parallel_loop3A_1318 = arith.addi %parallel_loop3A_1317, %iota3A : vector<16xi32>
      tpu.vector_store_idx %arg16[%parallel_loop3A_1280, %parallel_loop3A_1318], %parallel_loop3A_1315 masked %parallel_loop3A_1277 {add = true} : memref<128x128xf32, #tpu.memory_space<vmem>>[vector<16xi32>, vector<16xi32>], vector<16xf32>, vector<16xi1>
      %parallel_loop3A_1319 = arith.mulf %parallel_loop3A_1315, %parallel_loop3A_1315 : vector<16xf32>
      tpu.vector_store_idx %arg17[%parallel_loop3A_1280, %parallel_loop3A_1318], %parallel_loop3A_1319 masked %parallel_loop3A_1277 {add = true} : memref<128x128xf32, #tpu.memory_space<vmem>>[vector<16xi32>, vector<16xi32>], vector<16xf32>, vector<16xi1>
      %parallel_loop3A_1320 = arith.index_cast %parallel_loop3A_1284 : i32 to index
      %parallel_loop3A_1321 = arith.constant 80 : index
      %parallel_loop3A_1322 = tpu.vector_load %arg11[%parallel_loop3A_1320, %parallel_loop3A_1321] {strides = array<i32>} : memref<128x128xf32, #tpu.memory_space<vmem>>, vector<16xf32>,
      %parallel_loop3A_1323 = arith.constant 80 : i32
      %parallel_loop3A_1324 = vector.broadcast %parallel_loop3A_1323 : i32 to vector<16xi32>
      %parallel_loop3A_1325 = arith.addi %parallel_loop3A_1324, %iota3A : vector<16xi32>
      tpu.vector_store_idx %arg16[%parallel_loop3A_1280, %parallel_loop3A_1325], %parallel_loop3A_1322 masked %parallel_loop3A_1277 {add = true} : memref<128x128xf32, #tpu.memory_space<vmem>>[vector<16xi32>, vector<16xi32>], vector<16xf32>, vector<16xi1>
      %parallel_loop3A_1326 = arith.mulf %parallel_loop3A_1322, %parallel_loop3A_1322 : vector<16xf32>
      tpu.vector_store_idx %arg17[%parallel_loop3A_1280, %parallel_loop3A_1325], %parallel_loop3A_1326 masked %parallel_loop3A_1277 {add = true} : memref<128x128xf32, #tpu.memory_space<vmem>>[vector<16xi32>, vector<16xi32>], vector<16xf32>, vector<16xi1>
      %parallel_loop3A_1327 = arith.index_cast %parallel_loop3A_1284 : i32 to index
      %parallel_loop3A_1328 = arith.constant 96 : index
      %parallel_loop3A_1329 = tpu.vector_load %arg11[%parallel_loop3A_1327, %parallel_loop3A_1328] {strides = array<i32>} : memref<128x128xf32, #tpu.memory_space<vmem>>, vector<16xf32>,
      %parallel_loop3A_1330 = arith.constant 96 : i32
      %parallel_loop3A_1331 = vector.broadcast %parallel_loop3A_1330 : i32 to vector<16xi32>
      %parallel_loop3A_1332 = arith.addi %parallel_loop3A_1331, %iota3A : vector<16xi32>
      tpu.vector_store_idx %arg16[%parallel_loop3A_1280, %parallel_loop3A_1332], %parallel_loop3A_1329 masked %parallel_loop3A_1277 {add = true} : memref<128x128xf32, #tpu.memory_space<vmem>>[vector<16xi32>, vector<16xi32>], vector<16xf32>, vector<16xi1>
      %parallel_loop3A_1333 = arith.mulf %parallel_loop3A_1329, %parallel_loop3A_1329 : vector<16xf32>
      tpu.vector_store_idx %arg17[%parallel_loop3A_1280, %parallel_loop3A_1332], %parallel_loop3A_1333 masked %parallel_loop3A_1277 {add = true} : memref<128x128xf32, #tpu.memory_space<vmem>>[vector<16xi32>, vector<16xi32>], vector<16xf32>, vector<16xi1>
      %parallel_loop3A_1334 = arith.index_cast %parallel_loop3A_1284 : i32 to index
      %parallel_loop3A_1335 = arith.constant 112 : index
      %parallel_loop3A_1336 = tpu.vector_load %arg11[%parallel_loop3A_1334, %parallel_loop3A_1335] {strides = array<i32>} : memref<128x128xf32, #tpu.memory_space<vmem>>, vector<16xf32>,
      %parallel_loop3A_1337 = arith.constant 112 : i32
      %parallel_loop3A_1338 = vector.broadcast %parallel_loop3A_1337 : i32 to vector<16xi32>
      %parallel_loop3A_1339 = arith.addi %parallel_loop3A_1338, %iota3A : vector<16xi32>
      tpu.vector_store_idx %arg16[%parallel_loop3A_1280, %parallel_loop3A_1339], %parallel_loop3A_1336 masked %parallel_loop3A_1277 {add = true} : memref<128x128xf32, #tpu.memory_space<vmem>>[vector<16xi32>, vector<16xi32>], vector<16xf32>, vector<16xi1>
      %parallel_loop3A_1340 = arith.mulf %parallel_loop3A_1336, %parallel_loop3A_1336 : vector<16xf32>
      tpu.vector_store_idx %arg17[%parallel_loop3A_1280, %parallel_loop3A_1339], %parallel_loop3A_1340 masked %parallel_loop3A_1277 {add = true} : memref<128x128xf32, #tpu.memory_space<vmem>>[vector<16xi32>, vector<16xi32>], vector<16xf32>, vector<16xi1>
    } {sc.loop_unroll_factor = 2 : i64, sc.parallel_access}
    %dma_wait3A_54 = arith.constant 0 : i32
    %dma_wait3A_55 = tpu.memref_slice %arg14[%dma_wait3A_54] : memref<144xf32, #tpu.memory_space<vmem>> -> memref<128xf32, #tpu.memory_space<vmem>>
    %dma_wait3A_56 = tpu.memref_slice %arg6[%min3A_22] : memref<1000xf32, #tpu.memory_space<hbm>> -> memref<128xf32, #tpu.memory_space<hbm>>
    %dma_wait3A_57 = arith.constant 0 : i32
    %dma_wait3A_58 = tpu.memref_slice %arg14[%dma_wait3A_57] : memref<144xf32, #tpu.memory_space<vmem>> -> memref<128xf32, #tpu.memory_space<vmem>>
    %dma_wait3A_59 = tpu.memref_slice %arg6[%min3A_22] : memref<1000xf32, #tpu.memory_space<hbm>> -> memref<128xf32, #tpu.memory_space<hbm>>
    tpu.wait_dma2 semaphore(%arg21 : memref<!tpu.dma_semaphore, #tpu.memory_space<semaphore_mem>>) src(%dma_wait3A_59 : memref<128xf32, #tpu.memory_space<hbm>>) dst(%dma_wait3A_58 : memref<128xf32, #tpu.memory_space<vmem>>)
    %eq3A = arith.constant 0 : i32
    %eq3A_60 = arith.cmpi eq, %sub3A_19, %eq3A : i32
    %convert_element_type3A = arith.extui %eq3A_60 : i1 to i32
    %cond3A = arith.constant 0 : i32
    %cond3A_61 = arith.cmpi ne, %convert_element_type3A, %cond3A : i32
    scf.if %cond3A_61 {
      %parallel_loop3A_140 = arith.constant 0 : i32
      %parallel_loop3A_141 = arith.constant 8 : i32
      %parallel_loop3A_142 = arith.constant 1 : i32
      scf.for %parallel_loop3A_143 = %parallel_loop3A_140 to %parallel_loop3A_141 step %parallel_loop3A_142  : i32 {
        %parallel_loop3A_144 = arith.constant 16 : i32
        %parallel_loop3A_145 = arith.muli %parallel_loop3A_143, %parallel_loop3A_144 : i32
        %parallel_loop3A_146 = arith.index_cast %parallel_loop3A_145 : i32 to index
        %parallel_loop3A_147 = tpu.vector_load %arg14[%parallel_loop3A_146] {strides = array<i32>} : memref<144xf32, #tpu.memory_space<vmem>>, vector<16xf32>,
        %parallel_loop3A_148 = arith.index_cast %parallel_loop3A_145 : i32 to index
        %parallel_loop3A_149 = tpu.vector_load %arg15[%parallel_loop3A_148] {strides = array<i32>} : memref<144xf32, #tpu.memory_space<vmem>>, vector<16xf32>,
        %parallel_loop3A_150 = arith.addf %parallel_loop3A_147, %parallel_loop3A_149 : vector<16xf32>
        %parallel_loop3A_151 = arith.index_cast %parallel_loop3A_145 : i32 to index
        %parallel_loop3A_152 = tpu.vector_load %arg18[%parallel_loop3A_151] {strides = array<i32>} : memref<128xf32, #tpu.memory_space<vmem>>, vector<16xf32>,
        tpu.vector_store %arg18[%parallel_loop3A_151], %parallel_loop3A_150 {strides = array<i32>} : memref<128xf32, #tpu.memory_space<vmem>>, vector<16xf32>,
      } {sc.loop_unroll_factor = 1 : i64, sc.parallel_access}
      "tpu.region"() ({
        %run_scoped3A = tpu.sem_alloc : memref<!tpu.dma_semaphore, #tpu.memory_space<semaphore_mem>>
        %dma_start3A_143 = tpu.memref_slice %arg9[%min3A_22] : memref<1000xf32, #tpu.memory_space<hbm>> -> memref<128xf32, #tpu.memory_space<hbm>>
        %dma_start3A_144 = tpu.memref_slice %arg9[%min3A_22] : memref<1000xf32, #tpu.memory_space<hbm>> -> memref<128xf32, #tpu.memory_space<hbm>>
        tpu.enqueue_dma source(%arg18 : memref<128xf32, #tpu.memory_space<vmem>>) target(%dma_start3A_144 : memref<128xf32, #tpu.memory_space<hbm>>) target_semaphore(%run_scoped3A : memref<!tpu.dma_semaphore, #tpu.memory_space<semaphore_mem>>)
        %dma_wait3A_145 = tpu.memref_slice %arg9[%min3A_22] : memref<1000xf32, #tpu.memory_space<hbm>> -> memref<128xf32, #tpu.memory_space<hbm>>
        %dma_wait3A_146 = tpu.memref_slice %arg9[%min3A_22] : memref<1000xf32, #tpu.memory_space<hbm>> -> memref<128xf32, #tpu.memory_space<hbm>>
        tpu.wait_dma2 semaphore(%run_scoped3A : memref<!tpu.dma_semaphore, #tpu.memory_space<semaphore_mem>>) src(%arg18 : memref<128xf32, #tpu.memory_space<vmem>>) dst(%dma_wait3A_146 : memref<128xf32, #tpu.memory_space<hbm>>)
        tpu.yield
      }) : () -> ()
    } else {
    }
    %dma_wait3A_62 = tpu.memref_slice %arg4[%min3A_22, %mul3A_24] : memref<1000x512xf32, #tpu.memory_space<hbm>> -> memref<128x128xf32, #tpu.memory_space<hbm>>
    %dma_wait3A_63 = tpu.memref_slice %arg4[%min3A_22, %mul3A_24] : memref<1000x512xf32, #tpu.memory_space<hbm>> -> memref<128x128xf32, #tpu.memory_space<hbm>>
    tpu.wait_dma2 semaphore(%arg22 : memref<!tpu.dma_semaphore, #tpu.memory_space<semaphore_mem>>) src(%dma_wait3A_63 : memref<128x128xf32, #tpu.memory_space<hbm>>) dst(%arg12 : memref<128x128xf32, #tpu.memory_space<vmem>>)
    %dma_wait3A_64 = tpu.memref_slice %arg5[%min3A_22, %mul3A_24] : memref<1000x512xf32, #tpu.memory_space<hbm>> -> memref<128x128xf32, #tpu.memory_space<hbm>>
    %dma_wait3A_65 = tpu.memref_slice %arg5[%min3A_22, %mul3A_24] : memref<1000x512xf32, #tpu.memory_space<hbm>> -> memref<128x128xf32, #tpu.memory_space<hbm>>
    tpu.wait_dma2 semaphore(%arg23 : memref<!tpu.dma_semaphore, #tpu.memory_space<semaphore_mem>>) src(%dma_wait3A_65 : memref<128x128xf32, #tpu.memory_space<hbm>>) dst(%arg13 : memref<128x128xf32, #tpu.memory_space<vmem>>)
    %parallel_loop3A_66 = arith.constant 0 : i32
    %parallel_loop3A_67 = arith.constant 64 : i32
    %parallel_loop3A_68 = arith.constant 1 : i32
    scf.for %parallel_loop3A_140 = %parallel_loop3A_66 to %parallel_loop3A_67 step %parallel_loop3A_68  : i32 {
      %parallel_loop3A_141 = arith.index_cast %parallel_loop3A_140 : i32 to index
      %parallel_loop3A_142 = tpu.vector_load %arg15[%parallel_loop3A_141] {strides = array<i32>} : memref<144xf32, #tpu.memory_space<vmem>>, vector<16xf32>,
      %parallel_loop3A_143 = vector.extract_strided_slice %parallel_loop3A_142 {offsets = [0], sizes = [1], strides = [1]} : vector<16xf32> to vector<1xf32>
      %parallel_loop3A_144 = vector.extract %parallel_loop3A_143[0] : f32 from vector<1xf32>
      %parallel_loop3A_145 = arith.constant 0.000000e+00 : f32
      %parallel_loop3A_146 = arith.cmpf ogt, %parallel_loop3A_144, %parallel_loop3A_145 : f32
      %parallel_loop3A_147 = arith.extui %parallel_loop3A_146 : i1 to i32
      %parallel_loop3A_148 = arith.constant 0 : i32
      %parallel_loop3A_149 = arith.cmpi ne, %parallel_loop3A_147, %parallel_loop3A_148 : i32
      scf.if %parallel_loop3A_149 {
        %parallel_loop3A_150 = vector.broadcast %parallel_loop3A_144 : f32 to vector<16xf32>
        %parallel_loop3A_151 = arith.addf %parallel_loop3A_150, %broadcast_in_dim3A_38 : vector<16xf32>
        %parallel_loop3A_152 = arith.index_cast %parallel_loop3A_140 : i32 to index
        %parallel_loop3A_153 = tpu.vector_load %arg14[%parallel_loop3A_152] {strides = array<i32>} : memref<144xf32, #tpu.memory_space<vmem>>, vector<16xf32>,
        %parallel_loop3A_154 = vector.extract_strided_slice %parallel_loop3A_153 {offsets = [0], sizes = [1], strides = [1]} : vector<16xf32> to vector<1xf32>
        %parallel_loop3A_155 = vector.extract %parallel_loop3A_154[0] : f32 from vector<1xf32>
        %parallel_loop3A_156 = vector.broadcast %parallel_loop3A_155 : f32 to vector<16xf32>
        %parallel_loop3A_157 = arith.addf %parallel_loop3A_156, %broadcast_in_dim3A_38 : vector<16xf32>
        %parallel_loop3A_158 = arith.addf %parallel_loop3A_151, %parallel_loop3A_157 : vector<16xf32>
        %parallel_loop3A_159 = arith.divf %parallel_loop3A_151, %parallel_loop3A_158 : vector<16xf32>
        %parallel_loop3A_160 = arith.constant 2.000000e-01 : f32
        %parallel_loop3A_161 = vector.broadcast %parallel_loop3A_160 : f32 to vector<16xf32>
        %parallel_loop3A_162 = arith.maximumf %parallel_loop3A_159, %parallel_loop3A_161 : vector<16xf32>
        %parallel_loop3A_163 = arith.divf %broadcast_in_dim3A_40, %parallel_loop3A_151 : vector<16xf32>
        %parallel_loop3A_164 = arith.constant 1.000000e+00 : f32
        %parallel_loop3A_165 = vector.broadcast %parallel_loop3A_164 : f32 to vector<16xf32>
        %parallel_loop3A_166 = arith.subf %parallel_loop3A_165, %parallel_loop3A_162 : vector<16xf32>
        %parallel_loop3A_167 = arith.index_cast %parallel_loop3A_140 : i32 to index
        %parallel_loop3A_168 = arith.constant 0 : index
        %parallel_loop3A_169 = tpu.vector_load %arg16[%parallel_loop3A_167, %parallel_loop3A_168] {strides = array<i32>} : memref<128x128xf32, #tpu.memory_space<vmem>>, vector<16xf32>,
        %parallel_loop3A_170 = arith.mulf %parallel_loop3A_169, %parallel_loop3A_163 : vector<16xf32>
        %parallel_loop3A_171 = arith.index_cast %parallel_loop3A_140 : i32 to index
        %parallel_loop3A_172 = arith.constant 0 : index
        %parallel_loop3A_173 = tpu.vector_load %arg17[%parallel_loop3A_171, %parallel_loop3A_172] {strides = array<i32>} : memref<128x128xf32, #tpu.memory_space<vmem>>, vector<16xf32>,
        %parallel_loop3A_174 = arith.mulf %parallel_loop3A_173, %parallel_loop3A_163 : vector<16xf32>
        %parallel_loop3A_175 = arith.mulf %parallel_loop3A_170, %parallel_loop3A_170 : vector<16xf32>
        %parallel_loop3A_176 = arith.subf %parallel_loop3A_174, %parallel_loop3A_175 : vector<16xf32>
        %parallel_loop3A_177 = arith.index_cast %parallel_loop3A_140 : i32 to index
        %parallel_loop3A_178 = arith.constant 0 : index
        %parallel_loop3A_179 = tpu.vector_load %arg13[%parallel_loop3A_177, %parallel_loop3A_178] {strides = array<i32>} : memref<128x128xf32, #tpu.memory_space<vmem>>, vector<16xf32>,
        %parallel_loop3A_180 = arith.subf %parallel_loop3A_179, %parallel_loop3A_170 : vector<16xf32>
        %parallel_loop3A_181 = arith.index_cast %parallel_loop3A_140 : i32 to index
        %parallel_loop3A_182 = arith.constant 0 : index
        %parallel_loop3A_183 = tpu.vector_load %arg12[%parallel_loop3A_181, %parallel_loop3A_182] {strides = array<i32>} : memref<128x128xf32, #tpu.memory_space<vmem>>, vector<16xf32>,
        %parallel_loop3A_184 = arith.mulf %parallel_loop3A_183, %parallel_loop3A_166 : vector<16xf32>
        %parallel_loop3A_185 = arith.mulf %parallel_loop3A_176, %parallel_loop3A_162 : vector<16xf32>
        %parallel_loop3A_186 = arith.addf %parallel_loop3A_184, %parallel_loop3A_185 : vector<16xf32>
        %parallel_loop3A_187 = arith.mulf %parallel_loop3A_162, %parallel_loop3A_166 : vector<16xf32>
        %parallel_loop3A_188 = arith.mulf %parallel_loop3A_187, %parallel_loop3A_180 : vector<16xf32>
        %parallel_loop3A_189 = arith.mulf %parallel_loop3A_188, %parallel_loop3A_180 : vector<16xf32>
        %parallel_loop3A_190 = arith.addf %parallel_loop3A_186, %parallel_loop3A_189 : vector<16xf32>
        %parallel_loop3A_191 = arith.index_cast %parallel_loop3A_140 : i32 to index
        %parallel_loop3A_192 = arith.constant 0 : index
        %parallel_loop3A_193 = tpu.vector_load %arg12[%parallel_loop3A_191, %parallel_loop3A_192] {strides = array<i32>} : memref<128x128xf32, #tpu.memory_space<vmem>>, vector<16xf32>,
        tpu.vector_store %arg12[%parallel_loop3A_191, %parallel_loop3A_192], %parallel_loop3A_190 {strides = array<i32>} : memref<128x128xf32, #tpu.memory_space<vmem>>, vector<16xf32>,
        %parallel_loop3A_194 = arith.mulf %parallel_loop3A_179, %parallel_loop3A_166 : vector<16xf32>
        %parallel_loop3A_195 = arith.mulf %parallel_loop3A_170, %parallel_loop3A_162 : vector<16xf32>
        %parallel_loop3A_196 = arith.addf %parallel_loop3A_194, %parallel_loop3A_195 : vector<16xf32>
        %parallel_loop3A_197 = arith.index_cast %parallel_loop3A_140 : i32 to index
        %parallel_loop3A_198 = arith.constant 0 : index
        %parallel_loop3A_199 = tpu.vector_load %arg13[%parallel_loop3A_197, %parallel_loop3A_198] {strides = array<i32>} : memref<128x128xf32, #tpu.memory_space<vmem>>, vector<16xf32>,
        tpu.vector_store %arg13[%parallel_loop3A_197, %parallel_loop3A_198], %parallel_loop3A_196 {strides = array<i32>} : memref<128x128xf32, #tpu.memory_space<vmem>>, vector<16xf32>,
        %parallel_loop3A_200 = arith.index_cast %parallel_loop3A_140 : i32 to index
        %parallel_loop3A_201 = arith.constant 16 : index
        %parallel_loop3A_202 = tpu.vector_load %arg16[%parallel_loop3A_200, %parallel_loop3A_201] {strides = array<i32>} : memref<128x128xf32, #tpu.memory_space<vmem>>, vector<16xf32>,
        %parallel_loop3A_203 = arith.mulf %parallel_loop3A_202, %parallel_loop3A_163 : vector<16xf32>
        %parallel_loop3A_204 = arith.index_cast %parallel_loop3A_140 : i32 to index
        %parallel_loop3A_205 = arith.constant 16 : index
        %parallel_loop3A_206 = tpu.vector_load %arg17[%parallel_loop3A_204, %parallel_loop3A_205] {strides = array<i32>} : memref<128x128xf32, #tpu.memory_space<vmem>>, vector<16xf32>,
        %parallel_loop3A_207 = arith.mulf %parallel_loop3A_206, %parallel_loop3A_163 : vector<16xf32>
        %parallel_loop3A_208 = arith.mulf %parallel_loop3A_203, %parallel_loop3A_203 : vector<16xf32>
        %parallel_loop3A_209 = arith.subf %parallel_loop3A_207, %parallel_loop3A_208 : vector<16xf32>
        %parallel_loop3A_210 = arith.index_cast %parallel_loop3A_140 : i32 to index
        %parallel_loop3A_211 = arith.constant 16 : index
        %parallel_loop3A_212 = tpu.vector_load %arg13[%parallel_loop3A_210, %parallel_loop3A_211] {strides = array<i32>} : memref<128x128xf32, #tpu.memory_space<vmem>>, vector<16xf32>,
        %parallel_loop3A_213 = arith.subf %parallel_loop3A_212, %parallel_loop3A_203 : vector<16xf32>
        %parallel_loop3A_214 = arith.index_cast %parallel_loop3A_140 : i32 to index
        %parallel_loop3A_215 = arith.constant 16 : index
        %parallel_loop3A_216 = tpu.vector_load %arg12[%parallel_loop3A_214, %parallel_loop3A_215] {strides = array<i32>} : memref<128x128xf32, #tpu.memory_space<vmem>>, vector<16xf32>,
        %parallel_loop3A_217 = arith.mulf %parallel_loop3A_216, %parallel_loop3A_166 : vector<16xf32>
        %parallel_loop3A_218 = arith.mulf %parallel_loop3A_209, %parallel_loop3A_162 : vector<16xf32>
        %parallel_loop3A_219 = arith.addf %parallel_loop3A_217, %parallel_loop3A_218 : vector<16xf32>
        %parallel_loop3A_220 = arith.mulf %parallel_loop3A_162, %parallel_loop3A_166 : vector<16xf32>
        %parallel_loop3A_221 = arith.mulf %parallel_loop3A_220, %parallel_loop3A_213 : vector<16xf32>
        %parallel_loop3A_222 = arith.mulf %parallel_loop3A_221, %parallel_loop3A_213 : vector<16xf32>
        %parallel_loop3A_223 = arith.addf %parallel_loop3A_219, %parallel_loop3A_222 : vector<16xf32>
        %parallel_loop3A_224 = arith.index_cast %parallel_loop3A_140 : i32 to index
        %parallel_loop3A_225 = arith.constant 16 : index
        %parallel_loop3A_226 = tpu.vector_load %arg12[%parallel_loop3A_224, %parallel_loop3A_225] {strides = array<i32>} : memref<128x128xf32, #tpu.memory_space<vmem>>, vector<16xf32>,
        tpu.vector_store %arg12[%parallel_loop3A_224, %parallel_loop3A_225], %parallel_loop3A_223 {strides = array<i32>} : memref<128x128xf32, #tpu.memory_space<vmem>>, vector<16xf32>,
        %parallel_loop3A_227 = arith.mulf %parallel_loop3A_212, %parallel_loop3A_166 : vector<16xf32>
        %parallel_loop3A_228 = arith.mulf %parallel_loop3A_203, %parallel_loop3A_162 : vector<16xf32>
        %parallel_loop3A_229 = arith.addf %parallel_loop3A_227, %parallel_loop3A_228 : vector<16xf32>
        %parallel_loop3A_230 = arith.index_cast %parallel_loop3A_140 : i32 to index
        %parallel_loop3A_231 = arith.constant 16 : index
        %parallel_loop3A_232 = tpu.vector_load %arg13[%parallel_loop3A_230, %parallel_loop3A_231] {strides = array<i32>} : memref<128x128xf32, #tpu.memory_space<vmem>>, vector<16xf32>,
        tpu.vector_store %arg13[%parallel_loop3A_230, %parallel_loop3A_231], %parallel_loop3A_229 {strides = array<i32>} : memref<128x128xf32, #tpu.memory_space<vmem>>, vector<16xf32>,
        %parallel_loop3A_233 = arith.index_cast %parallel_loop3A_140 : i32 to index
        %parallel_loop3A_234 = arith.constant 32 : index
        %parallel_loop3A_235 = tpu.vector_load %arg16[%parallel_loop3A_233, %parallel_loop3A_234] {strides = array<i32>} : memref<128x128xf32, #tpu.memory_space<vmem>>, vector<16xf32>,
        %parallel_loop3A_236 = arith.mulf %parallel_loop3A_235, %parallel_loop3A_163 : vector<16xf32>
        %parallel_loop3A_237 = arith.index_cast %parallel_loop3A_140 : i32 to index
        %parallel_loop3A_238 = arith.constant 32 : index
        %parallel_loop3A_239 = tpu.vector_load %arg17[%parallel_loop3A_237, %parallel_loop3A_238] {strides = array<i32>} : memref<128x128xf32, #tpu.memory_space<vmem>>, vector<16xf32>,
        %parallel_loop3A_240 = arith.mulf %parallel_loop3A_239, %parallel_loop3A_163 : vector<16xf32>
        %parallel_loop3A_241 = arith.mulf %parallel_loop3A_236, %parallel_loop3A_236 : vector<16xf32>
        %parallel_loop3A_242 = arith.subf %parallel_loop3A_240, %parallel_loop3A_241 : vector<16xf32>
        %parallel_loop3A_243 = arith.index_cast %parallel_loop3A_140 : i32 to index
        %parallel_loop3A_244 = arith.constant 32 : index
        %parallel_loop3A_245 = tpu.vector_load %arg13[%parallel_loop3A_243, %parallel_loop3A_244] {strides = array<i32>} : memref<128x128xf32, #tpu.memory_space<vmem>>, vector<16xf32>,
        %parallel_loop3A_246 = arith.subf %parallel_loop3A_245, %parallel_loop3A_236 : vector<16xf32>
        %parallel_loop3A_247 = arith.index_cast %parallel_loop3A_140 : i32 to index
        %parallel_loop3A_248 = arith.constant 32 : index
        %parallel_loop3A_249 = tpu.vector_load %arg12[%parallel_loop3A_247, %parallel_loop3A_248] {strides = array<i32>} : memref<128x128xf32, #tpu.memory_space<vmem>>, vector<16xf32>,
        %parallel_loop3A_250 = arith.mulf %parallel_loop3A_249, %parallel_loop3A_166 : vector<16xf32>
        %parallel_loop3A_251 = arith.mulf %parallel_loop3A_242, %parallel_loop3A_162 : vector<16xf32>
        %parallel_loop3A_252 = arith.addf %parallel_loop3A_250, %parallel_loop3A_251 : vector<16xf32>
        %parallel_loop3A_253 = arith.mulf %parallel_loop3A_162, %parallel_loop3A_166 : vector<16xf32>
        %parallel_loop3A_254 = arith.mulf %parallel_loop3A_253, %parallel_loop3A_246 : vector<16xf32>
        %parallel_loop3A_255 = arith.mulf %parallel_loop3A_254, %parallel_loop3A_246 : vector<16xf32>
        %parallel_loop3A_256 = arith.addf %parallel_loop3A_252, %parallel_loop3A_255 : vector<16xf32>
        %parallel_loop3A_257 = arith.index_cast %parallel_loop3A_140 : i32 to index
        %parallel_loop3A_258 = arith.constant 32 : index
        %parallel_loop3A_259 = tpu.vector_load %arg12[%parallel_loop3A_257, %parallel_loop3A_258] {strides = array<i32>} : memref<128x128xf32, #tpu.memory_space<vmem>>, vector<16xf32>,
        tpu.vector_store %arg12[%parallel_loop3A_257, %parallel_loop3A_258], %parallel_loop3A_256 {strides = array<i32>} : memref<128x128xf32, #tpu.memory_space<vmem>>, vector<16xf32>,
        %parallel_loop3A_260 = arith.mulf %parallel_loop3A_245, %parallel_loop3A_166 : vector<16xf32>
        %parallel_loop3A_261 = arith.mulf %parallel_loop3A_236, %parallel_loop3A_162 : vector<16xf32>
        %parallel_loop3A_262 = arith.addf %parallel_loop3A_260, %parallel_loop3A_261 : vector<16xf32>
        %parallel_loop3A_263 = arith.index_cast %parallel_loop3A_140 : i32 to index
        %parallel_loop3A_264 = arith.constant 32 : index
        %parallel_loop3A_265 = tpu.vector_load %arg13[%parallel_loop3A_263, %parallel_loop3A_264] {strides = array<i32>} : memref<128x128xf32, #tpu.memory_space<vmem>>, vector<16xf32>,
        tpu.vector_store %arg13[%parallel_loop3A_263, %parallel_loop3A_264], %parallel_loop3A_262 {strides = array<i32>} : memref<128x128xf32, #tpu.memory_space<vmem>>, vector<16xf32>,
        %parallel_loop3A_266 = arith.index_cast %parallel_loop3A_140 : i32 to index
        %parallel_loop3A_267 = arith.constant 48 : index
        %parallel_loop3A_268 = tpu.vector_load %arg16[%parallel_loop3A_266, %parallel_loop3A_267] {strides = array<i32>} : memref<128x128xf32, #tpu.memory_space<vmem>>, vector<16xf32>,
        %parallel_loop3A_269 = arith.mulf %parallel_loop3A_268, %parallel_loop3A_163 : vector<16xf32>
        %parallel_loop3A_270 = arith.index_cast %parallel_loop3A_140 : i32 to index
        %parallel_loop3A_271 = arith.constant 48 : index
        %parallel_loop3A_272 = tpu.vector_load %arg17[%parallel_loop3A_270, %parallel_loop3A_271] {strides = array<i32>} : memref<128x128xf32, #tpu.memory_space<vmem>>, vector<16xf32>,
        %parallel_loop3A_273 = arith.mulf %parallel_loop3A_272, %parallel_loop3A_163 : vector<16xf32>
        %parallel_loop3A_274 = arith.mulf %parallel_loop3A_269, %parallel_loop3A_269 : vector<16xf32>
        %parallel_loop3A_275 = arith.subf %parallel_loop3A_273, %parallel_loop3A_274 : vector<16xf32>
        %parallel_loop3A_276 = arith.index_cast %parallel_loop3A_140 : i32 to index
        %parallel_loop3A_277 = arith.constant 48 : index
        %parallel_loop3A_278 = tpu.vector_load %arg13[%parallel_loop3A_276, %parallel_loop3A_277] {strides = array<i32>} : memref<128x128xf32, #tpu.memory_space<vmem>>, vector<16xf32>,
        %parallel_loop3A_279 = arith.subf %parallel_loop3A_278, %parallel_loop3A_269 : vector<16xf32>
        %parallel_loop3A_280 = arith.index_cast %parallel_loop3A_140 : i32 to index
        %parallel_loop3A_281 = arith.constant 48 : index
        %parallel_loop3A_282 = tpu.vector_load %arg12[%parallel_loop3A_280, %parallel_loop3A_281] {strides = array<i32>} : memref<128x128xf32, #tpu.memory_space<vmem>>, vector<16xf32>,
        %parallel_loop3A_283 = arith.mulf %parallel_loop3A_282, %parallel_loop3A_166 : vector<16xf32>
        %parallel_loop3A_284 = arith.mulf %parallel_loop3A_275, %parallel_loop3A_162 : vector<16xf32>
        %parallel_loop3A_285 = arith.addf %parallel_loop3A_283, %parallel_loop3A_284 : vector<16xf32>
        %parallel_loop3A_286 = arith.mulf %parallel_loop3A_162, %parallel_loop3A_166 : vector<16xf32>
        %parallel_loop3A_287 = arith.mulf %parallel_loop3A_286, %parallel_loop3A_279 : vector<16xf32>
        %parallel_loop3A_288 = arith.mulf %parallel_loop3A_287, %parallel_loop3A_279 : vector<16xf32>
        %parallel_loop3A_289 = arith.addf %parallel_loop3A_285, %parallel_loop3A_288 : vector<16xf32>
        %parallel_loop3A_290 = arith.index_cast %parallel_loop3A_140 : i32 to index
        %parallel_loop3A_291 = arith.constant 48 : index
        %parallel_loop3A_292 = tpu.vector_load %arg12[%parallel_loop3A_290, %parallel_loop3A_291] {strides = array<i32>} : memref<128x128xf32, #tpu.memory_space<vmem>>, vector<16xf32>,
        tpu.vector_store %arg12[%parallel_loop3A_290, %parallel_loop3A_291], %parallel_loop3A_289 {strides = array<i32>} : memref<128x128xf32, #tpu.memory_space<vmem>>, vector<16xf32>,
        %parallel_loop3A_293 = arith.mulf %parallel_loop3A_278, %parallel_loop3A_166 : vector<16xf32>
        %parallel_loop3A_294 = arith.mulf %parallel_loop3A_269, %parallel_loop3A_162 : vector<16xf32>
        %parallel_loop3A_295 = arith.addf %parallel_loop3A_293, %parallel_loop3A_294 : vector<16xf32>
        %parallel_loop3A_296 = arith.index_cast %parallel_loop3A_140 : i32 to index
        %parallel_loop3A_297 = arith.constant 48 : index
        %parallel_loop3A_298 = tpu.vector_load %arg13[%parallel_loop3A_296, %parallel_loop3A_297] {strides = array<i32>} : memref<128x128xf32, #tpu.memory_space<vmem>>, vector<16xf32>,
        tpu.vector_store %arg13[%parallel_loop3A_296, %parallel_loop3A_297], %parallel_loop3A_295 {strides = array<i32>} : memref<128x128xf32, #tpu.memory_space<vmem>>, vector<16xf32>,
        %parallel_loop3A_299 = arith.index_cast %parallel_loop3A_140 : i32 to index
        %parallel_loop3A_300 = arith.constant 64 : index
        %parallel_loop3A_301 = tpu.vector_load %arg16[%parallel_loop3A_299, %parallel_loop3A_300] {strides = array<i32>} : memref<128x128xf32, #tpu.memory_space<vmem>>, vector<16xf32>,
        %parallel_loop3A_302 = arith.mulf %parallel_loop3A_301, %parallel_loop3A_163 : vector<16xf32>
        %parallel_loop3A_303 = arith.index_cast %parallel_loop3A_140 : i32 to index
        %parallel_loop3A_304 = arith.constant 64 : index
        %parallel_loop3A_305 = tpu.vector_load %arg17[%parallel_loop3A_303, %parallel_loop3A_304] {strides = array<i32>} : memref<128x128xf32, #tpu.memory_space<vmem>>, vector<16xf32>,
        %parallel_loop3A_306 = arith.mulf %parallel_loop3A_305, %parallel_loop3A_163 : vector<16xf32>
        %parallel_loop3A_307 = arith.mulf %parallel_loop3A_302, %parallel_loop3A_302 : vector<16xf32>
        %parallel_loop3A_308 = arith.subf %parallel_loop3A_306, %parallel_loop3A_307 : vector<16xf32>
        %parallel_loop3A_309 = arith.index_cast %parallel_loop3A_140 : i32 to index
        %parallel_loop3A_310 = arith.constant 64 : index
        %parallel_loop3A_311 = tpu.vector_load %arg13[%parallel_loop3A_309, %parallel_loop3A_310] {strides = array<i32>} : memref<128x128xf32, #tpu.memory_space<vmem>>, vector<16xf32>,
        %parallel_loop3A_312 = arith.subf %parallel_loop3A_311, %parallel_loop3A_302 : vector<16xf32>
        %parallel_loop3A_313 = arith.index_cast %parallel_loop3A_140 : i32 to index
        %parallel_loop3A_314 = arith.constant 64 : index
        %parallel_loop3A_315 = tpu.vector_load %arg12[%parallel_loop3A_313, %parallel_loop3A_314] {strides = array<i32>} : memref<128x128xf32, #tpu.memory_space<vmem>>, vector<16xf32>,
        %parallel_loop3A_316 = arith.mulf %parallel_loop3A_315, %parallel_loop3A_166 : vector<16xf32>
        %parallel_loop3A_317 = arith.mulf %parallel_loop3A_308, %parallel_loop3A_162 : vector<16xf32>
        %parallel_loop3A_318 = arith.addf %parallel_loop3A_316, %parallel_loop3A_317 : vector<16xf32>
        %parallel_loop3A_319 = arith.mulf %parallel_loop3A_162, %parallel_loop3A_166 : vector<16xf32>
        %parallel_loop3A_320 = arith.mulf %parallel_loop3A_319, %parallel_loop3A_312 : vector<16xf32>
        %parallel_loop3A_321 = arith.mulf %parallel_loop3A_320, %parallel_loop3A_312 : vector<16xf32>
        %parallel_loop3A_322 = arith.addf %parallel_loop3A_318, %parallel_loop3A_321 : vector<16xf32>
        %parallel_loop3A_323 = arith.index_cast %parallel_loop3A_140 : i32 to index
        %parallel_loop3A_324 = arith.constant 64 : index
        %parallel_loop3A_325 = tpu.vector_load %arg12[%parallel_loop3A_323, %parallel_loop3A_324] {strides = array<i32>} : memref<128x128xf32, #tpu.memory_space<vmem>>, vector<16xf32>,
        tpu.vector_store %arg12[%parallel_loop3A_323, %parallel_loop3A_324], %parallel_loop3A_322 {strides = array<i32>} : memref<128x128xf32, #tpu.memory_space<vmem>>, vector<16xf32>,
        %parallel_loop3A_326 = arith.mulf %parallel_loop3A_311, %parallel_loop3A_166 : vector<16xf32>
        %parallel_loop3A_327 = arith.mulf %parallel_loop3A_302, %parallel_loop3A_162 : vector<16xf32>
        %parallel_loop3A_328 = arith.addf %parallel_loop3A_326, %parallel_loop3A_327 : vector<16xf32>
        %parallel_loop3A_329 = arith.index_cast %parallel_loop3A_140 : i32 to index
        %parallel_loop3A_330 = arith.constant 64 : index
        %parallel_loop3A_331 = tpu.vector_load %arg13[%parallel_loop3A_329, %parallel_loop3A_330] {strides = array<i32>} : memref<128x128xf32, #tpu.memory_space<vmem>>, vector<16xf32>,
        tpu.vector_store %arg13[%parallel_loop3A_329, %parallel_loop3A_330], %parallel_loop3A_328 {strides = array<i32>} : memref<128x128xf32, #tpu.memory_space<vmem>>, vector<16xf32>,
        %parallel_loop3A_332 = arith.index_cast %parallel_loop3A_140 : i32 to index
        %parallel_loop3A_333 = arith.constant 80 : index
        %parallel_loop3A_334 = tpu.vector_load %arg16[%parallel_loop3A_332, %parallel_loop3A_333] {strides = array<i32>} : memref<128x128xf32, #tpu.memory_space<vmem>>, vector<16xf32>,
        %parallel_loop3A_335 = arith.mulf %parallel_loop3A_334, %parallel_loop3A_163 : vector<16xf32>
        %parallel_loop3A_336 = arith.index_cast %parallel_loop3A_140 : i32 to index
        %parallel_loop3A_337 = arith.constant 80 : index
        %parallel_loop3A_338 = tpu.vector_load %arg17[%parallel_loop3A_336, %parallel_loop3A_337] {strides = array<i32>} : memref<128x128xf32, #tpu.memory_space<vmem>>, vector<16xf32>,
        %parallel_loop3A_339 = arith.mulf %parallel_loop3A_338, %parallel_loop3A_163 : vector<16xf32>
        %parallel_loop3A_340 = arith.mulf %parallel_loop3A_335, %parallel_loop3A_335 : vector<16xf32>
        %parallel_loop3A_341 = arith.subf %parallel_loop3A_339, %parallel_loop3A_340 : vector<16xf32>
        %parallel_loop3A_342 = arith.index_cast %parallel_loop3A_140 : i32 to index
        %parallel_loop3A_343 = arith.constant 80 : index
        %parallel_loop3A_344 = tpu.vector_load %arg13[%parallel_loop3A_342, %parallel_loop3A_343] {strides = array<i32>} : memref<128x128xf32, #tpu.memory_space<vmem>>, vector<16xf32>,
        %parallel_loop3A_345 = arith.subf %parallel_loop3A_344, %parallel_loop3A_335 : vector<16xf32>
        %parallel_loop3A_346 = arith.index_cast %parallel_loop3A_140 : i32 to index
        %parallel_loop3A_347 = arith.constant 80 : index
        %parallel_loop3A_348 = tpu.vector_load %arg12[%parallel_loop3A_346, %parallel_loop3A_347] {strides = array<i32>} : memref<128x128xf32, #tpu.memory_space<vmem>>, vector<16xf32>,
        %parallel_loop3A_349 = arith.mulf %parallel_loop3A_348, %parallel_loop3A_166 : vector<16xf32>
        %parallel_loop3A_350 = arith.mulf %parallel_loop3A_341, %parallel_loop3A_162 : vector<16xf32>
        %parallel_loop3A_351 = arith.addf %parallel_loop3A_349, %parallel_loop3A_350 : vector<16xf32>
        %parallel_loop3A_352 = arith.mulf %parallel_loop3A_162, %parallel_loop3A_166 : vector<16xf32>
        %parallel_loop3A_353 = arith.mulf %parallel_loop3A_352, %parallel_loop3A_345 : vector<16xf32>
        %parallel_loop3A_354 = arith.mulf %parallel_loop3A_353, %parallel_loop3A_345 : vector<16xf32>
        %parallel_loop3A_355 = arith.addf %parallel_loop3A_351, %parallel_loop3A_354 : vector<16xf32>
        %parallel_loop3A_356 = arith.index_cast %parallel_loop3A_140 : i32 to index
        %parallel_loop3A_357 = arith.constant 80 : index
        %parallel_loop3A_358 = tpu.vector_load %arg12[%parallel_loop3A_356, %parallel_loop3A_357] {strides = array<i32>} : memref<128x128xf32, #tpu.memory_space<vmem>>, vector<16xf32>,
        tpu.vector_store %arg12[%parallel_loop3A_356, %parallel_loop3A_357], %parallel_loop3A_355 {strides = array<i32>} : memref<128x128xf32, #tpu.memory_space<vmem>>, vector<16xf32>,
        %parallel_loop3A_359 = arith.mulf %parallel_loop3A_344, %parallel_loop3A_166 : vector<16xf32>
        %parallel_loop3A_360 = arith.mulf %parallel_loop3A_335, %parallel_loop3A_162 : vector<16xf32>
        %parallel_loop3A_361 = arith.addf %parallel_loop3A_359, %parallel_loop3A_360 : vector<16xf32>
        %parallel_loop3A_362 = arith.index_cast %parallel_loop3A_140 : i32 to index
        %parallel_loop3A_363 = arith.constant 80 : index
        %parallel_loop3A_364 = tpu.vector_load %arg13[%parallel_loop3A_362, %parallel_loop3A_363] {strides = array<i32>} : memref<128x128xf32, #tpu.memory_space<vmem>>, vector<16xf32>,
        tpu.vector_store %arg13[%parallel_loop3A_362, %parallel_loop3A_363], %parallel_loop3A_361 {strides = array<i32>} : memref<128x128xf32, #tpu.memory_space<vmem>>, vector<16xf32>,
        %parallel_loop3A_365 = arith.index_cast %parallel_loop3A_140 : i32 to index
        %parallel_loop3A_366 = arith.constant 96 : index
        %parallel_loop3A_367 = tpu.vector_load %arg16[%parallel_loop3A_365, %parallel_loop3A_366] {strides = array<i32>} : memref<128x128xf32, #tpu.memory_space<vmem>>, vector<16xf32>,
        %parallel_loop3A_368 = arith.mulf %parallel_loop3A_367, %parallel_loop3A_163 : vector<16xf32>
        %parallel_loop3A_369 = arith.index_cast %parallel_loop3A_140 : i32 to index
        %parallel_loop3A_370 = arith.constant 96 : index
        %parallel_loop3A_371 = tpu.vector_load %arg17[%parallel_loop3A_369, %parallel_loop3A_370] {strides = array<i32>} : memref<128x128xf32, #tpu.memory_space<vmem>>, vector<16xf32>,
        %parallel_loop3A_372 = arith.mulf %parallel_loop3A_371, %parallel_loop3A_163 : vector<16xf32>
        %parallel_loop3A_373 = arith.mulf %parallel_loop3A_368, %parallel_loop3A_368 : vector<16xf32>
        %parallel_loop3A_374 = arith.subf %parallel_loop3A_372, %parallel_loop3A_373 : vector<16xf32>
        %parallel_loop3A_375 = arith.index_cast %parallel_loop3A_140 : i32 to index
        %parallel_loop3A_376 = arith.constant 96 : index
        %parallel_loop3A_377 = tpu.vector_load %arg13[%parallel_loop3A_375, %parallel_loop3A_376] {strides = array<i32>} : memref<128x128xf32, #tpu.memory_space<vmem>>, vector<16xf32>,
        %parallel_loop3A_378 = arith.subf %parallel_loop3A_377, %parallel_loop3A_368 : vector<16xf32>
        %parallel_loop3A_379 = arith.index_cast %parallel_loop3A_140 : i32 to index
        %parallel_loop3A_380 = arith.constant 96 : index
        %parallel_loop3A_381 = tpu.vector_load %arg12[%parallel_loop3A_379, %parallel_loop3A_380] {strides = array<i32>} : memref<128x128xf32, #tpu.memory_space<vmem>>, vector<16xf32>,
        %parallel_loop3A_382 = arith.mulf %parallel_loop3A_381, %parallel_loop3A_166 : vector<16xf32>
        %parallel_loop3A_383 = arith.mulf %parallel_loop3A_374, %parallel_loop3A_162 : vector<16xf32>
        %parallel_loop3A_384 = arith.addf %parallel_loop3A_382, %parallel_loop3A_383 : vector<16xf32>
        %parallel_loop3A_385 = arith.mulf %parallel_loop3A_162, %parallel_loop3A_166 : vector<16xf32>
        %parallel_loop3A_386 = arith.mulf %parallel_loop3A_385, %parallel_loop3A_378 : vector<16xf32>
        %parallel_loop3A_387 = arith.mulf %parallel_loop3A_386, %parallel_loop3A_378 : vector<16xf32>
        %parallel_loop3A_388 = arith.addf %parallel_loop3A_384, %parallel_loop3A_387 : vector<16xf32>
        %parallel_loop3A_389 = arith.index_cast %parallel_loop3A_140 : i32 to index
        %parallel_loop3A_390 = arith.constant 96 : index
        %parallel_loop3A_391 = tpu.vector_load %arg12[%parallel_loop3A_389, %parallel_loop3A_390] {strides = array<i32>} : memref<128x128xf32, #tpu.memory_space<vmem>>, vector<16xf32>,
        tpu.vector_store %arg12[%parallel_loop3A_389, %parallel_loop3A_390], %parallel_loop3A_388 {strides = array<i32>} : memref<128x128xf32, #tpu.memory_space<vmem>>, vector<16xf32>,
        %parallel_loop3A_392 = arith.mulf %parallel_loop3A_377, %parallel_loop3A_166 : vector<16xf32>
        %parallel_loop3A_393 = arith.mulf %parallel_loop3A_368, %parallel_loop3A_162 : vector<16xf32>
        %parallel_loop3A_394 = arith.addf %parallel_loop3A_392, %parallel_loop3A_393 : vector<16xf32>
        %parallel_loop3A_395 = arith.index_cast %parallel_loop3A_140 : i32 to index
        %parallel_loop3A_396 = arith.constant 96 : index
        %parallel_loop3A_397 = tpu.vector_load %arg13[%parallel_loop3A_395, %parallel_loop3A_396] {strides = array<i32>} : memref<128x128xf32, #tpu.memory_space<vmem>>, vector<16xf32>,
        tpu.vector_store %arg13[%parallel_loop3A_395, %parallel_loop3A_396], %parallel_loop3A_394 {strides = array<i32>} : memref<128x128xf32, #tpu.memory_space<vmem>>, vector<16xf32>,
        %parallel_loop3A_398 = arith.index_cast %parallel_loop3A_140 : i32 to index
        %parallel_loop3A_399 = arith.constant 112 : index
        %parallel_loop3A_400 = tpu.vector_load %arg16[%parallel_loop3A_398, %parallel_loop3A_399] {strides = array<i32>} : memref<128x128xf32, #tpu.memory_space<vmem>>, vector<16xf32>,
        %parallel_loop3A_401 = arith.mulf %parallel_loop3A_400, %parallel_loop3A_163 : vector<16xf32>
        %parallel_loop3A_402 = arith.index_cast %parallel_loop3A_140 : i32 to index
        %parallel_loop3A_403 = arith.constant 112 : index
        %parallel_loop3A_404 = tpu.vector_load %arg17[%parallel_loop3A_402, %parallel_loop3A_403] {strides = array<i32>} : memref<128x128xf32, #tpu.memory_space<vmem>>, vector<16xf32>,
        %parallel_loop3A_405 = arith.mulf %parallel_loop3A_404, %parallel_loop3A_163 : vector<16xf32>
        %parallel_loop3A_406 = arith.mulf %parallel_loop3A_401, %parallel_loop3A_401 : vector<16xf32>
        %parallel_loop3A_407 = arith.subf %parallel_loop3A_405, %parallel_loop3A_406 : vector<16xf32>
        %parallel_loop3A_408 = arith.index_cast %parallel_loop3A_140 : i32 to index
        %parallel_loop3A_409 = arith.constant 112 : index
        %parallel_loop3A_410 = tpu.vector_load %arg13[%parallel_loop3A_408, %parallel_loop3A_409] {strides = array<i32>} : memref<128x128xf32, #tpu.memory_space<vmem>>, vector<16xf32>,
        %parallel_loop3A_411 = arith.subf %parallel_loop3A_410, %parallel_loop3A_401 : vector<16xf32>
        %parallel_loop3A_412 = arith.index_cast %parallel_loop3A_140 : i32 to index
        %parallel_loop3A_413 = arith.constant 112 : index
        %parallel_loop3A_414 = tpu.vector_load %arg12[%parallel_loop3A_412, %parallel_loop3A_413] {strides = array<i32>} : memref<128x128xf32, #tpu.memory_space<vmem>>, vector<16xf32>,
        %parallel_loop3A_415 = arith.mulf %parallel_loop3A_414, %parallel_loop3A_166 : vector<16xf32>
        %parallel_loop3A_416 = arith.mulf %parallel_loop3A_407, %parallel_loop3A_162 : vector<16xf32>
        %parallel_loop3A_417 = arith.addf %parallel_loop3A_415, %parallel_loop3A_416 : vector<16xf32>
        %parallel_loop3A_418 = arith.mulf %parallel_loop3A_162, %parallel_loop3A_166 : vector<16xf32>
        %parallel_loop3A_419 = arith.mulf %parallel_loop3A_418, %parallel_loop3A_411 : vector<16xf32>
        %parallel_loop3A_420 = arith.mulf %parallel_loop3A_419, %parallel_loop3A_411 : vector<16xf32>
        %parallel_loop3A_421 = arith.addf %parallel_loop3A_417, %parallel_loop3A_420 : vector<16xf32>
        %parallel_loop3A_422 = arith.index_cast %parallel_loop3A_140 : i32 to index
        %parallel_loop3A_423 = arith.constant 112 : index
        %parallel_loop3A_424 = tpu.vector_load %arg12[%parallel_loop3A_422, %parallel_loop3A_423] {strides = array<i32>} : memref<128x128xf32, #tpu.memory_space<vmem>>, vector<16xf32>,
        tpu.vector_store %arg12[%parallel_loop3A_422, %parallel_loop3A_423], %parallel_loop3A_421 {strides = array<i32>} : memref<128x128xf32, #tpu.memory_space<vmem>>, vector<16xf32>,
        %parallel_loop3A_425 = arith.mulf %parallel_loop3A_410, %parallel_loop3A_166 : vector<16xf32>
        %parallel_loop3A_426 = arith.mulf %parallel_loop3A_401, %parallel_loop3A_162 : vector<16xf32>
        %parallel_loop3A_427 = arith.addf %parallel_loop3A_425, %parallel_loop3A_426 : vector<16xf32>
        %parallel_loop3A_428 = arith.index_cast %parallel_loop3A_140 : i32 to index
        %parallel_loop3A_429 = arith.constant 112 : index
        %parallel_loop3A_430 = tpu.vector_load %arg13[%parallel_loop3A_428, %parallel_loop3A_429] {strides = array<i32>} : memref<128x128xf32, #tpu.memory_space<vmem>>, vector<16xf32>,
        tpu.vector_store %arg13[%parallel_loop3A_428, %parallel_loop3A_429], %parallel_loop3A_427 {strides = array<i32>} : memref<128x128xf32, #tpu.memory_space<vmem>>, vector<16xf32>,
      } else {
      }
    } {sc.loop_unroll_factor = 2 : i64, sc.parallel_access}
    %dma_start3A_69 = arith.constant 0 : i32
    %dma_start3A_70 = arith.constant 0 : i32
    %dma_start3A_71 = tpu.memref_slice %arg12[%dma_start3A_69, %dma_start3A_70] : memref<128x128xf32, #tpu.memory_space<vmem>> -> memref<64x128xf32, #tpu.memory_space<vmem>>
    %dma_start3A_72 = tpu.memref_slice %arg7[%min3A_22, %mul3A_24] : memref<1000x512xf32, #tpu.memory_space<hbm>> -> memref<64x128xf32, #tpu.memory_space<hbm>>
    %dma_start3A_73 = tpu.memref_slice %arg7[%min3A_22, %mul3A_24] : memref<1000x512xf32, #tpu.memory_space<hbm>> -> memref<64x128xf32, #tpu.memory_space<hbm>>
    %dma_start3A_74 = arith.constant 0 : i32
    %dma_start3A_75 = arith.constant 0 : i32
    %dma_start3A_76 = tpu.memref_slice %arg12[%dma_start3A_74, %dma_start3A_75] : memref<128x128xf32, #tpu.memory_space<vmem>> -> memref<64x128xf32, #tpu.memory_space<vmem>>
    tpu.enqueue_dma source(%dma_start3A_76 : memref<64x128xf32, #tpu.memory_space<vmem>>) target(%dma_start3A_73 : memref<64x128xf32, #tpu.memory_space<hbm>>) target_semaphore(%arg22 : memref<!tpu.dma_semaphore, #tpu.memory_space<semaphore_mem>>)
    %dma_start3A_77 = arith.constant 0 : i32
    %dma_start3A_78 = arith.constant 0 : i32
    %dma_start3A_79 = tpu.memref_slice %arg13[%dma_start3A_77, %dma_start3A_78] : memref<128x128xf32, #tpu.memory_space<vmem>> -> memref<64x128xf32, #tpu.memory_space<vmem>>
    %dma_start3A_80 = tpu.memref_slice %arg8[%min3A_22, %mul3A_24] : memref<1000x512xf32, #tpu.memory_space<hbm>> -> memref<64x128xf32, #tpu.memory_space<hbm>>
    %dma_start3A_81 = tpu.memref_slice %arg8[%min3A_22, %mul3A_24] : memref<1000x512xf32, #tpu.memory_space<hbm>> -> memref<64x128xf32, #tpu.memory_space<hbm>>
    %dma_start3A_82 = arith.constant 0 : i32
    %dma_start3A_83 = arith.constant 0 : i32
    %dma_start3A_84 = tpu.memref_slice %arg13[%dma_start3A_82, %dma_start3A_83] : memref<128x128xf32, #tpu.memory_space<vmem>> -> memref<64x128xf32, #tpu.memory_space<vmem>>
    tpu.enqueue_dma source(%dma_start3A_84 : memref<64x128xf32, #tpu.memory_space<vmem>>) target(%dma_start3A_81 : memref<64x128xf32, #tpu.memory_space<hbm>>) target_semaphore(%arg23 : memref<!tpu.dma_semaphore, #tpu.memory_space<semaphore_mem>>)
    %parallel_loop3A_85 = arith.constant 64 : i32
    %parallel_loop3A_86 = arith.constant 128 : i32
    %parallel_loop3A_87 = arith.constant 1 : i32
    scf.for %parallel_loop3A_140 = %parallel_loop3A_85 to %parallel_loop3A_86 step %parallel_loop3A_87  : i32 {
      %parallel_loop3A_141 = arith.index_cast %parallel_loop3A_140 : i32 to index
      %parallel_loop3A_142 = tpu.vector_load %arg15[%parallel_loop3A_141] {strides = array<i32>} : memref<144xf32, #tpu.memory_space<vmem>>, vector<16xf32>,
      %parallel_loop3A_143 = vector.extract_strided_slice %parallel_loop3A_142 {offsets = [0], sizes = [1], strides = [1]} : vector<16xf32> to vector<1xf32>
      %parallel_loop3A_144 = vector.extract %parallel_loop3A_143[0] : f32 from vector<1xf32>
      %parallel_loop3A_145 = arith.constant 0.000000e+00 : f32
      %parallel_loop3A_146 = arith.cmpf ogt, %parallel_loop3A_144, %parallel_loop3A_145 : f32
      %parallel_loop3A_147 = arith.extui %parallel_loop3A_146 : i1 to i32
      %parallel_loop3A_148 = arith.constant 0 : i32
      %parallel_loop3A_149 = arith.cmpi ne, %parallel_loop3A_147, %parallel_loop3A_148 : i32
      scf.if %parallel_loop3A_149 {
        %parallel_loop3A_150 = vector.broadcast %parallel_loop3A_144 : f32 to vector<16xf32>
        %parallel_loop3A_151 = arith.addf %parallel_loop3A_150, %broadcast_in_dim3A_38 : vector<16xf32>
        %parallel_loop3A_152 = arith.index_cast %parallel_loop3A_140 : i32 to index
        %parallel_loop3A_153 = tpu.vector_load %arg14[%parallel_loop3A_152] {strides = array<i32>} : memref<144xf32, #tpu.memory_space<vmem>>, vector<16xf32>,
        %parallel_loop3A_154 = vector.extract_strided_slice %parallel_loop3A_153 {offsets = [0], sizes = [1], strides = [1]} : vector<16xf32> to vector<1xf32>
        %parallel_loop3A_155 = vector.extract %parallel_loop3A_154[0] : f32 from vector<1xf32>
        %parallel_loop3A_156 = vector.broadcast %parallel_loop3A_155 : f32 to vector<16xf32>
        %parallel_loop3A_157 = arith.addf %parallel_loop3A_156, %broadcast_in_dim3A_38 : vector<16xf32>
        %parallel_loop3A_158 = arith.addf %parallel_loop3A_151, %parallel_loop3A_157 : vector<16xf32>
        %parallel_loop3A_159 = arith.divf %parallel_loop3A_151, %parallel_loop3A_158 : vector<16xf32>
        %parallel_loop3A_160 = arith.constant 2.000000e-01 : f32
        %parallel_loop3A_161 = vector.broadcast %parallel_loop3A_160 : f32 to vector<16xf32>
        %parallel_loop3A_162 = arith.maximumf %parallel_loop3A_159, %parallel_loop3A_161 : vector<16xf32>
        %parallel_loop3A_163 = arith.divf %broadcast_in_dim3A_40, %parallel_loop3A_151 : vector<16xf32>
        %parallel_loop3A_164 = arith.constant 1.000000e+00 : f32
        %parallel_loop3A_165 = vector.broadcast %parallel_loop3A_164 : f32 to vector<16xf32>
        %parallel_loop3A_166 = arith.subf %parallel_loop3A_165, %parallel_loop3A_162 : vector<16xf32>
        %parallel_loop3A_167 = arith.index_cast %parallel_loop3A_140 : i32 to index
        %parallel_loop3A_168 = arith.constant 0 : index
        %parallel_loop3A_169 = tpu.vector_load %arg16[%parallel_loop3A_167, %parallel_loop3A_168] {strides = array<i32>} : memref<128x128xf32, #tpu.memory_space<vmem>>, vector<16xf32>,
        %parallel_loop3A_170 = arith.mulf %parallel_loop3A_169, %parallel_loop3A_163 : vector<16xf32>
        %parallel_loop3A_171 = arith.index_cast %parallel_loop3A_140 : i32 to index
        %parallel_loop3A_172 = arith.constant 0 : index
        %parallel_loop3A_173 = tpu.vector_load %arg17[%parallel_loop3A_171, %parallel_loop3A_172] {strides = array<i32>} : memref<128x128xf32, #tpu.memory_space<vmem>>, vector<16xf32>,
        %parallel_loop3A_174 = arith.mulf %parallel_loop3A_173, %parallel_loop3A_163 : vector<16xf32>
        %parallel_loop3A_175 = arith.mulf %parallel_loop3A_170, %parallel_loop3A_170 : vector<16xf32>
        %parallel_loop3A_176 = arith.subf %parallel_loop3A_174, %parallel_loop3A_175 : vector<16xf32>
        %parallel_loop3A_177 = arith.index_cast %parallel_loop3A_140 : i32 to index
        %parallel_loop3A_178 = arith.constant 0 : index
        %parallel_loop3A_179 = tpu.vector_load %arg13[%parallel_loop3A_177, %parallel_loop3A_178] {strides = array<i32>} : memref<128x128xf32, #tpu.memory_space<vmem>>, vector<16xf32>,
        %parallel_loop3A_180 = arith.subf %parallel_loop3A_179, %parallel_loop3A_170 : vector<16xf32>
        %parallel_loop3A_181 = arith.index_cast %parallel_loop3A_140 : i32 to index
        %parallel_loop3A_182 = arith.constant 0 : index
        %parallel_loop3A_183 = tpu.vector_load %arg12[%parallel_loop3A_181, %parallel_loop3A_182] {strides = array<i32>} : memref<128x128xf32, #tpu.memory_space<vmem>>, vector<16xf32>,
        %parallel_loop3A_184 = arith.mulf %parallel_loop3A_183, %parallel_loop3A_166 : vector<16xf32>
        %parallel_loop3A_185 = arith.mulf %parallel_loop3A_176, %parallel_loop3A_162 : vector<16xf32>
        %parallel_loop3A_186 = arith.addf %parallel_loop3A_184, %parallel_loop3A_185 : vector<16xf32>
        %parallel_loop3A_187 = arith.mulf %parallel_loop3A_162, %parallel_loop3A_166 : vector<16xf32>
        %parallel_loop3A_188 = arith.mulf %parallel_loop3A_187, %parallel_loop3A_180 : vector<16xf32>
        %parallel_loop3A_189 = arith.mulf %parallel_loop3A_188, %parallel_loop3A_180 : vector<16xf32>
        %parallel_loop3A_190 = arith.addf %parallel_loop3A_186, %parallel_loop3A_189 : vector<16xf32>
        %parallel_loop3A_191 = arith.index_cast %parallel_loop3A_140 : i32 to index
        %parallel_loop3A_192 = arith.constant 0 : index
        %parallel_loop3A_193 = tpu.vector_load %arg12[%parallel_loop3A_191, %parallel_loop3A_192] {strides = array<i32>} : memref<128x128xf32, #tpu.memory_space<vmem>>, vector<16xf32>,
        tpu.vector_store %arg12[%parallel_loop3A_191, %parallel_loop3A_192], %parallel_loop3A_190 {strides = array<i32>} : memref<128x128xf32, #tpu.memory_space<vmem>>, vector<16xf32>,
        %parallel_loop3A_194 = arith.mulf %parallel_loop3A_179, %parallel_loop3A_166 : vector<16xf32>
        %parallel_loop3A_195 = arith.mulf %parallel_loop3A_170, %parallel_loop3A_162 : vector<16xf32>
        %parallel_loop3A_196 = arith.addf %parallel_loop3A_194, %parallel_loop3A_195 : vector<16xf32>
        %parallel_loop3A_197 = arith.index_cast %parallel_loop3A_140 : i32 to index
        %parallel_loop3A_198 = arith.constant 0 : index
        %parallel_loop3A_199 = tpu.vector_load %arg13[%parallel_loop3A_197, %parallel_loop3A_198] {strides = array<i32>} : memref<128x128xf32, #tpu.memory_space<vmem>>, vector<16xf32>,
        tpu.vector_store %arg13[%parallel_loop3A_197, %parallel_loop3A_198], %parallel_loop3A_196 {strides = array<i32>} : memref<128x128xf32, #tpu.memory_space<vmem>>, vector<16xf32>,
        %parallel_loop3A_200 = arith.index_cast %parallel_loop3A_140 : i32 to index
        %parallel_loop3A_201 = arith.constant 16 : index
        %parallel_loop3A_202 = tpu.vector_load %arg16[%parallel_loop3A_200, %parallel_loop3A_201] {strides = array<i32>} : memref<128x128xf32, #tpu.memory_space<vmem>>, vector<16xf32>,
        %parallel_loop3A_203 = arith.mulf %parallel_loop3A_202, %parallel_loop3A_163 : vector<16xf32>
        %parallel_loop3A_204 = arith.index_cast %parallel_loop3A_140 : i32 to index
        %parallel_loop3A_205 = arith.constant 16 : index
        %parallel_loop3A_206 = tpu.vector_load %arg17[%parallel_loop3A_204, %parallel_loop3A_205] {strides = array<i32>} : memref<128x128xf32, #tpu.memory_space<vmem>>, vector<16xf32>,
        %parallel_loop3A_207 = arith.mulf %parallel_loop3A_206, %parallel_loop3A_163 : vector<16xf32>
        %parallel_loop3A_208 = arith.mulf %parallel_loop3A_203, %parallel_loop3A_203 : vector<16xf32>
        %parallel_loop3A_209 = arith.subf %parallel_loop3A_207, %parallel_loop3A_208 : vector<16xf32>
        %parallel_loop3A_210 = arith.index_cast %parallel_loop3A_140 : i32 to index
        %parallel_loop3A_211 = arith.constant 16 : index
        %parallel_loop3A_212 = tpu.vector_load %arg13[%parallel_loop3A_210, %parallel_loop3A_211] {strides = array<i32>} : memref<128x128xf32, #tpu.memory_space<vmem>>, vector<16xf32>,
        %parallel_loop3A_213 = arith.subf %parallel_loop3A_212, %parallel_loop3A_203 : vector<16xf32>
        %parallel_loop3A_214 = arith.index_cast %parallel_loop3A_140 : i32 to index
        %parallel_loop3A_215 = arith.constant 16 : index
        %parallel_loop3A_216 = tpu.vector_load %arg12[%parallel_loop3A_214, %parallel_loop3A_215] {strides = array<i32>} : memref<128x128xf32, #tpu.memory_space<vmem>>, vector<16xf32>,
        %parallel_loop3A_217 = arith.mulf %parallel_loop3A_216, %parallel_loop3A_166 : vector<16xf32>
        %parallel_loop3A_218 = arith.mulf %parallel_loop3A_209, %parallel_loop3A_162 : vector<16xf32>
        %parallel_loop3A_219 = arith.addf %parallel_loop3A_217, %parallel_loop3A_218 : vector<16xf32>
        %parallel_loop3A_220 = arith.mulf %parallel_loop3A_162, %parallel_loop3A_166 : vector<16xf32>
        %parallel_loop3A_221 = arith.mulf %parallel_loop3A_220, %parallel_loop3A_213 : vector<16xf32>
        %parallel_loop3A_222 = arith.mulf %parallel_loop3A_221, %parallel_loop3A_213 : vector<16xf32>
        %parallel_loop3A_223 = arith.addf %parallel_loop3A_219, %parallel_loop3A_222 : vector<16xf32>
        %parallel_loop3A_224 = arith.index_cast %parallel_loop3A_140 : i32 to index
        %parallel_loop3A_225 = arith.constant 16 : index
        %parallel_loop3A_226 = tpu.vector_load %arg12[%parallel_loop3A_224, %parallel_loop3A_225] {strides = array<i32>} : memref<128x128xf32, #tpu.memory_space<vmem>>, vector<16xf32>,
        tpu.vector_store %arg12[%parallel_loop3A_224, %parallel_loop3A_225], %parallel_loop3A_223 {strides = array<i32>} : memref<128x128xf32, #tpu.memory_space<vmem>>, vector<16xf32>,
        %parallel_loop3A_227 = arith.mulf %parallel_loop3A_212, %parallel_loop3A_166 : vector<16xf32>
        %parallel_loop3A_228 = arith.mulf %parallel_loop3A_203, %parallel_loop3A_162 : vector<16xf32>
        %parallel_loop3A_229 = arith.addf %parallel_loop3A_227, %parallel_loop3A_228 : vector<16xf32>
        %parallel_loop3A_230 = arith.index_cast %parallel_loop3A_140 : i32 to index
        %parallel_loop3A_231 = arith.constant 16 : index
        %parallel_loop3A_232 = tpu.vector_load %arg13[%parallel_loop3A_230, %parallel_loop3A_231] {strides = array<i32>} : memref<128x128xf32, #tpu.memory_space<vmem>>, vector<16xf32>,
        tpu.vector_store %arg13[%parallel_loop3A_230, %parallel_loop3A_231], %parallel_loop3A_229 {strides = array<i32>} : memref<128x128xf32, #tpu.memory_space<vmem>>, vector<16xf32>,
        %parallel_loop3A_233 = arith.index_cast %parallel_loop3A_140 : i32 to index
        %parallel_loop3A_234 = arith.constant 32 : index
        %parallel_loop3A_235 = tpu.vector_load %arg16[%parallel_loop3A_233, %parallel_loop3A_234] {strides = array<i32>} : memref<128x128xf32, #tpu.memory_space<vmem>>, vector<16xf32>,
        %parallel_loop3A_236 = arith.mulf %parallel_loop3A_235, %parallel_loop3A_163 : vector<16xf32>
        %parallel_loop3A_237 = arith.index_cast %parallel_loop3A_140 : i32 to index
        %parallel_loop3A_238 = arith.constant 32 : index
        %parallel_loop3A_239 = tpu.vector_load %arg17[%parallel_loop3A_237, %parallel_loop3A_238] {strides = array<i32>} : memref<128x128xf32, #tpu.memory_space<vmem>>, vector<16xf32>,
        %parallel_loop3A_240 = arith.mulf %parallel_loop3A_239, %parallel_loop3A_163 : vector<16xf32>
        %parallel_loop3A_241 = arith.mulf %parallel_loop3A_236, %parallel_loop3A_236 : vector<16xf32>
        %parallel_loop3A_242 = arith.subf %parallel_loop3A_240, %parallel_loop3A_241 : vector<16xf32>
        %parallel_loop3A_243 = arith.index_cast %parallel_loop3A_140 : i32 to index
        %parallel_loop3A_244 = arith.constant 32 : index
        %parallel_loop3A_245 = tpu.vector_load %arg13[%parallel_loop3A_243, %parallel_loop3A_244] {strides = array<i32>} : memref<128x128xf32, #tpu.memory_space<vmem>>, vector<16xf32>,
        %parallel_loop3A_246 = arith.subf %parallel_loop3A_245, %parallel_loop3A_236 : vector<16xf32>
        %parallel_loop3A_247 = arith.index_cast %parallel_loop3A_140 : i32 to index
        %parallel_loop3A_248 = arith.constant 32 : index
        %parallel_loop3A_249 = tpu.vector_load %arg12[%parallel_loop3A_247, %parallel_loop3A_248] {strides = array<i32>} : memref<128x128xf32, #tpu.memory_space<vmem>>, vector<16xf32>,
        %parallel_loop3A_250 = arith.mulf %parallel_loop3A_249, %parallel_loop3A_166 : vector<16xf32>
        %parallel_loop3A_251 = arith.mulf %parallel_loop3A_242, %parallel_loop3A_162 : vector<16xf32>
        %parallel_loop3A_252 = arith.addf %parallel_loop3A_250, %parallel_loop3A_251 : vector<16xf32>
        %parallel_loop3A_253 = arith.mulf %parallel_loop3A_162, %parallel_loop3A_166 : vector<16xf32>
        %parallel_loop3A_254 = arith.mulf %parallel_loop3A_253, %parallel_loop3A_246 : vector<16xf32>
        %parallel_loop3A_255 = arith.mulf %parallel_loop3A_254, %parallel_loop3A_246 : vector<16xf32>
        %parallel_loop3A_256 = arith.addf %parallel_loop3A_252, %parallel_loop3A_255 : vector<16xf32>
        %parallel_loop3A_257 = arith.index_cast %parallel_loop3A_140 : i32 to index
        %parallel_loop3A_258 = arith.constant 32 : index
        %parallel_loop3A_259 = tpu.vector_load %arg12[%parallel_loop3A_257, %parallel_loop3A_258] {strides = array<i32>} : memref<128x128xf32, #tpu.memory_space<vmem>>, vector<16xf32>,
        tpu.vector_store %arg12[%parallel_loop3A_257, %parallel_loop3A_258], %parallel_loop3A_256 {strides = array<i32>} : memref<128x128xf32, #tpu.memory_space<vmem>>, vector<16xf32>,
        %parallel_loop3A_260 = arith.mulf %parallel_loop3A_245, %parallel_loop3A_166 : vector<16xf32>
        %parallel_loop3A_261 = arith.mulf %parallel_loop3A_236, %parallel_loop3A_162 : vector<16xf32>
        %parallel_loop3A_262 = arith.addf %parallel_loop3A_260, %parallel_loop3A_261 : vector<16xf32>
        %parallel_loop3A_263 = arith.index_cast %parallel_loop3A_140 : i32 to index
        %parallel_loop3A_264 = arith.constant 32 : index
        %parallel_loop3A_265 = tpu.vector_load %arg13[%parallel_loop3A_263, %parallel_loop3A_264] {strides = array<i32>} : memref<128x128xf32, #tpu.memory_space<vmem>>, vector<16xf32>,
        tpu.vector_store %arg13[%parallel_loop3A_263, %parallel_loop3A_264], %parallel_loop3A_262 {strides = array<i32>} : memref<128x128xf32, #tpu.memory_space<vmem>>, vector<16xf32>,
        %parallel_loop3A_266 = arith.index_cast %parallel_loop3A_140 : i32 to index
        %parallel_loop3A_267 = arith.constant 48 : index
        %parallel_loop3A_268 = tpu.vector_load %arg16[%parallel_loop3A_266, %parallel_loop3A_267] {strides = array<i32>} : memref<128x128xf32, #tpu.memory_space<vmem>>, vector<16xf32>,
        %parallel_loop3A_269 = arith.mulf %parallel_loop3A_268, %parallel_loop3A_163 : vector<16xf32>
        %parallel_loop3A_270 = arith.index_cast %parallel_loop3A_140 : i32 to index
        %parallel_loop3A_271 = arith.constant 48 : index
        %parallel_loop3A_272 = tpu.vector_load %arg17[%parallel_loop3A_270, %parallel_loop3A_271] {strides = array<i32>} : memref<128x128xf32, #tpu.memory_space<vmem>>, vector<16xf32>,
        %parallel_loop3A_273 = arith.mulf %parallel_loop3A_272, %parallel_loop3A_163 : vector<16xf32>
        %parallel_loop3A_274 = arith.mulf %parallel_loop3A_269, %parallel_loop3A_269 : vector<16xf32>
        %parallel_loop3A_275 = arith.subf %parallel_loop3A_273, %parallel_loop3A_274 : vector<16xf32>
        %parallel_loop3A_276 = arith.index_cast %parallel_loop3A_140 : i32 to index
        %parallel_loop3A_277 = arith.constant 48 : index
        %parallel_loop3A_278 = tpu.vector_load %arg13[%parallel_loop3A_276, %parallel_loop3A_277] {strides = array<i32>} : memref<128x128xf32, #tpu.memory_space<vmem>>, vector<16xf32>,
        %parallel_loop3A_279 = arith.subf %parallel_loop3A_278, %parallel_loop3A_269 : vector<16xf32>
        %parallel_loop3A_280 = arith.index_cast %parallel_loop3A_140 : i32 to index
        %parallel_loop3A_281 = arith.constant 48 : index
        %parallel_loop3A_282 = tpu.vector_load %arg12[%parallel_loop3A_280, %parallel_loop3A_281] {strides = array<i32>} : memref<128x128xf32, #tpu.memory_space<vmem>>, vector<16xf32>,
        %parallel_loop3A_283 = arith.mulf %parallel_loop3A_282, %parallel_loop3A_166 : vector<16xf32>
        %parallel_loop3A_284 = arith.mulf %parallel_loop3A_275, %parallel_loop3A_162 : vector<16xf32>
        %parallel_loop3A_285 = arith.addf %parallel_loop3A_283, %parallel_loop3A_284 : vector<16xf32>
        %parallel_loop3A_286 = arith.mulf %parallel_loop3A_162, %parallel_loop3A_166 : vector<16xf32>
        %parallel_loop3A_287 = arith.mulf %parallel_loop3A_286, %parallel_loop3A_279 : vector<16xf32>
        %parallel_loop3A_288 = arith.mulf %parallel_loop3A_287, %parallel_loop3A_279 : vector<16xf32>
        %parallel_loop3A_289 = arith.addf %parallel_loop3A_285, %parallel_loop3A_288 : vector<16xf32>
        %parallel_loop3A_290 = arith.index_cast %parallel_loop3A_140 : i32 to index
        %parallel_loop3A_291 = arith.constant 48 : index
        %parallel_loop3A_292 = tpu.vector_load %arg12[%parallel_loop3A_290, %parallel_loop3A_291] {strides = array<i32>} : memref<128x128xf32, #tpu.memory_space<vmem>>, vector<16xf32>,
        tpu.vector_store %arg12[%parallel_loop3A_290, %parallel_loop3A_291], %parallel_loop3A_289 {strides = array<i32>} : memref<128x128xf32, #tpu.memory_space<vmem>>, vector<16xf32>,
        %parallel_loop3A_293 = arith.mulf %parallel_loop3A_278, %parallel_loop3A_166 : vector<16xf32>
        %parallel_loop3A_294 = arith.mulf %parallel_loop3A_269, %parallel_loop3A_162 : vector<16xf32>
        %parallel_loop3A_295 = arith.addf %parallel_loop3A_293, %parallel_loop3A_294 : vector<16xf32>
        %parallel_loop3A_296 = arith.index_cast %parallel_loop3A_140 : i32 to index
        %parallel_loop3A_297 = arith.constant 48 : index
        %parallel_loop3A_298 = tpu.vector_load %arg13[%parallel_loop3A_296, %parallel_loop3A_297] {strides = array<i32>} : memref<128x128xf32, #tpu.memory_space<vmem>>, vector<16xf32>,
        tpu.vector_store %arg13[%parallel_loop3A_296, %parallel_loop3A_297], %parallel_loop3A_295 {strides = array<i32>} : memref<128x128xf32, #tpu.memory_space<vmem>>, vector<16xf32>,
        %parallel_loop3A_299 = arith.index_cast %parallel_loop3A_140 : i32 to index
        %parallel_loop3A_300 = arith.constant 64 : index
        %parallel_loop3A_301 = tpu.vector_load %arg16[%parallel_loop3A_299, %parallel_loop3A_300] {strides = array<i32>} : memref<128x128xf32, #tpu.memory_space<vmem>>, vector<16xf32>,
        %parallel_loop3A_302 = arith.mulf %parallel_loop3A_301, %parallel_loop3A_163 : vector<16xf32>
        %parallel_loop3A_303 = arith.index_cast %parallel_loop3A_140 : i32 to index
        %parallel_loop3A_304 = arith.constant 64 : index
        %parallel_loop3A_305 = tpu.vector_load %arg17[%parallel_loop3A_303, %parallel_loop3A_304] {strides = array<i32>} : memref<128x128xf32, #tpu.memory_space<vmem>>, vector<16xf32>,
        %parallel_loop3A_306 = arith.mulf %parallel_loop3A_305, %parallel_loop3A_163 : vector<16xf32>
        %parallel_loop3A_307 = arith.mulf %parallel_loop3A_302, %parallel_loop3A_302 : vector<16xf32>
        %parallel_loop3A_308 = arith.subf %parallel_loop3A_306, %parallel_loop3A_307 : vector<16xf32>
        %parallel_loop3A_309 = arith.index_cast %parallel_loop3A_140 : i32 to index
        %parallel_loop3A_310 = arith.constant 64 : index
        %parallel_loop3A_311 = tpu.vector_load %arg13[%parallel_loop3A_309, %parallel_loop3A_310] {strides = array<i32>} : memref<128x128xf32, #tpu.memory_space<vmem>>, vector<16xf32>,
        %parallel_loop3A_312 = arith.subf %parallel_loop3A_311, %parallel_loop3A_302 : vector<16xf32>
        %parallel_loop3A_313 = arith.index_cast %parallel_loop3A_140 : i32 to index
        %parallel_loop3A_314 = arith.constant 64 : index
        %parallel_loop3A_315 = tpu.vector_load %arg12[%parallel_loop3A_313, %parallel_loop3A_314] {strides = array<i32>} : memref<128x128xf32, #tpu.memory_space<vmem>>, vector<16xf32>,
        %parallel_loop3A_316 = arith.mulf %parallel_loop3A_315, %parallel_loop3A_166 : vector<16xf32>
        %parallel_loop3A_317 = arith.mulf %parallel_loop3A_308, %parallel_loop3A_162 : vector<16xf32>
        %parallel_loop3A_318 = arith.addf %parallel_loop3A_316, %parallel_loop3A_317 : vector<16xf32>
        %parallel_loop3A_319 = arith.mulf %parallel_loop3A_162, %parallel_loop3A_166 : vector<16xf32>
        %parallel_loop3A_320 = arith.mulf %parallel_loop3A_319, %parallel_loop3A_312 : vector<16xf32>
        %parallel_loop3A_321 = arith.mulf %parallel_loop3A_320, %parallel_loop3A_312 : vector<16xf32>
        %parallel_loop3A_322 = arith.addf %parallel_loop3A_318, %parallel_loop3A_321 : vector<16xf32>
        %parallel_loop3A_323 = arith.index_cast %parallel_loop3A_140 : i32 to index
        %parallel_loop3A_324 = arith.constant 64 : index
        %parallel_loop3A_325 = tpu.vector_load %arg12[%parallel_loop3A_323, %parallel_loop3A_324] {strides = array<i32>} : memref<128x128xf32, #tpu.memory_space<vmem>>, vector<16xf32>,
        tpu.vector_store %arg12[%parallel_loop3A_323, %parallel_loop3A_324], %parallel_loop3A_322 {strides = array<i32>} : memref<128x128xf32, #tpu.memory_space<vmem>>, vector<16xf32>,
        %parallel_loop3A_326 = arith.mulf %parallel_loop3A_311, %parallel_loop3A_166 : vector<16xf32>
        %parallel_loop3A_327 = arith.mulf %parallel_loop3A_302, %parallel_loop3A_162 : vector<16xf32>
        %parallel_loop3A_328 = arith.addf %parallel_loop3A_326, %parallel_loop3A_327 : vector<16xf32>
        %parallel_loop3A_329 = arith.index_cast %parallel_loop3A_140 : i32 to index
        %parallel_loop3A_330 = arith.constant 64 : index
        %parallel_loop3A_331 = tpu.vector_load %arg13[%parallel_loop3A_329, %parallel_loop3A_330] {strides = array<i32>} : memref<128x128xf32, #tpu.memory_space<vmem>>, vector<16xf32>,
        tpu.vector_store %arg13[%parallel_loop3A_329, %parallel_loop3A_330], %parallel_loop3A_328 {strides = array<i32>} : memref<128x128xf32, #tpu.memory_space<vmem>>, vector<16xf32>,
        %parallel_loop3A_332 = arith.index_cast %parallel_loop3A_140 : i32 to index
        %parallel_loop3A_333 = arith.constant 80 : index
        %parallel_loop3A_334 = tpu.vector_load %arg16[%parallel_loop3A_332, %parallel_loop3A_333] {strides = array<i32>} : memref<128x128xf32, #tpu.memory_space<vmem>>, vector<16xf32>,
        %parallel_loop3A_335 = arith.mulf %parallel_loop3A_334, %parallel_loop3A_163 : vector<16xf32>
        %parallel_loop3A_336 = arith.index_cast %parallel_loop3A_140 : i32 to index
        %parallel_loop3A_337 = arith.constant 80 : index
        %parallel_loop3A_338 = tpu.vector_load %arg17[%parallel_loop3A_336, %parallel_loop3A_337] {strides = array<i32>} : memref<128x128xf32, #tpu.memory_space<vmem>>, vector<16xf32>,
        %parallel_loop3A_339 = arith.mulf %parallel_loop3A_338, %parallel_loop3A_163 : vector<16xf32>
        %parallel_loop3A_340 = arith.mulf %parallel_loop3A_335, %parallel_loop3A_335 : vector<16xf32>
        %parallel_loop3A_341 = arith.subf %parallel_loop3A_339, %parallel_loop3A_340 : vector<16xf32>
        %parallel_loop3A_342 = arith.index_cast %parallel_loop3A_140 : i32 to index
        %parallel_loop3A_343 = arith.constant 80 : index
        %parallel_loop3A_344 = tpu.vector_load %arg13[%parallel_loop3A_342, %parallel_loop3A_343] {strides = array<i32>} : memref<128x128xf32, #tpu.memory_space<vmem>>, vector<16xf32>,
        %parallel_loop3A_345 = arith.subf %parallel_loop3A_344, %parallel_loop3A_335 : vector<16xf32>
        %parallel_loop3A_346 = arith.index_cast %parallel_loop3A_140 : i32 to index
        %parallel_loop3A_347 = arith.constant 80 : index
        %parallel_loop3A_348 = tpu.vector_load %arg12[%parallel_loop3A_346, %parallel_loop3A_347] {strides = array<i32>} : memref<128x128xf32, #tpu.memory_space<vmem>>, vector<16xf32>,
        %parallel_loop3A_349 = arith.mulf %parallel_loop3A_348, %parallel_loop3A_166 : vector<16xf32>
        %parallel_loop3A_350 = arith.mulf %parallel_loop3A_341, %parallel_loop3A_162 : vector<16xf32>
        %parallel_loop3A_351 = arith.addf %parallel_loop3A_349, %parallel_loop3A_350 : vector<16xf32>
        %parallel_loop3A_352 = arith.mulf %parallel_loop3A_162, %parallel_loop3A_166 : vector<16xf32>
        %parallel_loop3A_353 = arith.mulf %parallel_loop3A_352, %parallel_loop3A_345 : vector<16xf32>
        %parallel_loop3A_354 = arith.mulf %parallel_loop3A_353, %parallel_loop3A_345 : vector<16xf32>
        %parallel_loop3A_355 = arith.addf %parallel_loop3A_351, %parallel_loop3A_354 : vector<16xf32>
        %parallel_loop3A_356 = arith.index_cast %parallel_loop3A_140 : i32 to index
        %parallel_loop3A_357 = arith.constant 80 : index
        %parallel_loop3A_358 = tpu.vector_load %arg12[%parallel_loop3A_356, %parallel_loop3A_357] {strides = array<i32>} : memref<128x128xf32, #tpu.memory_space<vmem>>, vector<16xf32>,
        tpu.vector_store %arg12[%parallel_loop3A_356, %parallel_loop3A_357], %parallel_loop3A_355 {strides = array<i32>} : memref<128x128xf32, #tpu.memory_space<vmem>>, vector<16xf32>,
        %parallel_loop3A_359 = arith.mulf %parallel_loop3A_344, %parallel_loop3A_166 : vector<16xf32>
        %parallel_loop3A_360 = arith.mulf %parallel_loop3A_335, %parallel_loop3A_162 : vector<16xf32>
        %parallel_loop3A_361 = arith.addf %parallel_loop3A_359, %parallel_loop3A_360 : vector<16xf32>
        %parallel_loop3A_362 = arith.index_cast %parallel_loop3A_140 : i32 to index
        %parallel_loop3A_363 = arith.constant 80 : index
        %parallel_loop3A_364 = tpu.vector_load %arg13[%parallel_loop3A_362, %parallel_loop3A_363] {strides = array<i32>} : memref<128x128xf32, #tpu.memory_space<vmem>>, vector<16xf32>,
        tpu.vector_store %arg13[%parallel_loop3A_362, %parallel_loop3A_363], %parallel_loop3A_361 {strides = array<i32>} : memref<128x128xf32, #tpu.memory_space<vmem>>, vector<16xf32>,
        %parallel_loop3A_365 = arith.index_cast %parallel_loop3A_140 : i32 to index
        %parallel_loop3A_366 = arith.constant 96 : index
        %parallel_loop3A_367 = tpu.vector_load %arg16[%parallel_loop3A_365, %parallel_loop3A_366] {strides = array<i32>} : memref<128x128xf32, #tpu.memory_space<vmem>>, vector<16xf32>,
        %parallel_loop3A_368 = arith.mulf %parallel_loop3A_367, %parallel_loop3A_163 : vector<16xf32>
        %parallel_loop3A_369 = arith.index_cast %parallel_loop3A_140 : i32 to index
        %parallel_loop3A_370 = arith.constant 96 : index
        %parallel_loop3A_371 = tpu.vector_load %arg17[%parallel_loop3A_369, %parallel_loop3A_370] {strides = array<i32>} : memref<128x128xf32, #tpu.memory_space<vmem>>, vector<16xf32>,
        %parallel_loop3A_372 = arith.mulf %parallel_loop3A_371, %parallel_loop3A_163 : vector<16xf32>
        %parallel_loop3A_373 = arith.mulf %parallel_loop3A_368, %parallel_loop3A_368 : vector<16xf32>
        %parallel_loop3A_374 = arith.subf %parallel_loop3A_372, %parallel_loop3A_373 : vector<16xf32>
        %parallel_loop3A_375 = arith.index_cast %parallel_loop3A_140 : i32 to index
        %parallel_loop3A_376 = arith.constant 96 : index
        %parallel_loop3A_377 = tpu.vector_load %arg13[%parallel_loop3A_375, %parallel_loop3A_376] {strides = array<i32>} : memref<128x128xf32, #tpu.memory_space<vmem>>, vector<16xf32>,
        %parallel_loop3A_378 = arith.subf %parallel_loop3A_377, %parallel_loop3A_368 : vector<16xf32>
        %parallel_loop3A_379 = arith.index_cast %parallel_loop3A_140 : i32 to index
        %parallel_loop3A_380 = arith.constant 96 : index
        %parallel_loop3A_381 = tpu.vector_load %arg12[%parallel_loop3A_379, %parallel_loop3A_380] {strides = array<i32>} : memref<128x128xf32, #tpu.memory_space<vmem>>, vector<16xf32>,
        %parallel_loop3A_382 = arith.mulf %parallel_loop3A_381, %parallel_loop3A_166 : vector<16xf32>
        %parallel_loop3A_383 = arith.mulf %parallel_loop3A_374, %parallel_loop3A_162 : vector<16xf32>
        %parallel_loop3A_384 = arith.addf %parallel_loop3A_382, %parallel_loop3A_383 : vector<16xf32>
        %parallel_loop3A_385 = arith.mulf %parallel_loop3A_162, %parallel_loop3A_166 : vector<16xf32>
        %parallel_loop3A_386 = arith.mulf %parallel_loop3A_385, %parallel_loop3A_378 : vector<16xf32>
        %parallel_loop3A_387 = arith.mulf %parallel_loop3A_386, %parallel_loop3A_378 : vector<16xf32>
        %parallel_loop3A_388 = arith.addf %parallel_loop3A_384, %parallel_loop3A_387 : vector<16xf32>
        %parallel_loop3A_389 = arith.index_cast %parallel_loop3A_140 : i32 to index
        %parallel_loop3A_390 = arith.constant 96 : index
        %parallel_loop3A_391 = tpu.vector_load %arg12[%parallel_loop3A_389, %parallel_loop3A_390] {strides = array<i32>} : memref<128x128xf32, #tpu.memory_space<vmem>>, vector<16xf32>,
        tpu.vector_store %arg12[%parallel_loop3A_389, %parallel_loop3A_390], %parallel_loop3A_388 {strides = array<i32>} : memref<128x128xf32, #tpu.memory_space<vmem>>, vector<16xf32>,
        %parallel_loop3A_392 = arith.mulf %parallel_loop3A_377, %parallel_loop3A_166 : vector<16xf32>
        %parallel_loop3A_393 = arith.mulf %parallel_loop3A_368, %parallel_loop3A_162 : vector<16xf32>
        %parallel_loop3A_394 = arith.addf %parallel_loop3A_392, %parallel_loop3A_393 : vector<16xf32>
        %parallel_loop3A_395 = arith.index_cast %parallel_loop3A_140 : i32 to index
        %parallel_loop3A_396 = arith.constant 96 : index
        %parallel_loop3A_397 = tpu.vector_load %arg13[%parallel_loop3A_395, %parallel_loop3A_396] {strides = array<i32>} : memref<128x128xf32, #tpu.memory_space<vmem>>, vector<16xf32>,
        tpu.vector_store %arg13[%parallel_loop3A_395, %parallel_loop3A_396], %parallel_loop3A_394 {strides = array<i32>} : memref<128x128xf32, #tpu.memory_space<vmem>>, vector<16xf32>,
        %parallel_loop3A_398 = arith.index_cast %parallel_loop3A_140 : i32 to index
        %parallel_loop3A_399 = arith.constant 112 : index
        %parallel_loop3A_400 = tpu.vector_load %arg16[%parallel_loop3A_398, %parallel_loop3A_399] {strides = array<i32>} : memref<128x128xf32, #tpu.memory_space<vmem>>, vector<16xf32>,
        %parallel_loop3A_401 = arith.mulf %parallel_loop3A_400, %parallel_loop3A_163 : vector<16xf32>
        %parallel_loop3A_402 = arith.index_cast %parallel_loop3A_140 : i32 to index
        %parallel_loop3A_403 = arith.constant 112 : index
        %parallel_loop3A_404 = tpu.vector_load %arg17[%parallel_loop3A_402, %parallel_loop3A_403] {strides = array<i32>} : memref<128x128xf32, #tpu.memory_space<vmem>>, vector<16xf32>,
        %parallel_loop3A_405 = arith.mulf %parallel_loop3A_404, %parallel_loop3A_163 : vector<16xf32>
        %parallel_loop3A_406 = arith.mulf %parallel_loop3A_401, %parallel_loop3A_401 : vector<16xf32>
        %parallel_loop3A_407 = arith.subf %parallel_loop3A_405, %parallel_loop3A_406 : vector<16xf32>
        %parallel_loop3A_408 = arith.index_cast %parallel_loop3A_140 : i32 to index
        %parallel_loop3A_409 = arith.constant 112 : index
        %parallel_loop3A_410 = tpu.vector_load %arg13[%parallel_loop3A_408, %parallel_loop3A_409] {strides = array<i32>} : memref<128x128xf32, #tpu.memory_space<vmem>>, vector<16xf32>,
        %parallel_loop3A_411 = arith.subf %parallel_loop3A_410, %parallel_loop3A_401 : vector<16xf32>
        %parallel_loop3A_412 = arith.index_cast %parallel_loop3A_140 : i32 to index
        %parallel_loop3A_413 = arith.constant 112 : index
        %parallel_loop3A_414 = tpu.vector_load %arg12[%parallel_loop3A_412, %parallel_loop3A_413] {strides = array<i32>} : memref<128x128xf32, #tpu.memory_space<vmem>>, vector<16xf32>,
        %parallel_loop3A_415 = arith.mulf %parallel_loop3A_414, %parallel_loop3A_166 : vector<16xf32>
        %parallel_loop3A_416 = arith.mulf %parallel_loop3A_407, %parallel_loop3A_162 : vector<16xf32>
        %parallel_loop3A_417 = arith.addf %parallel_loop3A_415, %parallel_loop3A_416 : vector<16xf32>
        %parallel_loop3A_418 = arith.mulf %parallel_loop3A_162, %parallel_loop3A_166 : vector<16xf32>
        %parallel_loop3A_419 = arith.mulf %parallel_loop3A_418, %parallel_loop3A_411 : vector<16xf32>
        %parallel_loop3A_420 = arith.mulf %parallel_loop3A_419, %parallel_loop3A_411 : vector<16xf32>
        %parallel_loop3A_421 = arith.addf %parallel_loop3A_417, %parallel_loop3A_420 : vector<16xf32>
        %parallel_loop3A_422 = arith.index_cast %parallel_loop3A_140 : i32 to index
        %parallel_loop3A_423 = arith.constant 112 : index
        %parallel_loop3A_424 = tpu.vector_load %arg12[%parallel_loop3A_422, %parallel_loop3A_423] {strides = array<i32>} : memref<128x128xf32, #tpu.memory_space<vmem>>, vector<16xf32>,
        tpu.vector_store %arg12[%parallel_loop3A_422, %parallel_loop3A_423], %parallel_loop3A_421 {strides = array<i32>} : memref<128x128xf32, #tpu.memory_space<vmem>>, vector<16xf32>,
        %parallel_loop3A_425 = arith.mulf %parallel_loop3A_410, %parallel_loop3A_166 : vector<16xf32>
        %parallel_loop3A_426 = arith.mulf %parallel_loop3A_401, %parallel_loop3A_162 : vector<16xf32>
        %parallel_loop3A_427 = arith.addf %parallel_loop3A_425, %parallel_loop3A_426 : vector<16xf32>
        %parallel_loop3A_428 = arith.index_cast %parallel_loop3A_140 : i32 to index
        %parallel_loop3A_429 = arith.constant 112 : index
        %parallel_loop3A_430 = tpu.vector_load %arg13[%parallel_loop3A_428, %parallel_loop3A_429] {strides = array<i32>} : memref<128x128xf32, #tpu.memory_space<vmem>>, vector<16xf32>,
        tpu.vector_store %arg13[%parallel_loop3A_428, %parallel_loop3A_429], %parallel_loop3A_427 {strides = array<i32>} : memref<128x128xf32, #tpu.memory_space<vmem>>, vector<16xf32>,
      } else {
      }
    } {sc.loop_unroll_factor = 2 : i64, sc.parallel_access}
    %add3A_88 = arith.constant 64 : i32
    %add3A_89 = arith.addi %min3A_22, %add3A_88 : i32
    %dma_start3A_90 = arith.constant 64 : i32
    %dma_start3A_91 = arith.constant 0 : i32
    %dma_start3A_92 = tpu.memref_slice %arg12[%dma_start3A_90, %dma_start3A_91] : memref<128x128xf32, #tpu.memory_space<vmem>> -> memref<64x128xf32, #tpu.memory_space<vmem>>
    %dma_start3A_93 = tpu.memref_slice %arg7[%add3A_89, %mul3A_24] : memref<1000x512xf32, #tpu.memory_space<hbm>> -> memref<64x128xf32, #tpu.memory_space<hbm>>
    %dma_start3A_94 = tpu.memref_slice %arg7[%add3A_89, %mul3A_24] : memref<1000x512xf32, #tpu.memory_space<hbm>> -> memref<64x128xf32, #tpu.memory_space<hbm>>
    %dma_start3A_95 = arith.constant 64 : i32
    %dma_start3A_96 = arith.constant 0 : i32
    %dma_start3A_97 = tpu.memref_slice %arg12[%dma_start3A_95, %dma_start3A_96] : memref<128x128xf32, #tpu.memory_space<vmem>> -> memref<64x128xf32, #tpu.memory_space<vmem>>
    tpu.enqueue_dma source(%dma_start3A_97 : memref<64x128xf32, #tpu.memory_space<vmem>>) target(%dma_start3A_94 : memref<64x128xf32, #tpu.memory_space<hbm>>) target_semaphore(%arg22 : memref<!tpu.dma_semaphore, #tpu.memory_space<semaphore_mem>>)
    %add3A_98 = arith.constant 64 : i32
    %add3A_99 = arith.addi %min3A_22, %add3A_98 : i32
    %dma_start3A_100 = arith.constant 64 : i32
    %dma_start3A_101 = arith.constant 0 : i32
    %dma_start3A_102 = tpu.memref_slice %arg13[%dma_start3A_100, %dma_start3A_101] : memref<128x128xf32, #tpu.memory_space<vmem>> -> memref<64x128xf32, #tpu.memory_space<vmem>>
    %dma_start3A_103 = tpu.memref_slice %arg8[%add3A_99, %mul3A_24] : memref<1000x512xf32, #tpu.memory_space<hbm>> -> memref<64x128xf32, #tpu.memory_space<hbm>>
    %dma_start3A_104 = tpu.memref_slice %arg8[%add3A_99, %mul3A_24] : memref<1000x512xf32, #tpu.memory_space<hbm>> -> memref<64x128xf32, #tpu.memory_space<hbm>>
    %dma_start3A_105 = arith.constant 64 : i32
    %dma_start3A_106 = arith.constant 0 : i32
    %dma_start3A_107 = tpu.memref_slice %arg13[%dma_start3A_105, %dma_start3A_106] : memref<128x128xf32, #tpu.memory_space<vmem>> -> memref<64x128xf32, #tpu.memory_space<vmem>>
    tpu.enqueue_dma source(%dma_start3A_107 : memref<64x128xf32, #tpu.memory_space<vmem>>) target(%dma_start3A_104 : memref<64x128xf32, #tpu.memory_space<hbm>>) target_semaphore(%arg23 : memref<!tpu.dma_semaphore, #tpu.memory_space<semaphore_mem>>)
    %dma_wait3A_108 = arith.constant 0 : i32
    %dma_wait3A_109 = arith.constant 0 : i32
    %dma_wait3A_110 = tpu.memref_slice %arg12[%dma_wait3A_108, %dma_wait3A_109] : memref<128x128xf32, #tpu.memory_space<vmem>> -> memref<64x128xf32, #tpu.memory_space<vmem>>
    %dma_wait3A_111 = tpu.memref_slice %arg7[%min3A_22, %mul3A_24] : memref<1000x512xf32, #tpu.memory_space<hbm>> -> memref<64x128xf32, #tpu.memory_space<hbm>>
    %dma_wait3A_112 = tpu.memref_slice %arg7[%min3A_22, %mul3A_24] : memref<1000x512xf32, #tpu.memory_space<hbm>> -> memref<64x128xf32, #tpu.memory_space<hbm>>
    %dma_wait3A_113 = arith.constant 0 : i32
    %dma_wait3A_114 = arith.constant 0 : i32
    %dma_wait3A_115 = tpu.memref_slice %arg12[%dma_wait3A_113, %dma_wait3A_114] : memref<128x128xf32, #tpu.memory_space<vmem>> -> memref<64x128xf32, #tpu.memory_space<vmem>>
    tpu.wait_dma2 semaphore(%arg22 : memref<!tpu.dma_semaphore, #tpu.memory_space<semaphore_mem>>) src(%dma_wait3A_115 : memref<64x128xf32, #tpu.memory_space<vmem>>) dst(%dma_wait3A_112 : memref<64x128xf32, #tpu.memory_space<hbm>>)
    %dma_wait3A_116 = arith.constant 0 : i32
    %dma_wait3A_117 = arith.constant 0 : i32
    %dma_wait3A_118 = tpu.memref_slice %arg13[%dma_wait3A_116, %dma_wait3A_117] : memref<128x128xf32, #tpu.memory_space<vmem>> -> memref<64x128xf32, #tpu.memory_space<vmem>>
    %dma_wait3A_119 = tpu.memref_slice %arg8[%min3A_22, %mul3A_24] : memref<1000x512xf32, #tpu.memory_space<hbm>> -> memref<64x128xf32, #tpu.memory_space<hbm>>
    %dma_wait3A_120 = tpu.memref_slice %arg8[%min3A_22, %mul3A_24] : memref<1000x512xf32, #tpu.memory_space<hbm>> -> memref<64x128xf32, #tpu.memory_space<hbm>>
    %dma_wait3A_121 = arith.constant 0 : i32
    %dma_wait3A_122 = arith.constant 0 : i32
    %dma_wait3A_123 = tpu.memref_slice %arg13[%dma_wait3A_121, %dma_wait3A_122] : memref<128x128xf32, #tpu.memory_space<vmem>> -> memref<64x128xf32, #tpu.memory_space<vmem>>
    tpu.wait_dma2 semaphore(%arg23 : memref<!tpu.dma_semaphore, #tpu.memory_space<semaphore_mem>>) src(%dma_wait3A_123 : memref<64x128xf32, #tpu.memory_space<vmem>>) dst(%dma_wait3A_120 : memref<64x128xf32, #tpu.memory_space<hbm>>)
    %dma_wait3A_124 = arith.constant 64 : i32
    %dma_wait3A_125 = arith.constant 0 : i32
    %dma_wait3A_126 = tpu.memref_slice %arg12[%dma_wait3A_124, %dma_wait3A_125] : memref<128x128xf32, #tpu.memory_space<vmem>> -> memref<64x128xf32, #tpu.memory_space<vmem>>
    %dma_wait3A_127 = tpu.memref_slice %arg7[%add3A_89, %mul3A_24] : memref<1000x512xf32, #tpu.memory_space<hbm>> -> memref<64x128xf32, #tpu.memory_space<hbm>>
    %dma_wait3A_128 = tpu.memref_slice %arg7[%add3A_89, %mul3A_24] : memref<1000x512xf32, #tpu.memory_space<hbm>> -> memref<64x128xf32, #tpu.memory_space<hbm>>
    %dma_wait3A_129 = arith.constant 64 : i32
    %dma_wait3A_130 = arith.constant 0 : i32
    %dma_wait3A_131 = tpu.memref_slice %arg12[%dma_wait3A_129, %dma_wait3A_130] : memref<128x128xf32, #tpu.memory_space<vmem>> -> memref<64x128xf32, #tpu.memory_space<vmem>>
    tpu.wait_dma2 semaphore(%arg22 : memref<!tpu.dma_semaphore, #tpu.memory_space<semaphore_mem>>) src(%dma_wait3A_131 : memref<64x128xf32, #tpu.memory_space<vmem>>) dst(%dma_wait3A_128 : memref<64x128xf32, #tpu.memory_space<hbm>>)
    %dma_wait3A_132 = arith.constant 64 : i32
    %dma_wait3A_133 = arith.constant 0 : i32
    %dma_wait3A_134 = tpu.memref_slice %arg13[%dma_wait3A_132, %dma_wait3A_133] : memref<128x128xf32, #tpu.memory_space<vmem>> -> memref<64x128xf32, #tpu.memory_space<vmem>>
    %dma_wait3A_135 = tpu.memref_slice %arg8[%add3A_99, %mul3A_24] : memref<1000x512xf32, #tpu.memory_space<hbm>> -> memref<64x128xf32, #tpu.memory_space<hbm>>
    %dma_wait3A_136 = tpu.memref_slice %arg8[%add3A_99, %mul3A_24] : memref<1000x512xf32, #tpu.memory_space<hbm>> -> memref<64x128xf32, #tpu.memory_space<hbm>>
    %dma_wait3A_137 = arith.constant 64 : i32
    %dma_wait3A_138 = arith.constant 0 : i32
    %dma_wait3A_139 = tpu.memref_slice %arg13[%dma_wait3A_137, %dma_wait3A_138] : memref<128x128xf32, #tpu.memory_space<vmem>> -> memref<64x128xf32, #tpu.memory_space<vmem>>
    tpu.wait_dma2 semaphore(%arg23 : memref<!tpu.dma_semaphore, #tpu.memory_space<semaphore_mem>>) src(%dma_wait3A_139 : memref<64x128xf32, #tpu.memory_space<vmem>>) dst(%dma_wait3A_136 : memref<64x128xf32, #tpu.memory_space<hbm>>)
    return
  }
}

</mosaic_0001>

<sc_bundles>
// kernel: kernel.3.cloned.1.call-start
scs
__scs_entry_jumppad:
0x0: {  	(pc) =	sbr.rel $0x88, $3  }
0x1: {  	(tag) =	ssettag $0x0;
	lr =	simm.s32 $0x1  }
0x2: {  	[smem:$0x3F9C] =	sst lr;
	_ =	strace $0xD0000000  }
0x3: {  	_ = 	snop  }
0x4: {  	_ = 	snop  }
0x5: {  	_ = 	snop  }
0x6: {  	_ = 	snop  }
0x7: {  	_ = 	snop  }
__scs_overlays_trampoline_lowered:
0x8: {  	[smem:$0x3FAB] =	sst s0  }
0x9: {  	[smem:$0x3FAC] =	sst s1  }
0xa: {  	[smem:$0x3FAD] =	sst s2  }
0xb: {  	[smem:$0x3FAE] =	sst s3  }
0xc: {  	[smem:$0x3FAF] =	sst s4  }
0xd: {  	[smem:$0x3FB0] =	sst s5  }
0xe: {  	[smem:$0x3FB1] =	sst s6  }
0xf: {  	[smem:$0x3FB2] =	sst s7  }
0x10: {  	[smem:$0x3FB3] =	sst s8  }
0x11: {  	[smem:$0x3FB4] =	sst s9;
	s0 =	simm.s32 @!p0 $0x0  }
0x12: {  	s1 =	sld [smem:$0x3F9A];
	s0 =	simm.s32 @p0 $0x1  }
0x13: {  	[smem:$0x3FB5] =	sst s0;
	s0 =	simm.s32 @!p1 $0x0  }
0x14: {  	s2 =	sld [smem:$0x3F99];
	s0 =	simm.s32 @p1 $0x1  }
0x15: {  	[smem:$0x3FB6] =	sst s0;
	s0 =	simm.s32 @!p2 $0x0  }
0x16: {  	s3 =	sld [smem:$0x3FDB];
	s0 =	simm.s32 @p2 $0x1  }
0x17: {  	s4 =	simm.s32 $0x1BF5;
	[smem:$0x3FB8] =	sst s0  }
0x18: {  	s0 =	sld [smem:$0x3F9B];
	_ =	swait.ge [sflag:s4], $0x0  }
0x19: {  	s7 =	sld [smem:$0x3F9C]  }
0x1a: {  	s8 =	sadd.s32 $0xFFFFE003, lr  }
0x1b: {  	s9 =	sadd.s32 $0xFFFFFEF7, lr;
	s5 =	simm.s32 $0xFFFFFFFF;
	p2 =	slt.u32 s8, $0xFFFFF086  }
0x1c: {  	p1 =	slt.u32 s9, $0xF7A;
	s5 =	simm.s32 @!p2 $0x0  }
0x1d: {  	s5 =	simm.s32 @p1 $0x1;
	p0 =	seq.s32 s7, s2  }
0x1e: {  	s7 =	smul.u32 @!p0 $0xF7A, s2;
	p2 =	seq.s32 @!p0 s5, $0x0  }
0x1f: {  	s9 =	smul.u32 $0xF7A, s1;
	s8 =	simm.s32 @!p0 $0x1BF5;
	p2 =	por !p2, p0  }
0x20: {  	[sflag:s8] =	ssyncset.s32 @!p0 $0xFFFFF086;
	s6 =	sadd.s32 @!p0 s3, s7;
	s7 =	simm.s32 @!p0 $0x108  }
0x21: {  	s3 =	sadd.s32 s3, s9;
	s6 =	sadd.s32 @!p0 $0x88, s6;
	s7 =	simm.s32 @p2 $0x1082  }
0x22: {  	[simem:s7], [sflag:s8] =	dma.local @!p0 [hbm:s6], $0xF7A  }
0x23: {  	s9 =	sor.u32 $0xD0000000, s2;
	s6 =	simm.s32 $0x108;
	_ =	swait.ge @!p0 [sflag:s8], $0x0  }
0x24: {  	s3 =	sadd.s32 $0x88, s3;
	s6 =	simm.s32 @!p1 $0x1082;
	[sflag:s4] =	ssyncset.s32 $0xFFFFF086  }
0x25: {  	[simem:s6], [sflag:s4] =	dma.local [hbm:s3], $0xF7A  }
0x26: {  	[smem:$0x3F9C] =	sst s1;
	(tag) =	ssettag s2;
	_ =	strace s9  }
0x27: {  	s1 =	sld [smem:$0x3FAC]  }
0x28: {  	s2 =	sld [smem:$0x3FAD]  }
0x29: {  	s4 =	sld [smem:$0x3FAF]  }
0x2a: {  	p0 =	seq.s32 s5, $0x0;
	s5 =	sld [smem:$0x3FB0]  }
0x2b: {  	s6 =	sld [smem:$0x3FB1]  }
0x2c: {  	s7 =	sld [smem:$0x3FB2]  }
0x2d: {  	s3 =	simm.s32 $0x108;
	s8 =	sld [smem:$0x3FB3]  }
0x2e: {  	s3 =	simm.s32 @!p0 $0x1082;
	s9 =	sld [smem:$0x3FB4]  }
0x2f: {  	lr =	sadd.s32 s0, s3;
	s0 =	sld [smem:$0x3FAB]  }
0x30: {  	s3 =	sld [smem:$0x3FAE]  }
0x31: {  	[smem:$0x3FB7] =	sst s10  }
0x32: {  	s10 =	sld [smem:$0x3FB5];
	_ =	sdelay $0x3  }
0x33: {  	p0 =	seq.s32 s10, $0x1;
	s10 =	sld [smem:$0x3FB7];
	_ =	sdelay $0x3  }
0x34: {  	[smem:$0x3FB7] =	sst s10  }
0x35: {  	s10 =	sld [smem:$0x3FB6];
	_ =	sdelay $0x3  }
0x36: {  	p1 =	seq.s32 s10, $0x1;
	s10 =	sld [smem:$0x3FB7];
	_ =	sdelay $0x3  }
0x37: {  	[smem:$0x3FB7] =	sst s10  }
0x38: {  	s10 =	sld [smem:$0x3FB8]  }
0x39: {  	_ = 	snop;
	(pc) =	sbr.ind lr, $3  }
0x3a: {  	_ = 	snop  }
0x3b: {  	_ = 	snop  }
0x3c: {  	p2 =	seq.s32 s10, $0x1;
	s10 =	sld [smem:$0x3FB7]  }
0x3d: {  	_ =	shalt  }
0x3e: {  	_ =	shalt  }
0x3f: {  	_ =	shalt  }
0x40: {  	_ =	shalt  }
0x41: {  	_ =	shalt  }
0x42: {  	_ =	shalt  }
0x43: {  	_ =	shalt  }
0x44: {  	_ =	shalt  }
0x45: {  	_ =	shalt  }
0x46: {  	_ =	shalt  }
0x47: {  	_ =	shalt  }
0x48: {  	_ =	shalt  }
0x49: {  	_ =	shalt  }
0x4a: {  	_ =	shalt  }
0x4b: {  	_ =	shalt  }
0x4c: {  	_ =	shalt  }
0x4d: {  	_ =	shalt  }
0x4e: {  	_ =	shalt  }
0x4f: {  	_ =	shalt  }
0x50: {  	_ =	shalt  }
0x51: {  	_ =	shalt  }
0x52: {  	_ =	shalt  }
0x53: {  	_ =	shalt  }
0x54: {  	_ =	shalt  }
0x55: {  	_ =	shalt  }
0x56: {  	_ =	shalt  }
0x57: {  	_ =	shalt  }
0x58: {  	_ =	shalt  }
0x59: {  	_ =	shalt  }
0x5a: {  	_ =	shalt  }
0x5b: {  	_ =	shalt  }
0x5c: {  	_ =	shalt  }
0x5d: {  	_ =	shalt  }
0x5e: {  	_ =	shalt  }
0x5f: {  	_ =	shalt  }
0x60: {  	_ =	shalt  }
0x61: {  	_ =	shalt  }
0x62: {  	_ =	shalt  }
0x63: {  	_ =	shalt  }
0x64: {  	_ =	shalt  }
0x65: {  	_ =	shalt  }
0x66: {  	_ =	shalt  }
0x67: {  	_ =	shalt  }
0x68: {  	_ =	shalt  }
0x69: {  	_ =	shalt  }
0x6a: {  	_ =	shalt  }
0x6b: {  	_ =	shalt  }
0x6c: {  	_ =	shalt  }
0x6d: {  	_ =	shalt  }
0x6e: {  	_ =	shalt  }
0x6f: {  	_ =	shalt  }
0x70: {  	_ =	shalt  }
0x71: {  	_ =	shalt  }
0x72: {  	_ =	shalt  }
0x73: {  	_ =	shalt  }
0x74: {  	_ =	shalt  }
0x75: {  	_ =	shalt  }
0x76: {  	_ =	shalt  }
0x77: {  	_ =	shalt  }
0x78: {  	_ =	shalt  }
0x79: {  	_ =	shalt  }
0x7a: {  	_ =	shalt  }
0x7b: {  	_ =	shalt  }
0x7c: {  	_ =	shalt  }
0x7d: {  	_ =	shalt  }
0x7e: {  	_ =	shalt  }
0x7f: {  	_ =	shalt  }
0x80: {  	_ =	shalt  }
0x81: {  	_ =	shalt  }
0x82: {  	_ =	shalt  }
0x83: {  	_ =	shalt  }
0x84: {  	_ =	shalt  }
0x85: {  	_ =	shalt  }
0x86: {  	_ =	shalt  }
0x87: {  	_ =	shalt  }
.Lfunc_end0:
.L_simem_size_0:
called_computation_lowered:
.L_overlay_start_0:
0x88: {  	s2 =	sld [smem:$0x3FD9]  }
0x89: {  	s3 =	sld [smem:$0x3FFE];
	_ =	sdelay $0x1  }
0x8a: {  	s1 =	srdreg.scid  }
0x8b: {  	s0 =	sand.u32 $0x1, s1  }
0x8c: {  	s15 =	sshll.u32 s0, $0xA;
	s2 =	sadd.s32 s3, s2  }
0x8d: {  	s2 =	sadd.s32 s2, s15  }
0x8e: {  	[smem:$0x3FC3] =	sst s2  }
0x8f: {  	_ = 	snop  }
0x90: {  	s2 =	sld [smem:$0x3FC9]  }
0x91: {  	s16 =	sld [smem:$0x3FC8]  }
0x92: {  	s4 =	sld [smem:$0x3FD0]  }
0x93: {  	s5 =	sld [smem:$0x3FC7]  }
0x94: {  	s6 =	sld [smem:$0x3FC6]  }
0x95: {  	s8 =	simm.s32 $0xA;
	s9 =	simm.s32 $0x10;
	s7 =	sld [smem:$0x3FC5]  }
0x96: {  	[smem:s9], [sflag:s8] =	dma.local [hbm:s4], $0x1  }
0x97: {  	_ =	swait.eq [sflag:s8], $0x1  }
0x98: {  	s17 =	sld [smem:$0x10];
	[sflag:s8] =	ssyncset.done $0x0  }
0x99: {  	s18 =	sld [smem:$0x11];
	[sflag:s8] =	ssyncadd.s32 $0xFFFFFFFF  }
0x9a: {  	s19 =	sld [smem:$0x12];
	(tm) =	ssettm $0x1  }
0x9b: {  	s10 =	sld [smem:$0x3FFB];
	_ =	sdelay $0x3  }
0x9c: {  	_ =	strace s10  }
0x9d: {  	s10 =	sld [smem:$0x3FFC];
	_ =	sdelay $0x3  }
0x9e: {  	_ =	strace s10  }
0x9f: {  	s10 =	sld [smem:$0x3FFD];
	_ =	sdelay $0x3  }
0xa0: {  	_ =	strace s10  }
0xa1: {  	_ =	strace $0x8FFFFFFF  }
0xa2: {  	s20 =	sld [smem:$0x3FDB];
	_ =	sdelay $0x1  }
0xa3: {  	s11 =	simm.s32 $_scs_section_size  }
0xa4: {  	s12 =	simm.s32 $_size__tile_overlayer_lowered;
	s13 =	simm.s32 $_tile_overlayer_lowered  }
0xa5: {  	s23 =	simm.s32 $0x1BFF;
	s22 =	sshll.u32 s13, $0x1;
	s10 =	sadd.s32 s11, s20  }
0xa6: {  	s14 =	simm.s32 $0x0;
	s21 =	sshll.u32 s12, $0x1;
	s12 =	sadd.s32 s22, s10  }
0xa7: {  	[timem:s14], [sflag:s23] =	dma.local [hbm:s12], s21  }
0xa8: {  	_ =	swait.ge [sflag:s23], s21  }
0xa9: {  	s11 =	ssub.s32 $0x0, s21;
	[sflag:s23] =	ssyncset.done $0x0  }
0xaa: {  	[sflag:s23] =	ssyncadd.s32 s11;
	_ =	sdelay $0x1  }
0xab: {  	s24 =	simm.s32 $0x1B8B  }
0xac: {  	_ =	swait.ge [sflag:s24], $0x1  }
0xad: {  	[sflag:s24] =	ssyncset.done $0x0  }
0xae: {  	s25 =	simm.s32 $0x1B8E;
	[sflag:s24] =	ssyncadd.s32 $0xFFFFFFFF  }
0xaf: {  	s26 =	simm.s32 $execute0_lowered;
	[smem:$0x3FD2] =	sst s25  }
0xb0: {  	s11 =	sshll.u32 s26, $0x1;
	_ =	strace $0x80000046;
	[dreg:$0x1] =	wrdreg $0xFFFFFFFF  }
0xb1: {  	s28 =	simm.s32 $_size_execute0_lowered;
	s10 =	sadd.s32 s10, s11;
	[dreg:$0x0] =	wrdreg $0x0  }
0xb2: {  	s11 =	sshll.u32 s28, $0x1;
	[dreg:$0x2] =	wrdreg s10  }
0xb3: {  	[dreg:$0x3] =	wrdreg s11  }
0xb4: {  	[dreg:$0x4] =	wrdreg $0xC0  }
0xb5: {  	_ =	task [dreg:s14], $0x5FFFF  }
0xb6: {  	[dreg:$0x1] =	wrdreg $0xFFFFFFFF  }
0xb7: {  	[dreg:$0x0] =	wrdreg $0x60  }
0xb8: {  	[dreg:$0x2] =	wrdreg s2  }
0xb9: {  	[dreg:$0x3] =	wrdreg s16  }
0xba: {  	[dreg:$0x4] =	wrdreg s5  }
0xbb: {  	[dreg:$0x5] =	wrdreg s6  }
0xbc: {  	[dreg:$0x6] =	wrdreg s7  }
0xbd: {  	[dreg:$0x7] =	wrdreg s17  }
0xbe: {  	[dreg:$0x8] =	wrdreg s18  }
0xbf: {  	[dreg:$0x9] =	wrdreg s19  }
0xc0: {  	[dreg:$0xa] =	wrdreg $0x9  }
0xc1: {  	_ =	task.clear_ibuf [dreg:s14], $0xBFFFF;
	_ =	strace $0x90000046  }
0xc2: {  	s29 =	simm.s32 $0x9;
	_ =	strace $0x80000048  }
0xc3: {  	_ =	swait.ge [sflag:s29], $0x1  }
0xc4: {  	[sflag:s29] =	ssyncadd.s32 $0xFFFFFFFF  }
0xc5: {  	_ =	strace $0x90000048  }
0xc6: {  	_ =	sfence  }
0xc7: {  	s30 =	sld [smem:$0x0];
	_ =	sdelay $0x2  }
0xc8: {  	s31 =	sshll.u32 s1, $0xD;
	s1 =	sshrl.u32 s1, $0x2  }
0xc9: {  	s3 =	sand.u32 $0x4000, s31;
	s1 =	sadd.s32 s1, s30  }
0xca: {  	s0 =	sor.u32 s3, s0;
	s1 =	sshll.u32 s1, $0x11  }
0xcb: {  	s0 =	sor.u32 s1, s0  }
0xcc: {  	s0 =	sadd.s32 $0x8F2B, s0  }
0xcd: {  	[sflag:s0] =	ssyncadd.remote.s32 $0x1  }
0xce: {  	_ =	sfence.sel $0xFFFF  }
0xcf: {  	[dreg:$0x0] =	wrdreg $0xFFFFFFFF;
	(pc) =	sbr.abs _section_cstart, $3  }
0xd0: {  	[dreg:$0x1] =	wrdreg $0xFFFFFFFF  }
0xd1: {  	_ =	task.clear_ibuf [dreg:s14], $0x2FFFF;
	_ =	strace $0x9FFFFFFF  }
0xd2: {  	(tm) =	ssettm $0x7FFFFFFF  }
0xd3: {  	_ =	shalt  }
tec
execute0_lowered:
.L_overlay_start_1:
0x0: {  	(tag) =	ssettag $0x1  }
0x1: {  	s0 =	rddreg [dreg:$0x0]  }
0x2: {  	s1 =	rddreg [dreg:$0x2]  }
0x3: {  	s2 =	rddreg [dreg:$0x3]  }
0x4: {  	s5 =	rddreg [dreg:$0x4]  }
0x5: {  	s8 =	rddreg [dreg:$0x5]  }
0x6: {  	s12 =	rddreg [dreg:$0x6]  }
0x7: {  	s9 =	rddreg [dreg:$0x7];
	s3 =	simm.s32 $0x0;
	s4 =	srdreg.scid  }
0x8: {  	s10 =	stileid.u32;
	s14 =	simm.s32 $0x400;
	s15 =	simm.s32 $0x1000  }
0x9: {  	s29 =	simm.s32 $0x4;
	s30 =	simm.s32 $0x5;
	[smem:$0x7FF] =	sst s3  }
0xa: {  	s4 =	sand.u32 $0x1, s4;
	s7 =	sshll.u32 s10, $0x1;
	s10 =	sshrl.u32 s10, $0x1  }
0xb: {  	_ =	strace $0x80000047;
	s6 =	ssub.s32 $0x2, s4;
	s16 =	sor.u32 s4, s7  }
0xc: {  	s17 =	sshll.u32 s10, $0x2;
	s18 =	sshll.u32 s10, $0x7;
	s19 =	sshrl.u32 s6, $0x1  }
0xd: {  	s20 =	ssub.s32 s16, s17;
	s22 =	smin.u32 s18, $0x368;
	s18 =	simm.s32 $0x4080  }
0xe: {  	p0 =	sne.s32 s16, s17;
	s13 =	ssub.s32 s6, s19;
	s21 =	sshll.u32 s20, $0xA  }
0xf: {  	s23 =	sshll.u32 s22, $0x9;
	s25 =	sshrl.u32 s22, $0x3;
	s19 =	simm.s32 $0x8080  }
0x10: {  	s20 =	simm.s32 $0x1;
	v0 =	vmov s22;
	s22 =	simm.s32 $0xC180;
	s24 =	sshrl.u32 s21, $0x3  }
0x11: {  	s11 =	sadd.s32 s21, s23;
	s5 =	sadd.s32 s5, s25;
	s31 =	sadd.s32 s9, s25  }
0x12: {  	s13 =	smax.u32 s13, $0x1;
	s21 =	simm.s32 $0x2;
	s23 =	simm.s32 $0xC280  }
.Ltmp0:
0x13: {  	s25 =	simm.s32 $0x3;
	s4 =	sadd.s32 s0, s24;
	(pc) =	sbr.rel .LBB2_1-.Ltmp0, $4  }
0x14: {  	v1 =	vlaneseq.u32;
	s26 =	sshrl.u32 s11, $0x3;
	s28 =	sadd.s32 $0x8000, s11;
	[dreg:$0x9] =	wrdreg s31  }
0x15: {  	v2 =	vimm.f32 $0.0e+00;
	v3 =	vimm.f32 $1.000000000e+00;
	v4 =	vor.u32 $0x10, v1;
	s24 =	simm.s32 $0x10280;
	s6 =	sadd.s32 s1, s26;
	s7 =	sadd.s32 s2, s26  }
0x16: {  	v5 =	vor.u32 $0x20, v1;
	v6 =	vor.u32 $0x30, v1;
	v7 =	vor.u32 $0x40, v1;
	s9 =	sadd.s32 s8, s26;
	s1 =	sshrl.u32 s28, $0x3;
	s10 =	sadd.s32 s12, s26  }
0x17: {  	v8 =	vor.u32 $0x50, v1;
	v9 =	vor.u32 $0x60, v1;
	v10 =	vor.u32 $0x70, v1;
	s2 =	simm.s32 $0x0;
	s11 =	sadd.s32 s8, s1;
	s12 =	sadd.s32 s12, s1  }
.LBB2_23:
0x18: {  	s0 =	simm.s32 $0x6080  }
0x19: {  	[hbm4b:s11+s14] =	stream.strided.scatter [tilespmem:s0], [sflag:$0x4], $0x2000, s15, s14, $0x38;
	[tilespmem:$0x14300] =	vst v63  }
0x1a: {  	s31 =	simm.s32 $0xA080  }
0x1b: {  	[hbm4b:s12+s14] =	stream.strided.scatter [tilespmem:s31], [sflag:$0x5], $0x2000, s15, s14, $0x38;
	[tilespmem:$0x14300] =	vst v63  }
0x1c: {  	_ =	swait.ge [sflag:s29], $0x2000  }
0x1d: {  	[sflag:s29] =	ssyncset.done $0x0  }
0x1e: {  	[sflag:s29] =	ssyncadd.s32 $0xFFFFE000  }
0x1f: {  	_ =	swait.ge [sflag:s30], $0x2000  }
0x20: {  	[sflag:s30] =	ssyncset.done $0x0  }
0x21: {  	s2 =	sadd.s32 $0x1, s2;
	[sflag:s30] =	ssyncadd.s32 $0xFFFFE000  }
0x22: {  	p1 =	sne.s32 s2, s13;
	_ =	swait.ge [sflag:s29], $0x2000  }
.Ltmp1:
0x23: {  	[sflag:s29] =	ssyncset.done $0x0;
	(pc) =	sbr.rel @!p1 .LBB2_24-.Ltmp1, $4  }
0x24: {  	[sflag:s29] =	ssyncadd.s32 $0xFFFFE000  }
0x25: {  	_ =	swait.ge [sflag:s30], $0x2000  }
0x26: {  	[sflag:s30] =	ssyncset.done $0x0  }
0x27: {  	[sflag:s30] =	ssyncadd.s32 $0xFFFFE000  }
.LBB2_1:
0x28: {  	s0 =	rddreg [dreg:$0x1]  }
0x29: {  	[tilespmem:s3], [sflag:$0x1] =	stream.linear.gather [hbm4b:s0+s3], $0x80, $0x38;
	[tilespmem:$0x14300] =	vst v63  }
0x2a: {  	s28 =	simm.s32 $0x80  }
0x2b: {  	[tilespmem:s28], [sflag:$0x2] =	stream.strided.gather [hbm4b:s4+s14], $0x4000, s15, s14, $0x38;
	[tilespmem:$0x14300] =	vst v63  }
0x2c: {  	s31 =	simm.s32 $0xC080  }
0x2d: {  	[tilespmem:s31], [sflag:$0x3] =	stream.linear.gather [hbm4b:s5+s3], $0x80, $0x38;
	[tilespmem:$0x14300] =	vst v63  }
0x2e: {  	_ = 	snop  }
0x2f: {  	[tilespmem:s18], [sflag:$0x4] =	stream.strided.gather [hbm4b:s6+s14], $0x4000, s15, s14, $0x38;
	[tilespmem:$0x14300] =	vst v63  }
0x30: {  	s0 =	simm.s32 $0xC190  }
0x31: {  	[tilespmem:s19], [sflag:$0x5] =	stream.strided.gather [hbm4b:s7+s14], $0x4000, s15, s14, $0x38;
	[tilespmem:$0x14300] =	vst v63  }
0x32: {  	s1 =	simm.s32 $0x0;
	[tilespmem:s0+$0xFFFFFFF0] =	vst v2  }
.LBB2_2:
0x33: {  	s1 =	sadd.s32 $0x2, s1  }
0x34: {  	p1 =	slt.u32 s1, $0x6  }
.Ltmp2:
0x35: {  	_ = 	snop;
	(pc) =	sbr.rel @p1 .LBB2_2-.Ltmp2, $3  }
0x36: {  	_ =	sdelay $0x1  }
0x37: {  	[tilespmem:s0+$0x0] =	vst v2;
	s0 =	sadd.s32 $0x20, s0  }
0x38: {  	[tilespmem:s0+$0xFFFFFFF0] =	vst v2  }
0x39: {  	[tilespmem:s0+$0x0] =	vst v2  }
0x3a: {  	s8 =	simm.s32 $0xC380;
	[tilespmem:$0xC200] =	vst v2  }
0x3b: {  	[tilespmem:s8+$0xFFFFFF80] =	vst v2  }
0x3c: {  	[tilespmem:s8+$0xFFFFFF00] =	vst v2  }
0x3d: {  	[tilespmem:s8+$0x0] =	vst v2  }
0x3e: {  	s0 =	simm.s32 $0x10380;
	[tilespmem:s8+$0x80] =	vst v2  }
0x3f: {  	[tilespmem:s0+$0x80] =	vst v2  }
0x40: {  	[tilespmem:s0+$0xFFFFFF00] =	vst v2  }
0x41: {  	[tilespmem:s0+$0xFFFFFF80] =	vst v2  }
0x42: {  	[tilespmem:s0+$0x0] =	vst v2  }
0x43: {  	[tilespmem:s8+$0x90] =	vst v2  }
0x44: {  	[tilespmem:s8+$0xFFFFFF10] =	vst v2  }
0x45: {  	[tilespmem:s8+$0xFFFFFF90] =	vst v2  }
0x46: {  	[tilespmem:s0+$0x90] =	vst v2  }
0x47: {  	[tilespmem:s0+$0xFFFFFF10] =	vst v2  }
0x48: {  	[tilespmem:s0+$0xFFFFFF90] =	vst v2  }
0x49: {  	[tilespmem:s8+$0xA0] =	vst v2  }
0x4a: {  	[tilespmem:s8+$0xFFFFFFA0] =	vst v2  }
0x4b: {  	[tilespmem:s8+$0xFFFFFF20] =	vst v2  }
0x4c: {  	[tilespmem:s0+$0xA0] =	vst v2  }
0x4d: {  	[tilespmem:s0+$0xFFFFFFA0] =	vst v2  }
0x4e: {  	[tilespmem:s0+$0xFFFFFF20] =	vst v2  }
0x4f: {  	[tilespmem:s8+$0xB0] =	vst v2  }
0x50: {  	[tilespmem:s8+$0xFFFFFFB0] =	vst v2  }
0x51: {  	[tilespmem:s8+$0xFFFFFF30] =	vst v2  }
0x52: {  	s16 =	simm.s32 $0x0;
	s17 =	simm.s32 $0x10380;
	s1 =	simm.s32 $0xC380;
	[tilespmem:s0+$0xB0] =	vst v2  }
.LBB2_4:
0x53: {  	s16 =	sadd.s32 $0x4, s16;
	[tilespmem:s0+$0xFFFFFFB0] =	vst v2;
	s8 =	sadd.s32 $0x200, s8;
	s17 =	sadd.s32 $0x200, s17  }
0x54: {  	p1 =	slt.u32 s16, $0x7C;
	[tilespmem:s1+$0x10] =	vst v2  }
0x55: {  	[tilespmem:s1+$0xFFFFFFC0] =	vst v2  }
0x56: {  	[tilespmem:s0+$0xFFFFFFC0] =	vst v2  }
0x57: {  	[tilespmem:s1+$0xFFFFFFD0] =	vst v2  }
0x58: {  	[tilespmem:s0+$0xFFFFFFD0] =	vst v2  }
0x59: {  	[tilespmem:s1+$0xFFFFFFE0] =	vst v2  }
0x5a: {  	[tilespmem:s0+$0x10] =	vst v2  }
0x5b: {  	[tilespmem:s1+$0x20] =	vst v2  }
0x5c: {  	[tilespmem:s0+$0x20] =	vst v2  }
0x5d: {  	[tilespmem:s1+$0x30] =	vst v2  }
0x5e: {  	[tilespmem:s0+$0x30] =	vst v2  }
0x5f: {  	[tilespmem:s8+$0xFFFFFF80] =	vst v2  }
0x60: {  	[tilespmem:s0+$0xFFFFFF30] =	vst v2  }
0x61: {  	[tilespmem:s1+$0xC0] =	vst v2  }
0x62: {  	[tilespmem:s0+$0xC0] =	vst v2  }
0x63: {  	[tilespmem:s1+$0xD0] =	vst v2  }
0x64: {  	[tilespmem:s1+$0x40] =	vst v2  }
0x65: {  	[tilespmem:s0+$0x40] =	vst v2  }
0x66: {  	[tilespmem:s1+$0x50] =	vst v2  }
0x67: {  	[tilespmem:s0+$0xFFFFFFE0] =	vst v2  }
0x68: {  	[tilespmem:s1+$0xFFFFFFF0] =	vst v2  }
0x69: {  	[tilespmem:s0+$0x50] =	vst v2  }
0x6a: {  	[tilespmem:s1+$0xFFFFFF40] =	vst v2  }
0x6b: {  	[tilespmem:s0+$0xFFFFFF40] =	vst v2  }
0x6c: {  	[tilespmem:s1+$0xFFFFFF50] =	vst v2  }
0x6d: {  	[tilespmem:s0+$0xFFFFFF50] =	vst v2  }
0x6e: {  	[tilespmem:s1+$0x60] =	vst v2  }
0x6f: {  	[tilespmem:s0+$0xFFFFFFF0] =	vst v2  }
0x70: {  	[tilespmem:s0+$0xD0] =	vst v2  }
0x71: {  	[tilespmem:s1+$0xFFFFFF60] =	vst v2  }
0x72: {  	[tilespmem:s0+$0x60] =	vst v2  }
0x73: {  	[tilespmem:s1+$0x70] =	vst v2  }
0x74: {  	[tilespmem:s1+$0xE0] =	vst v2  }
0x75: {  	[tilespmem:s0+$0xE0] =	vst v2  }
0x76: {  	[tilespmem:s1+$0xF0] =	vst v2  }
0x77: {  	[tilespmem:s0+$0x70] =	vst v2  }
0x78: {  	[tilespmem:s0+$0xFFFFFF60] =	vst v2  }
0x79: {  	[tilespmem:s1+$0xFFFFFF70] =	vst v2;
	s1 =	smov.u32 s8  }
0x7a: {  	[tilespmem:s0+$0xFFFFFF70] =	vst v2  }
0x7b: {  	[tilespmem:s0+$0xF0] =	vst v2;
	s0 =	smov.u32 s17  }
0x7c: {  	[tilespmem:s8+$0xFFFFFF00] =	vst v2  }
0x7d: {  	[tilespmem:s8+$0x0] =	vst v2  }
0x7e: {  	[tilespmem:s8+$0x80] =	vst v2  }
0x7f: {  	[tilespmem:s17+$0x80] =	vst v2  }
0x80: {  	[tilespmem:s8+$0x90] =	vst v2  }
0x81: {  	[tilespmem:s17+$0x90] =	vst v2  }
0x82: {  	[tilespmem:s8+$0xA0] =	vst v2  }
0x83: {  	[tilespmem:s17+$0xFFFFFF00] =	vst v2  }
0x84: {  	[tilespmem:s8+$0xFFFFFF10] =	vst v2  }
0x85: {  	[tilespmem:s17+$0xFFFFFF10] =	vst v2  }
0x86: {  	[tilespmem:s17+$0xA0] =	vst v2  }
0x87: {  	[tilespmem:s8+$0xB0] =	vst v2  }
0x88: {  	[tilespmem:s17+$0xFFFFFF80] =	vst v2  }
0x89: {  	[tilespmem:s17+$0xB0] =	vst v2  }
0x8a: {  	[tilespmem:s17+$0x0] =	vst v2  }
0x8b: {  	[tilespmem:s8+$0xFFFFFF90] =	vst v2  }
0x8c: {  	[tilespmem:s17+$0xFFFFFF90] =	vst v2  }
0x8d: {  	[tilespmem:s8+$0xFFFFFFA0] =	vst v2  }
.Ltmp3:
0x8e: {  	[tilespmem:s17+$0xFFFFFFA0] =	vst v2;
	(pc) =	sbr.rel @p1 .LBB2_4-.Ltmp3, $4  }
0x8f: {  	[tilespmem:s8+$0xFFFFFFB0] =	vst v2  }
0x90: {  	[tilespmem:s8+$0xFFFFFF20] =	vst v2  }
0x91: {  	[tilespmem:s17+$0xFFFFFF20] =	vst v2  }
0x92: {  	[tilespmem:s8+$0xFFFFFF30] =	vst v2  }
0x93: {  	[tilespmem:s0+$0xFFFFFFB0] =	vst v2  }
0x94: {  	[tilespmem:s1+$0x10] =	vst v2  }
0x95: {  	[tilespmem:s0+$0xFFFFFF30] =	vst v2  }
0x96: {  	[tilespmem:s1+$0xC0] =	vst v2  }
0x97: {  	[tilespmem:s1+$0xFFFFFFC0] =	vst v2  }
0x98: {  	[tilespmem:s0+$0x10] =	vst v2  }
0x99: {  	[tilespmem:s0+$0xC0] =	vst v2  }
0x9a: {  	[tilespmem:s1+$0xFFFFFF40] =	vst v2  }
0x9b: {  	[tilespmem:s0+$0xFFFFFFC0] =	vst v2  }
0x9c: {  	[tilespmem:s1+$0x20] =	vst v2  }
0x9d: {  	[tilespmem:s1+$0xD0] =	vst v2  }
0x9e: {  	[tilespmem:s0+$0xFFFFFF40] =	vst v2  }
0x9f: {  	[tilespmem:s1+$0xFFFFFFD0] =	vst v2  }
0xa0: {  	[tilespmem:s0+$0x20] =	vst v2  }
0xa1: {  	[tilespmem:s1+$0xFFFFFF50] =	vst v2  }
0xa2: {  	[tilespmem:s0+$0xD0] =	vst v2  }
0xa3: {  	[tilespmem:s0+$0xFFFFFFD0] =	vst v2  }
0xa4: {  	[tilespmem:s1+$0x30] =	vst v2  }
0xa5: {  	[tilespmem:s0+$0xFFFFFF50] =	vst v2  }
0xa6: {  	[tilespmem:s1+$0xE0] =	vst v2  }
0xa7: {  	[tilespmem:s1+$0xFFFFFFE0] =	vst v2  }
0xa8: {  	[tilespmem:s0+$0x30] =	vst v2  }
0xa9: {  	[tilespmem:s1+$0xFFFFFF60] =	vst v2  }
0xaa: {  	[tilespmem:s0+$0xE0] =	vst v2  }
0xab: {  	[tilespmem:s1+$0x40] =	vst v2  }
0xac: {  	[tilespmem:s0+$0xFFFFFFE0] =	vst v2  }
0xad: {  	[tilespmem:s1+$0xF0] =	vst v2  }
0xae: {  	[tilespmem:s0+$0xFFFFFF60] =	vst v2  }
0xaf: {  	[tilespmem:s0+$0x40] =	vst v2  }
0xb0: {  	[tilespmem:s1+$0xFFFFFFF0] =	vst v2  }
0xb1: {  	[tilespmem:s1+$0xFFFFFF70] =	vst v2  }
0xb2: {  	[tilespmem:s0+$0xF0] =	vst v2  }
0xb3: {  	[tilespmem:s1+$0x50] =	vst v2  }
0xb4: {  	[tilespmem:s0+$0xFFFFFFF0] =	vst v2  }
0xb5: {  	[tilespmem:s0+$0xFFFFFF70] =	vst v2  }
0xb6: {  	[tilespmem:s0+$0x50] =	vst v2  }
0xb7: {  	[tilespmem:s1+$0x60] =	vst v2  }
0xb8: {  	[tilespmem:s0+$0x60] =	vst v2  }
0xb9: {  	[tilespmem:s1+$0x70] =	vst v2  }
0xba: {  	[tilespmem:s0+$0x70] =	vst v2  }
0xbb: {  	_ =	swait.ge [sflag:s20], $0x80  }
0xbc: {  	[sflag:s20] =	ssyncset.done $0x0  }
0xbd: {  	[sflag:s20] =	ssyncadd.s32 $0xFFFFFF80  }
0xbe: {  	_ =	swait.ge [sflag:s21], $0x4000  }
0xbf: {  	[sflag:s21] =	ssyncset.done $0x0  }
0xc0: {  	s26 =	simm.s32 $0x0;
	[sflag:s21] =	ssyncadd.s32 $0xFFFFC000  }
.LBB2_6:
0xc1: {  	s16 =	sshll.u32 s26, $0x4  }
0xc2: {  	s0 =	sand.u32 $0x3FFFFFF0, s16  }
0xc3: {  	v11 =	vld [tilespmem:s0+$0x0];
	_ =	sdelay $0x4  }
0xc4: {  	v11 =	vsub.s32 v11, v0  }
0xc5: {  	vm0 =	vlt.u32 v11, $0x80  }
0xc6: {  	v12 =	vnsel vm0, $0x0, v11;
	_ =	sdelay $0x2  }
0xc7: {  	v13 =	vbroadcast v11, $0x0  }
0xc8: {  	s28 =	sshll.u32 s26, $0xB  }
0xc9: {  	s0 =	sand.u32 $0x3FFFF800, s28;
	vm9 =	vlt.u32 v13, $0x80;
	v60 =	vshll.u32 v13, $0x7;
	[tilespmem:v12+s22+$0x0] =	vst.idx.add.f32.msk vm0, v3  }
0xca: {  	v12 =	vnsel vm9, $0x0, v60;
	v61 =	vld [tilespmem:s0+$0x80]  }
0xcb: {  	v14 =	vor.u32 v1, v12;
	_ =	sdelay $0x3  }
0xcc: {  	v15 =	vmul.f32 v61, v61  }
0xcd: {  	[tilespmem:v14+s23+$0x0] =	vst.idx.add.f32.msk vm9, v61  }
0xce: {  	[tilespmem:v14+s24+$0x0] =	vst.idx.add.f32.msk vm9, v15  }
0xcf: {  	v13 =	vld [tilespmem:s0+$0x90]  }
0xd0: {  	v62 =	vor.u32 v4, v12;
	_ =	sdelay $0x3  }
0xd1: {  	v63 =	vmul.f32 v13, v13  }
0xd2: {  	[tilespmem:v62+s23+$0x0] =	vst.idx.add.f32.msk vm9, v13  }
0xd3: {  	[tilespmem:v62+s24+$0x0] =	vst.idx.add.f32.msk vm9, v63  }
0xd4: {  	v13 =	vld [tilespmem:s0+$0xA0]  }
0xd5: {  	v18 =	vor.u32 v5, v12;
	_ =	sdelay $0x3  }
0xd6: {  	v19 =	vmul.f32 v13, v13  }
0xd7: {  	[tilespmem:v18+s23+$0x0] =	vst.idx.add.f32.msk vm9, v13  }
0xd8: {  	[tilespmem:v18+s24+$0x0] =	vst.idx.add.f32.msk vm9, v19  }
0xd9: {  	v13 =	vld [tilespmem:s0+$0xB0]  }
0xda: {  	v20 =	vor.u32 v6, v12;
	_ =	sdelay $0x3  }
0xdb: {  	v21 =	vmul.f32 v13, v13  }
0xdc: {  	[tilespmem:v20+s23+$0x0] =	vst.idx.add.f32.msk vm9, v13  }
0xdd: {  	[tilespmem:v20+s24+$0x0] =	vst.idx.add.f32.msk vm9, v21  }
0xde: {  	v13 =	vld [tilespmem:s0+$0xC0]  }
0xdf: {  	v22 =	vor.u32 v7, v12;
	_ =	sdelay $0x3  }
0xe0: {  	v23 =	vmul.f32 v13, v13  }
0xe1: {  	[tilespmem:v22+s23+$0x0] =	vst.idx.add.f32.msk vm9, v13  }
0xe2: {  	[tilespmem:v22+s24+$0x0] =	vst.idx.add.f32.msk vm9, v23  }
0xe3: {  	v13 =	vld [tilespmem:s0+$0xD0]  }
0xe4: {  	v24 =	vor.u32 v8, v12;
	_ =	sdelay $0x3  }
0xe5: {  	v25 =	vmul.f32 v13, v13  }
0xe6: {  	[tilespmem:v24+s23+$0x0] =	vst.idx.add.f32.msk vm9, v13  }
0xe7: {  	[tilespmem:v24+s24+$0x0] =	vst.idx.add.f32.msk vm9, v25  }
0xe8: {  	v13 =	vld [tilespmem:s0+$0xE0]  }
0xe9: {  	v26 =	vor.u32 v9, v12;
	_ =	sdelay $0x3  }
0xea: {  	v27 =	vmul.f32 v13, v13  }
0xeb: {  	[tilespmem:v26+s23+$0x0] =	vst.idx.add.f32.msk vm9, v13  }
0xec: {  	[tilespmem:v26+s24+$0x0] =	vst.idx.add.f32.msk vm9, v27  }
0xed: {  	v13 =	vld [tilespmem:s0+$0xF0]  }
0xee: {  	v12 =	vor.u32 v10, v12;
	_ =	sdelay $0x3  }
0xef: {  	v29 =	vbroadcast v11, $0x1;
	v28 =	vmul.f32 v13, v13  }
0xf0: {  	[tilespmem:v12+s23+$0x0] =	vst.idx.add.f32.msk vm9, v13  }
0xf1: {  	vm10 =	vlt.u32 v29, $0x80;
	v30 =	vshll.u32 v29, $0x7;
	[tilespmem:v12+s24+$0x0] =	vst.idx.add.f32.msk vm9, v28  }
0xf2: {  	v12 =	vnsel vm10, $0x0, v30;
	v13 =	vld [tilespmem:s0+$0x100]  }
0xf3: {  	v31 =	vor.u32 v1, v12;
	_ =	sdelay $0x3  }
0xf4: {  	v32 =	vmul.f32 v13, v13  }
0xf5: {  	[tilespmem:v31+s23+$0x0] =	vst.idx.add.f32.msk vm10, v13  }
0xf6: {  	[tilespmem:v31+s24+$0x0] =	vst.idx.add.f32.msk vm10, v32  }
0xf7: {  	v13 =	vld [tilespmem:s0+$0x110]  }
0xf8: {  	v33 =	vor.u32 v4, v12;
	_ =	sdelay $0x3  }
0xf9: {  	v34 =	vmul.f32 v13, v13  }
0xfa: {  	[tilespmem:v33+s23+$0x0] =	vst.idx.add.f32.msk vm10, v13  }
0xfb: {  	[tilespmem:v33+s24+$0x0] =	vst.idx.add.f32.msk vm10, v34  }
0xfc: {  	v13 =	vld [tilespmem:s0+$0x120]  }
0xfd: {  	v35 =	vor.u32 v5, v12;
	_ =	sdelay $0x3  }
0xfe: {  	v36 =	vmul.f32 v13, v13  }
0xff: {  	[tilespmem:v35+s23+$0x0] =	vst.idx.add.f32.msk vm10, v13  }
0x100: {  	[tilespmem:v35+s24+$0x0] =	vst.idx.add.f32.msk vm10, v36  }
0x101: {  	v13 =	vld [tilespmem:s0+$0x130]  }
0x102: {  	v37 =	vor.u32 v6, v12;
	_ =	sdelay $0x3  }
0x103: {  	v38 =	vmul.f32 v13, v13  }
0x104: {  	[tilespmem:v37+s23+$0x0] =	vst.idx.add.f32.msk vm10, v13  }
0x105: {  	[tilespmem:v37+s24+$0x0] =	vst.idx.add.f32.msk vm10, v38  }
0x106: {  	v13 =	vld [tilespmem:s0+$0x140]  }
0x107: {  	v39 =	vor.u32 v7, v12;
	_ =	sdelay $0x3  }
0x108: {  	v40 =	vmul.f32 v13, v13  }
0x109: {  	[tilespmem:v39+s23+$0x0] =	vst.idx.add.f32.msk vm10, v13  }
0x10a: {  	[tilespmem:v39+s24+$0x0] =	vst.idx.add.f32.msk vm10, v40  }
0x10b: {  	v13 =	vld [tilespmem:s0+$0x150]  }
0x10c: {  	v41 =	vor.u32 v8, v12;
	_ =	sdelay $0x3  }
0x10d: {  	v42 =	vmul.f32 v13, v13  }
0x10e: {  	[tilespmem:v41+s23+$0x0] =	vst.idx.add.f32.msk vm10, v13  }
0x10f: {  	[tilespmem:v41+s24+$0x0] =	vst.idx.add.f32.msk vm10, v42  }
0x110: {  	v13 =	vld [tilespmem:s0+$0x160]  }
0x111: {  	v43 =	vor.u32 v9, v12;
	_ =	sdelay $0x3  }
0x112: {  	v44 =	vmul.f32 v13, v13  }
0x113: {  	[tilespmem:v43+s23+$0x0] =	vst.idx.add.f32.msk vm10, v13  }
0x114: {  	[tilespmem:v43+s24+$0x0] =	vst.idx.add.f32.msk vm10, v44  }
0x115: {  	v13 =	vld [tilespmem:s0+$0x170]  }
0x116: {  	v12 =	vor.u32 v10, v12;
	_ =	sdelay $0x3  }
0x117: {  	v46 =	vbroadcast v11, $0x2;
	v45 =	vmul.f32 v13, v13  }
0x118: {  	[tilespmem:v12+s23+$0x0] =	vst.idx.add.f32.msk vm10, v13  }
0x119: {  	vm11 =	vlt.u32 v46, $0x80;
	v47 =	vshll.u32 v46, $0x7;
	[tilespmem:v12+s24+$0x0] =	vst.idx.add.f32.msk vm10, v45  }
0x11a: {  	v12 =	vnsel vm11, $0x0, v47;
	v13 =	vld [tilespmem:s0+$0x180]  }
0x11b: {  	v48 =	vor.u32 v1, v12;
	_ =	sdelay $0x3  }
0x11c: {  	v49 =	vmul.f32 v13, v13  }
0x11d: {  	[tilespmem:v48+s23+$0x0] =	vst.idx.add.f32.msk vm11, v13  }
0x11e: {  	[tilespmem:v48+s24+$0x0] =	vst.idx.add.f32.msk vm11, v49  }
0x11f: {  	v13 =	vld [tilespmem:s0+$0x190]  }
0x120: {  	v50 =	vor.u32 v4, v12;
	_ =	sdelay $0x3  }
0x121: {  	v51 =	vmul.f32 v13, v13  }
0x122: {  	[tilespmem:v50+s23+$0x0] =	vst.idx.add.f32.msk vm11, v13  }
0x123: {  	[tilespmem:v50+s24+$0x0] =	vst.idx.add.f32.msk vm11, v51  }
0x124: {  	v13 =	vld [tilespmem:s0+$0x1A0]  }
0x125: {  	v52 =	vor.u32 v5, v12;
	_ =	sdelay $0x3  }
0x126: {  	v53 =	vmul.f32 v13, v13  }
0x127: {  	[tilespmem:v52+s23+$0x0] =	vst.idx.add.f32.msk vm11, v13  }
0x128: {  	[tilespmem:v52+s24+$0x0] =	vst.idx.add.f32.msk vm11, v53  }
0x129: {  	v13 =	vld [tilespmem:s0+$0x1B0]  }
0x12a: {  	v54 =	vor.u32 v6, v12;
	_ =	sdelay $0x3  }
0x12b: {  	v55 =	vmul.f32 v13, v13  }
0x12c: {  	[tilespmem:v54+s23+$0x0] =	vst.idx.add.f32.msk vm11, v13  }
0x12d: {  	[tilespmem:v54+s24+$0x0] =	vst.idx.add.f32.msk vm11, v55  }
0x12e: {  	v13 =	vld [tilespmem:s0+$0x1C0]  }
0x12f: {  	v56 =	vor.u32 v7, v12;
	_ =	sdelay $0x3  }
0x130: {  	v57 =	vmul.f32 v13, v13  }
0x131: {  	[tilespmem:v56+s23+$0x0] =	vst.idx.add.f32.msk vm11, v13  }
0x132: {  	[tilespmem:v56+s24+$0x0] =	vst.idx.add.f32.msk vm11, v57  }
0x133: {  	v13 =	vld [tilespmem:s0+$0x1D0]  }
0x134: {  	v58 =	vor.u32 v8, v12;
	_ =	sdelay $0x3  }
0x135: {  	v59 =	vmul.f32 v13, v13  }
0x136: {  	[tilespmem:v58+s23+$0x0] =	vst.idx.add.f32.msk vm11, v13  }
0x137: {  	[tilespmem:v58+s24+$0x0] =	vst.idx.add.f32.msk vm11, v59  }
0x138: {  	v13 =	vld [tilespmem:s0+$0x1E0]  }
0x139: {  	v60 =	vor.u32 v9, v12;
	_ =	sdelay $0x3  }
0x13a: {  	v61 =	vmul.f32 v13, v13  }
0x13b: {  	[tilespmem:v60+s23+$0x0] =	vst.idx.add.f32.msk vm11, v13  }
0x13c: {  	[tilespmem:v60+s24+$0x0] =	vst.idx.add.f32.msk vm11, v61  }
0x13d: {  	v13 =	vld [tilespmem:s0+$0x1F0]  }
0x13e: {  	v12 =	vor.u32 v10, v12;
	_ =	sdelay $0x3  }
0x13f: {  	v63 =	vbroadcast v11, $0x3;
	v62 =	vmul.f32 v13, v13  }
0x140: {  	[tilespmem:v12+s23+$0x0] =	vst.idx.add.f32.msk vm11, v13  }
0x141: {  	vm12 =	vlt.u32 v63, $0x80;
	v17 =	vshll.u32 v63, $0x7;
	[tilespmem:v12+s24+$0x0] =	vst.idx.add.f32.msk vm11, v62  }
0x142: {  	v12 =	vnsel vm12, $0x0, v17;
	v13 =	vld [tilespmem:s0+$0x200]  }
0x143: {  	v18 =	vor.u32 v1, v12;
	_ =	sdelay $0x3  }
0x144: {  	v19 =	vmul.f32 v13, v13  }
0x145: {  	[tilespmem:v18+s23+$0x0] =	vst.idx.add.f32.msk vm12, v13  }
0x146: {  	[tilespmem:v18+s24+$0x0] =	vst.idx.add.f32.msk vm12, v19  }
0x147: {  	v13 =	vld [tilespmem:s0+$0x210]  }
0x148: {  	v20 =	vor.u32 v4, v12;
	_ =	sdelay $0x3  }
0x149: {  	v21 =	vmul.f32 v13, v13  }
0x14a: {  	[tilespmem:v20+s23+$0x0] =	vst.idx.add.f32.msk vm12, v13  }
0x14b: {  	[tilespmem:v20+s24+$0x0] =	vst.idx.add.f32.msk vm12, v21  }
0x14c: {  	v13 =	vld [tilespmem:s0+$0x220]  }
0x14d: {  	v22 =	vor.u32 v5, v12;
	_ =	sdelay $0x3  }
0x14e: {  	v23 =	vmul.f32 v13, v13  }
0x14f: {  	[tilespmem:v22+s23+$0x0] =	vst.idx.add.f32.msk vm12, v13  }
0x150: {  	[tilespmem:v22+s24+$0x0] =	vst.idx.add.f32.msk vm12, v23  }
0x151: {  	v13 =	vld [tilespmem:s0+$0x230]  }
0x152: {  	v24 =	vor.u32 v6, v12;
	_ =	sdelay $0x3  }
0x153: {  	v25 =	vmul.f32 v13, v13  }
0x154: {  	[tilespmem:v24+s23+$0x0] =	vst.idx.add.f32.msk vm12, v13  }
0x155: {  	[tilespmem:v24+s24+$0x0] =	vst.idx.add.f32.msk vm12, v25  }
0x156: {  	v13 =	vld [tilespmem:s0+$0x240]  }
0x157: {  	v26 =	vor.u32 v7, v12;
	_ =	sdelay $0x3  }
0x158: {  	v27 =	vmul.f32 v13, v13  }
0x159: {  	[tilespmem:v26+s23+$0x0] =	vst.idx.add.f32.msk vm12, v13  }
0x15a: {  	[tilespmem:v26+s24+$0x0] =	vst.idx.add.f32.msk vm12, v27  }
0x15b: {  	v13 =	vld [tilespmem:s0+$0x250]  }
0x15c: {  	v28 =	vor.u32 v8, v12;
	_ =	sdelay $0x3  }
0x15d: {  	v29 =	vmul.f32 v13, v13  }
0x15e: {  	[tilespmem:v28+s23+$0x0] =	vst.idx.add.f32.msk vm12, v13  }
0x15f: {  	[tilespmem:v28+s24+$0x0] =	vst.idx.add.f32.msk vm12, v29  }
0x160: {  	v13 =	vld [tilespmem:s0+$0x260]  }
0x161: {  	v30 =	vor.u32 v9, v12;
	_ =	sdelay $0x3  }
0x162: {  	v31 =	vmul.f32 v13, v13  }
0x163: {  	[tilespmem:v30+s23+$0x0] =	vst.idx.add.f32.msk vm12, v13  }
0x164: {  	[tilespmem:v30+s24+$0x0] =	vst.idx.add.f32.msk vm12, v31  }
0x165: {  	v13 =	vld [tilespmem:s0+$0x270]  }
0x166: {  	v12 =	vor.u32 v10, v12;
	_ =	sdelay $0x3  }
0x167: {  	v33 =	vbroadcast v11, $0x4;
	v32 =	vmul.f32 v13, v13  }
0x168: {  	[tilespmem:v12+s23+$0x0] =	vst.idx.add.f32.msk vm12, v13  }
0x169: {  	vm13 =	vlt.u32 v33, $0x80;
	v34 =	vshll.u32 v33, $0x7;
	[tilespmem:v12+s24+$0x0] =	vst.idx.add.f32.msk vm12, v32  }
0x16a: {  	v12 =	vnsel vm13, $0x0, v34;
	v13 =	vld [tilespmem:s0+$0x280]  }
0x16b: {  	v35 =	vor.u32 v1, v12;
	_ =	sdelay $0x3  }
0x16c: {  	v36 =	vmul.f32 v13, v13  }
0x16d: {  	[tilespmem:v35+s23+$0x0] =	vst.idx.add.f32.msk vm13, v13  }
0x16e: {  	[tilespmem:v35+s24+$0x0] =	vst.idx.add.f32.msk vm13, v36  }
0x16f: {  	v13 =	vld [tilespmem:s0+$0x290]  }
0x170: {  	v37 =	vor.u32 v4, v12;
	_ =	sdelay $0x3  }
0x171: {  	v38 =	vmul.f32 v13, v13  }
0x172: {  	[tilespmem:v37+s23+$0x0] =	vst.idx.add.f32.msk vm13, v13  }
0x173: {  	[tilespmem:v37+s24+$0x0] =	vst.idx.add.f32.msk vm13, v38  }
0x174: {  	v13 =	vld [tilespmem:s0+$0x2A0]  }
0x175: {  	v39 =	vor.u32 v5, v12;
	_ =	sdelay $0x3  }
0x176: {  	v40 =	vmul.f32 v13, v13  }
0x177: {  	[tilespmem:v39+s23+$0x0] =	vst.idx.add.f32.msk vm13, v13  }
0x178: {  	[tilespmem:v39+s24+$0x0] =	vst.idx.add.f32.msk vm13, v40  }
0x179: {  	v13 =	vld [tilespmem:s0+$0x2B0]  }
0x17a: {  	v41 =	vor.u32 v6, v12;
	_ =	sdelay $0x3  }
0x17b: {  	v42 =	vmul.f32 v13, v13  }
0x17c: {  	[tilespmem:v41+s23+$0x0] =	vst.idx.add.f32.msk vm13, v13  }
0x17d: {  	[tilespmem:v41+s24+$0x0] =	vst.idx.add.f32.msk vm13, v42  }
0x17e: {  	v13 =	vld [tilespmem:s0+$0x2C0]  }
0x17f: {  	v43 =	vor.u32 v7, v12;
	_ =	sdelay $0x3  }
0x180: {  	v44 =	vmul.f32 v13, v13  }
0x181: {  	[tilespmem:v43+s23+$0x0] =	vst.idx.add.f32.msk vm13, v13  }
0x182: {  	[tilespmem:v43+s24+$0x0] =	vst.idx.add.f32.msk vm13, v44  }
0x183: {  	v13 =	vld [tilespmem:s0+$0x2D0]  }
0x184: {  	v45 =	vor.u32 v8, v12;
	_ =	sdelay $0x3  }
0x185: {  	v46 =	vmul.f32 v13, v13  }
0x186: {  	[tilespmem:v45+s23+$0x0] =	vst.idx.add.f32.msk vm13, v13  }
0x187: {  	[tilespmem:v45+s24+$0x0] =	vst.idx.add.f32.msk vm13, v46  }
0x188: {  	v13 =	vld [tilespmem:s0+$0x2E0]  }
0x189: {  	v47 =	vor.u32 v9, v12;
	_ =	sdelay $0x3  }
0x18a: {  	v48 =	vmul.f32 v13, v13  }
0x18b: {  	[tilespmem:v47+s23+$0x0] =	vst.idx.add.f32.msk vm13, v13  }
0x18c: {  	[tilespmem:v47+s24+$0x0] =	vst.idx.add.f32.msk vm13, v48  }
0x18d: {  	v13 =	vld [tilespmem:s0+$0x2F0]  }
0x18e: {  	v12 =	vor.u32 v10, v12;
	_ =	sdelay $0x3  }
0x18f: {  	v50 =	vbroadcast v11, $0x5;
	v49 =	vmul.f32 v13, v13  }
0x190: {  	[tilespmem:v12+s23+$0x0] =	vst.idx.add.f32.msk vm13, v13  }
0x191: {  	vm14 =	vlt.u32 v50, $0x80;
	v51 =	vshll.u32 v50, $0x7;
	[tilespmem:v12+s24+$0x0] =	vst.idx.add.f32.msk vm13, v49  }
0x192: {  	v12 =	vnsel vm14, $0x0, v51;
	v13 =	vld [tilespmem:s0+$0x300]  }
0x193: {  	v52 =	vor.u32 v1, v12;
	_ =	sdelay $0x3  }
0x194: {  	v53 =	vmul.f32 v13, v13  }
0x195: {  	[tilespmem:v52+s23+$0x0] =	vst.idx.add.f32.msk vm14, v13  }
0x196: {  	[tilespmem:v52+s24+$0x0] =	vst.idx.add.f32.msk vm14, v53  }
0x197: {  	v13 =	vld [tilespmem:s0+$0x310]  }
0x198: {  	v54 =	vor.u32 v4, v12;
	_ =	sdelay $0x3  }
0x199: {  	v55 =	vmul.f32 v13, v13  }
0x19a: {  	[tilespmem:v54+s23+$0x0] =	vst.idx.add.f32.msk vm14, v13  }
0x19b: {  	[tilespmem:v54+s24+$0x0] =	vst.idx.add.f32.msk vm14, v55  }
0x19c: {  	v13 =	vld [tilespmem:s0+$0x320]  }
0x19d: {  	v56 =	vor.u32 v5, v12;
	_ =	sdelay $0x3  }
0x19e: {  	v57 =	vmul.f32 v13, v13  }
0x19f: {  	[tilespmem:v56+s23+$0x0] =	vst.idx.add.f32.msk vm14, v13  }
0x1a0: {  	[tilespmem:v56+s24+$0x0] =	vst.idx.add.f32.msk vm14, v57  }
0x1a1: {  	v13 =	vld [tilespmem:s0+$0x330]  }
0x1a2: {  	v58 =	vor.u32 v6, v12;
	_ =	sdelay $0x3  }
0x1a3: {  	v59 =	vmul.f32 v13, v13  }
0x1a4: {  	[tilespmem:v58+s23+$0x0] =	vst.idx.add.f32.msk vm14, v13  }
0x1a5: {  	[tilespmem:v58+s24+$0x0] =	vst.idx.add.f32.msk vm14, v59  }
0x1a6: {  	v13 =	vld [tilespmem:s0+$0x340]  }
0x1a7: {  	v60 =	vor.u32 v7, v12;
	_ =	sdelay $0x3  }
0x1a8: {  	v61 =	vmul.f32 v13, v13  }
0x1a9: {  	[tilespmem:v60+s23+$0x0] =	vst.idx.add.f32.msk vm14, v13  }
0x1aa: {  	[tilespmem:v60+s24+$0x0] =	vst.idx.add.f32.msk vm14, v61  }
0x1ab: {  	v13 =	vld [tilespmem:s0+$0x350]  }
0x1ac: {  	v62 =	vor.u32 v8, v12;
	_ =	sdelay $0x3  }
0x1ad: {  	v63 =	vmul.f32 v13, v13  }
0x1ae: {  	[tilespmem:v62+s23+$0x0] =	vst.idx.add.f32.msk vm14, v13  }
0x1af: {  	[tilespmem:v62+s24+$0x0] =	vst.idx.add.f32.msk vm14, v63  }
0x1b0: {  	v13 =	vld [tilespmem:s0+$0x360]  }
0x1b1: {  	v18 =	vor.u32 v9, v12;
	_ =	sdelay $0x3  }
0x1b2: {  	v19 =	vmul.f32 v13, v13  }
0x1b3: {  	[tilespmem:v18+s23+$0x0] =	vst.idx.add.f32.msk vm14, v13  }
0x1b4: {  	[tilespmem:v18+s24+$0x0] =	vst.idx.add.f32.msk vm14, v19  }
0x1b5: {  	v13 =	vld [tilespmem:s0+$0x370]  }
0x1b6: {  	v12 =	vor.u32 v10, v12;
	_ =	sdelay $0x3  }
0x1b7: {  	v21 =	vbroadcast v11, $0x6;
	v20 =	vmul.f32 v13, v13  }
0x1b8: {  	[tilespmem:v12+s23+$0x0] =	vst.idx.add.f32.msk vm14, v13  }
0x1b9: {  	vm15 =	vlt.u32 v21, $0x80;
	v22 =	vshll.u32 v21, $0x7;
	[tilespmem:v12+s24+$0x0] =	vst.idx.add.f32.msk vm14, v20  }
0x1ba: {  	v12 =	vnsel vm15, $0x0, v22;
	v13 =	vld [tilespmem:s0+$0x380]  }
0x1bb: {  	v23 =	vor.u32 v1, v12;
	_ =	sdelay $0x3  }
0x1bc: {  	v24 =	vmul.f32 v13, v13  }
0x1bd: {  	[tilespmem:v23+s23+$0x0] =	vst.idx.add.f32.msk vm15, v13  }
0x1be: {  	[tilespmem:v23+s24+$0x0] =	vst.idx.add.f32.msk vm15, v24  }
0x1bf: {  	v13 =	vld [tilespmem:s0+$0x390]  }
0x1c0: {  	v25 =	vor.u32 v4, v12;
	_ =	sdelay $0x3  }
0x1c1: {  	v26 =	vmul.f32 v13, v13  }
0x1c2: {  	[tilespmem:v25+s23+$0x0] =	vst.idx.add.f32.msk vm15, v13  }
0x1c3: {  	[tilespmem:v25+s24+$0x0] =	vst.idx.add.f32.msk vm15, v26  }
0x1c4: {  	v13 =	vld [tilespmem:s0+$0x3A0]  }
0x1c5: {  	v27 =	vor.u32 v5, v12;
	_ =	sdelay $0x3  }
0x1c6: {  	v28 =	vmul.f32 v13, v13  }
0x1c7: {  	[tilespmem:v27+s23+$0x0] =	vst.idx.add.f32.msk vm15, v13  }
0x1c8: {  	[tilespmem:v27+s24+$0x0] =	vst.idx.add.f32.msk vm15, v28  }
0x1c9: {  	v13 =	vld [tilespmem:s0+$0x3B0]  }
0x1ca: {  	v29 =	vor.u32 v6, v12;
	_ =	sdelay $0x3  }
0x1cb: {  	v30 =	vmul.f32 v13, v13  }
0x1cc: {  	[tilespmem:v29+s23+$0x0] =	vst.idx.add.f32.msk vm15, v13  }
0x1cd: {  	[tilespmem:v29+s24+$0x0] =	vst.idx.add.f32.msk vm15, v30  }
0x1ce: {  	v13 =	vld [tilespmem:s0+$0x3C0]  }
0x1cf: {  	v31 =	vor.u32 v7, v12;
	_ =	sdelay $0x3  }
0x1d0: {  	v32 =	vmul.f32 v13, v13  }
0x1d1: {  	[tilespmem:v31+s23+$0x0] =	vst.idx.add.f32.msk vm15, v13  }
0x1d2: {  	[tilespmem:v31+s24+$0x0] =	vst.idx.add.f32.msk vm15, v32  }
0x1d3: {  	v13 =	vld [tilespmem:s0+$0x3D0]  }
0x1d4: {  	v33 =	vor.u32 v8, v12;
	_ =	sdelay $0x3  }
0x1d5: {  	v34 =	vmul.f32 v13, v13  }
0x1d6: {  	[tilespmem:v33+s23+$0x0] =	vst.idx.add.f32.msk vm15, v13  }
0x1d7: {  	[tilespmem:v33+s24+$0x0] =	vst.idx.add.f32.msk vm15, v34  }
0x1d8: {  	v13 =	vld [tilespmem:s0+$0x3E0]  }
0x1d9: {  	v35 =	vor.u32 v9, v12;
	_ =	sdelay $0x3  }
0x1da: {  	v36 =	vmul.f32 v13, v13  }
0x1db: {  	[tilespmem:v35+s23+$0x0] =	vst.idx.add.f32.msk vm15, v13  }
0x1dc: {  	[tilespmem:v35+s24+$0x0] =	vst.idx.add.f32.msk vm15, v36  }
0x1dd: {  	v13 =	vld [tilespmem:s0+$0x3F0]  }
0x1de: {  	v12 =	vor.u32 v10, v12;
	_ =	sdelay $0x3  }
0x1df: {  	v38 =	vbroadcast v11, $0x7;
	v37 =	vmul.f32 v13, v13  }
0x1e0: {  	[tilespmem:v12+s23+$0x0] =	vst.idx.add.f32.msk vm15, v13  }
0x1e1: {  	vm4 =	vlt.u32 v38, $0x80;
	v39 =	vshll.u32 v38, $0x7;
	[tilespmem:v12+s24+$0x0] =	vst.idx.add.f32.msk vm15, v37  }
0x1e2: {  	v12 =	vnsel vm4, $0x0, v39;
	v13 =	vld [tilespmem:s0+$0x400]  }
0x1e3: {  	v40 =	vor.u32 v1, v12;
	_ =	sdelay $0x3  }
0x1e4: {  	v41 =	vmul.f32 v13, v13  }
0x1e5: {  	[tilespmem:v40+s23+$0x0] =	vst.idx.add.f32.msk vm4, v13  }
0x1e6: {  	[tilespmem:v40+s24+$0x0] =	vst.idx.add.f32.msk vm4, v41  }
0x1e7: {  	v13 =	vld [tilespmem:s0+$0x410]  }
0x1e8: {  	v42 =	vor.u32 v4, v12;
	_ =	sdelay $0x3  }
0x1e9: {  	v43 =	vmul.f32 v13, v13  }
0x1ea: {  	[tilespmem:v42+s23+$0x0] =	vst.idx.add.f32.msk vm4, v13  }
0x1eb: {  	[tilespmem:v42+s24+$0x0] =	vst.idx.add.f32.msk vm4, v43  }
0x1ec: {  	v13 =	vld [tilespmem:s0+$0x420]  }
0x1ed: {  	v44 =	vor.u32 v5, v12;
	_ =	sdelay $0x3  }
0x1ee: {  	v45 =	vmul.f32 v13, v13  }
0x1ef: {  	[tilespmem:v44+s23+$0x0] =	vst.idx.add.f32.msk vm4, v13  }
0x1f0: {  	[tilespmem:v44+s24+$0x0] =	vst.idx.add.f32.msk vm4, v45  }
0x1f1: {  	v13 =	vld [tilespmem:s0+$0x430]  }
0x1f2: {  	v46 =	vor.u32 v6, v12;
	_ =	sdelay $0x3  }
0x1f3: {  	v47 =	vmul.f32 v13, v13  }
0x1f4: {  	[tilespmem:v46+s23+$0x0] =	vst.idx.add.f32.msk vm4, v13  }
0x1f5: {  	[tilespmem:v46+s24+$0x0] =	vst.idx.add.f32.msk vm4, v47  }
0x1f6: {  	v13 =	vld [tilespmem:s0+$0x440]  }
0x1f7: {  	v48 =	vor.u32 v7, v12;
	_ =	sdelay $0x3  }
0x1f8: {  	v49 =	vmul.f32 v13, v13  }
0x1f9: {  	[tilespmem:v48+s23+$0x0] =	vst.idx.add.f32.msk vm4, v13  }
0x1fa: {  	[tilespmem:v48+s24+$0x0] =	vst.idx.add.f32.msk vm4, v49  }
0x1fb: {  	v13 =	vld [tilespmem:s0+$0x450]  }
0x1fc: {  	v50 =	vor.u32 v8, v12;
	_ =	sdelay $0x3  }
0x1fd: {  	v51 =	vmul.f32 v13, v13  }
0x1fe: {  	[tilespmem:v50+s23+$0x0] =	vst.idx.add.f32.msk vm4, v13  }
0x1ff: {  	[tilespmem:v50+s24+$0x0] =	vst.idx.add.f32.msk vm4, v51  }
0x200: {  	v13 =	vld [tilespmem:s0+$0x460]  }
0x201: {  	v52 =	vor.u32 v9, v12;
	_ =	sdelay $0x3  }
0x202: {  	v53 =	vmul.f32 v13, v13  }
0x203: {  	[tilespmem:v52+s23+$0x0] =	vst.idx.add.f32.msk vm4, v13  }
0x204: {  	[tilespmem:v52+s24+$0x0] =	vst.idx.add.f32.msk vm4, v53  }
0x205: {  	v13 =	vld [tilespmem:s0+$0x470]  }
0x206: {  	v12 =	vor.u32 v10, v12;
	_ =	sdelay $0x3  }
0x207: {  	v55 =	vbroadcast v11, $0x8;
	v54 =	vmul.f32 v13, v13  }
0x208: {  	[tilespmem:v12+s23+$0x0] =	vst.idx.add.f32.msk vm4, v13  }
0x209: {  	vm5 =	vlt.u32 v55, $0x80;
	v56 =	vshll.u32 v55, $0x7;
	[tilespmem:v12+s24+$0x0] =	vst.idx.add.f32.msk vm4, v54  }
0x20a: {  	v12 =	vnsel vm5, $0x0, v56;
	v13 =	vld [tilespmem:s0+$0x480]  }
0x20b: {  	v57 =	vor.u32 v1, v12;
	_ =	sdelay $0x3  }
0x20c: {  	v58 =	vmul.f32 v13, v13  }
0x20d: {  	[tilespmem:v57+s23+$0x0] =	vst.idx.add.f32.msk vm5, v13  }
0x20e: {  	[tilespmem:v57+s24+$0x0] =	vst.idx.add.f32.msk vm5, v58  }
0x20f: {  	v13 =	vld [tilespmem:s0+$0x490]  }
0x210: {  	v59 =	vor.u32 v4, v12;
	_ =	sdelay $0x3  }
0x211: {  	v60 =	vmul.f32 v13, v13  }
0x212: {  	[tilespmem:v59+s23+$0x0] =	vst.idx.add.f32.msk vm5, v13  }
0x213: {  	[tilespmem:v59+s24+$0x0] =	vst.idx.add.f32.msk vm5, v60  }
0x214: {  	v13 =	vld [tilespmem:s0+$0x4A0]  }
0x215: {  	v61 =	vor.u32 v5, v12;
	_ =	sdelay $0x3  }
0x216: {  	v62 =	vmul.f32 v13, v13  }
0x217: {  	[tilespmem:v61+s23+$0x0] =	vst.idx.add.f32.msk vm5, v13  }
0x218: {  	[tilespmem:v61+s24+$0x0] =	vst.idx.add.f32.msk vm5, v62  }
0x219: {  	v13 =	vld [tilespmem:s0+$0x4B0]  }
0x21a: {  	v63 =	vor.u32 v6, v12;
	_ =	sdelay $0x3  }
0x21b: {  	v18 =	vmul.f32 v13, v13  }
0x21c: {  	[tilespmem:v63+s23+$0x0] =	vst.idx.add.f32.msk vm5, v13  }
0x21d: {  	[tilespmem:v63+s24+$0x0] =	vst.idx.add.f32.msk vm5, v18  }
0x21e: {  	v13 =	vld [tilespmem:s0+$0x4C0]  }
0x21f: {  	v19 =	vor.u32 v7, v12;
	_ =	sdelay $0x3  }
0x220: {  	v20 =	vmul.f32 v13, v13  }
0x221: {  	[tilespmem:v19+s23+$0x0] =	vst.idx.add.f32.msk vm5, v13  }
0x222: {  	[tilespmem:v19+s24+$0x0] =	vst.idx.add.f32.msk vm5, v20  }
0x223: {  	v13 =	vld [tilespmem:s0+$0x4D0]  }
0x224: {  	v21 =	vor.u32 v8, v12;
	_ =	sdelay $0x3  }
0x225: {  	v22 =	vmul.f32 v13, v13  }
0x226: {  	[tilespmem:v21+s23+$0x0] =	vst.idx.add.f32.msk vm5, v13  }
0x227: {  	[tilespmem:v21+s24+$0x0] =	vst.idx.add.f32.msk vm5, v22  }
0x228: {  	v13 =	vld [tilespmem:s0+$0x4E0]  }
0x229: {  	v23 =	vor.u32 v9, v12;
	_ =	sdelay $0x3  }
0x22a: {  	v24 =	vmul.f32 v13, v13  }
0x22b: {  	[tilespmem:v23+s23+$0x0] =	vst.idx.add.f32.msk vm5, v13  }
0x22c: {  	[tilespmem:v23+s24+$0x0] =	vst.idx.add.f32.msk vm5, v24  }
0x22d: {  	v13 =	vld [tilespmem:s0+$0x4F0]  }
0x22e: {  	v12 =	vor.u32 v10, v12;
	_ =	sdelay $0x3  }
0x22f: {  	v26 =	vbroadcast v11, $0x9;
	v25 =	vmul.f32 v13, v13  }
0x230: {  	[tilespmem:v12+s23+$0x0] =	vst.idx.add.f32.msk vm5, v13  }
0x231: {  	vm6 =	vlt.u32 v26, $0x80;
	v27 =	vshll.u32 v26, $0x7;
	[tilespmem:v12+s24+$0x0] =	vst.idx.add.f32.msk vm5, v25  }
0x232: {  	v12 =	vnsel vm6, $0x0, v27;
	v13 =	vld [tilespmem:s0+$0x500]  }
0x233: {  	v28 =	vor.u32 v1, v12;
	_ =	sdelay $0x3  }
0x234: {  	v29 =	vmul.f32 v13, v13  }
0x235: {  	[tilespmem:v28+s23+$0x0] =	vst.idx.add.f32.msk vm6, v13  }
0x236: {  	[tilespmem:v28+s24+$0x0] =	vst.idx.add.f32.msk vm6, v29  }
0x237: {  	v13 =	vld [tilespmem:s0+$0x510]  }
0x238: {  	v30 =	vor.u32 v4, v12;
	_ =	sdelay $0x3  }
0x239: {  	v31 =	vmul.f32 v13, v13  }
0x23a: {  	[tilespmem:v30+s23+$0x0] =	vst.idx.add.f32.msk vm6, v13  }
0x23b: {  	[tilespmem:v30+s24+$0x0] =	vst.idx.add.f32.msk vm6, v31  }
0x23c: {  	v13 =	vld [tilespmem:s0+$0x520]  }
0x23d: {  	v32 =	vor.u32 v5, v12;
	_ =	sdelay $0x3  }
0x23e: {  	v33 =	vmul.f32 v13, v13  }
0x23f: {  	[tilespmem:v32+s23+$0x0] =	vst.idx.add.f32.msk vm6, v13  }
0x240: {  	[tilespmem:v32+s24+$0x0] =	vst.idx.add.f32.msk vm6, v33  }
0x241: {  	v13 =	vld [tilespmem:s0+$0x530]  }
0x242: {  	v34 =	vor.u32 v6, v12;
	_ =	sdelay $0x3  }
0x243: {  	v35 =	vmul.f32 v13, v13  }
0x244: {  	[tilespmem:v34+s23+$0x0] =	vst.idx.add.f32.msk vm6, v13  }
0x245: {  	[tilespmem:v34+s24+$0x0] =	vst.idx.add.f32.msk vm6, v35  }
0x246: {  	v13 =	vld [tilespmem:s0+$0x540]  }
0x247: {  	v36 =	vor.u32 v7, v12;
	_ =	sdelay $0x3  }
0x248: {  	v37 =	vmul.f32 v13, v13  }
0x249: {  	[tilespmem:v36+s23+$0x0] =	vst.idx.add.f32.msk vm6, v13  }
0x24a: {  	[tilespmem:v36+s24+$0x0] =	vst.idx.add.f32.msk vm6, v37  }
0x24b: {  	v13 =	vld [tilespmem:s0+$0x550]  }
0x24c: {  	v38 =	vor.u32 v8, v12;
	_ =	sdelay $0x3  }
0x24d: {  	v39 =	vmul.f32 v13, v13  }
0x24e: {  	[tilespmem:v38+s23+$0x0] =	vst.idx.add.f32.msk vm6, v13  }
0x24f: {  	[tilespmem:v38+s24+$0x0] =	vst.idx.add.f32.msk vm6, v39  }
0x250: {  	v13 =	vld [tilespmem:s0+$0x560]  }
0x251: {  	v40 =	vor.u32 v9, v12;
	_ =	sdelay $0x3  }
0x252: {  	v41 =	vmul.f32 v13, v13  }
0x253: {  	[tilespmem:v40+s23+$0x0] =	vst.idx.add.f32.msk vm6, v13  }
0x254: {  	[tilespmem:v40+s24+$0x0] =	vst.idx.add.f32.msk vm6, v41  }
0x255: {  	v13 =	vld [tilespmem:s0+$0x570]  }
0x256: {  	v12 =	vor.u32 v10, v12;
	_ =	sdelay $0x3  }
0x257: {  	v43 =	vbroadcast v11, $0xA;
	v42 =	vmul.f32 v13, v13  }
0x258: {  	[tilespmem:v12+s23+$0x0] =	vst.idx.add.f32.msk vm6, v13  }
0x259: {  	vm7 =	vlt.u32 v43, $0x80;
	v44 =	vshll.u32 v43, $0x7;
	[tilespmem:v12+s24+$0x0] =	vst.idx.add.f32.msk vm6, v42  }
0x25a: {  	v12 =	vnsel vm7, $0x0, v44;
	v13 =	vld [tilespmem:s0+$0x580]  }
0x25b: {  	v45 =	vor.u32 v1, v12;
	_ =	sdelay $0x3  }
0x25c: {  	v46 =	vmul.f32 v13, v13  }
0x25d: {  	[tilespmem:v45+s23+$0x0] =	vst.idx.add.f32.msk vm7, v13  }
0x25e: {  	[tilespmem:v45+s24+$0x0] =	vst.idx.add.f32.msk vm7, v46  }
0x25f: {  	v13 =	vld [tilespmem:s0+$0x590]  }
0x260: {  	v47 =	vor.u32 v4, v12;
	_ =	sdelay $0x3  }
0x261: {  	v48 =	vmul.f32 v13, v13  }
0x262: {  	[tilespmem:v47+s23+$0x0] =	vst.idx.add.f32.msk vm7, v13  }
0x263: {  	[tilespmem:v47+s24+$0x0] =	vst.idx.add.f32.msk vm7, v48  }
0x264: {  	v13 =	vld [tilespmem:s0+$0x5A0]  }
0x265: {  	v49 =	vor.u32 v5, v12;
	_ =	sdelay $0x3  }
0x266: {  	v50 =	vmul.f32 v13, v13  }
0x267: {  	[tilespmem:v49+s23+$0x0] =	vst.idx.add.f32.msk vm7, v13  }
0x268: {  	[tilespmem:v49+s24+$0x0] =	vst.idx.add.f32.msk vm7, v50  }
0x269: {  	v13 =	vld [tilespmem:s0+$0x5B0]  }
0x26a: {  	v51 =	vor.u32 v6, v12;
	_ =	sdelay $0x3  }
0x26b: {  	v52 =	vmul.f32 v13, v13  }
0x26c: {  	[tilespmem:v51+s23+$0x0] =	vst.idx.add.f32.msk vm7, v13  }
0x26d: {  	[tilespmem:v51+s24+$0x0] =	vst.idx.add.f32.msk vm7, v52  }
0x26e: {  	v13 =	vld [tilespmem:s0+$0x5C0]  }
0x26f: {  	v53 =	vor.u32 v7, v12;
	_ =	sdelay $0x3  }
0x270: {  	v54 =	vmul.f32 v13, v13  }
0x271: {  	[tilespmem:v53+s23+$0x0] =	vst.idx.add.f32.msk vm7, v13  }
0x272: {  	[tilespmem:v53+s24+$0x0] =	vst.idx.add.f32.msk vm7, v54  }
0x273: {  	v13 =	vld [tilespmem:s0+$0x5D0]  }
0x274: {  	v55 =	vor.u32 v8, v12;
	_ =	sdelay $0x3  }
0x275: {  	v56 =	vmul.f32 v13, v13  }
0x276: {  	[tilespmem:v55+s23+$0x0] =	vst.idx.add.f32.msk vm7, v13  }
0x277: {  	[tilespmem:v55+s24+$0x0] =	vst.idx.add.f32.msk vm7, v56  }
0x278: {  	v13 =	vld [tilespmem:s0+$0x5E0]  }
0x279: {  	v57 =	vor.u32 v9, v12;
	_ =	sdelay $0x3  }
0x27a: {  	v58 =	vmul.f32 v13, v13  }
0x27b: {  	[tilespmem:v57+s23+$0x0] =	vst.idx.add.f32.msk vm7, v13  }
0x27c: {  	[tilespmem:v57+s24+$0x0] =	vst.idx.add.f32.msk vm7, v58  }
0x27d: {  	v13 =	vld [tilespmem:s0+$0x5F0]  }
0x27e: {  	v12 =	vor.u32 v10, v12;
	_ =	sdelay $0x3  }
0x27f: {  	v60 =	vbroadcast v11, $0xB;
	v59 =	vmul.f32 v13, v13  }
0x280: {  	[tilespmem:v12+s23+$0x0] =	vst.idx.add.f32.msk vm7, v13  }
0x281: {  	vm0 =	vlt.u32 v60, $0x80;
	v61 =	vshll.u32 v60, $0x7;
	[tilespmem:v12+s24+$0x0] =	vst.idx.add.f32.msk vm7, v59  }
0x282: {  	v13 =	vnsel vm0, $0x0, v61;
	v14 =	vld [tilespmem:s0+$0x600]  }
0x283: {  	v12 =	vor.u32 v1, v13;
	_ =	sdelay $0x3  }
0x284: {  	v62 =	vmul.f32 v14, v14  }
0x285: {  	[tilespmem:v12+s23+$0x0] =	vst.idx.add.f32.msk vm0, v14  }
0x286: {  	[tilespmem:v12+s24+$0x0] =	vst.idx.add.f32.msk vm0, v62  }
0x287: {  	v12 =	vld [tilespmem:s0+$0x610]  }
0x288: {  	v63 =	vor.u32 v4, v13;
	_ =	sdelay $0x3  }
0x289: {  	v18 =	vmul.f32 v12, v12  }
0x28a: {  	[tilespmem:v63+s23+$0x0] =	vst.idx.add.f32.msk vm0, v12  }
0x28b: {  	[tilespmem:v63+s24+$0x0] =	vst.idx.add.f32.msk vm0, v18  }
0x28c: {  	s1 =	sor.u32 $0x10, s16;
	v14 =	vld [tilespmem:s0+$0x620]  }
0x28d: {  	v19 =	vld [tilespmem:s1+$0x0];
	_ =	sdelay $0x4  }
0x28e: {  	v12 =	vsub.s32 v19, v0  }
0x28f: {  	vm1 =	vlt.u32 v12, $0x80  }
0x290: {  	v20 =	vnsel vm1, $0x0, v12;
	_ =	sdelay $0x2  }
0x291: {  	v16 =	vbroadcast v12, $0x0  }
0x292: {  	s1 =	sshll.u32 s1, $0x7  }
0x293: {  	s1 =	sand.u32 $0x3FFFF800, s1;
	vm8 =	vlt.u32 v16, $0x80;
	v21 =	vshll.u32 v16, $0x7;
	[tilespmem:v20+s22+$0x0] =	vst.idx.add.f32.msk vm1, v3  }
0x294: {  	v15 =	vnsel vm8, $0x0, v21;
	v22 =	vld [tilespmem:s1+$0x80]  }
0x295: {  	v17 =	vor.u32 v1, v15;
	_ =	sdelay $0x3  }
0x296: {  	v18 =	vmul.f32 v22, v22  }
0x297: {  	[tilespmem:v17+s23+$0x0] =	vst.idx.add.f32.msk vm8, v22  }
0x298: {  	[tilespmem:v17+s24+$0x0] =	vst.idx.add.f32.msk vm8, v18  }
0x299: {  	v16 =	vld [tilespmem:s1+$0x90]  }
0x29a: {  	v23 =	vor.u32 v4, v15;
	_ =	sdelay $0x3  }
0x29b: {  	v24 =	vmul.f32 v16, v16  }
0x29c: {  	[tilespmem:v23+s23+$0x0] =	vst.idx.add.f32.msk vm8, v16  }
0x29d: {  	[tilespmem:v23+s24+$0x0] =	vst.idx.add.f32.msk vm8, v24  }
0x29e: {  	v16 =	vld [tilespmem:s1+$0xA0]  }
0x29f: {  	v25 =	vor.u32 v5, v15;
	_ =	sdelay $0x3  }
0x2a0: {  	v26 =	vmul.f32 v16, v16  }
0x2a1: {  	[tilespmem:v25+s23+$0x0] =	vst.idx.add.f32.msk vm8, v16  }
0x2a2: {  	[tilespmem:v25+s24+$0x0] =	vst.idx.add.f32.msk vm8, v26  }
0x2a3: {  	v16 =	vld [tilespmem:s1+$0xB0]  }
0x2a4: {  	v27 =	vor.u32 v6, v15;
	_ =	sdelay $0x3  }
0x2a5: {  	v28 =	vmul.f32 v16, v16  }
0x2a6: {  	[tilespmem:v27+s23+$0x0] =	vst.idx.add.f32.msk vm8, v16  }
0x2a7: {  	[tilespmem:v27+s24+$0x0] =	vst.idx.add.f32.msk vm8, v28  }
0x2a8: {  	v16 =	vld [tilespmem:s1+$0xC0]  }
0x2a9: {  	v29 =	vor.u32 v7, v15;
	_ =	sdelay $0x3  }
0x2aa: {  	v30 =	vmul.f32 v16, v16  }
0x2ab: {  	[tilespmem:v29+s23+$0x0] =	vst.idx.add.f32.msk vm8, v16  }
0x2ac: {  	[tilespmem:v29+s24+$0x0] =	vst.idx.add.f32.msk vm8, v30  }
0x2ad: {  	v16 =	vld [tilespmem:s1+$0xD0]  }
0x2ae: {  	v31 =	vor.u32 v8, v15;
	_ =	sdelay $0x3  }
0x2af: {  	v32 =	vmul.f32 v16, v16  }
0x2b0: {  	[tilespmem:v31+s23+$0x0] =	vst.idx.add.f32.msk vm8, v16  }
0x2b1: {  	[tilespmem:v31+s24+$0x0] =	vst.idx.add.f32.msk vm8, v32  }
0x2b2: {  	v16 =	vld [tilespmem:s1+$0xE0]  }
0x2b3: {  	v33 =	vor.u32 v9, v15;
	_ =	sdelay $0x3  }
0x2b4: {  	v34 =	vmul.f32 v16, v16  }
0x2b5: {  	[tilespmem:v33+s23+$0x0] =	vst.idx.add.f32.msk vm8, v16  }
0x2b6: {  	[tilespmem:v33+s24+$0x0] =	vst.idx.add.f32.msk vm8, v34  }
0x2b7: {  	v16 =	vld [tilespmem:s1+$0xF0]  }
0x2b8: {  	v15 =	vor.u32 v10, v15;
	_ =	sdelay $0x3  }
0x2b9: {  	v36 =	vbroadcast v12, $0x1;
	v35 =	vmul.f32 v16, v16  }
0x2ba: {  	[tilespmem:v15+s23+$0x0] =	vst.idx.add.f32.msk vm8, v16  }
0x2bb: {  	vm9 =	vlt.u32 v36, $0x80;
	v37 =	vshll.u32 v36, $0x7;
	[tilespmem:v15+s24+$0x0] =	vst.idx.add.f32.msk vm8, v35  }
0x2bc: {  	v15 =	vnsel vm9, $0x0, v37;
	v16 =	vld [tilespmem:s0+$0x900]  }
0x2bd: {  	v38 =	vor.u32 v1, v15;
	_ =	sdelay $0x3  }
0x2be: {  	v39 =	vmul.f32 v16, v16  }
0x2bf: {  	[tilespmem:v38+s23+$0x0] =	vst.idx.add.f32.msk vm9, v16  }
0x2c0: {  	[tilespmem:v38+s24+$0x0] =	vst.idx.add.f32.msk vm9, v39  }
0x2c1: {  	v16 =	vld [tilespmem:s0+$0x910]  }
0x2c2: {  	v40 =	vor.u32 v4, v15;
	_ =	sdelay $0x3  }
0x2c3: {  	v41 =	vmul.f32 v16, v16  }
0x2c4: {  	[tilespmem:v40+s23+$0x0] =	vst.idx.add.f32.msk vm9, v16  }
0x2c5: {  	[tilespmem:v40+s24+$0x0] =	vst.idx.add.f32.msk vm9, v41  }
0x2c6: {  	v16 =	vld [tilespmem:s0+$0x920]  }
0x2c7: {  	v42 =	vor.u32 v5, v15;
	_ =	sdelay $0x3  }
0x2c8: {  	v43 =	vmul.f32 v16, v16  }
0x2c9: {  	[tilespmem:v42+s23+$0x0] =	vst.idx.add.f32.msk vm9, v16  }
0x2ca: {  	[tilespmem:v42+s24+$0x0] =	vst.idx.add.f32.msk vm9, v43  }
0x2cb: {  	v16 =	vld [tilespmem:s0+$0x930]  }
0x2cc: {  	v44 =	vor.u32 v6, v15;
	_ =	sdelay $0x3  }
0x2cd: {  	v45 =	vmul.f32 v16, v16  }
0x2ce: {  	[tilespmem:v44+s23+$0x0] =	vst.idx.add.f32.msk vm9, v16  }
0x2cf: {  	[tilespmem:v44+s24+$0x0] =	vst.idx.add.f32.msk vm9, v45  }
0x2d0: {  	v16 =	vld [tilespmem:s0+$0x940]  }
0x2d1: {  	v46 =	vor.u32 v7, v15;
	_ =	sdelay $0x3  }
0x2d2: {  	v47 =	vmul.f32 v16, v16  }
0x2d3: {  	[tilespmem:v46+s23+$0x0] =	vst.idx.add.f32.msk vm9, v16  }
0x2d4: {  	[tilespmem:v46+s24+$0x0] =	vst.idx.add.f32.msk vm9, v47  }
0x2d5: {  	v16 =	vld [tilespmem:s0+$0x950]  }
0x2d6: {  	v48 =	vor.u32 v8, v15;
	_ =	sdelay $0x3  }
0x2d7: {  	v49 =	vmul.f32 v16, v16  }
0x2d8: {  	[tilespmem:v48+s23+$0x0] =	vst.idx.add.f32.msk vm9, v16  }
0x2d9: {  	[tilespmem:v48+s24+$0x0] =	vst.idx.add.f32.msk vm9, v49  }
0x2da: {  	v16 =	vld [tilespmem:s0+$0x960]  }
0x2db: {  	v50 =	vor.u32 v9, v15;
	_ =	sdelay $0x3  }
0x2dc: {  	v51 =	vmul.f32 v16, v16  }
0x2dd: {  	[tilespmem:v50+s23+$0x0] =	vst.idx.add.f32.msk vm9, v16  }
0x2de: {  	[tilespmem:v50+s24+$0x0] =	vst.idx.add.f32.msk vm9, v51  }
0x2df: {  	v16 =	vld [tilespmem:s0+$0x970]  }
0x2e0: {  	v15 =	vor.u32 v10, v15;
	_ =	sdelay $0x3  }
0x2e1: {  	v53 =	vbroadcast v12, $0x2;
	v52 =	vmul.f32 v16, v16  }
0x2e2: {  	[tilespmem:v15+s23+$0x0] =	vst.idx.add.f32.msk vm9, v16  }
0x2e3: {  	vm10 =	vlt.u32 v53, $0x80;
	v54 =	vshll.u32 v53, $0x7;
	[tilespmem:v15+s24+$0x0] =	vst.idx.add.f32.msk vm9, v52  }
0x2e4: {  	v15 =	vnsel vm10, $0x0, v54;
	v16 =	vld [tilespmem:s0+$0x980]  }
0x2e5: {  	v55 =	vor.u32 v1, v15;
	_ =	sdelay $0x3  }
0x2e6: {  	v56 =	vmul.f32 v16, v16  }
0x2e7: {  	[tilespmem:v55+s23+$0x0] =	vst.idx.add.f32.msk vm10, v16  }
0x2e8: {  	[tilespmem:v55+s24+$0x0] =	vst.idx.add.f32.msk vm10, v56  }
0x2e9: {  	v16 =	vld [tilespmem:s0+$0x990]  }
0x2ea: {  	v57 =	vor.u32 v4, v15;
	_ =	sdelay $0x3  }
0x2eb: {  	v58 =	vmul.f32 v16, v16  }
0x2ec: {  	[tilespmem:v57+s23+$0x0] =	vst.idx.add.f32.msk vm10, v16  }
0x2ed: {  	[tilespmem:v57+s24+$0x0] =	vst.idx.add.f32.msk vm10, v58  }
0x2ee: {  	v16 =	vld [tilespmem:s0+$0x9A0]  }
0x2ef: {  	v59 =	vor.u32 v5, v15;
	_ =	sdelay $0x3  }
0x2f0: {  	v60 =	vmul.f32 v16, v16  }
0x2f1: {  	[tilespmem:v59+s23+$0x0] =	vst.idx.add.f32.msk vm10, v16  }
0x2f2: {  	[tilespmem:v59+s24+$0x0] =	vst.idx.add.f32.msk vm10, v60  }
0x2f3: {  	v16 =	vld [tilespmem:s0+$0x9B0]  }
0x2f4: {  	v61 =	vor.u32 v6, v15;
	_ =	sdelay $0x3  }
0x2f5: {  	v62 =	vmul.f32 v16, v16  }
0x2f6: {  	[tilespmem:v61+s23+$0x0] =	vst.idx.add.f32.msk vm10, v16  }
0x2f7: {  	[tilespmem:v61+s24+$0x0] =	vst.idx.add.f32.msk vm10, v62  }
0x2f8: {  	v16 =	vld [tilespmem:s0+$0x9C0]  }
0x2f9: {  	v63 =	vor.u32 v7, v15;
	_ =	sdelay $0x3  }
0x2fa: {  	v21 =	vmul.f32 v16, v16  }
0x2fb: {  	[tilespmem:v63+s23+$0x0] =	vst.idx.add.f32.msk vm10, v16  }
0x2fc: {  	[tilespmem:v63+s24+$0x0] =	vst.idx.add.f32.msk vm10, v21  }
0x2fd: {  	v16 =	vld [tilespmem:s0+$0x9D0]  }
0x2fe: {  	v22 =	vor.u32 v8, v15;
	_ =	sdelay $0x3  }
0x2ff: {  	v23 =	vmul.f32 v16, v16  }
0x300: {  	[tilespmem:v22+s23+$0x0] =	vst.idx.add.f32.msk vm10, v16  }
0x301: {  	[tilespmem:v22+s24+$0x0] =	vst.idx.add.f32.msk vm10, v23  }
0x302: {  	v16 =	vld [tilespmem:s0+$0x9E0]  }
0x303: {  	v24 =	vor.u32 v9, v15;
	_ =	sdelay $0x3  }
0x304: {  	v25 =	vmul.f32 v16, v16  }
0x305: {  	[tilespmem:v24+s23+$0x0] =	vst.idx.add.f32.msk vm10, v16  }
0x306: {  	[tilespmem:v24+s24+$0x0] =	vst.idx.add.f32.msk vm10, v25  }
0x307: {  	v16 =	vld [tilespmem:s0+$0x9F0]  }
0x308: {  	v15 =	vor.u32 v10, v15;
	_ =	sdelay $0x3  }
0x309: {  	v27 =	vbroadcast v12, $0x3;
	v26 =	vmul.f32 v16, v16  }
0x30a: {  	[tilespmem:v15+s23+$0x0] =	vst.idx.add.f32.msk vm10, v16  }
0x30b: {  	vm11 =	vlt.u32 v27, $0x80;
	v28 =	vshll.u32 v27, $0x7;
	[tilespmem:v15+s24+$0x0] =	vst.idx.add.f32.msk vm10, v26  }
0x30c: {  	v15 =	vnsel vm11, $0x0, v28;
	v16 =	vld [tilespmem:s0+$0xA00]  }
0x30d: {  	v29 =	vor.u32 v1, v15;
	_ =	sdelay $0x3  }
0x30e: {  	v30 =	vmul.f32 v16, v16  }
0x30f: {  	[tilespmem:v29+s23+$0x0] =	vst.idx.add.f32.msk vm11, v16  }
0x310: {  	[tilespmem:v29+s24+$0x0] =	vst.idx.add.f32.msk vm11, v30  }
0x311: {  	v16 =	vld [tilespmem:s0+$0xA10]  }
0x312: {  	v31 =	vor.u32 v4, v15;
	_ =	sdelay $0x3  }
0x313: {  	v32 =	vmul.f32 v16, v16  }
0x314: {  	[tilespmem:v31+s23+$0x0] =	vst.idx.add.f32.msk vm11, v16  }
0x315: {  	[tilespmem:v31+s24+$0x0] =	vst.idx.add.f32.msk vm11, v32  }
0x316: {  	v16 =	vld [tilespmem:s0+$0xA20]  }
0x317: {  	v33 =	vor.u32 v5, v15;
	_ =	sdelay $0x3  }
0x318: {  	v34 =	vmul.f32 v16, v16  }
0x319: {  	[tilespmem:v33+s23+$0x0] =	vst.idx.add.f32.msk vm11, v16  }
0x31a: {  	[tilespmem:v33+s24+$0x0] =	vst.idx.add.f32.msk vm11, v34  }
0x31b: {  	v16 =	vld [tilespmem:s0+$0xA30]  }
0x31c: {  	v35 =	vor.u32 v6, v15;
	_ =	sdelay $0x3  }
0x31d: {  	v36 =	vmul.f32 v16, v16  }
0x31e: {  	[tilespmem:v35+s23+$0x0] =	vst.idx.add.f32.msk vm11, v16  }
0x31f: {  	[tilespmem:v35+s24+$0x0] =	vst.idx.add.f32.msk vm11, v36  }
0x320: {  	v16 =	vld [tilespmem:s0+$0xA40]  }
0x321: {  	v37 =	vor.u32 v7, v15;
	_ =	sdelay $0x3  }
0x322: {  	v38 =	vmul.f32 v16, v16  }
0x323: {  	[tilespmem:v37+s23+$0x0] =	vst.idx.add.f32.msk vm11, v16  }
0x324: {  	[tilespmem:v37+s24+$0x0] =	vst.idx.add.f32.msk vm11, v38  }
0x325: {  	v16 =	vld [tilespmem:s0+$0xA50]  }
0x326: {  	v39 =	vor.u32 v8, v15;
	_ =	sdelay $0x3  }
0x327: {  	v40 =	vmul.f32 v16, v16  }
0x328: {  	[tilespmem:v39+s23+$0x0] =	vst.idx.add.f32.msk vm11, v16  }
0x329: {  	[tilespmem:v39+s24+$0x0] =	vst.idx.add.f32.msk vm11, v40  }
0x32a: {  	v16 =	vld [tilespmem:s0+$0xA60]  }
0x32b: {  	v41 =	vor.u32 v9, v15;
	_ =	sdelay $0x3  }
0x32c: {  	v42 =	vmul.f32 v16, v16  }
0x32d: {  	[tilespmem:v41+s23+$0x0] =	vst.idx.add.f32.msk vm11, v16  }
0x32e: {  	[tilespmem:v41+s24+$0x0] =	vst.idx.add.f32.msk vm11, v42  }
0x32f: {  	v16 =	vld [tilespmem:s0+$0xA70]  }
0x330: {  	v15 =	vor.u32 v10, v15;
	_ =	sdelay $0x3  }
0x331: {  	v44 =	vbroadcast v12, $0x4;
	v43 =	vmul.f32 v16, v16  }
0x332: {  	[tilespmem:v15+s23+$0x0] =	vst.idx.add.f32.msk vm11, v16  }
0x333: {  	vm12 =	vlt.u32 v44, $0x80;
	v45 =	vshll.u32 v44, $0x7;
	[tilespmem:v15+s24+$0x0] =	vst.idx.add.f32.msk vm11, v43  }
0x334: {  	v15 =	vnsel vm12, $0x0, v45;
	v16 =	vld [tilespmem:s0+$0xA80]  }
0x335: {  	v46 =	vor.u32 v1, v15;
	_ =	sdelay $0x3  }
0x336: {  	v47 =	vmul.f32 v16, v16  }
0x337: {  	[tilespmem:v46+s23+$0x0] =	vst.idx.add.f32.msk vm12, v16  }
0x338: {  	[tilespmem:v46+s24+$0x0] =	vst.idx.add.f32.msk vm12, v47  }
0x339: {  	v16 =	vld [tilespmem:s0+$0xA90]  }
0x33a: {  	v48 =	vor.u32 v4, v15;
	_ =	sdelay $0x3  }
0x33b: {  	v49 =	vmul.f32 v16, v16  }
0x33c: {  	[tilespmem:v48+s23+$0x0] =	vst.idx.add.f32.msk vm12, v16  }
0x33d: {  	[tilespmem:v48+s24+$0x0] =	vst.idx.add.f32.msk vm12, v49  }
0x33e: {  	v16 =	vld [tilespmem:s0+$0xAA0]  }
0x33f: {  	v50 =	vor.u32 v5, v15;
	_ =	sdelay $0x3  }
0x340: {  	v51 =	vmul.f32 v16, v16  }
0x341: {  	[tilespmem:v50+s23+$0x0] =	vst.idx.add.f32.msk vm12, v16  }
0x342: {  	[tilespmem:v50+s24+$0x0] =	vst.idx.add.f32.msk vm12, v51  }
0x343: {  	v16 =	vld [tilespmem:s0+$0xAB0]  }
0x344: {  	v52 =	vor.u32 v6, v15;
	_ =	sdelay $0x3  }
0x345: {  	v53 =	vmul.f32 v16, v16  }
0x346: {  	[tilespmem:v52+s23+$0x0] =	vst.idx.add.f32.msk vm12, v16  }
0x347: {  	[tilespmem:v52+s24+$0x0] =	vst.idx.add.f32.msk vm12, v53  }
0x348: {  	v16 =	vld [tilespmem:s0+$0xAC0]  }
0x349: {  	v54 =	vor.u32 v7, v15;
	_ =	sdelay $0x3  }
0x34a: {  	v55 =	vmul.f32 v16, v16  }
0x34b: {  	[tilespmem:v54+s23+$0x0] =	vst.idx.add.f32.msk vm12, v16  }
0x34c: {  	[tilespmem:v54+s24+$0x0] =	vst.idx.add.f32.msk vm12, v55  }
0x34d: {  	v16 =	vld [tilespmem:s0+$0xAD0]  }
0x34e: {  	v56 =	vor.u32 v8, v15;
	_ =	sdelay $0x3  }
0x34f: {  	v57 =	vmul.f32 v16, v16  }
0x350: {  	[tilespmem:v56+s23+$0x0] =	vst.idx.add.f32.msk vm12, v16  }
0x351: {  	[tilespmem:v56+s24+$0x0] =	vst.idx.add.f32.msk vm12, v57  }
0x352: {  	v16 =	vld [tilespmem:s0+$0xAE0]  }
0x353: {  	v58 =	vor.u32 v9, v15;
	_ =	sdelay $0x3  }
0x354: {  	v59 =	vmul.f32 v16, v16  }
0x355: {  	[tilespmem:v58+s23+$0x0] =	vst.idx.add.f32.msk vm12, v16  }
0x356: {  	[tilespmem:v58+s24+$0x0] =	vst.idx.add.f32.msk vm12, v59  }
0x357: {  	v16 =	vld [tilespmem:s0+$0xAF0]  }
0x358: {  	v15 =	vor.u32 v10, v15;
	_ =	sdelay $0x3  }
0x359: {  	v61 =	vbroadcast v12, $0x5;
	v60 =	vmul.f32 v16, v16  }
0x35a: {  	[tilespmem:v15+s23+$0x0] =	vst.idx.add.f32.msk vm12, v16  }
0x35b: {  	vm13 =	vlt.u32 v61, $0x80;
	v62 =	vshll.u32 v61, $0x7;
	[tilespmem:v15+s24+$0x0] =	vst.idx.add.f32.msk vm12, v60  }
0x35c: {  	v15 =	vnsel vm13, $0x0, v62;
	v16 =	vld [tilespmem:s0+$0xB00]  }
0x35d: {  	v63 =	vor.u32 v1, v15;
	_ =	sdelay $0x3  }
0x35e: {  	v21 =	vmul.f32 v16, v16  }
0x35f: {  	[tilespmem:v63+s23+$0x0] =	vst.idx.add.f32.msk vm13, v16  }
0x360: {  	[tilespmem:v63+s24+$0x0] =	vst.idx.add.f32.msk vm13, v21  }
0x361: {  	v16 =	vld [tilespmem:s0+$0xB10]  }
0x362: {  	v22 =	vor.u32 v4, v15;
	_ =	sdelay $0x3  }
0x363: {  	v23 =	vmul.f32 v16, v16  }
0x364: {  	[tilespmem:v22+s23+$0x0] =	vst.idx.add.f32.msk vm13, v16  }
0x365: {  	[tilespmem:v22+s24+$0x0] =	vst.idx.add.f32.msk vm13, v23  }
0x366: {  	v16 =	vld [tilespmem:s0+$0xB20]  }
0x367: {  	v24 =	vor.u32 v5, v15;
	_ =	sdelay $0x3  }
0x368: {  	v25 =	vmul.f32 v16, v16  }
0x369: {  	[tilespmem:v24+s23+$0x0] =	vst.idx.add.f32.msk vm13, v16  }
0x36a: {  	[tilespmem:v24+s24+$0x0] =	vst.idx.add.f32.msk vm13, v25  }
0x36b: {  	v16 =	vld [tilespmem:s0+$0xB30]  }
0x36c: {  	v26 =	vor.u32 v6, v15;
	_ =	sdelay $0x3  }
0x36d: {  	v27 =	vmul.f32 v16, v16  }
0x36e: {  	[tilespmem:v26+s23+$0x0] =	vst.idx.add.f32.msk vm13, v16  }
0x36f: {  	[tilespmem:v26+s24+$0x0] =	vst.idx.add.f32.msk vm13, v27  }
0x370: {  	v16 =	vld [tilespmem:s0+$0xB40]  }
0x371: {  	v28 =	vor.u32 v7, v15;
	_ =	sdelay $0x3  }
0x372: {  	v29 =	vmul.f32 v16, v16  }
0x373: {  	[tilespmem:v28+s23+$0x0] =	vst.idx.add.f32.msk vm13, v16  }
0x374: {  	[tilespmem:v28+s24+$0x0] =	vst.idx.add.f32.msk vm13, v29  }
0x375: {  	v16 =	vld [tilespmem:s0+$0xB50]  }
0x376: {  	v30 =	vor.u32 v8, v15;
	_ =	sdelay $0x3  }
0x377: {  	v31 =	vmul.f32 v16, v16  }
0x378: {  	[tilespmem:v30+s23+$0x0] =	vst.idx.add.f32.msk vm13, v16  }
0x379: {  	[tilespmem:v30+s24+$0x0] =	vst.idx.add.f32.msk vm13, v31  }
0x37a: {  	v16 =	vld [tilespmem:s0+$0xB60]  }
0x37b: {  	v32 =	vor.u32 v9, v15;
	_ =	sdelay $0x3  }
0x37c: {  	v33 =	vmul.f32 v16, v16  }
0x37d: {  	[tilespmem:v32+s23+$0x0] =	vst.idx.add.f32.msk vm13, v16  }
0x37e: {  	[tilespmem:v32+s24+$0x0] =	vst.idx.add.f32.msk vm13, v33  }
0x37f: {  	v16 =	vld [tilespmem:s0+$0xB70]  }
0x380: {  	v15 =	vor.u32 v10, v15;
	_ =	sdelay $0x3  }
0x381: {  	v35 =	vbroadcast v12, $0x6;
	v34 =	vmul.f32 v16, v16  }
0x382: {  	[tilespmem:v15+s23+$0x0] =	vst.idx.add.f32.msk vm13, v16  }
0x383: {  	vm14 =	vlt.u32 v35, $0x80;
	v36 =	vshll.u32 v35, $0x7;
	[tilespmem:v15+s24+$0x0] =	vst.idx.add.f32.msk vm13, v34  }
0x384: {  	v15 =	vnsel vm14, $0x0, v36;
	v16 =	vld [tilespmem:s0+$0xB80]  }
0x385: {  	v37 =	vor.u32 v1, v15;
	_ =	sdelay $0x3  }
0x386: {  	v38 =	vmul.f32 v16, v16  }
0x387: {  	[tilespmem:v37+s23+$0x0] =	vst.idx.add.f32.msk vm14, v16  }
0x388: {  	[tilespmem:v37+s24+$0x0] =	vst.idx.add.f32.msk vm14, v38  }
0x389: {  	v16 =	vld [tilespmem:s0+$0xB90]  }
0x38a: {  	v39 =	vor.u32 v4, v15;
	_ =	sdelay $0x3  }
0x38b: {  	v40 =	vmul.f32 v16, v16  }
0x38c: {  	[tilespmem:v39+s23+$0x0] =	vst.idx.add.f32.msk vm14, v16  }
0x38d: {  	[tilespmem:v39+s24+$0x0] =	vst.idx.add.f32.msk vm14, v40  }
0x38e: {  	v16 =	vld [tilespmem:s0+$0xBA0]  }
0x38f: {  	v41 =	vor.u32 v5, v15;
	_ =	sdelay $0x3  }
0x390: {  	v42 =	vmul.f32 v16, v16  }
0x391: {  	[tilespmem:v41+s23+$0x0] =	vst.idx.add.f32.msk vm14, v16  }
0x392: {  	[tilespmem:v41+s24+$0x0] =	vst.idx.add.f32.msk vm14, v42  }
0x393: {  	v16 =	vld [tilespmem:s0+$0xBB0]  }
0x394: {  	v43 =	vor.u32 v6, v15;
	_ =	sdelay $0x3  }
0x395: {  	v44 =	vmul.f32 v16, v16  }
0x396: {  	[tilespmem:v43+s23+$0x0] =	vst.idx.add.f32.msk vm14, v16  }
0x397: {  	[tilespmem:v43+s24+$0x0] =	vst.idx.add.f32.msk vm14, v44  }
0x398: {  	v16 =	vld [tilespmem:s0+$0xBC0]  }
0x399: {  	v45 =	vor.u32 v7, v15;
	_ =	sdelay $0x3  }
0x39a: {  	v46 =	vmul.f32 v16, v16  }
0x39b: {  	[tilespmem:v45+s23+$0x0] =	vst.idx.add.f32.msk vm14, v16  }
0x39c: {  	[tilespmem:v45+s24+$0x0] =	vst.idx.add.f32.msk vm14, v46  }
0x39d: {  	v16 =	vld [tilespmem:s0+$0xBD0]  }
0x39e: {  	v47 =	vor.u32 v8, v15;
	_ =	sdelay $0x3  }
0x39f: {  	v48 =	vmul.f32 v16, v16  }
0x3a0: {  	[tilespmem:v47+s23+$0x0] =	vst.idx.add.f32.msk vm14, v16  }
0x3a1: {  	[tilespmem:v47+s24+$0x0] =	vst.idx.add.f32.msk vm14, v48  }
0x3a2: {  	v16 =	vld [tilespmem:s0+$0xBE0]  }
0x3a3: {  	v49 =	vor.u32 v9, v15;
	_ =	sdelay $0x3  }
0x3a4: {  	v50 =	vmul.f32 v16, v16  }
0x3a5: {  	[tilespmem:v49+s23+$0x0] =	vst.idx.add.f32.msk vm14, v16  }
0x3a6: {  	[tilespmem:v49+s24+$0x0] =	vst.idx.add.f32.msk vm14, v50  }
0x3a7: {  	v16 =	vld [tilespmem:s0+$0xBF0]  }
0x3a8: {  	v15 =	vor.u32 v10, v15;
	_ =	sdelay $0x3  }
0x3a9: {  	v52 =	vbroadcast v12, $0x7;
	v51 =	vmul.f32 v16, v16  }
0x3aa: {  	[tilespmem:v15+s23+$0x0] =	vst.idx.add.f32.msk vm14, v16  }
0x3ab: {  	vm15 =	vlt.u32 v52, $0x80;
	v53 =	vshll.u32 v52, $0x7;
	[tilespmem:v15+s24+$0x0] =	vst.idx.add.f32.msk vm14, v51  }
0x3ac: {  	v15 =	vnsel vm15, $0x0, v53;
	v16 =	vld [tilespmem:s0+$0xC00]  }
0x3ad: {  	v54 =	vor.u32 v1, v15;
	_ =	sdelay $0x3  }
0x3ae: {  	v55 =	vmul.f32 v16, v16  }
0x3af: {  	[tilespmem:v54+s23+$0x0] =	vst.idx.add.f32.msk vm15, v16  }
0x3b0: {  	[tilespmem:v54+s24+$0x0] =	vst.idx.add.f32.msk vm15, v55  }
0x3b1: {  	v16 =	vld [tilespmem:s0+$0xC10]  }
0x3b2: {  	v56 =	vor.u32 v4, v15;
	_ =	sdelay $0x3  }
0x3b3: {  	v57 =	vmul.f32 v16, v16  }
0x3b4: {  	[tilespmem:v56+s23+$0x0] =	vst.idx.add.f32.msk vm15, v16  }
0x3b5: {  	[tilespmem:v56+s24+$0x0] =	vst.idx.add.f32.msk vm15, v57  }
0x3b6: {  	v16 =	vld [tilespmem:s0+$0xC20]  }
0x3b7: {  	v58 =	vor.u32 v5, v15;
	_ =	sdelay $0x3  }
0x3b8: {  	v59 =	vmul.f32 v16, v16  }
0x3b9: {  	[tilespmem:v58+s23+$0x0] =	vst.idx.add.f32.msk vm15, v16  }
0x3ba: {  	[tilespmem:v58+s24+$0x0] =	vst.idx.add.f32.msk vm15, v59  }
0x3bb: {  	v16 =	vld [tilespmem:s0+$0xC30]  }
0x3bc: {  	v60 =	vor.u32 v6, v15;
	_ =	sdelay $0x3  }
0x3bd: {  	v61 =	vmul.f32 v16, v16  }
0x3be: {  	[tilespmem:v60+s23+$0x0] =	vst.idx.add.f32.msk vm15, v16  }
0x3bf: {  	[tilespmem:v60+s24+$0x0] =	vst.idx.add.f32.msk vm15, v61  }
0x3c0: {  	v16 =	vld [tilespmem:s0+$0xC40]  }
0x3c1: {  	v62 =	vor.u32 v7, v15;
	_ =	sdelay $0x3  }
0x3c2: {  	v63 =	vmul.f32 v16, v16  }
0x3c3: {  	[tilespmem:v62+s23+$0x0] =	vst.idx.add.f32.msk vm15, v16  }
0x3c4: {  	[tilespmem:v62+s24+$0x0] =	vst.idx.add.f32.msk vm15, v63  }
0x3c5: {  	v16 =	vld [tilespmem:s0+$0xC50]  }
0x3c6: {  	v21 =	vor.u32 v8, v15;
	_ =	sdelay $0x3  }
0x3c7: {  	v22 =	vmul.f32 v16, v16  }
0x3c8: {  	[tilespmem:v21+s23+$0x0] =	vst.idx.add.f32.msk vm15, v16  }
0x3c9: {  	[tilespmem:v21+s24+$0x0] =	vst.idx.add.f32.msk vm15, v22  }
0x3ca: {  	v16 =	vld [tilespmem:s0+$0xC60]  }
0x3cb: {  	v23 =	vor.u32 v9, v15;
	_ =	sdelay $0x3  }
0x3cc: {  	v24 =	vmul.f32 v16, v16  }
0x3cd: {  	[tilespmem:v23+s23+$0x0] =	vst.idx.add.f32.msk vm15, v16  }
0x3ce: {  	[tilespmem:v23+s24+$0x0] =	vst.idx.add.f32.msk vm15, v24  }
0x3cf: {  	v16 =	vld [tilespmem:s0+$0xC70]  }
0x3d0: {  	v15 =	vor.u32 v10, v15;
	_ =	sdelay $0x3  }
0x3d1: {  	v26 =	vbroadcast v12, $0x8;
	v25 =	vmul.f32 v16, v16  }
0x3d2: {  	[tilespmem:v15+s23+$0x0] =	vst.idx.add.f32.msk vm15, v16  }
0x3d3: {  	vm4 =	vlt.u32 v26, $0x80;
	v27 =	vshll.u32 v26, $0x7;
	[tilespmem:v15+s24+$0x0] =	vst.idx.add.f32.msk vm15, v25  }
0x3d4: {  	v15 =	vnsel vm4, $0x0, v27;
	v16 =	vld [tilespmem:s0+$0xC80]  }
0x3d5: {  	v28 =	vor.u32 v1, v15;
	_ =	sdelay $0x3  }
0x3d6: {  	v29 =	vmul.f32 v16, v16  }
0x3d7: {  	[tilespmem:v28+s23+$0x0] =	vst.idx.add.f32.msk vm4, v16  }
0x3d8: {  	[tilespmem:v28+s24+$0x0] =	vst.idx.add.f32.msk vm4, v29  }
0x3d9: {  	v16 =	vld [tilespmem:s0+$0xC90]  }
0x3da: {  	v30 =	vor.u32 v4, v15;
	_ =	sdelay $0x3  }
0x3db: {  	v31 =	vmul.f32 v16, v16  }
0x3dc: {  	[tilespmem:v30+s23+$0x0] =	vst.idx.add.f32.msk vm4, v16  }
0x3dd: {  	[tilespmem:v30+s24+$0x0] =	vst.idx.add.f32.msk vm4, v31  }
0x3de: {  	v16 =	vld [tilespmem:s0+$0xCA0]  }
0x3df: {  	v32 =	vor.u32 v5, v15;
	_ =	sdelay $0x3  }
0x3e0: {  	v33 =	vmul.f32 v16, v16  }
0x3e1: {  	[tilespmem:v32+s23+$0x0] =	vst.idx.add.f32.msk vm4, v16  }
0x3e2: {  	[tilespmem:v32+s24+$0x0] =	vst.idx.add.f32.msk vm4, v33  }
0x3e3: {  	v16 =	vld [tilespmem:s0+$0xCB0]  }
0x3e4: {  	v34 =	vor.u32 v6, v15;
	_ =	sdelay $0x3  }
0x3e5: {  	v35 =	vmul.f32 v16, v16  }
0x3e6: {  	[tilespmem:v34+s23+$0x0] =	vst.idx.add.f32.msk vm4, v16  }
0x3e7: {  	[tilespmem:v34+s24+$0x0] =	vst.idx.add.f32.msk vm4, v35  }
0x3e8: {  	v16 =	vld [tilespmem:s0+$0xCC0]  }
0x3e9: {  	v36 =	vor.u32 v7, v15;
	_ =	sdelay $0x3  }
0x3ea: {  	v37 =	vmul.f32 v16, v16  }
0x3eb: {  	[tilespmem:v36+s23+$0x0] =	vst.idx.add.f32.msk vm4, v16  }
0x3ec: {  	[tilespmem:v36+s24+$0x0] =	vst.idx.add.f32.msk vm4, v37  }
0x3ed: {  	v16 =	vld [tilespmem:s0+$0xCD0]  }
0x3ee: {  	v38 =	vor.u32 v8, v15;
	_ =	sdelay $0x3  }
0x3ef: {  	v39 =	vmul.f32 v16, v16  }
0x3f0: {  	[tilespmem:v38+s23+$0x0] =	vst.idx.add.f32.msk vm4, v16  }
0x3f1: {  	[tilespmem:v38+s24+$0x0] =	vst.idx.add.f32.msk vm4, v39  }
0x3f2: {  	v16 =	vld [tilespmem:s0+$0xCE0]  }
0x3f3: {  	v40 =	vor.u32 v9, v15;
	_ =	sdelay $0x3  }
0x3f4: {  	v41 =	vmul.f32 v16, v16  }
0x3f5: {  	[tilespmem:v40+s23+$0x0] =	vst.idx.add.f32.msk vm4, v16  }
0x3f6: {  	[tilespmem:v40+s24+$0x0] =	vst.idx.add.f32.msk vm4, v41  }
0x3f7: {  	v16 =	vld [tilespmem:s0+$0xCF0]  }
0x3f8: {  	v15 =	vor.u32 v10, v15;
	_ =	sdelay $0x3  }
0x3f9: {  	v43 =	vbroadcast v12, $0x9;
	v42 =	vmul.f32 v16, v16  }
0x3fa: {  	[tilespmem:v15+s23+$0x0] =	vst.idx.add.f32.msk vm4, v16  }
0x3fb: {  	vm5 =	vlt.u32 v43, $0x80;
	v44 =	vshll.u32 v43, $0x7;
	[tilespmem:v15+s24+$0x0] =	vst.idx.add.f32.msk vm4, v42  }
0x3fc: {  	v15 =	vnsel vm5, $0x0, v44;
	v16 =	vld [tilespmem:s0+$0xD00]  }
0x3fd: {  	v45 =	vor.u32 v1, v15;
	_ =	sdelay $0x3  }
0x3fe: {  	v46 =	vmul.f32 v16, v16  }
0x3ff: {  	[tilespmem:v45+s23+$0x0] =	vst.idx.add.f32.msk vm5, v16  }
0x400: {  	[tilespmem:v45+s24+$0x0] =	vst.idx.add.f32.msk vm5, v46  }
0x401: {  	v16 =	vld [tilespmem:s0+$0xD10]  }
0x402: {  	v47 =	vor.u32 v4, v15;
	_ =	sdelay $0x3  }
0x403: {  	v48 =	vmul.f32 v16, v16  }
0x404: {  	[tilespmem:v47+s23+$0x0] =	vst.idx.add.f32.msk vm5, v16  }
0x405: {  	[tilespmem:v47+s24+$0x0] =	vst.idx.add.f32.msk vm5, v48  }
0x406: {  	v16 =	vld [tilespmem:s0+$0xD20]  }
0x407: {  	v49 =	vor.u32 v5, v15;
	_ =	sdelay $0x3  }
0x408: {  	v50 =	vmul.f32 v16, v16  }
0x409: {  	[tilespmem:v49+s23+$0x0] =	vst.idx.add.f32.msk vm5, v16  }
0x40a: {  	[tilespmem:v49+s24+$0x0] =	vst.idx.add.f32.msk vm5, v50  }
0x40b: {  	v16 =	vld [tilespmem:s0+$0xD30]  }
0x40c: {  	v51 =	vor.u32 v6, v15;
	_ =	sdelay $0x3  }
0x40d: {  	v52 =	vmul.f32 v16, v16  }
0x40e: {  	[tilespmem:v51+s23+$0x0] =	vst.idx.add.f32.msk vm5, v16  }
0x40f: {  	[tilespmem:v51+s24+$0x0] =	vst.idx.add.f32.msk vm5, v52  }
0x410: {  	v16 =	vld [tilespmem:s0+$0xD40]  }
0x411: {  	v53 =	vor.u32 v7, v15;
	_ =	sdelay $0x3  }
0x412: {  	v54 =	vmul.f32 v16, v16  }
0x413: {  	[tilespmem:v53+s23+$0x0] =	vst.idx.add.f32.msk vm5, v16  }
0x414: {  	[tilespmem:v53+s24+$0x0] =	vst.idx.add.f32.msk vm5, v54  }
0x415: {  	v16 =	vld [tilespmem:s0+$0xD50]  }
0x416: {  	v55 =	vor.u32 v8, v15;
	_ =	sdelay $0x3  }
0x417: {  	v56 =	vmul.f32 v16, v16  }
0x418: {  	[tilespmem:v55+s23+$0x0] =	vst.idx.add.f32.msk vm5, v16  }
0x419: {  	[tilespmem:v55+s24+$0x0] =	vst.idx.add.f32.msk vm5, v56  }
0x41a: {  	v16 =	vld [tilespmem:s0+$0xD60]  }
0x41b: {  	v57 =	vor.u32 v9, v15;
	_ =	sdelay $0x3  }
0x41c: {  	v58 =	vmul.f32 v16, v16  }
0x41d: {  	[tilespmem:v57+s23+$0x0] =	vst.idx.add.f32.msk vm5, v16  }
0x41e: {  	[tilespmem:v57+s24+$0x0] =	vst.idx.add.f32.msk vm5, v58  }
0x41f: {  	v16 =	vld [tilespmem:s0+$0xD70]  }
0x420: {  	v15 =	vor.u32 v10, v15;
	_ =	sdelay $0x3  }
0x421: {  	v60 =	vbroadcast v12, $0xA;
	v59 =	vmul.f32 v16, v16  }
0x422: {  	[tilespmem:v15+s23+$0x0] =	vst.idx.add.f32.msk vm5, v16  }
0x423: {  	vm6 =	vlt.u32 v60, $0x80;
	v61 =	vshll.u32 v60, $0x7;
	[tilespmem:v15+s24+$0x0] =	vst.idx.add.f32.msk vm5, v59  }
0x424: {  	v15 =	vnsel vm6, $0x0, v61;
	v16 =	vld [tilespmem:s0+$0xD80]  }
0x425: {  	v62 =	vor.u32 v1, v15;
	_ =	sdelay $0x3  }
0x426: {  	v63 =	vmul.f32 v16, v16  }
0x427: {  	[tilespmem:v62+s23+$0x0] =	vst.idx.add.f32.msk vm6, v16  }
0x428: {  	[tilespmem:v62+s24+$0x0] =	vst.idx.add.f32.msk vm6, v63  }
0x429: {  	v16 =	vld [tilespmem:s0+$0xD90]  }
0x42a: {  	v21 =	vor.u32 v4, v15;
	_ =	sdelay $0x3  }
0x42b: {  	v22 =	vmul.f32 v16, v16  }
0x42c: {  	[tilespmem:v21+s23+$0x0] =	vst.idx.add.f32.msk vm6, v16  }
0x42d: {  	[tilespmem:v21+s24+$0x0] =	vst.idx.add.f32.msk vm6, v22  }
0x42e: {  	v16 =	vld [tilespmem:s0+$0xDA0]  }
0x42f: {  	v23 =	vor.u32 v5, v15;
	_ =	sdelay $0x3  }
0x430: {  	v24 =	vmul.f32 v16, v16  }
0x431: {  	[tilespmem:v23+s23+$0x0] =	vst.idx.add.f32.msk vm6, v16  }
0x432: {  	[tilespmem:v23+s24+$0x0] =	vst.idx.add.f32.msk vm6, v24  }
0x433: {  	v16 =	vld [tilespmem:s0+$0xDB0]  }
0x434: {  	v25 =	vor.u32 v6, v15;
	_ =	sdelay $0x3  }
0x435: {  	v26 =	vmul.f32 v16, v16  }
0x436: {  	[tilespmem:v25+s23+$0x0] =	vst.idx.add.f32.msk vm6, v16  }
0x437: {  	[tilespmem:v25+s24+$0x0] =	vst.idx.add.f32.msk vm6, v26  }
0x438: {  	v16 =	vld [tilespmem:s0+$0xDC0]  }
0x439: {  	v27 =	vor.u32 v7, v15;
	_ =	sdelay $0x3  }
0x43a: {  	v28 =	vmul.f32 v16, v16  }
0x43b: {  	[tilespmem:v27+s23+$0x0] =	vst.idx.add.f32.msk vm6, v16  }
0x43c: {  	[tilespmem:v27+s24+$0x0] =	vst.idx.add.f32.msk vm6, v28  }
0x43d: {  	v16 =	vld [tilespmem:s0+$0xDD0]  }
0x43e: {  	v29 =	vor.u32 v8, v15;
	_ =	sdelay $0x3  }
0x43f: {  	v30 =	vmul.f32 v16, v16  }
0x440: {  	[tilespmem:v29+s23+$0x0] =	vst.idx.add.f32.msk vm6, v16  }
0x441: {  	[tilespmem:v29+s24+$0x0] =	vst.idx.add.f32.msk vm6, v30  }
0x442: {  	v16 =	vld [tilespmem:s0+$0xDE0]  }
0x443: {  	v31 =	vor.u32 v9, v15;
	_ =	sdelay $0x3  }
0x444: {  	v32 =	vmul.f32 v16, v16  }
0x445: {  	[tilespmem:v31+s23+$0x0] =	vst.idx.add.f32.msk vm6, v16  }
0x446: {  	[tilespmem:v31+s24+$0x0] =	vst.idx.add.f32.msk vm6, v32  }
0x447: {  	v16 =	vld [tilespmem:s0+$0xDF0]  }
0x448: {  	v15 =	vor.u32 v10, v15;
	_ =	sdelay $0x3  }
0x449: {  	v34 =	vbroadcast v12, $0xB;
	v33 =	vmul.f32 v16, v16  }
0x44a: {  	[tilespmem:v15+s23+$0x0] =	vst.idx.add.f32.msk vm6, v16  }
0x44b: {  	vm7 =	vlt.u32 v34, $0x80;
	v35 =	vshll.u32 v34, $0x7;
	[tilespmem:v15+s24+$0x0] =	vst.idx.add.f32.msk vm6, v33  }
0x44c: {  	v15 =	vnsel vm7, $0x0, v35;
	v16 =	vld [tilespmem:s0+$0xE00]  }
0x44d: {  	v36 =	vor.u32 v1, v15;
	_ =	sdelay $0x3  }
0x44e: {  	v37 =	vmul.f32 v16, v16  }
0x44f: {  	[tilespmem:v36+s23+$0x0] =	vst.idx.add.f32.msk vm7, v16  }
0x450: {  	[tilespmem:v36+s24+$0x0] =	vst.idx.add.f32.msk vm7, v37  }
0x451: {  	v16 =	vld [tilespmem:s0+$0xE10]  }
0x452: {  	v38 =	vor.u32 v4, v15;
	_ =	sdelay $0x3  }
0x453: {  	v39 =	vmul.f32 v16, v16  }
0x454: {  	v19 =	vor.u32 v5, v13;
	[tilespmem:v38+s23+$0x0] =	vst.idx.add.f32.msk vm7, v16  }
0x455: {  	[tilespmem:v38+s24+$0x0] =	vst.idx.add.f32.msk vm7, v39  }
0x456: {  	v16 =	vld [tilespmem:s0+$0xE20]  }
0x457: {  	v40 =	vor.u32 v5, v15  }
0x458: {  	v41 =	vmul.f32 v14, v14  }
0x459: {  	[tilespmem:v19+s23+$0x0] =	vst.idx.add.f32.msk vm0, v14  }
0x45a: {  	[tilespmem:v19+s24+$0x0] =	vst.idx.add.f32.msk vm0, v41  }
0x45b: {  	v14 =	vld [tilespmem:s0+$0x630];
	v42 =	vmul.f32 v16, v16  }
0x45c: {  	v43 =	vor.u32 v6, v13;
	[tilespmem:v40+s23+$0x0] =	vst.idx.add.f32.msk vm7, v16  }
0x45d: {  	[tilespmem:v40+s24+$0x0] =	vst.idx.add.f32.msk vm7, v42  }
0x45e: {  	v16 =	vld [tilespmem:s0+$0xE30]  }
0x45f: {  	v44 =	vor.u32 v6, v15  }
0x460: {  	v45 =	vmul.f32 v14, v14  }
0x461: {  	[tilespmem:v43+s23+$0x0] =	vst.idx.add.f32.msk vm0, v14  }
0x462: {  	[tilespmem:v43+s24+$0x0] =	vst.idx.add.f32.msk vm0, v45  }
0x463: {  	v14 =	vld [tilespmem:s0+$0x640];
	v46 =	vmul.f32 v16, v16  }
0x464: {  	v47 =	vor.u32 v7, v13;
	[tilespmem:v44+s23+$0x0] =	vst.idx.add.f32.msk vm7, v16  }
0x465: {  	[tilespmem:v44+s24+$0x0] =	vst.idx.add.f32.msk vm7, v46  }
0x466: {  	v16 =	vld [tilespmem:s0+$0xE40]  }
0x467: {  	v48 =	vor.u32 v7, v15  }
0x468: {  	v49 =	vmul.f32 v14, v14  }
0x469: {  	[tilespmem:v47+s23+$0x0] =	vst.idx.add.f32.msk vm0, v14  }
0x46a: {  	[tilespmem:v47+s24+$0x0] =	vst.idx.add.f32.msk vm0, v49  }
0x46b: {  	v14 =	vld [tilespmem:s0+$0x650];
	v50 =	vmul.f32 v16, v16  }
0x46c: {  	v51 =	vor.u32 v8, v13;
	[tilespmem:v48+s23+$0x0] =	vst.idx.add.f32.msk vm7, v16  }
0x46d: {  	[tilespmem:v48+s24+$0x0] =	vst.idx.add.f32.msk vm7, v50  }
0x46e: {  	v16 =	vld [tilespmem:s0+$0xE50]  }
0x46f: {  	v52 =	vor.u32 v8, v15  }
0x470: {  	v53 =	vmul.f32 v14, v14  }
0x471: {  	[tilespmem:v51+s23+$0x0] =	vst.idx.add.f32.msk vm0, v14  }
0x472: {  	[tilespmem:v51+s24+$0x0] =	vst.idx.add.f32.msk vm0, v53  }
0x473: {  	v14 =	vld [tilespmem:s0+$0x660];
	v54 =	vmul.f32 v16, v16  }
0x474: {  	v55 =	vor.u32 v9, v13;
	[tilespmem:v52+s23+$0x0] =	vst.idx.add.f32.msk vm7, v16  }
0x475: {  	[tilespmem:v52+s24+$0x0] =	vst.idx.add.f32.msk vm7, v54  }
0x476: {  	v16 =	vld [tilespmem:s0+$0xE60]  }
0x477: {  	v56 =	vor.u32 v9, v15  }
0x478: {  	v57 =	vmul.f32 v14, v14  }
0x479: {  	[tilespmem:v55+s23+$0x0] =	vst.idx.add.f32.msk vm0, v14  }
0x47a: {  	[tilespmem:v55+s24+$0x0] =	vst.idx.add.f32.msk vm0, v57  }
0x47b: {  	v14 =	vld [tilespmem:s0+$0x670];
	v58 =	vmul.f32 v16, v16  }
0x47c: {  	v13 =	vor.u32 v10, v13;
	[tilespmem:v56+s23+$0x0] =	vst.idx.add.f32.msk vm7, v16  }
0x47d: {  	[tilespmem:v56+s24+$0x0] =	vst.idx.add.f32.msk vm7, v58  }
0x47e: {  	v16 =	vld [tilespmem:s0+$0xE70]  }
0x47f: {  	v15 =	vor.u32 v10, v15  }
0x480: {  	v60 =	vbroadcast v11, $0xC;
	v59 =	vmul.f32 v14, v14  }
0x481: {  	[tilespmem:v13+s23+$0x0] =	vst.idx.add.f32.msk vm0, v14  }
0x482: {  	vm8 =	vlt.u32 v60, $0x80;
	v61 =	vshll.u32 v60, $0x7;
	[tilespmem:v13+s24+$0x0] =	vst.idx.add.f32.msk vm0, v59  }
0x483: {  	v13 =	vnsel vm8, $0x0, v61;
	v14 =	vld [tilespmem:s0+$0x680];
	v63 =	vbroadcast v12, $0xC;
	v62 =	vmul.f32 v16, v16  }
0x484: {  	v21 =	vor.u32 v1, v13;
	[tilespmem:v15+s23+$0x0] =	vst.idx.add.f32.msk vm7, v16  }
0x485: {  	vm9 =	vlt.u32 v63, $0x80;
	v22 =	vshll.u32 v63, $0x7;
	[tilespmem:v15+s24+$0x0] =	vst.idx.add.f32.msk vm7, v62  }
0x486: {  	v15 =	vnsel vm9, $0x0, v22;
	v16 =	vld [tilespmem:s0+$0xE80]  }
0x487: {  	v23 =	vor.u32 v1, v15  }
0x488: {  	v24 =	vmul.f32 v14, v14  }
0x489: {  	[tilespmem:v21+s23+$0x0] =	vst.idx.add.f32.msk vm8, v14  }
0x48a: {  	[tilespmem:v21+s24+$0x0] =	vst.idx.add.f32.msk vm8, v24  }
0x48b: {  	v14 =	vld [tilespmem:s0+$0x690];
	v25 =	vmul.f32 v16, v16  }
0x48c: {  	v26 =	vor.u32 v4, v13;
	[tilespmem:v23+s23+$0x0] =	vst.idx.add.f32.msk vm9, v16  }
0x48d: {  	[tilespmem:v23+s24+$0x0] =	vst.idx.add.f32.msk vm9, v25  }
0x48e: {  	v16 =	vld [tilespmem:s0+$0xE90]  }
0x48f: {  	v27 =	vor.u32 v4, v15  }
0x490: {  	v28 =	vmul.f32 v14, v14  }
0x491: {  	[tilespmem:v26+s23+$0x0] =	vst.idx.add.f32.msk vm8, v14  }
0x492: {  	[tilespmem:v26+s24+$0x0] =	vst.idx.add.f32.msk vm8, v28  }
0x493: {  	v14 =	vld [tilespmem:s0+$0x6A0];
	v29 =	vmul.f32 v16, v16  }
0x494: {  	v30 =	vor.u32 v5, v13;
	[tilespmem:v27+s23+$0x0] =	vst.idx.add.f32.msk vm9, v16  }
0x495: {  	[tilespmem:v27+s24+$0x0] =	vst.idx.add.f32.msk vm9, v29  }
0x496: {  	v16 =	vld [tilespmem:s0+$0xEA0]  }
0x497: {  	v31 =	vor.u32 v5, v15  }
0x498: {  	v32 =	vmul.f32 v14, v14  }
0x499: {  	[tilespmem:v30+s23+$0x0] =	vst.idx.add.f32.msk vm8, v14  }
0x49a: {  	[tilespmem:v30+s24+$0x0] =	vst.idx.add.f32.msk vm8, v32  }
0x49b: {  	v14 =	vld [tilespmem:s0+$0x6B0];
	v33 =	vmul.f32 v16, v16  }
0x49c: {  	v34 =	vor.u32 v6, v13;
	[tilespmem:v31+s23+$0x0] =	vst.idx.add.f32.msk vm9, v16  }
0x49d: {  	[tilespmem:v31+s24+$0x0] =	vst.idx.add.f32.msk vm9, v33  }
0x49e: {  	v16 =	vld [tilespmem:s0+$0xEB0]  }
0x49f: {  	v35 =	vor.u32 v6, v15  }
0x4a0: {  	v36 =	vmul.f32 v14, v14  }
0x4a1: {  	[tilespmem:v34+s23+$0x0] =	vst.idx.add.f32.msk vm8, v14  }
0x4a2: {  	[tilespmem:v34+s24+$0x0] =	vst.idx.add.f32.msk vm8, v36  }
0x4a3: {  	v14 =	vld [tilespmem:s0+$0x6C0];
	v37 =	vmul.f32 v16, v16  }
0x4a4: {  	v38 =	vor.u32 v7, v13;
	[tilespmem:v35+s23+$0x0] =	vst.idx.add.f32.msk vm9, v16  }
0x4a5: {  	[tilespmem:v35+s24+$0x0] =	vst.idx.add.f32.msk vm9, v37  }
0x4a6: {  	v16 =	vld [tilespmem:s0+$0xEC0]  }
0x4a7: {  	v39 =	vor.u32 v7, v15  }
0x4a8: {  	v40 =	vmul.f32 v14, v14  }
0x4a9: {  	[tilespmem:v38+s23+$0x0] =	vst.idx.add.f32.msk vm8, v14  }
0x4aa: {  	[tilespmem:v38+s24+$0x0] =	vst.idx.add.f32.msk vm8, v40  }
0x4ab: {  	v14 =	vld [tilespmem:s0+$0x6D0];
	v41 =	vmul.f32 v16, v16  }
0x4ac: {  	v42 =	vor.u32 v8, v13;
	[tilespmem:v39+s23+$0x0] =	vst.idx.add.f32.msk vm9, v16  }
0x4ad: {  	[tilespmem:v39+s24+$0x0] =	vst.idx.add.f32.msk vm9, v41  }
0x4ae: {  	v16 =	vld [tilespmem:s0+$0xED0]  }
0x4af: {  	v43 =	vor.u32 v8, v15  }
0x4b0: {  	v44 =	vmul.f32 v14, v14  }
0x4b1: {  	[tilespmem:v42+s23+$0x0] =	vst.idx.add.f32.msk vm8, v14  }
0x4b2: {  	[tilespmem:v42+s24+$0x0] =	vst.idx.add.f32.msk vm8, v44  }
0x4b3: {  	v14 =	vld [tilespmem:s0+$0x6E0];
	v45 =	vmul.f32 v16, v16  }
0x4b4: {  	v46 =	vor.u32 v9, v13;
	[tilespmem:v43+s23+$0x0] =	vst.idx.add.f32.msk vm9, v16  }
0x4b5: {  	[tilespmem:v43+s24+$0x0] =	vst.idx.add.f32.msk vm9, v45  }
0x4b6: {  	v16 =	vld [tilespmem:s0+$0xEE0]  }
0x4b7: {  	v47 =	vor.u32 v9, v15  }
0x4b8: {  	v48 =	vmul.f32 v14, v14  }
0x4b9: {  	[tilespmem:v46+s23+$0x0] =	vst.idx.add.f32.msk vm8, v14  }
0x4ba: {  	[tilespmem:v46+s24+$0x0] =	vst.idx.add.f32.msk vm8, v48  }
0x4bb: {  	v14 =	vld [tilespmem:s0+$0x6F0];
	v49 =	vmul.f32 v16, v16  }
0x4bc: {  	v13 =	vor.u32 v10, v13;
	[tilespmem:v47+s23+$0x0] =	vst.idx.add.f32.msk vm9, v16  }
0x4bd: {  	[tilespmem:v47+s24+$0x0] =	vst.idx.add.f32.msk vm9, v49  }
0x4be: {  	v16 =	vld [tilespmem:s0+$0xEF0]  }
0x4bf: {  	v15 =	vor.u32 v10, v15  }
0x4c0: {  	v51 =	vbroadcast v11, $0xD;
	v50 =	vmul.f32 v14, v14  }
0x4c1: {  	[tilespmem:v13+s23+$0x0] =	vst.idx.add.f32.msk vm8, v14  }
0x4c2: {  	vm10 =	vlt.u32 v51, $0x80;
	v52 =	vshll.u32 v51, $0x7;
	[tilespmem:v13+s24+$0x0] =	vst.idx.add.f32.msk vm8, v50  }
0x4c3: {  	v54 =	vbroadcast v12, $0xD;
	v13 =	vnsel vm10, $0x0, v52;
	v14 =	vld [tilespmem:s0+$0x700];
	v53 =	vmul.f32 v16, v16  }
0x4c4: {  	v55 =	vor.u32 v1, v13;
	[tilespmem:v15+s23+$0x0] =	vst.idx.add.f32.msk vm9, v16  }
0x4c5: {  	vm11 =	vlt.u32 v54, $0x80;
	v56 =	vshll.u32 v54, $0x7;
	[tilespmem:v15+s24+$0x0] =	vst.idx.add.f32.msk vm9, v53  }
0x4c6: {  	v15 =	vnsel vm11, $0x0, v56;
	v16 =	vld [tilespmem:s0+$0xF00]  }
0x4c7: {  	v57 =	vor.u32 v1, v15  }
0x4c8: {  	v58 =	vmul.f32 v14, v14  }
0x4c9: {  	[tilespmem:v55+s23+$0x0] =	vst.idx.add.f32.msk vm10, v14  }
0x4ca: {  	[tilespmem:v55+s24+$0x0] =	vst.idx.add.f32.msk vm10, v58  }
0x4cb: {  	v14 =	vld [tilespmem:s0+$0x710];
	v59 =	vmul.f32 v16, v16  }
0x4cc: {  	v60 =	vor.u32 v4, v13;
	[tilespmem:v57+s23+$0x0] =	vst.idx.add.f32.msk vm11, v16  }
0x4cd: {  	[tilespmem:v57+s24+$0x0] =	vst.idx.add.f32.msk vm11, v59  }
0x4ce: {  	v16 =	vld [tilespmem:s0+$0xF10]  }
0x4cf: {  	v61 =	vor.u32 v4, v15  }
0x4d0: {  	v62 =	vmul.f32 v14, v14  }
0x4d1: {  	[tilespmem:v60+s23+$0x0] =	vst.idx.add.f32.msk vm10, v14  }
0x4d2: {  	[tilespmem:v60+s24+$0x0] =	vst.idx.add.f32.msk vm10, v62  }
0x4d3: {  	v14 =	vld [tilespmem:s0+$0x720];
	v63 =	vmul.f32 v16, v16  }
0x4d4: {  	v21 =	vor.u32 v5, v13;
	[tilespmem:v61+s23+$0x0] =	vst.idx.add.f32.msk vm11, v16  }
0x4d5: {  	[tilespmem:v61+s24+$0x0] =	vst.idx.add.f32.msk vm11, v63  }
0x4d6: {  	v16 =	vld [tilespmem:s0+$0xF20]  }
0x4d7: {  	v22 =	vor.u32 v5, v15  }
0x4d8: {  	v23 =	vmul.f32 v14, v14  }
0x4d9: {  	[tilespmem:v21+s23+$0x0] =	vst.idx.add.f32.msk vm10, v14  }
0x4da: {  	[tilespmem:v21+s24+$0x0] =	vst.idx.add.f32.msk vm10, v23  }
0x4db: {  	v14 =	vld [tilespmem:s0+$0x730];
	v24 =	vmul.f32 v16, v16  }
0x4dc: {  	v25 =	vor.u32 v6, v13;
	[tilespmem:v22+s23+$0x0] =	vst.idx.add.f32.msk vm11, v16  }
0x4dd: {  	[tilespmem:v22+s24+$0x0] =	vst.idx.add.f32.msk vm11, v24  }
0x4de: {  	v16 =	vld [tilespmem:s0+$0xF30]  }
0x4df: {  	v26 =	vor.u32 v6, v15  }
0x4e0: {  	v27 =	vmul.f32 v14, v14  }
0x4e1: {  	[tilespmem:v25+s23+$0x0] =	vst.idx.add.f32.msk vm10, v14  }
0x4e2: {  	[tilespmem:v25+s24+$0x0] =	vst.idx.add.f32.msk vm10, v27  }
0x4e3: {  	v14 =	vld [tilespmem:s0+$0x740];
	v28 =	vmul.f32 v16, v16  }
0x4e4: {  	v29 =	vor.u32 v7, v13;
	[tilespmem:v26+s23+$0x0] =	vst.idx.add.f32.msk vm11, v16  }
0x4e5: {  	[tilespmem:v26+s24+$0x0] =	vst.idx.add.f32.msk vm11, v28  }
0x4e6: {  	v16 =	vld [tilespmem:s0+$0xF40]  }
0x4e7: {  	v30 =	vor.u32 v7, v15  }
0x4e8: {  	v31 =	vmul.f32 v14, v14  }
0x4e9: {  	[tilespmem:v29+s23+$0x0] =	vst.idx.add.f32.msk vm10, v14  }
0x4ea: {  	[tilespmem:v29+s24+$0x0] =	vst.idx.add.f32.msk vm10, v31  }
0x4eb: {  	v14 =	vld [tilespmem:s0+$0x750];
	v32 =	vmul.f32 v16, v16  }
0x4ec: {  	v33 =	vor.u32 v8, v13;
	[tilespmem:v30+s23+$0x0] =	vst.idx.add.f32.msk vm11, v16  }
0x4ed: {  	[tilespmem:v30+s24+$0x0] =	vst.idx.add.f32.msk vm11, v32  }
0x4ee: {  	v16 =	vld [tilespmem:s0+$0xF50]  }
0x4ef: {  	v34 =	vor.u32 v8, v15  }
0x4f0: {  	v35 =	vmul.f32 v14, v14  }
0x4f1: {  	[tilespmem:v33+s23+$0x0] =	vst.idx.add.f32.msk vm10, v14  }
0x4f2: {  	[tilespmem:v33+s24+$0x0] =	vst.idx.add.f32.msk vm10, v35  }
0x4f3: {  	v14 =	vld [tilespmem:s0+$0x760];
	v36 =	vmul.f32 v16, v16  }
0x4f4: {  	v37 =	vor.u32 v9, v13;
	[tilespmem:v34+s23+$0x0] =	vst.idx.add.f32.msk vm11, v16  }
0x4f5: {  	[tilespmem:v34+s24+$0x0] =	vst.idx.add.f32.msk vm11, v36  }
0x4f6: {  	v16 =	vld [tilespmem:s0+$0xF60]  }
0x4f7: {  	v38 =	vor.u32 v9, v15  }
0x4f8: {  	v39 =	vmul.f32 v14, v14  }
0x4f9: {  	[tilespmem:v37+s23+$0x0] =	vst.idx.add.f32.msk vm10, v14  }
0x4fa: {  	[tilespmem:v37+s24+$0x0] =	vst.idx.add.f32.msk vm10, v39  }
0x4fb: {  	v14 =	vld [tilespmem:s0+$0x770];
	v40 =	vmul.f32 v16, v16  }
0x4fc: {  	v13 =	vor.u32 v10, v13;
	[tilespmem:v38+s23+$0x0] =	vst.idx.add.f32.msk vm11, v16  }
0x4fd: {  	[tilespmem:v38+s24+$0x0] =	vst.idx.add.f32.msk vm11, v40  }
0x4fe: {  	v16 =	vld [tilespmem:s0+$0xF70]  }
0x4ff: {  	v15 =	vor.u32 v10, v15  }
0x500: {  	v42 =	vbroadcast v11, $0xE;
	v41 =	vmul.f32 v14, v14  }
0x501: {  	[tilespmem:v13+s23+$0x0] =	vst.idx.add.f32.msk vm10, v14  }
0x502: {  	vm12 =	vlt.u32 v42, $0x80;
	v43 =	vshll.u32 v42, $0x7;
	[tilespmem:v13+s24+$0x0] =	vst.idx.add.f32.msk vm10, v41  }
0x503: {  	v45 =	vbroadcast v12, $0xE;
	v13 =	vnsel vm12, $0x0, v43;
	v14 =	vld [tilespmem:s0+$0x780];
	v44 =	vmul.f32 v16, v16  }
0x504: {  	v46 =	vor.u32 v1, v13;
	[tilespmem:v15+s23+$0x0] =	vst.idx.add.f32.msk vm11, v16  }
0x505: {  	vm13 =	vlt.u32 v45, $0x80;
	v47 =	vshll.u32 v45, $0x7;
	[tilespmem:v15+s24+$0x0] =	vst.idx.add.f32.msk vm11, v44  }
0x506: {  	v15 =	vnsel vm13, $0x0, v47;
	v16 =	vld [tilespmem:s0+$0xF80]  }
0x507: {  	v48 =	vor.u32 v1, v15  }
0x508: {  	v49 =	vmul.f32 v14, v14  }
0x509: {  	[tilespmem:v46+s23+$0x0] =	vst.idx.add.f32.msk vm12, v14  }
0x50a: {  	[tilespmem:v46+s24+$0x0] =	vst.idx.add.f32.msk vm12, v49  }
0x50b: {  	v14 =	vld [tilespmem:s0+$0x790];
	v50 =	vmul.f32 v16, v16  }
0x50c: {  	v51 =	vor.u32 v4, v13;
	[tilespmem:v48+s23+$0x0] =	vst.idx.add.f32.msk vm13, v16  }
0x50d: {  	[tilespmem:v48+s24+$0x0] =	vst.idx.add.f32.msk vm13, v50  }
0x50e: {  	v16 =	vld [tilespmem:s0+$0xF90]  }
0x50f: {  	v52 =	vor.u32 v4, v15  }
0x510: {  	v53 =	vmul.f32 v14, v14  }
0x511: {  	[tilespmem:v51+s23+$0x0] =	vst.idx.add.f32.msk vm12, v14  }
0x512: {  	[tilespmem:v51+s24+$0x0] =	vst.idx.add.f32.msk vm12, v53  }
0x513: {  	v14 =	vld [tilespmem:s0+$0x7A0];
	v54 =	vmul.f32 v16, v16  }
0x514: {  	v55 =	vor.u32 v5, v13;
	[tilespmem:v52+s23+$0x0] =	vst.idx.add.f32.msk vm13, v16  }
0x515: {  	[tilespmem:v52+s24+$0x0] =	vst.idx.add.f32.msk vm13, v54  }
0x516: {  	v16 =	vld [tilespmem:s0+$0xFA0]  }
0x517: {  	v56 =	vor.u32 v5, v15  }
0x518: {  	v57 =	vmul.f32 v14, v14  }
0x519: {  	[tilespmem:v55+s23+$0x0] =	vst.idx.add.f32.msk vm12, v14  }
0x51a: {  	[tilespmem:v55+s24+$0x0] =	vst.idx.add.f32.msk vm12, v57  }
0x51b: {  	v14 =	vld [tilespmem:s0+$0x7B0];
	v58 =	vmul.f32 v16, v16  }
0x51c: {  	v59 =	vor.u32 v6, v13;
	[tilespmem:v56+s23+$0x0] =	vst.idx.add.f32.msk vm13, v16  }
0x51d: {  	[tilespmem:v56+s24+$0x0] =	vst.idx.add.f32.msk vm13, v58  }
0x51e: {  	v16 =	vld [tilespmem:s0+$0xFB0]  }
0x51f: {  	v60 =	vor.u32 v6, v15  }
0x520: {  	v61 =	vmul.f32 v14, v14  }
0x521: {  	[tilespmem:v59+s23+$0x0] =	vst.idx.add.f32.msk vm12, v14  }
0x522: {  	[tilespmem:v59+s24+$0x0] =	vst.idx.add.f32.msk vm12, v61  }
0x523: {  	v14 =	vld [tilespmem:s0+$0x7C0];
	v62 =	vmul.f32 v16, v16  }
0x524: {  	v63 =	vor.u32 v7, v13;
	[tilespmem:v60+s23+$0x0] =	vst.idx.add.f32.msk vm13, v16  }
0x525: {  	[tilespmem:v60+s24+$0x0] =	vst.idx.add.f32.msk vm13, v62  }
0x526: {  	v16 =	vld [tilespmem:s0+$0xFC0]  }
0x527: {  	v21 =	vor.u32 v7, v15  }
0x528: {  	v22 =	vmul.f32 v14, v14  }
0x529: {  	[tilespmem:v63+s23+$0x0] =	vst.idx.add.f32.msk vm12, v14  }
0x52a: {  	[tilespmem:v63+s24+$0x0] =	vst.idx.add.f32.msk vm12, v22  }
0x52b: {  	v14 =	vld [tilespmem:s0+$0x7D0];
	v23 =	vmul.f32 v16, v16  }
0x52c: {  	v24 =	vor.u32 v8, v13;
	[tilespmem:v21+s23+$0x0] =	vst.idx.add.f32.msk vm13, v16  }
0x52d: {  	[tilespmem:v21+s24+$0x0] =	vst.idx.add.f32.msk vm13, v23  }
0x52e: {  	v16 =	vld [tilespmem:s0+$0xFD0]  }
0x52f: {  	v25 =	vor.u32 v8, v15  }
0x530: {  	v26 =	vmul.f32 v14, v14  }
0x531: {  	[tilespmem:v24+s23+$0x0] =	vst.idx.add.f32.msk vm12, v14  }
0x532: {  	[tilespmem:v24+s24+$0x0] =	vst.idx.add.f32.msk vm12, v26  }
0x533: {  	v14 =	vld [tilespmem:s0+$0x7E0];
	v27 =	vmul.f32 v16, v16  }
0x534: {  	v28 =	vor.u32 v9, v13;
	[tilespmem:v25+s23+$0x0] =	vst.idx.add.f32.msk vm13, v16  }
0x535: {  	[tilespmem:v25+s24+$0x0] =	vst.idx.add.f32.msk vm13, v27  }
0x536: {  	v16 =	vld [tilespmem:s0+$0xFE0]  }
0x537: {  	v29 =	vor.u32 v9, v15  }
0x538: {  	v30 =	vmul.f32 v14, v14  }
0x539: {  	[tilespmem:v28+s23+$0x0] =	vst.idx.add.f32.msk vm12, v14  }
0x53a: {  	[tilespmem:v28+s24+$0x0] =	vst.idx.add.f32.msk vm12, v30  }
0x53b: {  	v14 =	vld [tilespmem:s0+$0x7F0];
	v31 =	vmul.f32 v16, v16  }
0x53c: {  	v13 =	vor.u32 v10, v13;
	[tilespmem:v29+s23+$0x0] =	vst.idx.add.f32.msk vm13, v16  }
0x53d: {  	[tilespmem:v29+s24+$0x0] =	vst.idx.add.f32.msk vm13, v31  }
0x53e: {  	v16 =	vld [tilespmem:s0+$0xFF0]  }
0x53f: {  	v15 =	vor.u32 v10, v15  }
0x540: {  	v11 =	vbroadcast v11, $0xF;
	v32 =	vmul.f32 v14, v14  }
0x541: {  	[tilespmem:v13+s23+$0x0] =	vst.idx.add.f32.msk vm12, v14  }
0x542: {  	vm14 =	vlt.u32 v11, $0x80;
	v11 =	vshll.u32 v11, $0x7;
	[tilespmem:v13+s24+$0x0] =	vst.idx.add.f32.msk vm12, v32  }
0x543: {  	v11 =	vnsel vm14, $0x0, v11;
	v12 =	vbroadcast v12, $0xF;
	v13 =	vld [tilespmem:s0+$0x800];
	v33 =	vmul.f32 v16, v16  }
0x544: {  	v34 =	vor.u32 v1, v11;
	[tilespmem:v15+s23+$0x0] =	vst.idx.add.f32.msk vm13, v16  }
0x545: {  	vm15 =	vlt.u32 v12, $0x80;
	v12 =	vshll.u32 v12, $0x7;
	[tilespmem:v15+s24+$0x0] =	vst.idx.add.f32.msk vm13, v33  }
0x546: {  	v12 =	vnsel vm15, $0x0, v12;
	v14 =	vld [tilespmem:s0+$0x1000]  }
0x547: {  	v35 =	vor.u32 v1, v12  }
0x548: {  	v36 =	vmul.f32 v13, v13  }
0x549: {  	[tilespmem:v34+s23+$0x0] =	vst.idx.add.f32.msk vm14, v13  }
0x54a: {  	[tilespmem:v34+s24+$0x0] =	vst.idx.add.f32.msk vm14, v36  }
0x54b: {  	v13 =	vld [tilespmem:s0+$0x810];
	v37 =	vmul.f32 v14, v14  }
0x54c: {  	v38 =	vor.u32 v4, v11;
	[tilespmem:v35+s23+$0x0] =	vst.idx.add.f32.msk vm15, v14  }
0x54d: {  	[tilespmem:v35+s24+$0x0] =	vst.idx.add.f32.msk vm15, v37  }
0x54e: {  	v14 =	vld [tilespmem:s0+$0x1010]  }
0x54f: {  	v39 =	vor.u32 v4, v12  }
0x550: {  	v40 =	vmul.f32 v13, v13  }
0x551: {  	[tilespmem:v38+s23+$0x0] =	vst.idx.add.f32.msk vm14, v13  }
0x552: {  	[tilespmem:v38+s24+$0x0] =	vst.idx.add.f32.msk vm14, v40  }
0x553: {  	v13 =	vld [tilespmem:s0+$0x820];
	v41 =	vmul.f32 v14, v14  }
0x554: {  	v42 =	vor.u32 v5, v11;
	[tilespmem:v39+s23+$0x0] =	vst.idx.add.f32.msk vm15, v14  }
0x555: {  	[tilespmem:v39+s24+$0x0] =	vst.idx.add.f32.msk vm15, v41  }
0x556: {  	v14 =	vld [tilespmem:s0+$0x1020]  }
0x557: {  	v43 =	vor.u32 v5, v12  }
0x558: {  	v44 =	vmul.f32 v13, v13  }
0x559: {  	[tilespmem:v42+s23+$0x0] =	vst.idx.add.f32.msk vm14, v13  }
0x55a: {  	[tilespmem:v42+s24+$0x0] =	vst.idx.add.f32.msk vm14, v44  }
0x55b: {  	v13 =	vld [tilespmem:s0+$0x830];
	v45 =	vmul.f32 v14, v14  }
0x55c: {  	v46 =	vor.u32 v6, v11;
	[tilespmem:v43+s23+$0x0] =	vst.idx.add.f32.msk vm15, v14  }
0x55d: {  	[tilespmem:v43+s24+$0x0] =	vst.idx.add.f32.msk vm15, v45  }
0x55e: {  	v14 =	vld [tilespmem:s0+$0x1030]  }
0x55f: {  	v47 =	vor.u32 v6, v12  }
0x560: {  	v48 =	vmul.f32 v13, v13  }
0x561: {  	[tilespmem:v46+s23+$0x0] =	vst.idx.add.f32.msk vm14, v13  }
0x562: {  	[tilespmem:v46+s24+$0x0] =	vst.idx.add.f32.msk vm14, v48  }
0x563: {  	v13 =	vld [tilespmem:s0+$0x840];
	v49 =	vmul.f32 v14, v14  }
0x564: {  	v50 =	vor.u32 v7, v11;
	[tilespmem:v47+s23+$0x0] =	vst.idx.add.f32.msk vm15, v14  }
0x565: {  	[tilespmem:v47+s24+$0x0] =	vst.idx.add.f32.msk vm15, v49  }
0x566: {  	v14 =	vld [tilespmem:s0+$0x1040]  }
0x567: {  	v51 =	vor.u32 v7, v12  }
0x568: {  	v52 =	vmul.f32 v13, v13  }
0x569: {  	[tilespmem:v50+s23+$0x0] =	vst.idx.add.f32.msk vm14, v13  }
0x56a: {  	[tilespmem:v50+s24+$0x0] =	vst.idx.add.f32.msk vm14, v52  }
0x56b: {  	v13 =	vld [tilespmem:s0+$0x850];
	v53 =	vmul.f32 v14, v14  }
0x56c: {  	v54 =	vor.u32 v8, v11;
	[tilespmem:v51+s23+$0x0] =	vst.idx.add.f32.msk vm15, v14  }
0x56d: {  	[tilespmem:v51+s24+$0x0] =	vst.idx.add.f32.msk vm15, v53  }
0x56e: {  	v14 =	vld [tilespmem:s0+$0x1050]  }
0x56f: {  	v55 =	vor.u32 v8, v12  }
0x570: {  	v56 =	vmul.f32 v13, v13  }
0x571: {  	[tilespmem:v54+s23+$0x0] =	vst.idx.add.f32.msk vm14, v13  }
0x572: {  	[tilespmem:v54+s24+$0x0] =	vst.idx.add.f32.msk vm14, v56  }
0x573: {  	v13 =	vld [tilespmem:s0+$0x860];
	v57 =	vmul.f32 v14, v14  }
0x574: {  	v58 =	vor.u32 v9, v11;
	[tilespmem:v55+s23+$0x0] =	vst.idx.add.f32.msk vm15, v14  }
0x575: {  	[tilespmem:v55+s24+$0x0] =	vst.idx.add.f32.msk vm15, v57  }
0x576: {  	v14 =	vld [tilespmem:s0+$0x1060]  }
0x577: {  	v59 =	vor.u32 v9, v12  }
0x578: {  	v60 =	vmul.f32 v13, v13  }
0x579: {  	[tilespmem:v58+s23+$0x0] =	vst.idx.add.f32.msk vm14, v13  }
0x57a: {  	[tilespmem:v58+s24+$0x0] =	vst.idx.add.f32.msk vm14, v60  }
0x57b: {  	v62 =	vld [tilespmem:s0+$0x870];
	v61 =	vmul.f32 v14, v14  }
0x57c: {  	[tilespmem:v59+s23+$0x0] =	vst.idx.add.f32.msk vm15, v14  }
0x57d: {  	v11 =	vor.u32 v10, v11;
	[tilespmem:v59+s24+$0x0] =	vst.idx.add.f32.msk vm15, v61  }
0x57e: {  	v13 =	vld [tilespmem:s0+$0x1070]  }
0x57f: {  	v12 =	vor.u32 v10, v12  }
0x580: {  	p1 =	slt.u32 s26, $0x6  }
.Ltmp4:
0x581: {  	v63 =	vmul.f32 v62, v62;
	(pc) =	sbr.rel @p1 .LBB2_6-.Ltmp4, $4  }
0x582: {  	[tilespmem:v11+s23+$0x0] =	vst.idx.add.f32.msk vm14, v62  }
0x583: {  	[tilespmem:v11+s24+$0x0] =	vst.idx.add.f32.msk vm14, v63;
	v11 =	vmul.f32 v13, v13  }
0x584: {  	s31 =	sadd.s32 $0x2, s26;
	[tilespmem:v12+s23+$0x0] =	vst.idx.add.f32.msk vm15, v13  }
0x585: {  	s26 =	smov.u32 s31;
	[tilespmem:v12+s24+$0x0] =	vst.idx.add.f32.msk vm15, v11  }
.Ltmp5:
0x586: {  	(pc) =	sbr.rel @p0 .LBB2_11-.Ltmp5, $4  }
0x587: {  	_ = 	snop  }
0x588: {  	_ =	swait.ge [sflag:s25], $0x80  }
0x589: {  	[sflag:s25] =	ssyncset.done $0x0  }
0x58a: {  	[sflag:s25] =	ssyncadd.s32 $0xFFFFFF80  }
0x58b: {  	s0 =	simm.s32 $0x0  }
0x58c: {  	v11 =	vld [tilespmem:s0+$0xC080]  }
0x58d: {  	s1 =	simm.s32 $0x40;
	v12 =	vld [tilespmem:s0+$0xC180]  }
.LBB2_9:
0x58e: {  	_ = 	snop  }
0x58f: {  	p1 =	sne.s32 s1, $0x1C0  }
.Ltmp6:
0x590: {  	_ = 	snop;
	(pc) =	sbr.rel @p1 .LBB2_9-.Ltmp6, $4  }
0x591: {  	_ = 	snop  }
0x592: {  	s8 =	sshra.s32 s1, $0x2;
	v13 =	vadd.f32 v12, v11  }
0x593: {  	v11 =	vld [tilespmem:s8+$0xC080]  }
0x594: {  	s1 =	sadd.s32 $0x40, s1;
	v12 =	vld [tilespmem:s8+$0xC180];
	[tilespmem:s0+$0x14280] =	vst v13;
	s0 =	smov.u32 s8  }
0x595: {  	_ =	sdelay $0x3  }
0x596: {  	v11 =	vadd.f32 v12, v11;
	_ =	sdelay $0x1  }
0x597: {  	[tilespmem:s0+$0x14280] =	vst v11  }
0x598: {  	s1 =	simm.s32 $0x14280;
	s31 =	simm.s32 $0x6;
	s0 =	rddreg [dreg:$0x9]  }
0x599: {  	[hbm4b:s0+s3] =	stream.linear.scatter [tilespmem:s1], [sflag:$0x6], $0x80, $0x38;
	[tilespmem:$0x14300] =	vst v63  }
0x59a: {  	_ =	swait.ge [sflag:s31], $0x80  }
0x59b: {  	[sflag:s31] =	ssyncset.done $0x0  }
0x59c: {  	[sflag:s31] =	ssyncadd.s32 $0xFFFFFF80  }
.LBB2_11:
0x59d: {  	_ =	swait.ge [sflag:s29], $0x4000  }
.Ltmp7:
0x59e: {  	[sflag:s29] =	ssyncset.done $0x0;
	(pc) =	sbr.rel .LBB2_12-.Ltmp7, $4  }
0x59f: {  	s0 =	simm.s32 $0xFFFFFFFE;
	[sflag:s29] =	ssyncadd.s32 $0xFFFFC000  }
0x5a0: {  	s16 =	simm.s32 $0xC181;
	s26 =	simm.s32 $0xC081;
	_ =	swait.ge [sflag:s30], $0x4000  }
0x5a1: {  	s17 =	simm.s32 $0x10300;
	s31 =	simm.s32 $0xC300;
	[sflag:s30] =	ssyncset.done $0x0  }
0x5a2: {  	s1 =	simm.s32 $0x8100;
	s8 =	simm.s32 $0x4100;
	[sflag:s30] =	ssyncadd.s32 $0xFFFFC000  }
.LBB2_16:
0x5a3: {  	s0 =	sadd.s32 $0x2, s0  }
0x5a4: {  	p1 =	slt.u32 s0, $0x3E  }
.Ltmp8:
0x5a5: {  	_ = 	snop;
	(pc) =	sbr.rel @!p1 .LBB2_17-.Ltmp8, $3  }
0x5a6: {  	_ =	sdelay $0x1  }
0x5a7: {  	s16 =	sadd.s32 $0x2, s16;
	s26 =	sadd.s32 $0x2, s26;
	s17 =	sadd.s32 $0x100, s17  }
0x5a8: {  	s31 =	sadd.s32 $0x100, s31;
	s1 =	sadd.s32 $0x100, s1;
	s8 =	sadd.s32 $0x100, s8  }
.LBB2_12:
0x5a9: {  	v11 =	vld [tilespmem:s16+$0xFFFFFFFF];
	_ =	sdelay $0x4  }
0x5aa: {  	(v2sf) =	vpush v11, $0x0;
	_ =	sdelay $0xe  }
0x5ab: {  	s28 =	spop (v2sf)  }
0x5ac: {  	p1 =	sgt.f32 s28, $0.0e+00  }
.Ltmp9:
0x5ad: {  	_ = 	snop;
	(pc) =	sbr.rel @!p1 .LBB2_14-.Ltmp9, $1  }
0x5ae: {  	_ =	sdelay $0x3  }
0x5af: {  	v12 =	vld [tilespmem:s26+$0xFFFFFFFF];
	_ =	sdelay $0x4  }
0x5b0: {  	v11 =	vadd.f32 $0.0e+00, v11;
	v12 =	vadd.f32 $0.0e+00, v12;
	_ =	sdelay $0x1  }
0x5b1: {  	v12 =	vadd.f32 v12, v11;
	_ =	sdelay $0x1  }
0x5b2: {  	v12 =	vbroadcast v12, $0x0  }
0x5b3: {  	v11 =	vbroadcast v11, $0x0  }
0x5b4: {  	(erf) = vrcp.f32 v12  }
0x5b5: {  	(erf) = vrcp.f32 v11;
	_ =	sdelay $0x4  }
0x5b6: {  	v62 =	vld [tilespmem:s31+$0xFFFFFF80];
	_ =	sdelay $0x1  }
0x5b7: {  	v14 =	vld [tilespmem:s17+$0xFFFFFF80]  }
0x5b8: {  	v13 =	vpop (erf)  }
0x5b9: {  	v15 =	vld [tilespmem:s1+$0xFFFFFF80];
	v11 =	vmul.f32 v13, v11;
	v63 =	vpop (erf)  }
0x5ba: {  	v17 =	vld [tilespmem:s8+$0xFFFFFF80];
	v16 =	vmul.f32 v62, v63  }
0x5bb: {  	v11 =	vmax.f32 v11, $2.000000030e-01  }
0x5bc: {  	v14 =	vmul.f32 v14, v63;
	v12 =	vsub.f32 $1.000000000e+00, v11;
	v18 =	vmul.f32 v16, v16;
	_ =	sdelay $0x1  }
0x5bd: {  	v19 =	vsub.f32 v15, v16;
	v18 =	vsub.f32 v14, v18;
	v14 =	vmul.f32 v12, v11  }
0x5be: {  	v17 =	vmul.f32 v12, v17  }
0x5bf: {  	v18 =	vmul.f32 v11, v18;
	v20 =	vmul.f32 v14, v19;
	_ =	sdelay $0x1  }
0x5c0: {  	v17 =	vadd.f32 v17, v18;
	v23 =	vmul.f32 v20, v19  }
0x5c1: {  	v16 =	vmul.f32 v11, v16;
	v15 =	vmul.f32 v12, v15  }
0x5c2: {  	v17 =	vadd.f32 v23, v17  }
0x5c3: {  	v15 =	vadd.f32 v15, v16  }
0x5c4: {  	[tilespmem:s8+$0xFFFFFF80] =	vst v17  }
0x5c5: {  	[tilespmem:s1+$0xFFFFFF80] =	vst v15  }
0x5c6: {  	v15 =	vld [tilespmem:s31+$0xFFFFFF90];
	_ =	sdelay $0x1  }
0x5c7: {  	v24 =	vld [tilespmem:s17+$0xFFFFFF90];
	_ =	sdelay $0x1  }
0x5c8: {  	v17 =	vld [tilespmem:s1+$0xFFFFFF90]  }
0x5c9: {  	v25 =	vld [tilespmem:s8+$0xFFFFFF90];
	v15 =	vmul.f32 v15, v63;
	_ =	sdelay $0x1  }
0x5ca: {  	v16 =	vmul.f32 v24, v63;
	v26 =	vmul.f32 v15, v15;
	_ =	sdelay $0x1  }
0x5cb: {  	v27 =	vsub.f32 v17, v15;
	v16 =	vsub.f32 v16, v26  }
0x5cc: {  	v18 =	vmul.f32 v25, v12  }
0x5cd: {  	v28 =	vmul.f32 v27, v14;
	v16 =	vmul.f32 v16, v11;
	_ =	sdelay $0x1  }
0x5ce: {  	v29 =	vmul.f32 v28, v27;
	v16 =	vadd.f32 v16, v18  }
0x5cf: {  	v17 =	vmul.f32 v17, v12;
	v15 =	vmul.f32 v15, v11  }
0x5d0: {  	v16 =	vadd.f32 v29, v16  }
0x5d1: {  	v15 =	vadd.f32 v17, v15  }
0x5d2: {  	[tilespmem:s8+$0xFFFFFF90] =	vst v16  }
0x5d3: {  	[tilespmem:s1+$0xFFFFFF90] =	vst v15  }
0x5d4: {  	v15 =	vld [tilespmem:s31+$0xFFFFFFA0];
	_ =	sdelay $0x1  }
0x5d5: {  	v16 =	vld [tilespmem:s17+$0xFFFFFFA0];
	_ =	sdelay $0x1  }
0x5d6: {  	v30 =	vld [tilespmem:s1+$0xFFFFFFA0]  }
0x5d7: {  	v31 =	vld [tilespmem:s8+$0xFFFFFFA0];
	v15 =	vmul.f32 v15, v63;
	_ =	sdelay $0x1  }
0x5d8: {  	v16 =	vmul.f32 v16, v63;
	v32 =	vmul.f32 v15, v15;
	_ =	sdelay $0x1  }
0x5d9: {  	v33 =	vsub.f32 v30, v15;
	v16 =	vsub.f32 v16, v32  }
0x5da: {  	v18 =	vmul.f32 v31, v12  }
0x5db: {  	v34 =	vmul.f32 v33, v14;
	v16 =	vmul.f32 v16, v11;
	_ =	sdelay $0x1  }
0x5dc: {  	v35 =	vmul.f32 v34, v33;
	v16 =	vadd.f32 v16, v18  }
0x5dd: {  	v17 =	vmul.f32 v30, v12;
	v15 =	vmul.f32 v15, v11  }
0x5de: {  	v16 =	vadd.f32 v35, v16  }
0x5df: {  	v15 =	vadd.f32 v17, v15  }
0x5e0: {  	[tilespmem:s8+$0xFFFFFFA0] =	vst v16  }
0x5e1: {  	[tilespmem:s1+$0xFFFFFFA0] =	vst v15  }
0x5e2: {  	v15 =	vld [tilespmem:s31+$0xFFFFFFB0];
	_ =	sdelay $0x1  }
0x5e3: {  	v16 =	vld [tilespmem:s17+$0xFFFFFFB0];
	_ =	sdelay $0x1  }
0x5e4: {  	v36 =	vld [tilespmem:s1+$0xFFFFFFB0]  }
0x5e5: {  	v37 =	vld [tilespmem:s8+$0xFFFFFFB0];
	v15 =	vmul.f32 v15, v63;
	_ =	sdelay $0x1  }
0x5e6: {  	v16 =	vmul.f32 v16, v63;
	v38 =	vmul.f32 v15, v15;
	_ =	sdelay $0x1  }
0x5e7: {  	v39 =	vsub.f32 v36, v15;
	v16 =	vsub.f32 v16, v38  }
0x5e8: {  	v18 =	vmul.f32 v37, v12  }
0x5e9: {  	v40 =	vmul.f32 v39, v14;
	v16 =	vmul.f32 v16, v11;
	_ =	sdelay $0x1  }
0x5ea: {  	v41 =	vmul.f32 v40, v39;
	v16 =	vadd.f32 v16, v18  }
0x5eb: {  	v17 =	vmul.f32 v36, v12;
	v15 =	vmul.f32 v15, v11  }
0x5ec: {  	v16 =	vadd.f32 v41, v16  }
0x5ed: {  	v15 =	vadd.f32 v17, v15  }
0x5ee: {  	[tilespmem:s8+$0xFFFFFFB0] =	vst v16  }
0x5ef: {  	[tilespmem:s1+$0xFFFFFFB0] =	vst v15  }
0x5f0: {  	v15 =	vld [tilespmem:s31+$0xFFFFFFC0];
	_ =	sdelay $0x1  }
0x5f1: {  	v16 =	vld [tilespmem:s17+$0xFFFFFFC0];
	_ =	sdelay $0x1  }
0x5f2: {  	v42 =	vld [tilespmem:s1+$0xFFFFFFC0]  }
0x5f3: {  	v43 =	vld [tilespmem:s8+$0xFFFFFFC0];
	v15 =	vmul.f32 v15, v63;
	_ =	sdelay $0x1  }
0x5f4: {  	v16 =	vmul.f32 v16, v63;
	v44 =	vmul.f32 v15, v15;
	_ =	sdelay $0x1  }
0x5f5: {  	v45 =	vsub.f32 v42, v15;
	v16 =	vsub.f32 v16, v44  }
0x5f6: {  	v18 =	vmul.f32 v43, v12  }
0x5f7: {  	v46 =	vmul.f32 v45, v14;
	v16 =	vmul.f32 v16, v11;
	_ =	sdelay $0x1  }
0x5f8: {  	v47 =	vmul.f32 v46, v45;
	v16 =	vadd.f32 v16, v18  }
0x5f9: {  	v17 =	vmul.f32 v42, v12;
	v15 =	vmul.f32 v15, v11  }
0x5fa: {  	v16 =	vadd.f32 v47, v16  }
0x5fb: {  	v15 =	vadd.f32 v17, v15  }
0x5fc: {  	[tilespmem:s8+$0xFFFFFFC0] =	vst v16  }
0x5fd: {  	[tilespmem:s1+$0xFFFFFFC0] =	vst v15  }
0x5fe: {  	v15 =	vld [tilespmem:s31+$0xFFFFFFD0];
	_ =	sdelay $0x1  }
0x5ff: {  	v16 =	vld [tilespmem:s17+$0xFFFFFFD0];
	_ =	sdelay $0x1  }
0x600: {  	v48 =	vld [tilespmem:s1+$0xFFFFFFD0]  }
0x601: {  	v49 =	vld [tilespmem:s8+$0xFFFFFFD0];
	v15 =	vmul.f32 v15, v63;
	_ =	sdelay $0x1  }
0x602: {  	v16 =	vmul.f32 v16, v63;
	v50 =	vmul.f32 v15, v15;
	_ =	sdelay $0x1  }
0x603: {  	v51 =	vsub.f32 v48, v15;
	v16 =	vsub.f32 v16, v50  }
0x604: {  	v18 =	vmul.f32 v49, v12  }
0x605: {  	v52 =	vmul.f32 v51, v14;
	v16 =	vmul.f32 v16, v11;
	_ =	sdelay $0x1  }
0x606: {  	v53 =	vmul.f32 v52, v51;
	v16 =	vadd.f32 v16, v18  }
0x607: {  	v17 =	vmul.f32 v48, v12;
	v15 =	vmul.f32 v15, v11  }
0x608: {  	v16 =	vadd.f32 v53, v16  }
0x609: {  	v15 =	vadd.f32 v17, v15  }
0x60a: {  	[tilespmem:s8+$0xFFFFFFD0] =	vst v16  }
0x60b: {  	[tilespmem:s1+$0xFFFFFFD0] =	vst v15  }
0x60c: {  	v15 =	vld [tilespmem:s31+$0xFFFFFFE0];
	_ =	sdelay $0x1  }
0x60d: {  	v16 =	vld [tilespmem:s17+$0xFFFFFFE0];
	_ =	sdelay $0x1  }
0x60e: {  	v54 =	vld [tilespmem:s1+$0xFFFFFFE0]  }
0x60f: {  	v55 =	vld [tilespmem:s8+$0xFFFFFFE0];
	v15 =	vmul.f32 v15, v63;
	_ =	sdelay $0x1  }
0x610: {  	v16 =	vmul.f32 v16, v63;
	v56 =	vmul.f32 v15, v15;
	_ =	sdelay $0x1  }
0x611: {  	v57 =	vsub.f32 v54, v15;
	v16 =	vsub.f32 v16, v56  }
0x612: {  	v18 =	vmul.f32 v55, v12  }
0x613: {  	v58 =	vmul.f32 v57, v14;
	v16 =	vmul.f32 v16, v11;
	_ =	sdelay $0x1  }
0x614: {  	v59 =	vmul.f32 v58, v57;
	v16 =	vadd.f32 v16, v18  }
0x615: {  	v17 =	vmul.f32 v54, v12;
	v15 =	vmul.f32 v15, v11  }
0x616: {  	v16 =	vadd.f32 v59, v16  }
0x617: {  	v15 =	vadd.f32 v17, v15  }
0x618: {  	[tilespmem:s8+$0xFFFFFFE0] =	vst v16  }
0x619: {  	[tilespmem:s1+$0xFFFFFFE0] =	vst v15  }
0x61a: {  	v15 =	vld [tilespmem:s31+$0xFFFFFFF0];
	_ =	sdelay $0x1  }
0x61b: {  	v16 =	vld [tilespmem:s17+$0xFFFFFFF0];
	_ =	sdelay $0x1  }
0x61c: {  	v60 =	vld [tilespmem:s1+$0xFFFFFFF0]  }
0x61d: {  	v61 =	vld [tilespmem:s8+$0xFFFFFFF0];
	v15 =	vmul.f32 v15, v63;
	_ =	sdelay $0x1  }
0x61e: {  	v13 =	vmul.f32 v16, v63;
	v62 =	vmul.f32 v15, v15;
	_ =	sdelay $0x1  }
0x61f: {  	v63 =	vsub.f32 v60, v15;
	v13 =	vsub.f32 v13, v62  }
0x620: {  	v18 =	vmul.f32 v61, v12  }
0x621: {  	v14 =	vmul.f32 v63, v14;
	v13 =	vmul.f32 v13, v11;
	_ =	sdelay $0x1  }
0x622: {  	v14 =	vmul.f32 v14, v63;
	v13 =	vadd.f32 v13, v18  }
0x623: {  	v12 =	vmul.f32 v60, v12;
	v11 =	vmul.f32 v15, v11  }
0x624: {  	v13 =	vadd.f32 v14, v13  }
0x625: {  	v11 =	vadd.f32 v12, v11  }
0x626: {  	[tilespmem:s8+$0xFFFFFFF0] =	vst v13  }
0x627: {  	[tilespmem:s1+$0xFFFFFFF0] =	vst v11  }
.LBB2_14:
0x628: {  	v11 =	vld [tilespmem:s16+$0x0];
	_ =	sdelay $0x4  }
0x629: {  	(v2sf) =	vpush v11, $0x0;
	_ =	sdelay $0xe  }
0x62a: {  	s28 =	spop (v2sf)  }
0x62b: {  	p1 =	sgt.f32 s28, $0.0e+00  }
.Ltmp10:
0x62c: {  	_ = 	snop;
	(pc) =	sbr.rel @!p1 .LBB2_16-.Ltmp10, $1  }
0x62d: {  	_ =	sdelay $0x3  }
0x62e: {  	v12 =	vld [tilespmem:s26+$0x0];
	_ =	sdelay $0x4  }
0x62f: {  	v11 =	vadd.f32 $0.0e+00, v11;
	v12 =	vadd.f32 $0.0e+00, v12;
	_ =	sdelay $0x1  }
0x630: {  	v12 =	vadd.f32 v12, v11;
	_ =	sdelay $0x1  }
0x631: {  	v12 =	vbroadcast v12, $0x0  }
0x632: {  	v11 =	vbroadcast v11, $0x0  }
0x633: {  	(erf) = vrcp.f32 v12  }
0x634: {  	(erf) = vrcp.f32 v11;
	_ =	sdelay $0x4  }
0x635: {  	v62 =	vld [tilespmem:s31+$0x0];
	_ =	sdelay $0x1  }
0x636: {  	v14 =	vld [tilespmem:s17+$0x0]  }
0x637: {  	v13 =	vpop (erf)  }
0x638: {  	v15 =	vld [tilespmem:s1+$0x0];
	v11 =	vmul.f32 v13, v11;
	v63 =	vpop (erf)  }
0x639: {  	v17 =	vld [tilespmem:s8+$0x0];
	v16 =	vmul.f32 v62, v63  }
0x63a: {  	v11 =	vmax.f32 v11, $2.000000030e-01  }
0x63b: {  	v14 =	vmul.f32 v14, v63;
	v12 =	vsub.f32 $1.000000000e+00, v11;
	v18 =	vmul.f32 v16, v16;
	_ =	sdelay $0x1  }
0x63c: {  	v19 =	vsub.f32 v15, v16;
	v18 =	vsub.f32 v14, v18;
	v14 =	vmul.f32 v12, v11  }
0x63d: {  	v17 =	vmul.f32 v12, v17  }
0x63e: {  	v18 =	vmul.f32 v11, v18;
	v20 =	vmul.f32 v14, v19;
	_ =	sdelay $0x1  }
0x63f: {  	v17 =	vadd.f32 v17, v18;
	v23 =	vmul.f32 v20, v19  }
0x640: {  	v16 =	vmul.f32 v11, v16;
	v15 =	vmul.f32 v12, v15  }
0x641: {  	v17 =	vadd.f32 v23, v17  }
0x642: {  	v15 =	vadd.f32 v15, v16  }
0x643: {  	[tilespmem:s8+$0x0] =	vst v17  }
0x644: {  	[tilespmem:s1+$0x0] =	vst v15  }
0x645: {  	v15 =	vld [tilespmem:s31+$0x10];
	_ =	sdelay $0x1  }
0x646: {  	v24 =	vld [tilespmem:s17+$0x10];
	_ =	sdelay $0x1  }
0x647: {  	v17 =	vld [tilespmem:s1+$0x10]  }
0x648: {  	v25 =	vld [tilespmem:s8+$0x10];
	v15 =	vmul.f32 v15, v63;
	_ =	sdelay $0x1  }
0x649: {  	v16 =	vmul.f32 v24, v63;
	v26 =	vmul.f32 v15, v15;
	_ =	sdelay $0x1  }
0x64a: {  	v27 =	vsub.f32 v17, v15;
	v16 =	vsub.f32 v16, v26  }
0x64b: {  	v18 =	vmul.f32 v25, v12  }
0x64c: {  	v28 =	vmul.f32 v27, v14;
	v16 =	vmul.f32 v16, v11;
	_ =	sdelay $0x1  }
0x64d: {  	v29 =	vmul.f32 v28, v27;
	v16 =	vadd.f32 v16, v18  }
0x64e: {  	v17 =	vmul.f32 v17, v12;
	v15 =	vmul.f32 v15, v11  }
0x64f: {  	v16 =	vadd.f32 v29, v16  }
0x650: {  	v15 =	vadd.f32 v17, v15  }
0x651: {  	[tilespmem:s8+$0x10] =	vst v16  }
0x652: {  	[tilespmem:s1+$0x10] =	vst v15  }
0x653: {  	v15 =	vld [tilespmem:s31+$0x20];
	_ =	sdelay $0x1  }
0x654: {  	v16 =	vld [tilespmem:s17+$0x20];
	_ =	sdelay $0x1  }
0x655: {  	v30 =	vld [tilespmem:s1+$0x20]  }
0x656: {  	v31 =	vld [tilespmem:s8+$0x20];
	v15 =	vmul.f32 v15, v63;
	_ =	sdelay $0x1  }
0x657: {  	v16 =	vmul.f32 v16, v63;
	v32 =	vmul.f32 v15, v15;
	_ =	sdelay $0x1  }
0x658: {  	v33 =	vsub.f32 v30, v15;
	v16 =	vsub.f32 v16, v32  }
0x659: {  	v18 =	vmul.f32 v31, v12  }
0x65a: {  	v34 =	vmul.f32 v33, v14;
	v16 =	vmul.f32 v16, v11;
	_ =	sdelay $0x1  }
0x65b: {  	v35 =	vmul.f32 v34, v33;
	v16 =	vadd.f32 v16, v18  }
0x65c: {  	v17 =	vmul.f32 v30, v12;
	v15 =	vmul.f32 v15, v11  }
0x65d: {  	v16 =	vadd.f32 v35, v16  }
0x65e: {  	v15 =	vadd.f32 v17, v15  }
0x65f: {  	[tilespmem:s8+$0x20] =	vst v16  }
0x660: {  	[tilespmem:s1+$0x20] =	vst v15  }
0x661: {  	v15 =	vld [tilespmem:s31+$0x30];
	_ =	sdelay $0x1  }
0x662: {  	v16 =	vld [tilespmem:s17+$0x30];
	_ =	sdelay $0x1  }
0x663: {  	v36 =	vld [tilespmem:s1+$0x30]  }
0x664: {  	v37 =	vld [tilespmem:s8+$0x30];
	v15 =	vmul.f32 v15, v63;
	_ =	sdelay $0x1  }
0x665: {  	v16 =	vmul.f32 v16, v63;
	v38 =	vmul.f32 v15, v15;
	_ =	sdelay $0x1  }
0x666: {  	v39 =	vsub.f32 v36, v15;
	v16 =	vsub.f32 v16, v38  }
0x667: {  	v18 =	vmul.f32 v37, v12  }
0x668: {  	v40 =	vmul.f32 v39, v14;
	v16 =	vmul.f32 v16, v11;
	_ =	sdelay $0x1  }
0x669: {  	v41 =	vmul.f32 v40, v39;
	v16 =	vadd.f32 v16, v18  }
0x66a: {  	v17 =	vmul.f32 v36, v12;
	v15 =	vmul.f32 v15, v11  }
0x66b: {  	v16 =	vadd.f32 v41, v16  }
0x66c: {  	v15 =	vadd.f32 v17, v15  }
0x66d: {  	[tilespmem:s8+$0x30] =	vst v16  }
0x66e: {  	[tilespmem:s1+$0x30] =	vst v15  }
0x66f: {  	v15 =	vld [tilespmem:s31+$0x40];
	_ =	sdelay $0x1  }
0x670: {  	v16 =	vld [tilespmem:s17+$0x40];
	_ =	sdelay $0x1  }
0x671: {  	v42 =	vld [tilespmem:s1+$0x40]  }
0x672: {  	v43 =	vld [tilespmem:s8+$0x40];
	v15 =	vmul.f32 v15, v63;
	_ =	sdelay $0x1  }
0x673: {  	v16 =	vmul.f32 v16, v63;
	v44 =	vmul.f32 v15, v15;
	_ =	sdelay $0x1  }
0x674: {  	v45 =	vsub.f32 v42, v15;
	v16 =	vsub.f32 v16, v44  }
0x675: {  	v18 =	vmul.f32 v43, v12  }
0x676: {  	v46 =	vmul.f32 v45, v14;
	v16 =	vmul.f32 v16, v11;
	_ =	sdelay $0x1  }
0x677: {  	v47 =	vmul.f32 v46, v45;
	v16 =	vadd.f32 v16, v18  }
0x678: {  	v17 =	vmul.f32 v42, v12;
	v15 =	vmul.f32 v15, v11  }
0x679: {  	v16 =	vadd.f32 v47, v16  }
0x67a: {  	v15 =	vadd.f32 v17, v15  }
0x67b: {  	[tilespmem:s8+$0x40] =	vst v16  }
0x67c: {  	[tilespmem:s1+$0x40] =	vst v15  }
0x67d: {  	v15 =	vld [tilespmem:s31+$0x50];
	_ =	sdelay $0x1  }
0x67e: {  	v16 =	vld [tilespmem:s17+$0x50];
	_ =	sdelay $0x1  }
0x67f: {  	v48 =	vld [tilespmem:s1+$0x50]  }
0x680: {  	v49 =	vld [tilespmem:s8+$0x50];
	v15 =	vmul.f32 v15, v63;
	_ =	sdelay $0x1  }
0x681: {  	v16 =	vmul.f32 v16, v63;
	v50 =	vmul.f32 v15, v15;
	_ =	sdelay $0x1  }
0x682: {  	v51 =	vsub.f32 v48, v15;
	v16 =	vsub.f32 v16, v50  }
0x683: {  	v18 =	vmul.f32 v49, v12  }
0x684: {  	v52 =	vmul.f32 v51, v14;
	v16 =	vmul.f32 v16, v11;
	_ =	sdelay $0x1  }
0x685: {  	v53 =	vmul.f32 v52, v51;
	v16 =	vadd.f32 v16, v18  }
0x686: {  	v17 =	vmul.f32 v48, v12;
	v15 =	vmul.f32 v15, v11  }
0x687: {  	v16 =	vadd.f32 v53, v16  }
0x688: {  	v15 =	vadd.f32 v17, v15  }
0x689: {  	[tilespmem:s8+$0x50] =	vst v16  }
0x68a: {  	[tilespmem:s1+$0x50] =	vst v15  }
0x68b: {  	v15 =	vld [tilespmem:s31+$0x60];
	_ =	sdelay $0x1  }
0x68c: {  	v16 =	vld [tilespmem:s17+$0x60];
	_ =	sdelay $0x1  }
0x68d: {  	v54 =	vld [tilespmem:s1+$0x60]  }
0x68e: {  	v55 =	vld [tilespmem:s8+$0x60];
	v15 =	vmul.f32 v15, v63;
	_ =	sdelay $0x1  }
0x68f: {  	v16 =	vmul.f32 v16, v63;
	v56 =	vmul.f32 v15, v15;
	_ =	sdelay $0x1  }
0x690: {  	v57 =	vsub.f32 v54, v15;
	v16 =	vsub.f32 v16, v56  }
0x691: {  	v18 =	vmul.f32 v55, v12  }
0x692: {  	v58 =	vmul.f32 v57, v14;
	v16 =	vmul.f32 v16, v11;
	_ =	sdelay $0x1  }
0x693: {  	v59 =	vmul.f32 v58, v57;
	v16 =	vadd.f32 v16, v18  }
0x694: {  	v17 =	vmul.f32 v54, v12;
	v15 =	vmul.f32 v15, v11  }
0x695: {  	v16 =	vadd.f32 v59, v16  }
0x696: {  	v15 =	vadd.f32 v17, v15  }
0x697: {  	[tilespmem:s8+$0x60] =	vst v16  }
0x698: {  	[tilespmem:s1+$0x60] =	vst v15  }
0x699: {  	v15 =	vld [tilespmem:s31+$0x70];
	_ =	sdelay $0x1  }
0x69a: {  	v16 =	vld [tilespmem:s17+$0x70];
	_ =	sdelay $0x1  }
0x69b: {  	v60 =	vld [tilespmem:s1+$0x70]  }
0x69c: {  	v61 =	vld [tilespmem:s8+$0x70];
	v15 =	vmul.f32 v15, v63;
	_ =	sdelay $0x1  }
0x69d: {  	v13 =	vmul.f32 v16, v63;
	v62 =	vmul.f32 v15, v15;
	_ =	sdelay $0x1  }
0x69e: {  	v63 =	vsub.f32 v60, v15;
	v13 =	vsub.f32 v13, v62  }
0x69f: {  	v18 =	vmul.f32 v61, v12  }
0x6a0: {  	v14 =	vmul.f32 v63, v14;
	v13 =	vmul.f32 v13, v11;
	_ =	sdelay $0x1  }
0x6a1: {  	v14 =	vmul.f32 v14, v63;
	v13 =	vadd.f32 v13, v18  }
.Ltmp11:
0x6a2: {  	v12 =	vmul.f32 v60, v12;
	v11 =	vmul.f32 v15, v11;
	(pc) =	sbr.rel .LBB2_16-.Ltmp11, $4  }
0x6a3: {  	v13 =	vadd.f32 v14, v13  }
0x6a4: {  	v11 =	vadd.f32 v12, v11  }
0x6a5: {  	[tilespmem:s8+$0x70] =	vst v13  }
0x6a6: {  	[tilespmem:s1+$0x70] =	vst v11  }
.LBB2_17:
0x6a7: {  	[hbm4b:s9+s14] =	stream.strided.scatter [tilespmem:s18], [sflag:$0x4], $0x2000, s15, s14, $0x38;
	[tilespmem:$0x14300] =	vst v63  }
.Ltmp12:
0x6a8: {  	_ = 	snop;
	(pc) =	sbr.rel .LBB2_18-.Ltmp12, $4  }
0x6a9: {  	s0 =	simm.s32 $0x3E  }
0x6aa: {  	s16 =	simm.s32 $0x6170;
	s26 =	simm.s32 $0xA170;
	s17 =	simm.s32 $0x12370  }
0x6ab: {  	s31 =	simm.s32 $0xE370;
	s1 =	simm.s32 $0xC1C1;
	s8 =	simm.s32 $0xC0C1  }
0x6ac: {  	[hbm4b:s10+s14] =	stream.strided.scatter [tilespmem:s19], [sflag:$0x5], $0x2000, s15, s14, $0x38;
	[tilespmem:$0x14300] =	vst v63  }
.LBB2_22:
0x6ad: {  	s0 =	sadd.s32 $0x2, s0  }
0x6ae: {  	p1 =	slt.u32 s0, $0x7E  }
.Ltmp13:
0x6af: {  	_ = 	snop;
	(pc) =	sbr.rel @!p1 .LBB2_23-.Ltmp13, $3  }
0x6b0: {  	_ =	sdelay $0x1  }
0x6b1: {  	s16 =	sadd.s32 $0x100, s16;
	s26 =	sadd.s32 $0x100, s26;
	s17 =	sadd.s32 $0x100, s17  }
0x6b2: {  	s31 =	sadd.s32 $0x100, s31;
	s1 =	sadd.s32 $0x2, s1;
	s8 =	sadd.s32 $0x2, s8  }
.LBB2_18:
0x6b3: {  	v11 =	vld [tilespmem:s1+$0xFFFFFFFF];
	_ =	sdelay $0x4  }
0x6b4: {  	(v2sf) =	vpush v11, $0x0;
	_ =	sdelay $0xe  }
0x6b5: {  	s28 =	spop (v2sf)  }
0x6b6: {  	p1 =	sgt.f32 s28, $0.0e+00  }
.Ltmp14:
0x6b7: {  	_ = 	snop;
	(pc) =	sbr.rel @!p1 .LBB2_20-.Ltmp14, $1  }
0x6b8: {  	_ =	sdelay $0x3  }
0x6b9: {  	v12 =	vld [tilespmem:s8+$0xFFFFFFFF];
	_ =	sdelay $0x4  }
0x6ba: {  	v11 =	vadd.f32 $0.0e+00, v11;
	v12 =	vadd.f32 $0.0e+00, v12;
	_ =	sdelay $0x1  }
0x6bb: {  	v12 =	vadd.f32 v12, v11;
	_ =	sdelay $0x1  }
0x6bc: {  	v12 =	vbroadcast v12, $0x0  }
0x6bd: {  	v11 =	vbroadcast v11, $0x0  }
0x6be: {  	(erf) = vrcp.f32 v12  }
0x6bf: {  	(erf) = vrcp.f32 v11;
	_ =	sdelay $0x4  }
0x6c0: {  	v62 =	vld [tilespmem:s31+$0xFFFFFF10];
	_ =	sdelay $0x1  }
0x6c1: {  	v14 =	vld [tilespmem:s17+$0xFFFFFF10]  }
0x6c2: {  	v13 =	vpop (erf)  }
0x6c3: {  	v15 =	vld [tilespmem:s26+$0xFFFFFF10];
	v11 =	vmul.f32 v13, v11;
	v63 =	vpop (erf)  }
0x6c4: {  	v17 =	vld [tilespmem:s16+$0xFFFFFF10];
	v16 =	vmul.f32 v62, v63  }
0x6c5: {  	v11 =	vmax.f32 v11, $2.000000030e-01  }
0x6c6: {  	v14 =	vmul.f32 v14, v63;
	v12 =	vsub.f32 $1.000000000e+00, v11;
	v18 =	vmul.f32 v16, v16;
	_ =	sdelay $0x1  }
0x6c7: {  	v19 =	vsub.f32 v15, v16;
	v18 =	vsub.f32 v14, v18;
	v14 =	vmul.f32 v12, v11  }
0x6c8: {  	v17 =	vmul.f32 v12, v17  }
0x6c9: {  	v18 =	vmul.f32 v11, v18;
	v20 =	vmul.f32 v14, v19;
	_ =	sdelay $0x1  }
0x6ca: {  	v17 =	vadd.f32 v17, v18;
	v23 =	vmul.f32 v20, v19  }
0x6cb: {  	v16 =	vmul.f32 v11, v16;
	v15 =	vmul.f32 v12, v15  }
0x6cc: {  	v17 =	vadd.f32 v23, v17  }
0x6cd: {  	v15 =	vadd.f32 v15, v16  }
0x6ce: {  	[tilespmem:s16+$0xFFFFFF10] =	vst v17  }
0x6cf: {  	[tilespmem:s26+$0xFFFFFF10] =	vst v15  }
0x6d0: {  	v15 =	vld [tilespmem:s31+$0xFFFFFF20];
	_ =	sdelay $0x1  }
0x6d1: {  	v24 =	vld [tilespmem:s17+$0xFFFFFF20];
	_ =	sdelay $0x1  }
0x6d2: {  	v17 =	vld [tilespmem:s26+$0xFFFFFF20]  }
0x6d3: {  	v25 =	vld [tilespmem:s16+$0xFFFFFF20];
	v15 =	vmul.f32 v15, v63;
	_ =	sdelay $0x1  }
0x6d4: {  	v16 =	vmul.f32 v24, v63;
	v26 =	vmul.f32 v15, v15;
	_ =	sdelay $0x1  }
0x6d5: {  	v27 =	vsub.f32 v17, v15;
	v16 =	vsub.f32 v16, v26  }
0x6d6: {  	v18 =	vmul.f32 v25, v12  }
0x6d7: {  	v28 =	vmul.f32 v27, v14;
	v16 =	vmul.f32 v16, v11;
	_ =	sdelay $0x1  }
0x6d8: {  	v29 =	vmul.f32 v28, v27;
	v16 =	vadd.f32 v16, v18  }
0x6d9: {  	v17 =	vmul.f32 v17, v12;
	v15 =	vmul.f32 v15, v11  }
0x6da: {  	v16 =	vadd.f32 v29, v16  }
0x6db: {  	v15 =	vadd.f32 v17, v15  }
0x6dc: {  	[tilespmem:s16+$0xFFFFFF20] =	vst v16  }
0x6dd: {  	[tilespmem:s26+$0xFFFFFF20] =	vst v15  }
0x6de: {  	v15 =	vld [tilespmem:s31+$0xFFFFFF30];
	_ =	sdelay $0x1  }
0x6df: {  	v16 =	vld [tilespmem:s17+$0xFFFFFF30];
	_ =	sdelay $0x1  }
0x6e0: {  	v30 =	vld [tilespmem:s26+$0xFFFFFF30]  }
0x6e1: {  	v31 =	vld [tilespmem:s16+$0xFFFFFF30];
	v15 =	vmul.f32 v15, v63;
	_ =	sdelay $0x1  }
0x6e2: {  	v16 =	vmul.f32 v16, v63;
	v32 =	vmul.f32 v15, v15;
	_ =	sdelay $0x1  }
0x6e3: {  	v33 =	vsub.f32 v30, v15;
	v16 =	vsub.f32 v16, v32  }
0x6e4: {  	v18 =	vmul.f32 v31, v12  }
0x6e5: {  	v34 =	vmul.f32 v33, v14;
	v16 =	vmul.f32 v16, v11;
	_ =	sdelay $0x1  }
0x6e6: {  	v35 =	vmul.f32 v34, v33;
	v16 =	vadd.f32 v16, v18  }
0x6e7: {  	v17 =	vmul.f32 v30, v12;
	v15 =	vmul.f32 v15, v11  }
0x6e8: {  	v16 =	vadd.f32 v35, v16  }
0x6e9: {  	v15 =	vadd.f32 v17, v15  }
0x6ea: {  	[tilespmem:s16+$0xFFFFFF30] =	vst v16  }
0x6eb: {  	[tilespmem:s26+$0xFFFFFF30] =	vst v15  }
0x6ec: {  	v15 =	vld [tilespmem:s31+$0xFFFFFF40];
	_ =	sdelay $0x1  }
0x6ed: {  	v16 =	vld [tilespmem:s17+$0xFFFFFF40];
	_ =	sdelay $0x1  }
0x6ee: {  	v36 =	vld [tilespmem:s26+$0xFFFFFF40]  }
0x6ef: {  	v37 =	vld [tilespmem:s16+$0xFFFFFF40];
	v15 =	vmul.f32 v15, v63;
	_ =	sdelay $0x1  }
0x6f0: {  	v16 =	vmul.f32 v16, v63;
	v38 =	vmul.f32 v15, v15;
	_ =	sdelay $0x1  }
0x6f1: {  	v39 =	vsub.f32 v36, v15;
	v16 =	vsub.f32 v16, v38  }
0x6f2: {  	v18 =	vmul.f32 v37, v12  }
0x6f3: {  	v40 =	vmul.f32 v39, v14;
	v16 =	vmul.f32 v16, v11;
	_ =	sdelay $0x1  }
0x6f4: {  	v41 =	vmul.f32 v40, v39;
	v16 =	vadd.f32 v16, v18  }
0x6f5: {  	v17 =	vmul.f32 v36, v12;
	v15 =	vmul.f32 v15, v11  }
0x6f6: {  	v16 =	vadd.f32 v41, v16  }
0x6f7: {  	v15 =	vadd.f32 v17, v15  }
0x6f8: {  	[tilespmem:s16+$0xFFFFFF40] =	vst v16  }
0x6f9: {  	[tilespmem:s26+$0xFFFFFF40] =	vst v15  }
0x6fa: {  	v15 =	vld [tilespmem:s31+$0xFFFFFF50];
	_ =	sdelay $0x1  }
0x6fb: {  	v16 =	vld [tilespmem:s17+$0xFFFFFF50];
	_ =	sdelay $0x1  }
0x6fc: {  	v42 =	vld [tilespmem:s26+$0xFFFFFF50]  }
0x6fd: {  	v43 =	vld [tilespmem:s16+$0xFFFFFF50];
	v15 =	vmul.f32 v15, v63;
	_ =	sdelay $0x1  }
0x6fe: {  	v16 =	vmul.f32 v16, v63;
	v44 =	vmul.f32 v15, v15;
	_ =	sdelay $0x1  }
0x6ff: {  	v45 =	vsub.f32 v42, v15;
	v16 =	vsub.f32 v16, v44  }
0x700: {  	v18 =	vmul.f32 v43, v12  }
0x701: {  	v46 =	vmul.f32 v45, v14;
	v16 =	vmul.f32 v16, v11;
	_ =	sdelay $0x1  }
0x702: {  	v47 =	vmul.f32 v46, v45;
	v16 =	vadd.f32 v16, v18  }
0x703: {  	v17 =	vmul.f32 v42, v12;
	v15 =	vmul.f32 v15, v11  }
0x704: {  	v16 =	vadd.f32 v47, v16  }
0x705: {  	v15 =	vadd.f32 v17, v15  }
0x706: {  	[tilespmem:s16+$0xFFFFFF50] =	vst v16  }
0x707: {  	[tilespmem:s26+$0xFFFFFF50] =	vst v15  }
0x708: {  	v15 =	vld [tilespmem:s31+$0xFFFFFF60];
	_ =	sdelay $0x1  }
0x709: {  	v16 =	vld [tilespmem:s17+$0xFFFFFF60];
	_ =	sdelay $0x1  }
0x70a: {  	v48 =	vld [tilespmem:s26+$0xFFFFFF60]  }
0x70b: {  	v49 =	vld [tilespmem:s16+$0xFFFFFF60];
	v15 =	vmul.f32 v15, v63;
	_ =	sdelay $0x1  }
0x70c: {  	v16 =	vmul.f32 v16, v63;
	v50 =	vmul.f32 v15, v15;
	_ =	sdelay $0x1  }
0x70d: {  	v51 =	vsub.f32 v48, v15;
	v16 =	vsub.f32 v16, v50  }
0x70e: {  	v18 =	vmul.f32 v49, v12  }
0x70f: {  	v52 =	vmul.f32 v51, v14;
	v16 =	vmul.f32 v16, v11;
	_ =	sdelay $0x1  }
0x710: {  	v53 =	vmul.f32 v52, v51;
	v16 =	vadd.f32 v16, v18  }
0x711: {  	v17 =	vmul.f32 v48, v12;
	v15 =	vmul.f32 v15, v11  }
0x712: {  	v16 =	vadd.f32 v53, v16  }
0x713: {  	v15 =	vadd.f32 v17, v15  }
0x714: {  	[tilespmem:s16+$0xFFFFFF60] =	vst v16  }
0x715: {  	[tilespmem:s26+$0xFFFFFF60] =	vst v15  }
0x716: {  	v15 =	vld [tilespmem:s31+$0xFFFFFF70];
	_ =	sdelay $0x1  }
0x717: {  	v16 =	vld [tilespmem:s17+$0xFFFFFF70];
	_ =	sdelay $0x1  }
0x718: {  	v54 =	vld [tilespmem:s26+$0xFFFFFF70]  }
0x719: {  	v55 =	vld [tilespmem:s16+$0xFFFFFF70];
	v15 =	vmul.f32 v15, v63;
	_ =	sdelay $0x1  }
0x71a: {  	v16 =	vmul.f32 v16, v63;
	v56 =	vmul.f32 v15, v15;
	_ =	sdelay $0x1  }
0x71b: {  	v57 =	vsub.f32 v54, v15;
	v16 =	vsub.f32 v16, v56  }
0x71c: {  	v18 =	vmul.f32 v55, v12  }
0x71d: {  	v58 =	vmul.f32 v57, v14;
	v16 =	vmul.f32 v16, v11;
	_ =	sdelay $0x1  }
0x71e: {  	v59 =	vmul.f32 v58, v57;
	v16 =	vadd.f32 v16, v18  }
0x71f: {  	v17 =	vmul.f32 v54, v12;
	v15 =	vmul.f32 v15, v11  }
0x720: {  	v16 =	vadd.f32 v59, v16  }
0x721: {  	v15 =	vadd.f32 v17, v15  }
0x722: {  	[tilespmem:s16+$0xFFFFFF70] =	vst v16  }
0x723: {  	[tilespmem:s26+$0xFFFFFF70] =	vst v15  }
0x724: {  	v15 =	vld [tilespmem:s31+$0xFFFFFF80];
	_ =	sdelay $0x1  }
0x725: {  	v16 =	vld [tilespmem:s17+$0xFFFFFF80];
	_ =	sdelay $0x1  }
0x726: {  	v60 =	vld [tilespmem:s26+$0xFFFFFF80]  }
0x727: {  	v61 =	vld [tilespmem:s16+$0xFFFFFF80];
	v15 =	vmul.f32 v15, v63;
	_ =	sdelay $0x1  }
0x728: {  	v13 =	vmul.f32 v16, v63;
	v62 =	vmul.f32 v15, v15;
	_ =	sdelay $0x1  }
0x729: {  	v63 =	vsub.f32 v60, v15;
	v13 =	vsub.f32 v13, v62  }
0x72a: {  	v18 =	vmul.f32 v61, v12  }
0x72b: {  	v14 =	vmul.f32 v63, v14;
	v13 =	vmul.f32 v13, v11;
	_ =	sdelay $0x1  }
0x72c: {  	v14 =	vmul.f32 v14, v63;
	v13 =	vadd.f32 v13, v18  }
0x72d: {  	v12 =	vmul.f32 v60, v12;
	v11 =	vmul.f32 v15, v11  }
0x72e: {  	v13 =	vadd.f32 v14, v13  }
0x72f: {  	v11 =	vadd.f32 v12, v11  }
0x730: {  	[tilespmem:s16+$0xFFFFFF80] =	vst v13  }
0x731: {  	[tilespmem:s26+$0xFFFFFF80] =	vst v11  }
.LBB2_20:
0x732: {  	v11 =	vld [tilespmem:s1+$0x0];
	_ =	sdelay $0x4  }
0x733: {  	(v2sf) =	vpush v11, $0x0;
	_ =	sdelay $0xe  }
0x734: {  	s28 =	spop (v2sf)  }
0x735: {  	p1 =	sgt.f32 s28, $0.0e+00  }
.Ltmp15:
0x736: {  	_ = 	snop;
	(pc) =	sbr.rel @!p1 .LBB2_22-.Ltmp15, $1  }
0x737: {  	_ =	sdelay $0x3  }
0x738: {  	v12 =	vld [tilespmem:s8+$0x0];
	_ =	sdelay $0x4  }
0x739: {  	v11 =	vadd.f32 $0.0e+00, v11;
	v12 =	vadd.f32 $0.0e+00, v12;
	_ =	sdelay $0x1  }
0x73a: {  	v12 =	vadd.f32 v12, v11;
	_ =	sdelay $0x1  }
0x73b: {  	v12 =	vbroadcast v12, $0x0  }
0x73c: {  	v11 =	vbroadcast v11, $0x0  }
0x73d: {  	(erf) = vrcp.f32 v12  }
0x73e: {  	(erf) = vrcp.f32 v11;
	_ =	sdelay $0x4  }
0x73f: {  	v62 =	vld [tilespmem:s31+$0xFFFFFF90];
	_ =	sdelay $0x1  }
0x740: {  	v14 =	vld [tilespmem:s17+$0xFFFFFF90]  }
0x741: {  	v13 =	vpop (erf)  }
0x742: {  	v15 =	vld [tilespmem:s26+$0xFFFFFF90];
	v11 =	vmul.f32 v13, v11;
	v63 =	vpop (erf)  }
0x743: {  	v17 =	vld [tilespmem:s16+$0xFFFFFF90];
	v16 =	vmul.f32 v62, v63  }
0x744: {  	v11 =	vmax.f32 v11, $2.000000030e-01  }
0x745: {  	v14 =	vmul.f32 v14, v63;
	v12 =	vsub.f32 $1.000000000e+00, v11;
	v18 =	vmul.f32 v16, v16;
	_ =	sdelay $0x1  }
0x746: {  	v19 =	vsub.f32 v15, v16;
	v18 =	vsub.f32 v14, v18;
	v14 =	vmul.f32 v12, v11  }
0x747: {  	v17 =	vmul.f32 v12, v17  }
0x748: {  	v18 =	vmul.f32 v11, v18;
	v20 =	vmul.f32 v14, v19;
	_ =	sdelay $0x1  }
0x749: {  	v17 =	vadd.f32 v17, v18;
	v23 =	vmul.f32 v20, v19  }
0x74a: {  	v16 =	vmul.f32 v11, v16;
	v15 =	vmul.f32 v12, v15  }
0x74b: {  	v17 =	vadd.f32 v23, v17  }
0x74c: {  	v15 =	vadd.f32 v15, v16  }
0x74d: {  	[tilespmem:s16+$0xFFFFFF90] =	vst v17  }
0x74e: {  	[tilespmem:s26+$0xFFFFFF90] =	vst v15  }
0x74f: {  	v15 =	vld [tilespmem:s31+$0xFFFFFFA0];
	_ =	sdelay $0x1  }
0x750: {  	v24 =	vld [tilespmem:s17+$0xFFFFFFA0];
	_ =	sdelay $0x1  }
0x751: {  	v17 =	vld [tilespmem:s26+$0xFFFFFFA0]  }
0x752: {  	v25 =	vld [tilespmem:s16+$0xFFFFFFA0];
	v15 =	vmul.f32 v15, v63;
	_ =	sdelay $0x1  }
0x753: {  	v16 =	vmul.f32 v24, v63;
	v26 =	vmul.f32 v15, v15;
	_ =	sdelay $0x1  }
0x754: {  	v27 =	vsub.f32 v17, v15;
	v16 =	vsub.f32 v16, v26  }
0x755: {  	v18 =	vmul.f32 v25, v12  }
0x756: {  	v28 =	vmul.f32 v27, v14;
	v16 =	vmul.f32 v16, v11;
	_ =	sdelay $0x1  }
0x757: {  	v29 =	vmul.f32 v28, v27;
	v16 =	vadd.f32 v16, v18  }
0x758: {  	v17 =	vmul.f32 v17, v12;
	v15 =	vmul.f32 v15, v11  }
0x759: {  	v16 =	vadd.f32 v29, v16  }
0x75a: {  	v15 =	vadd.f32 v17, v15  }
0x75b: {  	[tilespmem:s16+$0xFFFFFFA0] =	vst v16  }
0x75c: {  	[tilespmem:s26+$0xFFFFFFA0] =	vst v15  }
0x75d: {  	v15 =	vld [tilespmem:s31+$0xFFFFFFB0];
	_ =	sdelay $0x1  }
0x75e: {  	v16 =	vld [tilespmem:s17+$0xFFFFFFB0];
	_ =	sdelay $0x1  }
0x75f: {  	v30 =	vld [tilespmem:s26+$0xFFFFFFB0]  }
0x760: {  	v31 =	vld [tilespmem:s16+$0xFFFFFFB0];
	v15 =	vmul.f32 v15, v63;
	_ =	sdelay $0x1  }
0x761: {  	v16 =	vmul.f32 v16, v63;
	v32 =	vmul.f32 v15, v15;
	_ =	sdelay $0x1  }
0x762: {  	v33 =	vsub.f32 v30, v15;
	v16 =	vsub.f32 v16, v32  }
0x763: {  	v18 =	vmul.f32 v31, v12  }
0x764: {  	v34 =	vmul.f32 v33, v14;
	v16 =	vmul.f32 v16, v11;
	_ =	sdelay $0x1  }
0x765: {  	v35 =	vmul.f32 v34, v33;
	v16 =	vadd.f32 v16, v18  }
0x766: {  	v17 =	vmul.f32 v30, v12;
	v15 =	vmul.f32 v15, v11  }
0x767: {  	v16 =	vadd.f32 v35, v16  }
0x768: {  	v15 =	vadd.f32 v17, v15  }
0x769: {  	[tilespmem:s16+$0xFFFFFFB0] =	vst v16  }
0x76a: {  	[tilespmem:s26+$0xFFFFFFB0] =	vst v15  }
0x76b: {  	v15 =	vld [tilespmem:s31+$0xFFFFFFC0];
	_ =	sdelay $0x1  }
0x76c: {  	v16 =	vld [tilespmem:s17+$0xFFFFFFC0];
	_ =	sdelay $0x1  }
0x76d: {  	v36 =	vld [tilespmem:s26+$0xFFFFFFC0]  }
0x76e: {  	v37 =	vld [tilespmem:s16+$0xFFFFFFC0];
	v15 =	vmul.f32 v15, v63;
	_ =	sdelay $0x1  }
0x76f: {  	v16 =	vmul.f32 v16, v63;
	v38 =	vmul.f32 v15, v15;
	_ =	sdelay $0x1  }
0x770: {  	v39 =	vsub.f32 v36, v15;
	v16 =	vsub.f32 v16, v38  }
0x771: {  	v18 =	vmul.f32 v37, v12  }
0x772: {  	v40 =	vmul.f32 v39, v14;
	v16 =	vmul.f32 v16, v11;
	_ =	sdelay $0x1  }
0x773: {  	v41 =	vmul.f32 v40, v39;
	v16 =	vadd.f32 v16, v18  }
0x774: {  	v17 =	vmul.f32 v36, v12;
	v15 =	vmul.f32 v15, v11  }
0x775: {  	v16 =	vadd.f32 v41, v16  }
0x776: {  	v15 =	vadd.f32 v17, v15  }
0x777: {  	[tilespmem:s16+$0xFFFFFFC0] =	vst v16  }
0x778: {  	[tilespmem:s26+$0xFFFFFFC0] =	vst v15  }
0x779: {  	v15 =	vld [tilespmem:s31+$0xFFFFFFD0];
	_ =	sdelay $0x1  }
0x77a: {  	v16 =	vld [tilespmem:s17+$0xFFFFFFD0];
	_ =	sdelay $0x1  }
0x77b: {  	v42 =	vld [tilespmem:s26+$0xFFFFFFD0]  }
0x77c: {  	v43 =	vld [tilespmem:s16+$0xFFFFFFD0];
	v15 =	vmul.f32 v15, v63;
	_ =	sdelay $0x1  }
0x77d: {  	v16 =	vmul.f32 v16, v63;
	v44 =	vmul.f32 v15, v15;
	_ =	sdelay $0x1  }
0x77e: {  	v45 =	vsub.f32 v42, v15;
	v16 =	vsub.f32 v16, v44  }
0x77f: {  	v18 =	vmul.f32 v43, v12  }
0x780: {  	v46 =	vmul.f32 v45, v14;
	v16 =	vmul.f32 v16, v11;
	_ =	sdelay $0x1  }
0x781: {  	v47 =	vmul.f32 v46, v45;
	v16 =	vadd.f32 v16, v18  }
0x782: {  	v17 =	vmul.f32 v42, v12;
	v15 =	vmul.f32 v15, v11  }
0x783: {  	v16 =	vadd.f32 v47, v16  }
0x784: {  	v15 =	vadd.f32 v17, v15  }
0x785: {  	[tilespmem:s16+$0xFFFFFFD0] =	vst v16  }
0x786: {  	[tilespmem:s26+$0xFFFFFFD0] =	vst v15  }
0x787: {  	v15 =	vld [tilespmem:s31+$0xFFFFFFE0];
	_ =	sdelay $0x1  }
0x788: {  	v16 =	vld [tilespmem:s17+$0xFFFFFFE0];
	_ =	sdelay $0x1  }
0x789: {  	v48 =	vld [tilespmem:s26+$0xFFFFFFE0]  }
0x78a: {  	v49 =	vld [tilespmem:s16+$0xFFFFFFE0];
	v15 =	vmul.f32 v15, v63;
	_ =	sdelay $0x1  }
0x78b: {  	v16 =	vmul.f32 v16, v63;
	v50 =	vmul.f32 v15, v15;
	_ =	sdelay $0x1  }
0x78c: {  	v51 =	vsub.f32 v48, v15;
	v16 =	vsub.f32 v16, v50  }
0x78d: {  	v18 =	vmul.f32 v49, v12  }
0x78e: {  	v52 =	vmul.f32 v51, v14;
	v16 =	vmul.f32 v16, v11;
	_ =	sdelay $0x1  }
0x78f: {  	v53 =	vmul.f32 v52, v51;
	v16 =	vadd.f32 v16, v18  }
0x790: {  	v17 =	vmul.f32 v48, v12;
	v15 =	vmul.f32 v15, v11  }
0x791: {  	v16 =	vadd.f32 v53, v16  }
0x792: {  	v15 =	vadd.f32 v17, v15  }
0x793: {  	[tilespmem:s16+$0xFFFFFFE0] =	vst v16  }
0x794: {  	[tilespmem:s26+$0xFFFFFFE0] =	vst v15  }
0x795: {  	v15 =	vld [tilespmem:s31+$0xFFFFFFF0];
	_ =	sdelay $0x1  }
0x796: {  	v16 =	vld [tilespmem:s17+$0xFFFFFFF0];
	_ =	sdelay $0x1  }
0x797: {  	v54 =	vld [tilespmem:s26+$0xFFFFFFF0]  }
0x798: {  	v55 =	vld [tilespmem:s16+$0xFFFFFFF0];
	v15 =	vmul.f32 v15, v63;
	_ =	sdelay $0x1  }
0x799: {  	v16 =	vmul.f32 v16, v63;
	v56 =	vmul.f32 v15, v15;
	_ =	sdelay $0x1  }
0x79a: {  	v57 =	vsub.f32 v54, v15;
	v16 =	vsub.f32 v16, v56  }
0x79b: {  	v18 =	vmul.f32 v55, v12  }
0x79c: {  	v58 =	vmul.f32 v57, v14;
	v16 =	vmul.f32 v16, v11;
	_ =	sdelay $0x1  }
0x79d: {  	v59 =	vmul.f32 v58, v57;
	v16 =	vadd.f32 v16, v18  }
0x79e: {  	v17 =	vmul.f32 v54, v12;
	v15 =	vmul.f32 v15, v11  }
0x79f: {  	v16 =	vadd.f32 v59, v16  }
0x7a0: {  	v15 =	vadd.f32 v17, v15  }
0x7a1: {  	[tilespmem:s16+$0xFFFFFFF0] =	vst v16  }
0x7a2: {  	[tilespmem:s26+$0xFFFFFFF0] =	vst v15  }
0x7a3: {  	v15 =	vld [tilespmem:s31+$0x0];
	_ =	sdelay $0x1  }
0x7a4: {  	v16 =	vld [tilespmem:s17+$0x0];
	_ =	sdelay $0x1  }
0x7a5: {  	v60 =	vld [tilespmem:s26+$0x0]  }
0x7a6: {  	v61 =	vld [tilespmem:s16+$0x0];
	v15 =	vmul.f32 v15, v63;
	_ =	sdelay $0x1  }
0x7a7: {  	v13 =	vmul.f32 v16, v63;
	v62 =	vmul.f32 v15, v15;
	_ =	sdelay $0x1  }
0x7a8: {  	v63 =	vsub.f32 v60, v15;
	v13 =	vsub.f32 v13, v62  }
0x7a9: {  	v18 =	vmul.f32 v61, v12  }
0x7aa: {  	v14 =	vmul.f32 v63, v14;
	v13 =	vmul.f32 v13, v11;
	_ =	sdelay $0x1  }
0x7ab: {  	v14 =	vmul.f32 v14, v63;
	v13 =	vadd.f32 v13, v18  }
.Ltmp16:
0x7ac: {  	v12 =	vmul.f32 v60, v12;
	v11 =	vmul.f32 v15, v11;
	(pc) =	sbr.rel .LBB2_22-.Ltmp16, $4  }
0x7ad: {  	v13 =	vadd.f32 v14, v13  }
0x7ae: {  	v11 =	vadd.f32 v12, v11  }
0x7af: {  	[tilespmem:s16+$0x0] =	vst v13  }
0x7b0: {  	[tilespmem:s26+$0x0] =	vst v11  }
.LBB2_24:
0x7b1: {  	_ =	sfence.sel $0x180000  }
0x7b2: {  	[bflag:$0x0] =	sbarrier.arrive $0xFFFF  }
0x7b3: {  	_ =	strace $0x90000047  }
0x7b4: {  	s0 =	stileid.u32;
	[bflag:$0x2] =	sbarrier.arrive $0xFFFF  }
0x7b5: {  	p0 =	sne.s32 s0, $0x0;
	s0 =	rddreg [dreg:$0x8]  }
0x7b6: {  	s0 =	sadd.s32 @!p0 $0x100000, s0  }
0x7b7: {  	[sflag:s0] =	ssyncadd.tile.s32 @!p0 $0x1;
	_ =	shalt  }
.Lfunc_end2:
_tile_overlayer_lowered:
.L_overlay_start_2:
0x7b8: {  	(tag) =	ssettag $0x2  }
0x7b9: {  	s0 =	rddreg [dreg:$0x0];
	s2 =	stileid.u32  }
0x7ba: {  	s1 =	rddreg [dreg:$0x1];
	p0 =	sne.s32 s2, $0x0  }
0x7bb: {  	s3 =	rddreg [dreg:$0x2];
	[bflag:$0x3] =	sbarrier.arrive $0xFFFF;
	s2 =	simm.s32 @!p0 $0x1C06  }
0x7bc: {  	[timem:s3], [sflag:s2] =	dma.local @!p0 [hbm:s0], s1  }
0x7bd: {  	s0 =	simm.s32 @!p0 $0x6  }
0x7be: {  	_ =	swait.ge @!p0 [sflag:s0], s1  }
0x7bf: {  	s1 =	ssub.s32 @!p0 $0x0, s1;
	[sflag:s0] =	ssyncset.done @!p0 $0x0  }
0x7c0: {  	[sflag:s0] =	ssyncadd.s32 @!p0 s1  }
0x7c1: {  	[bflag:$0x3] =	sbarrier.arrive $0xFFFF  }
0x7c2: {  	_ =	shalt  }

</sc_bundles>
